<compile_context>
chip_gen: v7x
topology: tpu7x:2x2x1
jax: 0.10.2.dev20260603
libtpu: 0.0.44.dev20260713+nightly
codegen_flags: <defaults>
</compile_context>

<pallas_src>
import functools

import jax
import jax.numpy as jnp
from jax import lax
from jax.experimental import pallas as pl
from jax.experimental.pallas import tpu as pltpu
from jax.experimental.pallas import tpu_sc as plsc

N_CLS = 1000
DIM = 512
N_CTX = 16
SEQ = 77
SUF_L = SEQ - 1 - N_CTX
B = 256

NBUF = 6
ROWS_W = 16
TOK_ROWS = 3


def _sc_body(cls_hbm, pref_n, pref_p, ctx_n, ctx_p, suf_n, suf_p,
             out_hbm,
             cls_v, b0, b1, b2, b3, b4, b5,
             sg0, sg1, sg2, sg3, sg4, sg5, ss0, ss1, ss2, ss3, ss4, ss5):
    bufs = [b0, b1, b2, b3, b4, b5]
    sems_g = [sg0, sg1, sg2, sg3, sg4, sg5]
    sems_s = [ss0, ss1, ss2, ss3, ss4, ss5]
    nc = 2
    wid = lax.axis_index("s") * nc + lax.axis_index("c")
    half = wid // 16
    j = wid % 16

    pltpu.sync_copy(cls_hbm, cls_v)
    c16 = cls_v[pl.ds(j * ROWS_W, ROWS_W)]
    rowbase = 256 * half + ROWS_W * j

    def do_half(pref_t, ctx_t, suf_t):
        nstatic = 1 + N_CTX

        def suf_src(s):
            return suf_t.at[c16 + N_CLS * (s - 1 - N_CTX)]

        def src(s):
            if s == 0:
                return pref_t.at[c16]
            if s < nstatic:
                return ctx_t.at[c16 * N_CTX + (s - 1)]
            return suf_src(s)

        def fire(s, slot):
            return pltpu.async_copy(src(s), bufs[slot], sems_g[slot])

        def store(s, slot):
            return pltpu.async_copy(
                bufs[slot],
                out_hbm.at[pl.ds(DIM * s + rowbase, ROWS_W)],
                sems_s[slot])

        for s in range(NBUF):
            fire(s, s)
        for s in range(nstatic):
            slot = s % NBUF
            pltpu.make_async_copy(src(s), bufs[slot], sems_g[slot]).wait()
            store(s, slot).wait()
            fire(s + NBUF, slot)

        def chunk(c, _):
            for k in range(NBUF):
                s = nstatic + c * NBUF + k
                slot = (nstatic + k) % NBUF
                pltpu.make_async_copy(
                    suf_src(s), bufs[slot], sems_g[slot]).wait()
                store(s, slot).wait()

                @pl.when(s + NBUF < SEQ)
                def _(s=s, slot=slot):
                    pltpu.async_copy(
                        suf_src(s + NBUF), bufs[slot], sems_g[slot])
            return None

        lax.fori_loop(0, (SEQ - nstatic) // NBUF, chunk, None)

    @pl.when(half == 0)
    def _():
        do_half(pref_n, ctx_n, suf_n)

    @pl.when(half == 1)
    def _():
        do_half(pref_p, ctx_p, suf_p)


def _tok_body(cls_hbm, tokT, tokout_hbm, cls_v, tk_v, orv, sem):
    nc = 2
    wid = lax.axis_index("s") * nc + lax.axis_index("c")
    pltpu.sync_copy(cls_hbm, cls_v)
    for k in range(TOK_ROWS):
        st = wid * TOK_ROWS + k

        @pl.when(st < SEQ)
        def _(st=st):
            pltpu.sync_copy(tokT.at[st], tk_v)
            for i in range(32):
                ci = cls_v[pl.ds(16 * (i % 16), 16)]
                if i >= 16:
                    ci = ci + N_CLS
                orv[pl.ds(16 * i, 16)] = plsc.load_gather(tk_v, [ci])
            pltpu.sync_copy(orv, tokout_hbm.at[st])


def kernel(cls_id, ctx_pos, ctx_neg, token_prefix_pos, token_suffix_pos,
           token_prefix_neg, token_suffix_neg, tokenized_prompts):
    pref_n2 = token_prefix_neg.reshape(N_CLS, DIM)
    pref_p2 = token_prefix_pos.reshape(N_CLS, DIM)
    ctx_n2 = ctx_neg.reshape(N_CLS * N_CTX, DIM)
    ctx_p2 = ctx_pos.reshape(N_CLS * N_CTX, DIM)
    suf_n2 = token_suffix_neg.transpose(1, 0, 2).reshape(N_CLS * SUF_L, DIM)
    suf_p2 = token_suffix_pos.transpose(1, 0, 2).reshape(N_CLS * SUF_L, DIM)
    tokT = tokenized_prompts.transpose(1, 0)

    mesh = plsc.VectorSubcoreMesh(core_axis_name="c", subcore_axis_name="s")
    run = functools.partial(
        pl.kernel,
        mesh=mesh,
        out_type=jax.ShapeDtypeStruct((SEQ * 2 * B, DIM), jnp.float32),
        scratch_types=(
            [pltpu.VMEM((B,), jnp.int32)]
            + [pltpu.VMEM((ROWS_W, DIM), jnp.float32)] * NBUF
            + [pltpu.SemaphoreType.DMA] * (2 * NBUF)
        ),
    )(_sc_body)

    run_tok = functools.partial(
        pl.kernel,
        mesh=mesh,
        compiler_params=pltpu.CompilerParams(needs_layout_passes=False),
        out_type=jax.ShapeDtypeStruct((SEQ, 2 * B), jnp.int32),
        scratch_types=[
            pltpu.VMEM((B,), jnp.int32),
            pltpu.VMEM((2 * N_CLS,), jnp.int32),
            pltpu.VMEM((2 * B,), jnp.int32),
            pltpu.SemaphoreType.DMA,
        ],
    )(_tok_body)

    prompts_flat = run(
        cls_id, pref_n2, pref_p2, ctx_n2, ctx_p2, suf_n2, suf_p2)
    tokT_out = run_tok(cls_id, tokT)
    prompts = prompts_flat.reshape(SEQ, 2 * B, DIM).transpose(1, 0, 2)
    return prompts, tokT_out.transpose(1, 0)

# --- scband reference (transcript-rebuilt; emitter-appended) ---
"""Pipeline reference for scband-mlcprompt-learner-12876311953703 (READ-ONLY COPY).

The authoritative reference and input builder live on the scoring server;
editing this copy changes nothing except your own understanding.
"""

import jax, jax.numpy as jnp
import numpy as np

N_CLS = 1000
CTX_DIM = 512
N_CTX_POS = 16
N_CTX_NEG = 16
SEQ = 77
B = 256
VOCAB = 49408


def setup_inputs(seed: int = 0) -> dict:
    key = jax.random.key(seed)
    ks = jax.random.split(key, 8)
    suffix_pos_len = SEQ - 1 - N_CTX_POS
    suffix_neg_len = SEQ - 1 - N_CTX_NEG
    return {
        "cls_id": jax.random.randint(ks[0], (B,), 0, N_CLS, dtype=jnp.int32),
        "ctx_pos": jax.random.normal(ks[1], (N_CLS, N_CTX_POS, CTX_DIM), dtype=jnp.float32) * 0.02,
        "ctx_neg": jax.random.normal(ks[2], (N_CLS, N_CTX_NEG, CTX_DIM), dtype=jnp.float32) * 0.02,
        "token_prefix_pos": jax.random.normal(ks[3], (N_CLS, 1, CTX_DIM), dtype=jnp.float32) * 0.02,
        "token_suffix_pos": jax.random.normal(ks[4], (N_CLS, suffix_pos_len, CTX_DIM), dtype=jnp.float32) * 0.02,
        "token_prefix_neg": jax.random.normal(ks[5], (N_CLS, 1, CTX_DIM), dtype=jnp.float32) * 0.02,
        "token_suffix_neg": jax.random.normal(ks[6], (N_CLS, suffix_neg_len, CTX_DIM), dtype=jnp.float32) * 0.02,
        "tokenized_prompts": jax.random.randint(ks[7], (2 * N_CLS, SEQ), 0, VOCAB, dtype=jnp.int32),
    }


def reference(cls_id, ctx_pos, ctx_neg, token_prefix_pos, token_suffix_pos,
              token_prefix_neg, token_suffix_neg, tokenized_prompts):
    n_cls = tokenized_prompts.shape[0] // 2
    # class-specific contexts (csc=True): ctx has dim 3, index by cls_id
    cp = jnp.take(ctx_pos, cls_id, axis=0)
    cn = jnp.take(ctx_neg, cls_id, axis=0)
    pp = jnp.take(token_prefix_pos, cls_id, axis=0)
    sp = jnp.take(token_suffix_pos, cls_id, axis=0)
    pn = jnp.take(token_prefix_neg, cls_id, axis=0)
    sn = jnp.take(token_suffix_neg, cls_id, axis=0)
    prompts_pos = jnp.concatenate([pp, cp, sp], axis=1)
    prompts_neg = jnp.concatenate([pn, cn, sn], axis=1)
    prompts = jnp.concatenate([prompts_neg, prompts_pos], axis=0)
    tok_pos = jnp.take(tokenized_prompts[n_cls:], cls_id, axis=0)
    tok_neg = jnp.take(tokenized_prompts[:n_cls], cls_id, axis=0)
    tokenized = jnp.concatenate([tok_neg, tok_pos], axis=0)
    return (prompts, tokenized)

if __name__ == "__main__":
    import jax
    _d = setup_inputs()
    print(jax.jit(kernel)(*tuple(_d.values())))

</pallas_src>

<mosaic_0001>
#map = affine_map<(d0, d1) -> (0)>
#map1 = affine_map<(d0, d1) -> (0, 0)>
module attributes {stable_mosaic.version = 14 : i64} {
  func.func @_sc_body(%arg0: i32, %arg1: i32, %arg2: memref<256xi32, #tpu.memory_space<hbm>>, %arg3: memref<1000x512xf32, #tpu.memory_space<hbm>>, %arg4: memref<1000x512xf32, #tpu.memory_space<hbm>>, %arg5: memref<16000x512xf32, #tpu.memory_space<hbm>>, %arg6: memref<16000x512xf32, #tpu.memory_space<hbm>>, %arg7: memref<60000x512xf32, #tpu.memory_space<hbm>>, %arg8: memref<60000x512xf32, #tpu.memory_space<hbm>>, %arg9: memref<39424x512xf32, #tpu.memory_space<hbm>>, %arg10: memref<256xi32, #tpu.memory_space<vmem>>, %arg11: memref<16x512xf32, #tpu.memory_space<vmem>>, %arg12: memref<16x512xf32, #tpu.memory_space<vmem>>, %arg13: memref<16x512xf32, #tpu.memory_space<vmem>>, %arg14: memref<16x512xf32, #tpu.memory_space<vmem>>, %arg15: memref<16x512xf32, #tpu.memory_space<vmem>>, %arg16: memref<16x512xf32, #tpu.memory_space<vmem>>, %arg17: memref<!tpu.dma_semaphore, #tpu.memory_space<semaphore_mem>>, %arg18: memref<!tpu.dma_semaphore, #tpu.memory_space<semaphore_mem>>, %arg19: memref<!tpu.dma_semaphore, #tpu.memory_space<semaphore_mem>>, %arg20: memref<!tpu.dma_semaphore, #tpu.memory_space<semaphore_mem>>, %arg21: memref<!tpu.dma_semaphore, #tpu.memory_space<semaphore_mem>>, %arg22: memref<!tpu.dma_semaphore, #tpu.memory_space<semaphore_mem>>, %arg23: memref<!tpu.dma_semaphore, #tpu.memory_space<semaphore_mem>>, %arg24: memref<!tpu.dma_semaphore, #tpu.memory_space<semaphore_mem>>, %arg25: memref<!tpu.dma_semaphore, #tpu.memory_space<semaphore_mem>>, %arg26: memref<!tpu.dma_semaphore, #tpu.memory_space<semaphore_mem>>, %arg27: memref<!tpu.dma_semaphore, #tpu.memory_space<semaphore_mem>>, %arg28: memref<!tpu.dma_semaphore, #tpu.memory_space<semaphore_mem>>) attributes {dimension_semantics = [#tpu.dimension_semantics<core_parallel>, #tpu.dimension_semantics<subcore_parallel>], iteration_bounds = array<i64: 2, 16>, scalar_prefetch = 0 : i64, scratch_operands = 19 : i64, tpu.core_type = #tpu.core_type<sc_vector_subcore>, window_params = [{transform_indices = #map}, {transform_indices = #map1}, {transform_indices = #map1}, {transform_indices = #map1}, {transform_indices = #map1}, {transform_indices = #map1}, {transform_indices = #map1}, {transform_indices = #map1}]} {
    %mul3A = arith.constant 2 : i32
    %mul3A_0 = arith.muli %arg1, %mul3A : i32
    %add3A = arith.addi %mul3A_0, %arg0 : i32
    %jit3A = arith.constant 16 : i32
    %div3A = arith.divsi %add3A, %jit3A : i32
    %sign3A = arith.constant 0 : i32
    %sign3A_1 = arith.cmpi sgt, %add3A, %sign3A : i32
    %sign3A_2 = arith.extui %sign3A_1 : i1 to i32
    %sign3A_3 = arith.constant 0 : i32
    %sign3A_4 = arith.cmpi slt, %add3A, %sign3A_3 : i32
    %sign3A_5 = arith.extui %sign3A_4 : i1 to i32
    %sign3A_6 = arith.subi %sign3A_2, %sign3A_5 : i32
    %sign3A_7 = arith.constant 0 : i32
    %sign3A_8 = arith.cmpi sgt, %jit3A, %sign3A_7 : i32
    %sign3A_9 = arith.extui %sign3A_8 : i1 to i32
    %sign3A_10 = arith.constant 0 : i32
    %sign3A_11 = arith.cmpi slt, %jit3A, %sign3A_10 : i32
    %sign3A_12 = arith.extui %sign3A_11 : i1 to i32
    %sign3A_13 = arith.subi %sign3A_9, %sign3A_12 : i32
    %ne3A = arith.cmpi ne, %sign3A_6, %sign3A_13 : i32
    %rem3A = arith.remsi %add3A, %jit3A : i32
    %ne3A_14 = arith.constant 0 : i32
    %ne3A_15 = arith.cmpi ne, %rem3A, %ne3A_14 : i32
    %and3A = arith.andi %ne3A, %ne3A_15 : i1
    %sub3A = arith.constant 1 : i32
    %sub3A_16 = arith.subi %div3A, %sub3A : i32
    %select_n3A = arith.select %and3A, %sub3A_16, %div3A : i32
    %jit3A_17 = arith.constant 16 : i32
    %eq3A = arith.constant 0 : i32
    %eq3A_18 = arith.cmpi eq, %jit3A_17, %eq3A : i32
    %jit3A_19 = arith.constant 1 : i32
    %select_n3A_20 = arith.select %eq3A_18, %jit3A_19, %jit3A_17 : i32
    %rem3A_21 = arith.remsi %add3A, %select_n3A_20 : i32
    %ne3A_22 = arith.constant 0 : i32
    %ne3A_23 = arith.cmpi ne, %rem3A_21, %ne3A_22 : i32
    %lt3A = arith.constant 0 : i32
    %lt3A_24 = arith.cmpi slt, %rem3A_21, %lt3A : i32
    %lt3A_25 = arith.constant 0 : i32
    %lt3A_26 = arith.cmpi slt, %select_n3A_20, %lt3A_25 : i32
    %ne3A_27 = arith.xori %lt3A_24, %lt3A_26 : i1
    %and3A_28 = arith.andi %ne3A_27, %ne3A_23 : i1
    %add3A_29 = arith.addi %rem3A_21, %select_n3A_20 : i32
    %select_n3A_30 = arith.select %and3A_28, %add3A_29, %rem3A_21 : i32
    "tpu.region"() ({
      %run_scoped3A = tpu.sem_alloc : memref<!tpu.dma_semaphore, #tpu.memory_space<semaphore_mem>>
      tpu.enqueue_dma source(%arg2 : memref<256xi32, #tpu.memory_space<hbm>>) target(%arg10 : memref<256xi32, #tpu.memory_space<vmem>>) target_semaphore(%run_scoped3A : memref<!tpu.dma_semaphore, #tpu.memory_space<semaphore_mem>>)
      tpu.wait_dma2 semaphore(%run_scoped3A : memref<!tpu.dma_semaphore, #tpu.memory_space<semaphore_mem>>) src(%arg2 : memref<256xi32, #tpu.memory_space<hbm>>) dst(%arg10 : memref<256xi32, #tpu.memory_space<vmem>>)
      tpu.yield
    }) : () -> ()
    %mul3A_31 = arith.constant 16 : i32
    %mul3A_32 = arith.muli %select_n3A_30, %mul3A_31 : i32
    %get3A = arith.index_cast %mul3A_32 : i32 to index
    %get3A_33 = tpu.vector_load %arg10[%get3A] {strides = array<i32>} : memref<256xi32, #tpu.memory_space<vmem>>, vector<16xi32>,
    %get3A_34 = vector.shape_cast %get3A_33 : vector<16xi32> to vector<16xi32>
    %mul3A_35 = arith.constant 256 : i32
    %mul3A_36 = arith.muli %mul3A_35, %select_n3A : i32
    %mul3A_37 = arith.constant 16 : i32
    %mul3A_38 = arith.muli %mul3A_37, %select_n3A_30 : i32
    %add3A_39 = arith.addi %mul3A_36, %mul3A_38 : i32
    %eq3A_40 = arith.constant 0 : i32
    %eq3A_41 = arith.cmpi eq, %select_n3A, %eq3A_40 : i32
    %convert_element_type3A = arith.extui %eq3A_41 : i1 to i32
    %cond3A = arith.constant 0 : i32
    %cond3A_42 = arith.cmpi ne, %convert_element_type3A, %cond3A : i32
    scf.if %cond3A_42 {
      %dma_start3A = arith.constant 0 : i32
      %dma_start3A_48 = arith.constant 0 : i32
      %dma_start3A_49 = tpu.memref_slice %arg3[%dma_start3A, %dma_start3A_48] : memref<1000x512xf32, #tpu.memory_space<hbm>> -> memref<1000x512xf32, #tpu.memory_space<hbm>>
      tpu.enqueue_indirect_dma source(%dma_start3A_49 : memref<1000x512xf32, #tpu.memory_space<hbm>>) target(%arg11 : memref<16x512xf32, #tpu.memory_space<vmem>>) offsets(%get3A_34 : vector<16xi32>) semaphore(%arg17 : memref<!tpu.dma_semaphore, #tpu.memory_space<semaphore_mem>>)
      %mul3A_50 = arith.constant 16 : i32
      %mul3A_51 = vector.broadcast %mul3A_50 : i32 to vector<16xi32>
      %mul3A_52 = arith.muli %get3A_34, %mul3A_51 : vector<16xi32>
      %add3A_53 = arith.constant 0 : i32
      %add3A_54 = vector.broadcast %add3A_53 : i32 to vector<16xi32>
      %add3A_55 = arith.addi %mul3A_52, %add3A_54 : vector<16xi32>
      %dma_start3A_56 = arith.constant 0 : i32
      %dma_start3A_57 = arith.constant 0 : i32
      %dma_start3A_58 = tpu.memref_slice %arg5[%dma_start3A_56, %dma_start3A_57] : memref<16000x512xf32, #tpu.memory_space<hbm>> -> memref<16000x512xf32, #tpu.memory_space<hbm>>
      tpu.enqueue_indirect_dma source(%dma_start3A_58 : memref<16000x512xf32, #tpu.memory_space<hbm>>) target(%arg12 : memref<16x512xf32, #tpu.memory_space<vmem>>) offsets(%add3A_55 : vector<16xi32>) semaphore(%arg18 : memref<!tpu.dma_semaphore, #tpu.memory_space<semaphore_mem>>)
      %mul3A_59 = arith.constant 16 : i32
      %mul3A_60 = vector.broadcast %mul3A_59 : i32 to vector<16xi32>
      %mul3A_61 = arith.muli %get3A_34, %mul3A_60 : vector<16xi32>
      %add3A_62 = arith.constant 1 : i32
      %add3A_63 = vector.broadcast %add3A_62 : i32 to vector<16xi32>
      %add3A_64 = arith.addi %mul3A_61, %add3A_63 : vector<16xi32>
      %dma_start3A_65 = arith.constant 0 : i32
      %dma_start3A_66 = arith.constant 0 : i32
      %dma_start3A_67 = tpu.memref_slice %arg5[%dma_start3A_65, %dma_start3A_66] : memref<16000x512xf32, #tpu.memory_space<hbm>> -> memref<16000x512xf32, #tpu.memory_space<hbm>>
      tpu.enqueue_indirect_dma source(%dma_start3A_67 : memref<16000x512xf32, #tpu.memory_space<hbm>>) target(%arg13 : memref<16x512xf32, #tpu.memory_space<vmem>>) offsets(%add3A_64 : vector<16xi32>) semaphore(%arg19 : memref<!tpu.dma_semaphore, #tpu.memory_space<semaphore_mem>>)
      %mul3A_68 = arith.constant 16 : i32
      %mul3A_69 = vector.broadcast %mul3A_68 : i32 to vector<16xi32>
      %mul3A_70 = arith.muli %get3A_34, %mul3A_69 : vector<16xi32>
      %add3A_71 = arith.constant 2 : i32
      %add3A_72 = vector.broadcast %add3A_71 : i32 to vector<16xi32>
      %add3A_73 = arith.addi %mul3A_70, %add3A_72 : vector<16xi32>
      %dma_start3A_74 = arith.constant 0 : i32
      %dma_start3A_75 = arith.constant 0 : i32
      %dma_start3A_76 = tpu.memref_slice %arg5[%dma_start3A_74, %dma_start3A_75] : memref<16000x512xf32, #tpu.memory_space<hbm>> -> memref<16000x512xf32, #tpu.memory_space<hbm>>
      tpu.enqueue_indirect_dma source(%dma_start3A_76 : memref<16000x512xf32, #tpu.memory_space<hbm>>) target(%arg14 : memref<16x512xf32, #tpu.memory_space<vmem>>) offsets(%add3A_73 : vector<16xi32>) semaphore(%arg20 : memref<!tpu.dma_semaphore, #tpu.memory_space<semaphore_mem>>)
      %mul3A_77 = arith.constant 16 : i32
      %mul3A_78 = vector.broadcast %mul3A_77 : i32 to vector<16xi32>
      %mul3A_79 = arith.muli %get3A_34, %mul3A_78 : vector<16xi32>
      %add3A_80 = arith.constant 3 : i32
      %add3A_81 = vector.broadcast %add3A_80 : i32 to vector<16xi32>
      %add3A_82 = arith.addi %mul3A_79, %add3A_81 : vector<16xi32>
      %dma_start3A_83 = arith.constant 0 : i32
      %dma_start3A_84 = arith.constant 0 : i32
      %dma_start3A_85 = tpu.memref_slice %arg5[%dma_start3A_83, %dma_start3A_84] : memref<16000x512xf32, #tpu.memory_space<hbm>> -> memref<16000x512xf32, #tpu.memory_space<hbm>>
      tpu.enqueue_indirect_dma source(%dma_start3A_85 : memref<16000x512xf32, #tpu.memory_space<hbm>>) target(%arg15 : memref<16x512xf32, #tpu.memory_space<vmem>>) offsets(%add3A_82 : vector<16xi32>) semaphore(%arg21 : memref<!tpu.dma_semaphore, #tpu.memory_space<semaphore_mem>>)
      %mul3A_86 = arith.constant 16 : i32
      %mul3A_87 = vector.broadcast %mul3A_86 : i32 to vector<16xi32>
      %mul3A_88 = arith.muli %get3A_34, %mul3A_87 : vector<16xi32>
      %add3A_89 = arith.constant 4 : i32
      %add3A_90 = vector.broadcast %add3A_89 : i32 to vector<16xi32>
      %add3A_91 = arith.addi %mul3A_88, %add3A_90 : vector<16xi32>
      %dma_start3A_92 = arith.constant 0 : i32
      %dma_start3A_93 = arith.constant 0 : i32
      %dma_start3A_94 = tpu.memref_slice %arg5[%dma_start3A_92, %dma_start3A_93] : memref<16000x512xf32, #tpu.memory_space<hbm>> -> memref<16000x512xf32, #tpu.memory_space<hbm>>
      tpu.enqueue_indirect_dma source(%dma_start3A_94 : memref<16000x512xf32, #tpu.memory_space<hbm>>) target(%arg16 : memref<16x512xf32, #tpu.memory_space<vmem>>) offsets(%add3A_91 : vector<16xi32>) semaphore(%arg22 : memref<!tpu.dma_semaphore, #tpu.memory_space<semaphore_mem>>)
      %dma_wait3A = arith.constant 0 : i32
      %dma_wait3A_95 = arith.constant 0 : i32
      %dma_wait3A_96 = tpu.memref_slice %arg3[%dma_wait3A, %dma_wait3A_95] : memref<1000x512xf32, #tpu.memory_space<hbm>> -> memref<1000x512xf32, #tpu.memory_space<hbm>>
      tpu.wait_indirect_dma semaphore(%arg17 : memref<!tpu.dma_semaphore, #tpu.memory_space<semaphore_mem>>) src(%dma_wait3A_96 : memref<1000x512xf32, #tpu.memory_space<hbm>>) dst(%arg11 : memref<16x512xf32, #tpu.memory_space<vmem>>)
      %add3A_97 = arith.constant 0 : i32
      %add3A_98 = arith.addi %add3A_97, %add3A_39 : i32
      %dma_start3A_99 = arith.constant 0 : i32
      %dma_start3A_100 = tpu.memref_slice %arg9[%add3A_98, %dma_start3A_99] : memref<39424x512xf32, #tpu.memory_space<hbm>> -> memref<16x512xf32, #tpu.memory_space<hbm>>
      %dma_start3A_101 = arith.constant 0 : i32
      %dma_start3A_102 = tpu.memref_slice %arg9[%add3A_98, %dma_start3A_101] : memref<39424x512xf32, #tpu.memory_space<hbm>> -> memref<16x512xf32, #tpu.memory_space<hbm>>
      tpu.enqueue_dma source(%arg11 : memref<16x512xf32, #tpu.memory_space<vmem>>) target(%dma_start3A_102 : memref<16x512xf32, #tpu.memory_space<hbm>>) target_semaphore(%arg23 : memref<!tpu.dma_semaphore, #tpu.memory_space<semaphore_mem>>)
      %dma_wait3A_103 = arith.constant 0 : i32
      %dma_wait3A_104 = tpu.memref_slice %arg9[%add3A_98, %dma_wait3A_103] : memref<39424x512xf32, #tpu.memory_space<hbm>> -> memref<16x512xf32, #tpu.memory_space<hbm>>
      %dma_wait3A_105 = arith.constant 0 : i32
      %dma_wait3A_106 = tpu.memref_slice %arg9[%add3A_98, %dma_wait3A_105] : memref<39424x512xf32, #tpu.memory_space<hbm>> -> memref<16x512xf32, #tpu.memory_space<hbm>>
      tpu.wait_dma2 semaphore(%arg23 : memref<!tpu.dma_semaphore, #tpu.memory_space<semaphore_mem>>) src(%arg11 : memref<16x512xf32, #tpu.memory_space<vmem>>) dst(%dma_wait3A_106 : memref<16x512xf32, #tpu.memory_space<hbm>>)
      %mul3A_107 = arith.constant 16 : i32
      %mul3A_108 = vector.broadcast %mul3A_107 : i32 to vector<16xi32>
      %mul3A_109 = arith.muli %get3A_34, %mul3A_108 : vector<16xi32>
      %add3A_110 = arith.constant 5 : i32
      %add3A_111 = vector.broadcast %add3A_110 : i32 to vector<16xi32>
      %add3A_112 = arith.addi %mul3A_109, %add3A_111 : vector<16xi32>
      %dma_start3A_113 = arith.constant 0 : i32
      %dma_start3A_114 = arith.constant 0 : i32
      %dma_start3A_115 = tpu.memref_slice %arg5[%dma_start3A_113, %dma_start3A_114] : memref<16000x512xf32, #tpu.memory_space<hbm>> -> memref<16000x512xf32, #tpu.memory_space<hbm>>
      tpu.enqueue_indirect_dma source(%dma_start3A_115 : memref<16000x512xf32, #tpu.memory_space<hbm>>) target(%arg11 : memref<16x512xf32, #tpu.memory_space<vmem>>) offsets(%add3A_112 : vector<16xi32>) semaphore(%arg17 : memref<!tpu.dma_semaphore, #tpu.memory_space<semaphore_mem>>)
      %mul3A_116 = arith.constant 16 : i32
      %mul3A_117 = vector.broadcast %mul3A_116 : i32 to vector<16xi32>
      %mul3A_118 = arith.muli %get3A_34, %mul3A_117 : vector<16xi32>
      %add3A_119 = arith.constant 0 : i32
      %add3A_120 = vector.broadcast %add3A_119 : i32 to vector<16xi32>
      %add3A_121 = arith.addi %mul3A_118, %add3A_120 : vector<16xi32>
      %dma_wait3A_122 = arith.constant 0 : i32
      %dma_wait3A_123 = arith.constant 0 : i32
      %dma_wait3A_124 = tpu.memref_slice %arg5[%dma_wait3A_122, %dma_wait3A_123] : memref<16000x512xf32, #tpu.memory_space<hbm>> -> memref<16000x512xf32, #tpu.memory_space<hbm>>
      tpu.wait_indirect_dma semaphore(%arg18 : memref<!tpu.dma_semaphore, #tpu.memory_space<semaphore_mem>>) src(%dma_wait3A_124 : memref<16000x512xf32, #tpu.memory_space<hbm>>) dst(%arg12 : memref<16x512xf32, #tpu.memory_space<vmem>>)
      %add3A_125 = arith.constant 512 : i32
      %add3A_126 = arith.addi %add3A_125, %add3A_39 : i32
      %dma_start3A_127 = arith.constant 0 : i32
      %dma_start3A_128 = tpu.memref_slice %arg9[%add3A_126, %dma_start3A_127] : memref<39424x512xf32, #tpu.memory_space<hbm>> -> memref<16x512xf32, #tpu.memory_space<hbm>>
      %dma_start3A_129 = arith.constant 0 : i32
      %dma_start3A_130 = tpu.memref_slice %arg9[%add3A_126, %dma_start3A_129] : memref<39424x512xf32, #tpu.memory_space<hbm>> -> memref<16x512xf32, #tpu.memory_space<hbm>>
      tpu.enqueue_dma source(%arg12 : memref<16x512xf32, #tpu.memory_space<vmem>>) target(%dma_start3A_130 : memref<16x512xf32, #tpu.memory_space<hbm>>) target_semaphore(%arg24 : memref<!tpu.dma_semaphore, #tpu.memory_space<semaphore_mem>>)
      %dma_wait3A_131 = arith.constant 0 : i32
      %dma_wait3A_132 = tpu.memref_slice %arg9[%add3A_126, %dma_wait3A_131] : memref<39424x512xf32, #tpu.memory_space<hbm>> -> memref<16x512xf32, #tpu.memory_space<hbm>>
      %dma_wait3A_133 = arith.constant 0 : i32
      %dma_wait3A_134 = tpu.memref_slice %arg9[%add3A_126, %dma_wait3A_133] : memref<39424x512xf32, #tpu.memory_space<hbm>> -> memref<16x512xf32, #tpu.memory_space<hbm>>
      tpu.wait_dma2 semaphore(%arg24 : memref<!tpu.dma_semaphore, #tpu.memory_space<semaphore_mem>>) src(%arg12 : memref<16x512xf32, #tpu.memory_space<vmem>>) dst(%dma_wait3A_134 : memref<16x512xf32, #tpu.memory_space<hbm>>)
      %mul3A_135 = arith.constant 16 : i32
      %mul3A_136 = vector.broadcast %mul3A_135 : i32 to vector<16xi32>
      %mul3A_137 = arith.muli %get3A_34, %mul3A_136 : vector<16xi32>
      %add3A_138 = arith.constant 6 : i32
      %add3A_139 = vector.broadcast %add3A_138 : i32 to vector<16xi32>
      %add3A_140 = arith.addi %mul3A_137, %add3A_139 : vector<16xi32>
      %dma_start3A_141 = arith.constant 0 : i32
      %dma_start3A_142 = arith.constant 0 : i32
      %dma_start3A_143 = tpu.memref_slice %arg5[%dma_start3A_141, %dma_start3A_142] : memref<16000x512xf32, #tpu.memory_space<hbm>> -> memref<16000x512xf32, #tpu.memory_space<hbm>>
      tpu.enqueue_indirect_dma source(%dma_start3A_143 : memref<16000x512xf32, #tpu.memory_space<hbm>>) target(%arg12 : memref<16x512xf32, #tpu.memory_space<vmem>>) offsets(%add3A_140 : vector<16xi32>) semaphore(%arg18 : memref<!tpu.dma_semaphore, #tpu.memory_space<semaphore_mem>>)
      %mul3A_144 = arith.constant 16 : i32
      %mul3A_145 = vector.broadcast %mul3A_144 : i32 to vector<16xi32>
      %mul3A_146 = arith.muli %get3A_34, %mul3A_145 : vector<16xi32>
      %add3A_147 = arith.constant 1 : i32
      %add3A_148 = vector.broadcast %add3A_147 : i32 to vector<16xi32>
      %add3A_149 = arith.addi %mul3A_146, %add3A_148 : vector<16xi32>
      %dma_wait3A_150 = arith.constant 0 : i32
      %dma_wait3A_151 = arith.constant 0 : i32
      %dma_wait3A_152 = tpu.memref_slice %arg5[%dma_wait3A_150, %dma_wait3A_151] : memref<16000x512xf32, #tpu.memory_space<hbm>> -> memref<16000x512xf32, #tpu.memory_space<hbm>>
      tpu.wait_indirect_dma semaphore(%arg19 : memref<!tpu.dma_semaphore, #tpu.memory_space<semaphore_mem>>) src(%dma_wait3A_152 : memref<16000x512xf32, #tpu.memory_space<hbm>>) dst(%arg13 : memref<16x512xf32, #tpu.memory_space<vmem>>)
      %add3A_153 = arith.constant 1024 : i32
      %add3A_154 = arith.addi %add3A_153, %add3A_39 : i32
      %dma_start3A_155 = arith.constant 0 : i32
      %dma_start3A_156 = tpu.memref_slice %arg9[%add3A_154, %dma_start3A_155] : memref<39424x512xf32, #tpu.memory_space<hbm>> -> memref<16x512xf32, #tpu.memory_space<hbm>>
      %dma_start3A_157 = arith.constant 0 : i32
      %dma_start3A_158 = tpu.memref_slice %arg9[%add3A_154, %dma_start3A_157] : memref<39424x512xf32, #tpu.memory_space<hbm>> -> memref<16x512xf32, #tpu.memory_space<hbm>>
      tpu.enqueue_dma source(%arg13 : memref<16x512xf32, #tpu.memory_space<vmem>>) target(%dma_start3A_158 : memref<16x512xf32, #tpu.memory_space<hbm>>) target_semaphore(%arg25 : memref<!tpu.dma_semaphore, #tpu.memory_space<semaphore_mem>>)
      %dma_wait3A_159 = arith.constant 0 : i32
      %dma_wait3A_160 = tpu.memref_slice %arg9[%add3A_154, %dma_wait3A_159] : memref<39424x512xf32, #tpu.memory_space<hbm>> -> memref<16x512xf32, #tpu.memory_space<hbm>>
      %dma_wait3A_161 = arith.constant 0 : i32
      %dma_wait3A_162 = tpu.memref_slice %arg9[%add3A_154, %dma_wait3A_161] : memref<39424x512xf32, #tpu.memory_space<hbm>> -> memref<16x512xf32, #tpu.memory_space<hbm>>
      tpu.wait_dma2 semaphore(%arg25 : memref<!tpu.dma_semaphore, #tpu.memory_space<semaphore_mem>>) src(%arg13 : memref<16x512xf32, #tpu.memory_space<vmem>>) dst(%dma_wait3A_162 : memref<16x512xf32, #tpu.memory_space<hbm>>)
      %mul3A_163 = arith.constant 16 : i32
      %mul3A_164 = vector.broadcast %mul3A_163 : i32 to vector<16xi32>
      %mul3A_165 = arith.muli %get3A_34, %mul3A_164 : vector<16xi32>
      %add3A_166 = arith.constant 7 : i32
      %add3A_167 = vector.broadcast %add3A_166 : i32 to vector<16xi32>
      %add3A_168 = arith.addi %mul3A_165, %add3A_167 : vector<16xi32>
      %dma_start3A_169 = arith.constant 0 : i32
      %dma_start3A_170 = arith.constant 0 : i32
      %dma_start3A_171 = tpu.memref_slice %arg5[%dma_start3A_169, %dma_start3A_170] : memref<16000x512xf32, #tpu.memory_space<hbm>> -> memref<16000x512xf32, #tpu.memory_space<hbm>>
      tpu.enqueue_indirect_dma source(%dma_start3A_171 : memref<16000x512xf32, #tpu.memory_space<hbm>>) target(%arg13 : memref<16x512xf32, #tpu.memory_space<vmem>>) offsets(%add3A_168 : vector<16xi32>) semaphore(%arg19 : memref<!tpu.dma_semaphore, #tpu.memory_space<semaphore_mem>>)
      %mul3A_172 = arith.constant 16 : i32
      %mul3A_173 = vector.broadcast %mul3A_172 : i32 to vector<16xi32>
      %mul3A_174 = arith.muli %get3A_34, %mul3A_173 : vector<16xi32>
      %add3A_175 = arith.constant 2 : i32
      %add3A_176 = vector.broadcast %add3A_175 : i32 to vector<16xi32>
      %add3A_177 = arith.addi %mul3A_174, %add3A_176 : vector<16xi32>
      %dma_wait3A_178 = arith.constant 0 : i32
      %dma_wait3A_179 = arith.constant 0 : i32
      %dma_wait3A_180 = tpu.memref_slice %arg5[%dma_wait3A_178, %dma_wait3A_179] : memref<16000x512xf32, #tpu.memory_space<hbm>> -> memref<16000x512xf32, #tpu.memory_space<hbm>>
      tpu.wait_indirect_dma semaphore(%arg20 : memref<!tpu.dma_semaphore, #tpu.memory_space<semaphore_mem>>) src(%dma_wait3A_180 : memref<16000x512xf32, #tpu.memory_space<hbm>>) dst(%arg14 : memref<16x512xf32, #tpu.memory_space<vmem>>)
      %add3A_181 = arith.constant 1536 : i32
      %add3A_182 = arith.addi %add3A_181, %add3A_39 : i32
      %dma_start3A_183 = arith.constant 0 : i32
      %dma_start3A_184 = tpu.memref_slice %arg9[%add3A_182, %dma_start3A_183] : memref<39424x512xf32, #tpu.memory_space<hbm>> -> memref<16x512xf32, #tpu.memory_space<hbm>>
      %dma_start3A_185 = arith.constant 0 : i32
      %dma_start3A_186 = tpu.memref_slice %arg9[%add3A_182, %dma_start3A_185] : memref<39424x512xf32, #tpu.memory_space<hbm>> -> memref<16x512xf32, #tpu.memory_space<hbm>>
      tpu.enqueue_dma source(%arg14 : memref<16x512xf32, #tpu.memory_space<vmem>>) target(%dma_start3A_186 : memref<16x512xf32, #tpu.memory_space<hbm>>) target_semaphore(%arg26 : memref<!tpu.dma_semaphore, #tpu.memory_space<semaphore_mem>>)
      %dma_wait3A_187 = arith.constant 0 : i32
      %dma_wait3A_188 = tpu.memref_slice %arg9[%add3A_182, %dma_wait3A_187] : memref<39424x512xf32, #tpu.memory_space<hbm>> -> memref<16x512xf32, #tpu.memory_space<hbm>>
      %dma_wait3A_189 = arith.constant 0 : i32
      %dma_wait3A_190 = tpu.memref_slice %arg9[%add3A_182, %dma_wait3A_189] : memref<39424x512xf32, #tpu.memory_space<hbm>> -> memref<16x512xf32, #tpu.memory_space<hbm>>
      tpu.wait_dma2 semaphore(%arg26 : memref<!tpu.dma_semaphore, #tpu.memory_space<semaphore_mem>>) src(%arg14 : memref<16x512xf32, #tpu.memory_space<vmem>>) dst(%dma_wait3A_190 : memref<16x512xf32, #tpu.memory_space<hbm>>)
      %mul3A_191 = arith.constant 16 : i32
      %mul3A_192 = vector.broadcast %mul3A_191 : i32 to vector<16xi32>
      %mul3A_193 = arith.muli %get3A_34, %mul3A_192 : vector<16xi32>
      %add3A_194 = arith.constant 8 : i32
      %add3A_195 = vector.broadcast %add3A_194 : i32 to vector<16xi32>
      %add3A_196 = arith.addi %mul3A_193, %add3A_195 : vector<16xi32>
      %dma_start3A_197 = arith.constant 0 : i32
      %dma_start3A_198 = arith.constant 0 : i32
      %dma_start3A_199 = tpu.memref_slice %arg5[%dma_start3A_197, %dma_start3A_198] : memref<16000x512xf32, #tpu.memory_space<hbm>> -> memref<16000x512xf32, #tpu.memory_space<hbm>>
      tpu.enqueue_indirect_dma source(%dma_start3A_199 : memref<16000x512xf32, #tpu.memory_space<hbm>>) target(%arg14 : memref<16x512xf32, #tpu.memory_space<vmem>>) offsets(%add3A_196 : vector<16xi32>) semaphore(%arg20 : memref<!tpu.dma_semaphore, #tpu.memory_space<semaphore_mem>>)
      %mul3A_200 = arith.constant 16 : i32
      %mul3A_201 = vector.broadcast %mul3A_200 : i32 to vector<16xi32>
      %mul3A_202 = arith.muli %get3A_34, %mul3A_201 : vector<16xi32>
      %add3A_203 = arith.constant 3 : i32
      %add3A_204 = vector.broadcast %add3A_203 : i32 to vector<16xi32>
      %add3A_205 = arith.addi %mul3A_202, %add3A_204 : vector<16xi32>
      %dma_wait3A_206 = arith.constant 0 : i32
      %dma_wait3A_207 = arith.constant 0 : i32
      %dma_wait3A_208 = tpu.memref_slice %arg5[%dma_wait3A_206, %dma_wait3A_207] : memref<16000x512xf32, #tpu.memory_space<hbm>> -> memref<16000x512xf32, #tpu.memory_space<hbm>>
      tpu.wait_indirect_dma semaphore(%arg21 : memref<!tpu.dma_semaphore, #tpu.memory_space<semaphore_mem>>) src(%dma_wait3A_208 : memref<16000x512xf32, #tpu.memory_space<hbm>>) dst(%arg15 : memref<16x512xf32, #tpu.memory_space<vmem>>)
      %add3A_209 = arith.constant 2048 : i32
      %add3A_210 = arith.addi %add3A_209, %add3A_39 : i32
      %dma_start3A_211 = arith.constant 0 : i32
      %dma_start3A_212 = tpu.memref_slice %arg9[%add3A_210, %dma_start3A_211] : memref<39424x512xf32, #tpu.memory_space<hbm>> -> memref<16x512xf32, #tpu.memory_space<hbm>>
      %dma_start3A_213 = arith.constant 0 : i32
      %dma_start3A_214 = tpu.memref_slice %arg9[%add3A_210, %dma_start3A_213] : memref<39424x512xf32, #tpu.memory_space<hbm>> -> memref<16x512xf32, #tpu.memory_space<hbm>>
      tpu.enqueue_dma source(%arg15 : memref<16x512xf32, #tpu.memory_space<vmem>>) target(%dma_start3A_214 : memref<16x512xf32, #tpu.memory_space<hbm>>) target_semaphore(%arg27 : memref<!tpu.dma_semaphore, #tpu.memory_space<semaphore_mem>>)
      %dma_wait3A_215 = arith.constant 0 : i32
      %dma_wait3A_216 = tpu.memref_slice %arg9[%add3A_210, %dma_wait3A_215] : memref<39424x512xf32, #tpu.memory_space<hbm>> -> memref<16x512xf32, #tpu.memory_space<hbm>>
      %dma_wait3A_217 = arith.constant 0 : i32
      %dma_wait3A_218 = tpu.memref_slice %arg9[%add3A_210, %dma_wait3A_217] : memref<39424x512xf32, #tpu.memory_space<hbm>> -> memref<16x512xf32, #tpu.memory_space<hbm>>
      tpu.wait_dma2 semaphore(%arg27 : memref<!tpu.dma_semaphore, #tpu.memory_space<semaphore_mem>>) src(%arg15 : memref<16x512xf32, #tpu.memory_space<vmem>>) dst(%dma_wait3A_218 : memref<16x512xf32, #tpu.memory_space<hbm>>)
      %mul3A_219 = arith.constant 16 : i32
      %mul3A_220 = vector.broadcast %mul3A_219 : i32 to vector<16xi32>
      %mul3A_221 = arith.muli %get3A_34, %mul3A_220 : vector<16xi32>
      %add3A_222 = arith.constant 9 : i32
      %add3A_223 = vector.broadcast %add3A_222 : i32 to vector<16xi32>
      %add3A_224 = arith.addi %mul3A_221, %add3A_223 : vector<16xi32>
      %dma_start3A_225 = arith.constant 0 : i32
      %dma_start3A_226 = arith.constant 0 : i32
      %dma_start3A_227 = tpu.memref_slice %arg5[%dma_start3A_225, %dma_start3A_226] : memref<16000x512xf32, #tpu.memory_space<hbm>> -> memref<16000x512xf32, #tpu.memory_space<hbm>>
      tpu.enqueue_indirect_dma source(%dma_start3A_227 : memref<16000x512xf32, #tpu.memory_space<hbm>>) target(%arg15 : memref<16x512xf32, #tpu.memory_space<vmem>>) offsets(%add3A_224 : vector<16xi32>) semaphore(%arg21 : memref<!tpu.dma_semaphore, #tpu.memory_space<semaphore_mem>>)
      %mul3A_228 = arith.constant 16 : i32
      %mul3A_229 = vector.broadcast %mul3A_228 : i32 to vector<16xi32>
      %mul3A_230 = arith.muli %get3A_34, %mul3A_229 : vector<16xi32>
      %add3A_231 = arith.constant 4 : i32
      %add3A_232 = vector.broadcast %add3A_231 : i32 to vector<16xi32>
      %add3A_233 = arith.addi %mul3A_230, %add3A_232 : vector<16xi32>
      %dma_wait3A_234 = arith.constant 0 : i32
      %dma_wait3A_235 = arith.constant 0 : i32
      %dma_wait3A_236 = tpu.memref_slice %arg5[%dma_wait3A_234, %dma_wait3A_235] : memref<16000x512xf32, #tpu.memory_space<hbm>> -> memref<16000x512xf32, #tpu.memory_space<hbm>>
      tpu.wait_indirect_dma semaphore(%arg22 : memref<!tpu.dma_semaphore, #tpu.memory_space<semaphore_mem>>) src(%dma_wait3A_236 : memref<16000x512xf32, #tpu.memory_space<hbm>>) dst(%arg16 : memref<16x512xf32, #tpu.memory_space<vmem>>)
      %add3A_237 = arith.constant 2560 : i32
      %add3A_238 = arith.addi %add3A_237, %add3A_39 : i32
      %dma_start3A_239 = arith.constant 0 : i32
      %dma_start3A_240 = tpu.memref_slice %arg9[%add3A_238, %dma_start3A_239] : memref<39424x512xf32, #tpu.memory_space<hbm>> -> memref<16x512xf32, #tpu.memory_space<hbm>>
      %dma_start3A_241 = arith.constant 0 : i32
      %dma_start3A_242 = tpu.memref_slice %arg9[%add3A_238, %dma_start3A_241] : memref<39424x512xf32, #tpu.memory_space<hbm>> -> memref<16x512xf32, #tpu.memory_space<hbm>>
      tpu.enqueue_dma source(%arg16 : memref<16x512xf32, #tpu.memory_space<vmem>>) target(%dma_start3A_242 : memref<16x512xf32, #tpu.memory_space<hbm>>) target_semaphore(%arg28 : memref<!tpu.dma_semaphore, #tpu.memory_space<semaphore_mem>>)
      %dma_wait3A_243 = arith.constant 0 : i32
      %dma_wait3A_244 = tpu.memref_slice %arg9[%add3A_238, %dma_wait3A_243] : memref<39424x512xf32, #tpu.memory_space<hbm>> -> memref<16x512xf32, #tpu.memory_space<hbm>>
      %dma_wait3A_245 = arith.constant 0 : i32
      %dma_wait3A_246 = tpu.memref_slice %arg9[%add3A_238, %dma_wait3A_245] : memref<39424x512xf32, #tpu.memory_space<hbm>> -> memref<16x512xf32, #tpu.memory_space<hbm>>
      tpu.wait_dma2 semaphore(%arg28 : memref<!tpu.dma_semaphore, #tpu.memory_space<semaphore_mem>>) src(%arg16 : memref<16x512xf32, #tpu.memory_space<vmem>>) dst(%dma_wait3A_246 : memref<16x512xf32, #tpu.memory_space<hbm>>)
      %mul3A_247 = arith.constant 16 : i32
      %mul3A_248 = vector.broadcast %mul3A_247 : i32 to vector<16xi32>
      %mul3A_249 = arith.muli %get3A_34, %mul3A_248 : vector<16xi32>
      %add3A_250 = arith.constant 10 : i32
      %add3A_251 = vector.broadcast %add3A_250 : i32 to vector<16xi32>
      %add3A_252 = arith.addi %mul3A_249, %add3A_251 : vector<16xi32>
      %dma_start3A_253 = arith.constant 0 : i32
      %dma_start3A_254 = arith.constant 0 : i32
      %dma_start3A_255 = tpu.memref_slice %arg5[%dma_start3A_253, %dma_start3A_254] : memref<16000x512xf32, #tpu.memory_space<hbm>> -> memref<16000x512xf32, #tpu.memory_space<hbm>>
      tpu.enqueue_indirect_dma source(%dma_start3A_255 : memref<16000x512xf32, #tpu.memory_space<hbm>>) target(%arg16 : memref<16x512xf32, #tpu.memory_space<vmem>>) offsets(%add3A_252 : vector<16xi32>) semaphore(%arg22 : memref<!tpu.dma_semaphore, #tpu.memory_space<semaphore_mem>>)
      %mul3A_256 = arith.constant 16 : i32
      %mul3A_257 = vector.broadcast %mul3A_256 : i32 to vector<16xi32>
      %mul3A_258 = arith.muli %get3A_34, %mul3A_257 : vector<16xi32>
      %add3A_259 = arith.constant 5 : i32
      %add3A_260 = vector.broadcast %add3A_259 : i32 to vector<16xi32>
      %add3A_261 = arith.addi %mul3A_258, %add3A_260 : vector<16xi32>
      %dma_wait3A_262 = arith.constant 0 : i32
      %dma_wait3A_263 = arith.constant 0 : i32
      %dma_wait3A_264 = tpu.memref_slice %arg5[%dma_wait3A_262, %dma_wait3A_263] : memref<16000x512xf32, #tpu.memory_space<hbm>> -> memref<16000x512xf32, #tpu.memory_space<hbm>>
      tpu.wait_indirect_dma semaphore(%arg17 : memref<!tpu.dma_semaphore, #tpu.memory_space<semaphore_mem>>) src(%dma_wait3A_264 : memref<16000x512xf32, #tpu.memory_space<hbm>>) dst(%arg11 : memref<16x512xf32, #tpu.memory_space<vmem>>)
      %add3A_265 = arith.constant 3072 : i32
      %add3A_266 = arith.addi %add3A_265, %add3A_39 : i32
      %dma_start3A_267 = arith.constant 0 : i32
      %dma_start3A_268 = tpu.memref_slice %arg9[%add3A_266, %dma_start3A_267] : memref<39424x512xf32, #tpu.memory_space<hbm>> -> memref<16x512xf32, #tpu.memory_space<hbm>>
      %dma_start3A_269 = arith.constant 0 : i32
      %dma_start3A_270 = tpu.memref_slice %arg9[%add3A_266, %dma_start3A_269] : memref<39424x512xf32, #tpu.memory_space<hbm>> -> memref<16x512xf32, #tpu.memory_space<hbm>>
      tpu.enqueue_dma source(%arg11 : memref<16x512xf32, #tpu.memory_space<vmem>>) target(%dma_start3A_270 : memref<16x512xf32, #tpu.memory_space<hbm>>) target_semaphore(%arg23 : memref<!tpu.dma_semaphore, #tpu.memory_space<semaphore_mem>>)
      %dma_wait3A_271 = arith.constant 0 : i32
      %dma_wait3A_272 = tpu.memref_slice %arg9[%add3A_266, %dma_wait3A_271] : memref<39424x512xf32, #tpu.memory_space<hbm>> -> memref<16x512xf32, #tpu.memory_space<hbm>>
      %dma_wait3A_273 = arith.constant 0 : i32
      %dma_wait3A_274 = tpu.memref_slice %arg9[%add3A_266, %dma_wait3A_273] : memref<39424x512xf32, #tpu.memory_space<hbm>> -> memref<16x512xf32, #tpu.memory_space<hbm>>
      tpu.wait_dma2 semaphore(%arg23 : memref<!tpu.dma_semaphore, #tpu.memory_space<semaphore_mem>>) src(%arg11 : memref<16x512xf32, #tpu.memory_space<vmem>>) dst(%dma_wait3A_274 : memref<16x512xf32, #tpu.memory_space<hbm>>)
      %mul3A_275 = arith.constant 16 : i32
      %mul3A_276 = vector.broadcast %mul3A_275 : i32 to vector<16xi32>
      %mul3A_277 = arith.muli %get3A_34, %mul3A_276 : vector<16xi32>
      %add3A_278 = arith.constant 11 : i32
      %add3A_279 = vector.broadcast %add3A_278 : i32 to vector<16xi32>
      %add3A_280 = arith.addi %mul3A_277, %add3A_279 : vector<16xi32>
      %dma_start3A_281 = arith.constant 0 : i32
      %dma_start3A_282 = arith.constant 0 : i32
      %dma_start3A_283 = tpu.memref_slice %arg5[%dma_start3A_281, %dma_start3A_282] : memref<16000x512xf32, #tpu.memory_space<hbm>> -> memref<16000x512xf32, #tpu.memory_space<hbm>>
      tpu.enqueue_indirect_dma source(%dma_start3A_283 : memref<16000x512xf32, #tpu.memory_space<hbm>>) target(%arg11 : memref<16x512xf32, #tpu.memory_space<vmem>>) offsets(%add3A_280 : vector<16xi32>) semaphore(%arg17 : memref<!tpu.dma_semaphore, #tpu.memory_space<semaphore_mem>>)
      %mul3A_284 = arith.constant 16 : i32
      %mul3A_285 = vector.broadcast %mul3A_284 : i32 to vector<16xi32>
      %mul3A_286 = arith.muli %get3A_34, %mul3A_285 : vector<16xi32>
      %add3A_287 = arith.constant 6 : i32
      %add3A_288 = vector.broadcast %add3A_287 : i32 to vector<16xi32>
      %add3A_289 = arith.addi %mul3A_286, %add3A_288 : vector<16xi32>
      %dma_wait3A_290 = arith.constant 0 : i32
      %dma_wait3A_291 = arith.constant 0 : i32
      %dma_wait3A_292 = tpu.memref_slice %arg5[%dma_wait3A_290, %dma_wait3A_291] : memref<16000x512xf32, #tpu.memory_space<hbm>> -> memref<16000x512xf32, #tpu.memory_space<hbm>>
      tpu.wait_indirect_dma semaphore(%arg18 : memref<!tpu.dma_semaphore, #tpu.memory_space<semaphore_mem>>) src(%dma_wait3A_292 : memref<16000x512xf32, #tpu.memory_space<hbm>>) dst(%arg12 : memref<16x512xf32, #tpu.memory_space<vmem>>)
      %add3A_293 = arith.constant 3584 : i32
      %add3A_294 = arith.addi %add3A_293, %add3A_39 : i32
      %dma_start3A_295 = arith.constant 0 : i32
      %dma_start3A_296 = tpu.memref_slice %arg9[%add3A_294, %dma_start3A_295] : memref<39424x512xf32, #tpu.memory_space<hbm>> -> memref<16x512xf32, #tpu.memory_space<hbm>>
      %dma_start3A_297 = arith.constant 0 : i32
      %dma_start3A_298 = tpu.memref_slice %arg9[%add3A_294, %dma_start3A_297] : memref<39424x512xf32, #tpu.memory_space<hbm>> -> memref<16x512xf32, #tpu.memory_space<hbm>>
      tpu.enqueue_dma source(%arg12 : memref<16x512xf32, #tpu.memory_space<vmem>>) target(%dma_start3A_298 : memref<16x512xf32, #tpu.memory_space<hbm>>) target_semaphore(%arg24 : memref<!tpu.dma_semaphore, #tpu.memory_space<semaphore_mem>>)
      %dma_wait3A_299 = arith.constant 0 : i32
      %dma_wait3A_300 = tpu.memref_slice %arg9[%add3A_294, %dma_wait3A_299] : memref<39424x512xf32, #tpu.memory_space<hbm>> -> memref<16x512xf32, #tpu.memory_space<hbm>>
      %dma_wait3A_301 = arith.constant 0 : i32
      %dma_wait3A_302 = tpu.memref_slice %arg9[%add3A_294, %dma_wait3A_301] : memref<39424x512xf32, #tpu.memory_space<hbm>> -> memref<16x512xf32, #tpu.memory_space<hbm>>
      tpu.wait_dma2 semaphore(%arg24 : memref<!tpu.dma_semaphore, #tpu.memory_space<semaphore_mem>>) src(%arg12 : memref<16x512xf32, #tpu.memory_space<vmem>>) dst(%dma_wait3A_302 : memref<16x512xf32, #tpu.memory_space<hbm>>)
      %mul3A_303 = arith.constant 16 : i32
      %mul3A_304 = vector.broadcast %mul3A_303 : i32 to vector<16xi32>
      %mul3A_305 = arith.muli %get3A_34, %mul3A_304 : vector<16xi32>
      %add3A_306 = arith.constant 12 : i32
      %add3A_307 = vector.broadcast %add3A_306 : i32 to vector<16xi32>
      %add3A_308 = arith.addi %mul3A_305, %add3A_307 : vector<16xi32>
      %dma_start3A_309 = arith.constant 0 : i32
      %dma_start3A_310 = arith.constant 0 : i32
      %dma_start3A_311 = tpu.memref_slice %arg5[%dma_start3A_309, %dma_start3A_310] : memref<16000x512xf32, #tpu.memory_space<hbm>> -> memref<16000x512xf32, #tpu.memory_space<hbm>>
      tpu.enqueue_indirect_dma source(%dma_start3A_311 : memref<16000x512xf32, #tpu.memory_space<hbm>>) target(%arg12 : memref<16x512xf32, #tpu.memory_space<vmem>>) offsets(%add3A_308 : vector<16xi32>) semaphore(%arg18 : memref<!tpu.dma_semaphore, #tpu.memory_space<semaphore_mem>>)
      %mul3A_312 = arith.constant 16 : i32
      %mul3A_313 = vector.broadcast %mul3A_312 : i32 to vector<16xi32>
      %mul3A_314 = arith.muli %get3A_34, %mul3A_313 : vector<16xi32>
      %add3A_315 = arith.constant 7 : i32
      %add3A_316 = vector.broadcast %add3A_315 : i32 to vector<16xi32>
      %add3A_317 = arith.addi %mul3A_314, %add3A_316 : vector<16xi32>
      %dma_wait3A_318 = arith.constant 0 : i32
      %dma_wait3A_319 = arith.constant 0 : i32
      %dma_wait3A_320 = tpu.memref_slice %arg5[%dma_wait3A_318, %dma_wait3A_319] : memref<16000x512xf32, #tpu.memory_space<hbm>> -> memref<16000x512xf32, #tpu.memory_space<hbm>>
      tpu.wait_indirect_dma semaphore(%arg19 : memref<!tpu.dma_semaphore, #tpu.memory_space<semaphore_mem>>) src(%dma_wait3A_320 : memref<16000x512xf32, #tpu.memory_space<hbm>>) dst(%arg13 : memref<16x512xf32, #tpu.memory_space<vmem>>)
      %add3A_321 = arith.constant 4096 : i32
      %add3A_322 = arith.addi %add3A_321, %add3A_39 : i32
      %dma_start3A_323 = arith.constant 0 : i32
      %dma_start3A_324 = tpu.memref_slice %arg9[%add3A_322, %dma_start3A_323] : memref<39424x512xf32, #tpu.memory_space<hbm>> -> memref<16x512xf32, #tpu.memory_space<hbm>>
      %dma_start3A_325 = arith.constant 0 : i32
      %dma_start3A_326 = tpu.memref_slice %arg9[%add3A_322, %dma_start3A_325] : memref<39424x512xf32, #tpu.memory_space<hbm>> -> memref<16x512xf32, #tpu.memory_space<hbm>>
      tpu.enqueue_dma source(%arg13 : memref<16x512xf32, #tpu.memory_space<vmem>>) target(%dma_start3A_326 : memref<16x512xf32, #tpu.memory_space<hbm>>) target_semaphore(%arg25 : memref<!tpu.dma_semaphore, #tpu.memory_space<semaphore_mem>>)
      %dma_wait3A_327 = arith.constant 0 : i32
      %dma_wait3A_328 = tpu.memref_slice %arg9[%add3A_322, %dma_wait3A_327] : memref<39424x512xf32, #tpu.memory_space<hbm>> -> memref<16x512xf32, #tpu.memory_space<hbm>>
      %dma_wait3A_329 = arith.constant 0 : i32
      %dma_wait3A_330 = tpu.memref_slice %arg9[%add3A_322, %dma_wait3A_329] : memref<39424x512xf32, #tpu.memory_space<hbm>> -> memref<16x512xf32, #tpu.memory_space<hbm>>
      tpu.wait_dma2 semaphore(%arg25 : memref<!tpu.dma_semaphore, #tpu.memory_space<semaphore_mem>>) src(%arg13 : memref<16x512xf32, #tpu.memory_space<vmem>>) dst(%dma_wait3A_330 : memref<16x512xf32, #tpu.memory_space<hbm>>)
      %mul3A_331 = arith.constant 16 : i32
      %mul3A_332 = vector.broadcast %mul3A_331 : i32 to vector<16xi32>
      %mul3A_333 = arith.muli %get3A_34, %mul3A_332 : vector<16xi32>
      %add3A_334 = arith.constant 13 : i32
      %add3A_335 = vector.broadcast %add3A_334 : i32 to vector<16xi32>
      %add3A_336 = arith.addi %mul3A_333, %add3A_335 : vector<16xi32>
      %dma_start3A_337 = arith.constant 0 : i32
      %dma_start3A_338 = arith.constant 0 : i32
      %dma_start3A_339 = tpu.memref_slice %arg5[%dma_start3A_337, %dma_start3A_338] : memref<16000x512xf32, #tpu.memory_space<hbm>> -> memref<16000x512xf32, #tpu.memory_space<hbm>>
      tpu.enqueue_indirect_dma source(%dma_start3A_339 : memref<16000x512xf32, #tpu.memory_space<hbm>>) target(%arg13 : memref<16x512xf32, #tpu.memory_space<vmem>>) offsets(%add3A_336 : vector<16xi32>) semaphore(%arg19 : memref<!tpu.dma_semaphore, #tpu.memory_space<semaphore_mem>>)
      %mul3A_340 = arith.constant 16 : i32
      %mul3A_341 = vector.broadcast %mul3A_340 : i32 to vector<16xi32>
      %mul3A_342 = arith.muli %get3A_34, %mul3A_341 : vector<16xi32>
      %add3A_343 = arith.constant 8 : i32
      %add3A_344 = vector.broadcast %add3A_343 : i32 to vector<16xi32>
      %add3A_345 = arith.addi %mul3A_342, %add3A_344 : vector<16xi32>
      %dma_wait3A_346 = arith.constant 0 : i32
      %dma_wait3A_347 = arith.constant 0 : i32
      %dma_wait3A_348 = tpu.memref_slice %arg5[%dma_wait3A_346, %dma_wait3A_347] : memref<16000x512xf32, #tpu.memory_space<hbm>> -> memref<16000x512xf32, #tpu.memory_space<hbm>>
      tpu.wait_indirect_dma semaphore(%arg20 : memref<!tpu.dma_semaphore, #tpu.memory_space<semaphore_mem>>) src(%dma_wait3A_348 : memref<16000x512xf32, #tpu.memory_space<hbm>>) dst(%arg14 : memref<16x512xf32, #tpu.memory_space<vmem>>)
      %add3A_349 = arith.constant 4608 : i32
      %add3A_350 = arith.addi %add3A_349, %add3A_39 : i32
      %dma_start3A_351 = arith.constant 0 : i32
      %dma_start3A_352 = tpu.memref_slice %arg9[%add3A_350, %dma_start3A_351] : memref<39424x512xf32, #tpu.memory_space<hbm>> -> memref<16x512xf32, #tpu.memory_space<hbm>>
      %dma_start3A_353 = arith.constant 0 : i32
      %dma_start3A_354 = tpu.memref_slice %arg9[%add3A_350, %dma_start3A_353] : memref<39424x512xf32, #tpu.memory_space<hbm>> -> memref<16x512xf32, #tpu.memory_space<hbm>>
      tpu.enqueue_dma source(%arg14 : memref<16x512xf32, #tpu.memory_space<vmem>>) target(%dma_start3A_354 : memref<16x512xf32, #tpu.memory_space<hbm>>) target_semaphore(%arg26 : memref<!tpu.dma_semaphore, #tpu.memory_space<semaphore_mem>>)
      %dma_wait3A_355 = arith.constant 0 : i32
      %dma_wait3A_356 = tpu.memref_slice %arg9[%add3A_350, %dma_wait3A_355] : memref<39424x512xf32, #tpu.memory_space<hbm>> -> memref<16x512xf32, #tpu.memory_space<hbm>>
      %dma_wait3A_357 = arith.constant 0 : i32
      %dma_wait3A_358 = tpu.memref_slice %arg9[%add3A_350, %dma_wait3A_357] : memref<39424x512xf32, #tpu.memory_space<hbm>> -> memref<16x512xf32, #tpu.memory_space<hbm>>
      tpu.wait_dma2 semaphore(%arg26 : memref<!tpu.dma_semaphore, #tpu.memory_space<semaphore_mem>>) src(%arg14 : memref<16x512xf32, #tpu.memory_space<vmem>>) dst(%dma_wait3A_358 : memref<16x512xf32, #tpu.memory_space<hbm>>)
      %mul3A_359 = arith.constant 16 : i32
      %mul3A_360 = vector.broadcast %mul3A_359 : i32 to vector<16xi32>
      %mul3A_361 = arith.muli %get3A_34, %mul3A_360 : vector<16xi32>
      %add3A_362 = arith.constant 14 : i32
      %add3A_363 = vector.broadcast %add3A_362 : i32 to vector<16xi32>
      %add3A_364 = arith.addi %mul3A_361, %add3A_363 : vector<16xi32>
      %dma_start3A_365 = arith.constant 0 : i32
      %dma_start3A_366 = arith.constant 0 : i32
      %dma_start3A_367 = tpu.memref_slice %arg5[%dma_start3A_365, %dma_start3A_366] : memref<16000x512xf32, #tpu.memory_space<hbm>> -> memref<16000x512xf32, #tpu.memory_space<hbm>>
      tpu.enqueue_indirect_dma source(%dma_start3A_367 : memref<16000x512xf32, #tpu.memory_space<hbm>>) target(%arg14 : memref<16x512xf32, #tpu.memory_space<vmem>>) offsets(%add3A_364 : vector<16xi32>) semaphore(%arg20 : memref<!tpu.dma_semaphore, #tpu.memory_space<semaphore_mem>>)
      %mul3A_368 = arith.constant 16 : i32
      %mul3A_369 = vector.broadcast %mul3A_368 : i32 to vector<16xi32>
      %mul3A_370 = arith.muli %get3A_34, %mul3A_369 : vector<16xi32>
      %add3A_371 = arith.constant 9 : i32
      %add3A_372 = vector.broadcast %add3A_371 : i32 to vector<16xi32>
      %add3A_373 = arith.addi %mul3A_370, %add3A_372 : vector<16xi32>
      %dma_wait3A_374 = arith.constant 0 : i32
      %dma_wait3A_375 = arith.constant 0 : i32
      %dma_wait3A_376 = tpu.memref_slice %arg5[%dma_wait3A_374, %dma_wait3A_375] : memref<16000x512xf32, #tpu.memory_space<hbm>> -> memref<16000x512xf32, #tpu.memory_space<hbm>>
      tpu.wait_indirect_dma semaphore(%arg21 : memref<!tpu.dma_semaphore, #tpu.memory_space<semaphore_mem>>) src(%dma_wait3A_376 : memref<16000x512xf32, #tpu.memory_space<hbm>>) dst(%arg15 : memref<16x512xf32, #tpu.memory_space<vmem>>)
      %add3A_377 = arith.constant 5120 : i32
      %add3A_378 = arith.addi %add3A_377, %add3A_39 : i32
      %dma_start3A_379 = arith.constant 0 : i32
      %dma_start3A_380 = tpu.memref_slice %arg9[%add3A_378, %dma_start3A_379] : memref<39424x512xf32, #tpu.memory_space<hbm>> -> memref<16x512xf32, #tpu.memory_space<hbm>>
      %dma_start3A_381 = arith.constant 0 : i32
      %dma_start3A_382 = tpu.memref_slice %arg9[%add3A_378, %dma_start3A_381] : memref<39424x512xf32, #tpu.memory_space<hbm>> -> memref<16x512xf32, #tpu.memory_space<hbm>>
      tpu.enqueue_dma source(%arg15 : memref<16x512xf32, #tpu.memory_space<vmem>>) target(%dma_start3A_382 : memref<16x512xf32, #tpu.memory_space<hbm>>) target_semaphore(%arg27 : memref<!tpu.dma_semaphore, #tpu.memory_space<semaphore_mem>>)
      %dma_wait3A_383 = arith.constant 0 : i32
      %dma_wait3A_384 = tpu.memref_slice %arg9[%add3A_378, %dma_wait3A_383] : memref<39424x512xf32, #tpu.memory_space<hbm>> -> memref<16x512xf32, #tpu.memory_space<hbm>>
      %dma_wait3A_385 = arith.constant 0 : i32
      %dma_wait3A_386 = tpu.memref_slice %arg9[%add3A_378, %dma_wait3A_385] : memref<39424x512xf32, #tpu.memory_space<hbm>> -> memref<16x512xf32, #tpu.memory_space<hbm>>
      tpu.wait_dma2 semaphore(%arg27 : memref<!tpu.dma_semaphore, #tpu.memory_space<semaphore_mem>>) src(%arg15 : memref<16x512xf32, #tpu.memory_space<vmem>>) dst(%dma_wait3A_386 : memref<16x512xf32, #tpu.memory_space<hbm>>)
      %mul3A_387 = arith.constant 16 : i32
      %mul3A_388 = vector.broadcast %mul3A_387 : i32 to vector<16xi32>
      %mul3A_389 = arith.muli %get3A_34, %mul3A_388 : vector<16xi32>
      %add3A_390 = arith.constant 15 : i32
      %add3A_391 = vector.broadcast %add3A_390 : i32 to vector<16xi32>
      %add3A_392 = arith.addi %mul3A_389, %add3A_391 : vector<16xi32>
      %dma_start3A_393 = arith.constant 0 : i32
      %dma_start3A_394 = arith.constant 0 : i32
      %dma_start3A_395 = tpu.memref_slice %arg5[%dma_start3A_393, %dma_start3A_394] : memref<16000x512xf32, #tpu.memory_space<hbm>> -> memref<16000x512xf32, #tpu.memory_space<hbm>>
      tpu.enqueue_indirect_dma source(%dma_start3A_395 : memref<16000x512xf32, #tpu.memory_space<hbm>>) target(%arg15 : memref<16x512xf32, #tpu.memory_space<vmem>>) offsets(%add3A_392 : vector<16xi32>) semaphore(%arg21 : memref<!tpu.dma_semaphore, #tpu.memory_space<semaphore_mem>>)
      %mul3A_396 = arith.constant 16 : i32
      %mul3A_397 = vector.broadcast %mul3A_396 : i32 to vector<16xi32>
      %mul3A_398 = arith.muli %get3A_34, %mul3A_397 : vector<16xi32>
      %add3A_399 = arith.constant 10 : i32
      %add3A_400 = vector.broadcast %add3A_399 : i32 to vector<16xi32>
      %add3A_401 = arith.addi %mul3A_398, %add3A_400 : vector<16xi32>
      %dma_wait3A_402 = arith.constant 0 : i32
      %dma_wait3A_403 = arith.constant 0 : i32
      %dma_wait3A_404 = tpu.memref_slice %arg5[%dma_wait3A_402, %dma_wait3A_403] : memref<16000x512xf32, #tpu.memory_space<hbm>> -> memref<16000x512xf32, #tpu.memory_space<hbm>>
      tpu.wait_indirect_dma semaphore(%arg22 : memref<!tpu.dma_semaphore, #tpu.memory_space<semaphore_mem>>) src(%dma_wait3A_404 : memref<16000x512xf32, #tpu.memory_space<hbm>>) dst(%arg16 : memref<16x512xf32, #tpu.memory_space<vmem>>)
      %add3A_405 = arith.constant 5632 : i32
      %add3A_406 = arith.addi %add3A_405, %add3A_39 : i32
      %dma_start3A_407 = arith.constant 0 : i32
      %dma_start3A_408 = tpu.memref_slice %arg9[%add3A_406, %dma_start3A_407] : memref<39424x512xf32, #tpu.memory_space<hbm>> -> memref<16x512xf32, #tpu.memory_space<hbm>>
      %dma_start3A_409 = arith.constant 0 : i32
      %dma_start3A_410 = tpu.memref_slice %arg9[%add3A_406, %dma_start3A_409] : memref<39424x512xf32, #tpu.memory_space<hbm>> -> memref<16x512xf32, #tpu.memory_space<hbm>>
      tpu.enqueue_dma source(%arg16 : memref<16x512xf32, #tpu.memory_space<vmem>>) target(%dma_start3A_410 : memref<16x512xf32, #tpu.memory_space<hbm>>) target_semaphore(%arg28 : memref<!tpu.dma_semaphore, #tpu.memory_space<semaphore_mem>>)
      %dma_wait3A_411 = arith.constant 0 : i32
      %dma_wait3A_412 = tpu.memref_slice %arg9[%add3A_406, %dma_wait3A_411] : memref<39424x512xf32, #tpu.memory_space<hbm>> -> memref<16x512xf32, #tpu.memory_space<hbm>>
      %dma_wait3A_413 = arith.constant 0 : i32
      %dma_wait3A_414 = tpu.memref_slice %arg9[%add3A_406, %dma_wait3A_413] : memref<39424x512xf32, #tpu.memory_space<hbm>> -> memref<16x512xf32, #tpu.memory_space<hbm>>
      tpu.wait_dma2 semaphore(%arg28 : memref<!tpu.dma_semaphore, #tpu.memory_space<semaphore_mem>>) src(%arg16 : memref<16x512xf32, #tpu.memory_space<vmem>>) dst(%dma_wait3A_414 : memref<16x512xf32, #tpu.memory_space<hbm>>)
      %add3A_415 = arith.constant 0 : i32
      %add3A_416 = vector.broadcast %add3A_415 : i32 to vector<16xi32>
      %add3A_417 = arith.addi %get3A_34, %add3A_416 : vector<16xi32>
      %dma_start3A_418 = arith.constant 0 : i32
      %dma_start3A_419 = arith.constant 0 : i32
      %dma_start3A_420 = tpu.memref_slice %arg7[%dma_start3A_418, %dma_start3A_419] : memref<60000x512xf32, #tpu.memory_space<hbm>> -> memref<60000x512xf32, #tpu.memory_space<hbm>>
      tpu.enqueue_indirect_dma source(%dma_start3A_420 : memref<60000x512xf32, #tpu.memory_space<hbm>>) target(%arg16 : memref<16x512xf32, #tpu.memory_space<vmem>>) offsets(%add3A_417 : vector<16xi32>) semaphore(%arg22 : memref<!tpu.dma_semaphore, #tpu.memory_space<semaphore_mem>>)
      %mul3A_421 = arith.constant 16 : i32
      %mul3A_422 = vector.broadcast %mul3A_421 : i32 to vector<16xi32>
      %mul3A_423 = arith.muli %get3A_34, %mul3A_422 : vector<16xi32>
      %add3A_424 = arith.constant 11 : i32
      %add3A_425 = vector.broadcast %add3A_424 : i32 to vector<16xi32>
      %add3A_426 = arith.addi %mul3A_423, %add3A_425 : vector<16xi32>
      %dma_wait3A_427 = arith.constant 0 : i32
      %dma_wait3A_428 = arith.constant 0 : i32
      %dma_wait3A_429 = tpu.memref_slice %arg5[%dma_wait3A_427, %dma_wait3A_428] : memref<16000x512xf32, #tpu.memory_space<hbm>> -> memref<16000x512xf32, #tpu.memory_space<hbm>>
      tpu.wait_indirect_dma semaphore(%arg17 : memref<!tpu.dma_semaphore, #tpu.memory_space<semaphore_mem>>) src(%dma_wait3A_429 : memref<16000x512xf32, #tpu.memory_space<hbm>>) dst(%arg11 : memref<16x512xf32, #tpu.memory_space<vmem>>)
      %add3A_430 = arith.constant 6144 : i32
      %add3A_431 = arith.addi %add3A_430, %add3A_39 : i32
      %dma_start3A_432 = arith.constant 0 : i32
      %dma_start3A_433 = tpu.memref_slice %arg9[%add3A_431, %dma_start3A_432] : memref<39424x512xf32, #tpu.memory_space<hbm>> -> memref<16x512xf32, #tpu.memory_space<hbm>>
      %dma_start3A_434 = arith.constant 0 : i32
      %dma_start3A_435 = tpu.memref_slice %arg9[%add3A_431, %dma_start3A_434] : memref<39424x512xf32, #tpu.memory_space<hbm>> -> memref<16x512xf32, #tpu.memory_space<hbm>>
      tpu.enqueue_dma source(%arg11 : memref<16x512xf32, #tpu.memory_space<vmem>>) target(%dma_start3A_435 : memref<16x512xf32, #tpu.memory_space<hbm>>) target_semaphore(%arg23 : memref<!tpu.dma_semaphore, #tpu.memory_space<semaphore_mem>>)
      %dma_wait3A_436 = arith.constant 0 : i32
      %dma_wait3A_437 = tpu.memref_slice %arg9[%add3A_431, %dma_wait3A_436] : memref<39424x512xf32, #tpu.memory_space<hbm>> -> memref<16x512xf32, #tpu.memory_space<hbm>>
      %dma_wait3A_438 = arith.constant 0 : i32
      %dma_wait3A_439 = tpu.memref_slice %arg9[%add3A_431, %dma_wait3A_438] : memref<39424x512xf32, #tpu.memory_space<hbm>> -> memref<16x512xf32, #tpu.memory_space<hbm>>
      tpu.wait_dma2 semaphore(%arg23 : memref<!tpu.dma_semaphore, #tpu.memory_space<semaphore_mem>>) src(%arg11 : memref<16x512xf32, #tpu.memory_space<vmem>>) dst(%dma_wait3A_439 : memref<16x512xf32, #tpu.memory_space<hbm>>)
      %add3A_440 = arith.constant 1000 : i32
      %add3A_441 = vector.broadcast %add3A_440 : i32 to vector<16xi32>
      %add3A_442 = arith.addi %get3A_34, %add3A_441 : vector<16xi32>
      %dma_start3A_443 = arith.constant 0 : i32
      %dma_start3A_444 = arith.constant 0 : i32
      %dma_start3A_445 = tpu.memref_slice %arg7[%dma_start3A_443, %dma_start3A_444] : memref<60000x512xf32, #tpu.memory_space<hbm>> -> memref<60000x512xf32, #tpu.memory_space<hbm>>
      tpu.enqueue_indirect_dma source(%dma_start3A_445 : memref<60000x512xf32, #tpu.memory_space<hbm>>) target(%arg11 : memref<16x512xf32, #tpu.memory_space<vmem>>) offsets(%add3A_442 : vector<16xi32>) semaphore(%arg17 : memref<!tpu.dma_semaphore, #tpu.memory_space<semaphore_mem>>)
      %mul3A_446 = arith.constant 16 : i32
      %mul3A_447 = vector.broadcast %mul3A_446 : i32 to vector<16xi32>
      %mul3A_448 = arith.muli %get3A_34, %mul3A_447 : vector<16xi32>
      %add3A_449 = arith.constant 12 : i32
      %add3A_450 = vector.broadcast %add3A_449 : i32 to vector<16xi32>
      %add3A_451 = arith.addi %mul3A_448, %add3A_450 : vector<16xi32>
      %dma_wait3A_452 = arith.constant 0 : i32
      %dma_wait3A_453 = arith.constant 0 : i32
      %dma_wait3A_454 = tpu.memref_slice %arg5[%dma_wait3A_452, %dma_wait3A_453] : memref<16000x512xf32, #tpu.memory_space<hbm>> -> memref<16000x512xf32, #tpu.memory_space<hbm>>
      tpu.wait_indirect_dma semaphore(%arg18 : memref<!tpu.dma_semaphore, #tpu.memory_space<semaphore_mem>>) src(%dma_wait3A_454 : memref<16000x512xf32, #tpu.memory_space<hbm>>) dst(%arg12 : memref<16x512xf32, #tpu.memory_space<vmem>>)
      %add3A_455 = arith.constant 6656 : i32
      %add3A_456 = arith.addi %add3A_455, %add3A_39 : i32
      %dma_start3A_457 = arith.constant 0 : i32
      %dma_start3A_458 = tpu.memref_slice %arg9[%add3A_456, %dma_start3A_457] : memref<39424x512xf32, #tpu.memory_space<hbm>> -> memref<16x512xf32, #tpu.memory_space<hbm>>
      %dma_start3A_459 = arith.constant 0 : i32
      %dma_start3A_460 = tpu.memref_slice %arg9[%add3A_456, %dma_start3A_459] : memref<39424x512xf32, #tpu.memory_space<hbm>> -> memref<16x512xf32, #tpu.memory_space<hbm>>
      tpu.enqueue_dma source(%arg12 : memref<16x512xf32, #tpu.memory_space<vmem>>) target(%dma_start3A_460 : memref<16x512xf32, #tpu.memory_space<hbm>>) target_semaphore(%arg24 : memref<!tpu.dma_semaphore, #tpu.memory_space<semaphore_mem>>)
      %dma_wait3A_461 = arith.constant 0 : i32
      %dma_wait3A_462 = tpu.memref_slice %arg9[%add3A_456, %dma_wait3A_461] : memref<39424x512xf32, #tpu.memory_space<hbm>> -> memref<16x512xf32, #tpu.memory_space<hbm>>
      %dma_wait3A_463 = arith.constant 0 : i32
      %dma_wait3A_464 = tpu.memref_slice %arg9[%add3A_456, %dma_wait3A_463] : memref<39424x512xf32, #tpu.memory_space<hbm>> -> memref<16x512xf32, #tpu.memory_space<hbm>>
      tpu.wait_dma2 semaphore(%arg24 : memref<!tpu.dma_semaphore, #tpu.memory_space<semaphore_mem>>) src(%arg12 : memref<16x512xf32, #tpu.memory_space<vmem>>) dst(%dma_wait3A_464 : memref<16x512xf32, #tpu.memory_space<hbm>>)
      %add3A_465 = arith.constant 2000 : i32
      %add3A_466 = vector.broadcast %add3A_465 : i32 to vector<16xi32>
      %add3A_467 = arith.addi %get3A_34, %add3A_466 : vector<16xi32>
      %dma_start3A_468 = arith.constant 0 : i32
      %dma_start3A_469 = arith.constant 0 : i32
      %dma_start3A_470 = tpu.memref_slice %arg7[%dma_start3A_468, %dma_start3A_469] : memref<60000x512xf32, #tpu.memory_space<hbm>> -> memref<60000x512xf32, #tpu.memory_space<hbm>>
      tpu.enqueue_indirect_dma source(%dma_start3A_470 : memref<60000x512xf32, #tpu.memory_space<hbm>>) target(%arg12 : memref<16x512xf32, #tpu.memory_space<vmem>>) offsets(%add3A_467 : vector<16xi32>) semaphore(%arg18 : memref<!tpu.dma_semaphore, #tpu.memory_space<semaphore_mem>>)
      %mul3A_471 = arith.constant 16 : i32
      %mul3A_472 = vector.broadcast %mul3A_471 : i32 to vector<16xi32>
      %mul3A_473 = arith.muli %get3A_34, %mul3A_472 : vector<16xi32>
      %add3A_474 = arith.constant 13 : i32
      %add3A_475 = vector.broadcast %add3A_474 : i32 to vector<16xi32>
      %add3A_476 = arith.addi %mul3A_473, %add3A_475 : vector<16xi32>
      %dma_wait3A_477 = arith.constant 0 : i32
      %dma_wait3A_478 = arith.constant 0 : i32
      %dma_wait3A_479 = tpu.memref_slice %arg5[%dma_wait3A_477, %dma_wait3A_478] : memref<16000x512xf32, #tpu.memory_space<hbm>> -> memref<16000x512xf32, #tpu.memory_space<hbm>>
      tpu.wait_indirect_dma semaphore(%arg19 : memref<!tpu.dma_semaphore, #tpu.memory_space<semaphore_mem>>) src(%dma_wait3A_479 : memref<16000x512xf32, #tpu.memory_space<hbm>>) dst(%arg13 : memref<16x512xf32, #tpu.memory_space<vmem>>)
      %add3A_480 = arith.constant 7168 : i32
      %add3A_481 = arith.addi %add3A_480, %add3A_39 : i32
      %dma_start3A_482 = arith.constant 0 : i32
      %dma_start3A_483 = tpu.memref_slice %arg9[%add3A_481, %dma_start3A_482] : memref<39424x512xf32, #tpu.memory_space<hbm>> -> memref<16x512xf32, #tpu.memory_space<hbm>>
      %dma_start3A_484 = arith.constant 0 : i32
      %dma_start3A_485 = tpu.memref_slice %arg9[%add3A_481, %dma_start3A_484] : memref<39424x512xf32, #tpu.memory_space<hbm>> -> memref<16x512xf32, #tpu.memory_space<hbm>>
      tpu.enqueue_dma source(%arg13 : memref<16x512xf32, #tpu.memory_space<vmem>>) target(%dma_start3A_485 : memref<16x512xf32, #tpu.memory_space<hbm>>) target_semaphore(%arg25 : memref<!tpu.dma_semaphore, #tpu.memory_space<semaphore_mem>>)
      %dma_wait3A_486 = arith.constant 0 : i32
      %dma_wait3A_487 = tpu.memref_slice %arg9[%add3A_481, %dma_wait3A_486] : memref<39424x512xf32, #tpu.memory_space<hbm>> -> memref<16x512xf32, #tpu.memory_space<hbm>>
      %dma_wait3A_488 = arith.constant 0 : i32
      %dma_wait3A_489 = tpu.memref_slice %arg9[%add3A_481, %dma_wait3A_488] : memref<39424x512xf32, #tpu.memory_space<hbm>> -> memref<16x512xf32, #tpu.memory_space<hbm>>
      tpu.wait_dma2 semaphore(%arg25 : memref<!tpu.dma_semaphore, #tpu.memory_space<semaphore_mem>>) src(%arg13 : memref<16x512xf32, #tpu.memory_space<vmem>>) dst(%dma_wait3A_489 : memref<16x512xf32, #tpu.memory_space<hbm>>)
      %add3A_490 = arith.constant 3000 : i32
      %add3A_491 = vector.broadcast %add3A_490 : i32 to vector<16xi32>
      %add3A_492 = arith.addi %get3A_34, %add3A_491 : vector<16xi32>
      %dma_start3A_493 = arith.constant 0 : i32
      %dma_start3A_494 = arith.constant 0 : i32
      %dma_start3A_495 = tpu.memref_slice %arg7[%dma_start3A_493, %dma_start3A_494] : memref<60000x512xf32, #tpu.memory_space<hbm>> -> memref<60000x512xf32, #tpu.memory_space<hbm>>
      tpu.enqueue_indirect_dma source(%dma_start3A_495 : memref<60000x512xf32, #tpu.memory_space<hbm>>) target(%arg13 : memref<16x512xf32, #tpu.memory_space<vmem>>) offsets(%add3A_492 : vector<16xi32>) semaphore(%arg19 : memref<!tpu.dma_semaphore, #tpu.memory_space<semaphore_mem>>)
      %mul3A_496 = arith.constant 16 : i32
      %mul3A_497 = vector.broadcast %mul3A_496 : i32 to vector<16xi32>
      %mul3A_498 = arith.muli %get3A_34, %mul3A_497 : vector<16xi32>
      %add3A_499 = arith.constant 14 : i32
      %add3A_500 = vector.broadcast %add3A_499 : i32 to vector<16xi32>
      %add3A_501 = arith.addi %mul3A_498, %add3A_500 : vector<16xi32>
      %dma_wait3A_502 = arith.constant 0 : i32
      %dma_wait3A_503 = arith.constant 0 : i32
      %dma_wait3A_504 = tpu.memref_slice %arg5[%dma_wait3A_502, %dma_wait3A_503] : memref<16000x512xf32, #tpu.memory_space<hbm>> -> memref<16000x512xf32, #tpu.memory_space<hbm>>
      tpu.wait_indirect_dma semaphore(%arg20 : memref<!tpu.dma_semaphore, #tpu.memory_space<semaphore_mem>>) src(%dma_wait3A_504 : memref<16000x512xf32, #tpu.memory_space<hbm>>) dst(%arg14 : memref<16x512xf32, #tpu.memory_space<vmem>>)
      %add3A_505 = arith.constant 7680 : i32
      %add3A_506 = arith.addi %add3A_505, %add3A_39 : i32
      %dma_start3A_507 = arith.constant 0 : i32
      %dma_start3A_508 = tpu.memref_slice %arg9[%add3A_506, %dma_start3A_507] : memref<39424x512xf32, #tpu.memory_space<hbm>> -> memref<16x512xf32, #tpu.memory_space<hbm>>
      %dma_start3A_509 = arith.constant 0 : i32
      %dma_start3A_510 = tpu.memref_slice %arg9[%add3A_506, %dma_start3A_509] : memref<39424x512xf32, #tpu.memory_space<hbm>> -> memref<16x512xf32, #tpu.memory_space<hbm>>
      tpu.enqueue_dma source(%arg14 : memref<16x512xf32, #tpu.memory_space<vmem>>) target(%dma_start3A_510 : memref<16x512xf32, #tpu.memory_space<hbm>>) target_semaphore(%arg26 : memref<!tpu.dma_semaphore, #tpu.memory_space<semaphore_mem>>)
      %dma_wait3A_511 = arith.constant 0 : i32
      %dma_wait3A_512 = tpu.memref_slice %arg9[%add3A_506, %dma_wait3A_511] : memref<39424x512xf32, #tpu.memory_space<hbm>> -> memref<16x512xf32, #tpu.memory_space<hbm>>
      %dma_wait3A_513 = arith.constant 0 : i32
      %dma_wait3A_514 = tpu.memref_slice %arg9[%add3A_506, %dma_wait3A_513] : memref<39424x512xf32, #tpu.memory_space<hbm>> -> memref<16x512xf32, #tpu.memory_space<hbm>>
      tpu.wait_dma2 semaphore(%arg26 : memref<!tpu.dma_semaphore, #tpu.memory_space<semaphore_mem>>) src(%arg14 : memref<16x512xf32, #tpu.memory_space<vmem>>) dst(%dma_wait3A_514 : memref<16x512xf32, #tpu.memory_space<hbm>>)
      %add3A_515 = arith.constant 4000 : i32
      %add3A_516 = vector.broadcast %add3A_515 : i32 to vector<16xi32>
      %add3A_517 = arith.addi %get3A_34, %add3A_516 : vector<16xi32>
      %dma_start3A_518 = arith.constant 0 : i32
      %dma_start3A_519 = arith.constant 0 : i32
      %dma_start3A_520 = tpu.memref_slice %arg7[%dma_start3A_518, %dma_start3A_519] : memref<60000x512xf32, #tpu.memory_space<hbm>> -> memref<60000x512xf32, #tpu.memory_space<hbm>>
      tpu.enqueue_indirect_dma source(%dma_start3A_520 : memref<60000x512xf32, #tpu.memory_space<hbm>>) target(%arg14 : memref<16x512xf32, #tpu.memory_space<vmem>>) offsets(%add3A_517 : vector<16xi32>) semaphore(%arg20 : memref<!tpu.dma_semaphore, #tpu.memory_space<semaphore_mem>>)
      %mul3A_521 = arith.constant 16 : i32
      %mul3A_522 = vector.broadcast %mul3A_521 : i32 to vector<16xi32>
      %mul3A_523 = arith.muli %get3A_34, %mul3A_522 : vector<16xi32>
      %add3A_524 = arith.constant 15 : i32
      %add3A_525 = vector.broadcast %add3A_524 : i32 to vector<16xi32>
      %add3A_526 = arith.addi %mul3A_523, %add3A_525 : vector<16xi32>
      %dma_wait3A_527 = arith.constant 0 : i32
      %dma_wait3A_528 = arith.constant 0 : i32
      %dma_wait3A_529 = tpu.memref_slice %arg5[%dma_wait3A_527, %dma_wait3A_528] : memref<16000x512xf32, #tpu.memory_space<hbm>> -> memref<16000x512xf32, #tpu.memory_space<hbm>>
      tpu.wait_indirect_dma semaphore(%arg21 : memref<!tpu.dma_semaphore, #tpu.memory_space<semaphore_mem>>) src(%dma_wait3A_529 : memref<16000x512xf32, #tpu.memory_space<hbm>>) dst(%arg15 : memref<16x512xf32, #tpu.memory_space<vmem>>)
      %add3A_530 = arith.constant 8192 : i32
      %add3A_531 = arith.addi %add3A_530, %add3A_39 : i32
      %dma_start3A_532 = arith.constant 0 : i32
      %dma_start3A_533 = tpu.memref_slice %arg9[%add3A_531, %dma_start3A_532] : memref<39424x512xf32, #tpu.memory_space<hbm>> -> memref<16x512xf32, #tpu.memory_space<hbm>>
      %dma_start3A_534 = arith.constant 0 : i32
      %dma_start3A_535 = tpu.memref_slice %arg9[%add3A_531, %dma_start3A_534] : memref<39424x512xf32, #tpu.memory_space<hbm>> -> memref<16x512xf32, #tpu.memory_space<hbm>>
      tpu.enqueue_dma source(%arg15 : memref<16x512xf32, #tpu.memory_space<vmem>>) target(%dma_start3A_535 : memref<16x512xf32, #tpu.memory_space<hbm>>) target_semaphore(%arg27 : memref<!tpu.dma_semaphore, #tpu.memory_space<semaphore_mem>>)
      %dma_wait3A_536 = arith.constant 0 : i32
      %dma_wait3A_537 = tpu.memref_slice %arg9[%add3A_531, %dma_wait3A_536] : memref<39424x512xf32, #tpu.memory_space<hbm>> -> memref<16x512xf32, #tpu.memory_space<hbm>>
      %dma_wait3A_538 = arith.constant 0 : i32
      %dma_wait3A_539 = tpu.memref_slice %arg9[%add3A_531, %dma_wait3A_538] : memref<39424x512xf32, #tpu.memory_space<hbm>> -> memref<16x512xf32, #tpu.memory_space<hbm>>
      tpu.wait_dma2 semaphore(%arg27 : memref<!tpu.dma_semaphore, #tpu.memory_space<semaphore_mem>>) src(%arg15 : memref<16x512xf32, #tpu.memory_space<vmem>>) dst(%dma_wait3A_539 : memref<16x512xf32, #tpu.memory_space<hbm>>)
      %add3A_540 = arith.constant 5000 : i32
      %add3A_541 = vector.broadcast %add3A_540 : i32 to vector<16xi32>
      %add3A_542 = arith.addi %get3A_34, %add3A_541 : vector<16xi32>
      %dma_start3A_543 = arith.constant 0 : i32
      %dma_start3A_544 = arith.constant 0 : i32
      %dma_start3A_545 = tpu.memref_slice %arg7[%dma_start3A_543, %dma_start3A_544] : memref<60000x512xf32, #tpu.memory_space<hbm>> -> memref<60000x512xf32, #tpu.memory_space<hbm>>
      tpu.enqueue_indirect_dma source(%dma_start3A_545 : memref<60000x512xf32, #tpu.memory_space<hbm>>) target(%arg15 : memref<16x512xf32, #tpu.memory_space<vmem>>) offsets(%add3A_542 : vector<16xi32>) semaphore(%arg21 : memref<!tpu.dma_semaphore, #tpu.memory_space<semaphore_mem>>)
      %scan3A = arith.constant 0 : i32
      %scan3A_546 = arith.constant 10 : i32
      %scan3A_547 = arith.addi %scan3A, %scan3A_546 : i32
      %scan3A_548 = arith.constant 1 : i32
      scf.for %scan3A_550 = %scan3A to %scan3A_547 step %scan3A_548  : i32 {
        %mul3A_551 = arith.constant 6 : i32
        %mul3A_552 = arith.muli %scan3A_550, %mul3A_551 : i32
        %add3A_553 = arith.constant 17 : i32
        %add3A_554 = arith.addi %add3A_553, %mul3A_552 : i32
        %add3A_555 = arith.constant 0 : i32
        %add3A_556 = arith.addi %add3A_554, %add3A_555 : i32
        %sub3A_557 = arith.constant 1 : i32
        %sub3A_558 = arith.subi %add3A_556, %sub3A_557 : i32
        %sub3A_559 = arith.constant 16 : i32
        %sub3A_560 = arith.subi %sub3A_558, %sub3A_559 : i32
        %mul3A_561 = arith.constant 1000 : i32
        %mul3A_562 = arith.muli %mul3A_561, %sub3A_560 : i32
        %add3A_563 = vector.broadcast %mul3A_562 : i32 to vector<16xi32>
        %add3A_564 = arith.addi %get3A_34, %add3A_563 : vector<16xi32>
        %dma_wait3A_565 = arith.constant 0 : i32
        %dma_wait3A_566 = arith.constant 0 : i32
        %dma_wait3A_567 = tpu.memref_slice %arg7[%dma_wait3A_565, %dma_wait3A_566] : memref<60000x512xf32, #tpu.memory_space<hbm>> -> memref<60000x512xf32, #tpu.memory_space<hbm>>
        tpu.wait_indirect_dma semaphore(%arg22 : memref<!tpu.dma_semaphore, #tpu.memory_space<semaphore_mem>>) src(%dma_wait3A_567 : memref<60000x512xf32, #tpu.memory_space<hbm>>) dst(%arg16 : memref<16x512xf32, #tpu.memory_space<vmem>>)
        %mul3A_568 = arith.constant 512 : i32
        %mul3A_569 = arith.muli %mul3A_568, %add3A_556 : i32
        %add3A_570 = arith.addi %mul3A_569, %add3A_39 : i32
        %dma_start3A_571 = arith.constant 0 : i32
        %dma_start3A_572 = tpu.memref_slice %arg9[%add3A_570, %dma_start3A_571] : memref<39424x512xf32, #tpu.memory_space<hbm>> -> memref<16x512xf32, #tpu.memory_space<hbm>>
        %dma_start3A_573 = arith.constant 0 : i32
        %dma_start3A_574 = tpu.memref_slice %arg9[%add3A_570, %dma_start3A_573] : memref<39424x512xf32, #tpu.memory_space<hbm>> -> memref<16x512xf32, #tpu.memory_space<hbm>>
        tpu.enqueue_dma source(%arg16 : memref<16x512xf32, #tpu.memory_space<vmem>>) target(%dma_start3A_574 : memref<16x512xf32, #tpu.memory_space<hbm>>) target_semaphore(%arg28 : memref<!tpu.dma_semaphore, #tpu.memory_space<semaphore_mem>>)
        %dma_wait3A_575 = arith.constant 0 : i32
        %dma_wait3A_576 = tpu.memref_slice %arg9[%add3A_570, %dma_wait3A_575] : memref<39424x512xf32, #tpu.memory_space<hbm>> -> memref<16x512xf32, #tpu.memory_space<hbm>>
        %dma_wait3A_577 = arith.constant 0 : i32
        %dma_wait3A_578 = tpu.memref_slice %arg9[%add3A_570, %dma_wait3A_577] : memref<39424x512xf32, #tpu.memory_space<hbm>> -> memref<16x512xf32, #tpu.memory_space<hbm>>
        tpu.wait_dma2 semaphore(%arg28 : memref<!tpu.dma_semaphore, #tpu.memory_space<semaphore_mem>>) src(%arg16 : memref<16x512xf32, #tpu.memory_space<vmem>>) dst(%dma_wait3A_578 : memref<16x512xf32, #tpu.memory_space<hbm>>)
        %add3A_579 = arith.constant 6 : i32
        %add3A_580 = arith.addi %add3A_556, %add3A_579 : i32
        %lt3A_581 = arith.constant 77 : i32
        %lt3A_582 = arith.cmpi slt, %add3A_580, %lt3A_581 : i32
        %convert_element_type3A_583 = arith.extui %lt3A_582 : i1 to i32
        %cond3A_584 = arith.constant 0 : i32
        %cond3A_585 = arith.cmpi ne, %convert_element_type3A_583, %cond3A_584 : i32
        scf.if %cond3A_585 {
          %add3A_761 = arith.constant 6 : i32
          %add3A_762 = arith.addi %add3A_556, %add3A_761 : i32
          %sub3A_763 = arith.constant 1 : i32
          %sub3A_764 = arith.subi %add3A_762, %sub3A_763 : i32
          %sub3A_765 = arith.constant 16 : i32
          %sub3A_766 = arith.subi %sub3A_764, %sub3A_765 : i32
          %mul3A_767 = arith.constant 1000 : i32
          %mul3A_768 = arith.muli %mul3A_767, %sub3A_766 : i32
          %add3A_769 = vector.broadcast %mul3A_768 : i32 to vector<16xi32>
          %add3A_770 = arith.addi %get3A_34, %add3A_769 : vector<16xi32>
          %dma_start3A_771 = arith.constant 0 : i32
          %dma_start3A_772 = arith.constant 0 : i32
          %dma_start3A_773 = tpu.memref_slice %arg7[%dma_start3A_771, %dma_start3A_772] : memref<60000x512xf32, #tpu.memory_space<hbm>> -> memref<60000x512xf32, #tpu.memory_space<hbm>>
          tpu.enqueue_indirect_dma source(%dma_start3A_773 : memref<60000x512xf32, #tpu.memory_space<hbm>>) target(%arg16 : memref<16x512xf32, #tpu.memory_space<vmem>>) offsets(%add3A_770 : vector<16xi32>) semaphore(%arg22 : memref<!tpu.dma_semaphore, #tpu.memory_space<semaphore_mem>>)
        } else {
        }
        %mul3A_586 = arith.constant 6 : i32
        %mul3A_587 = arith.muli %scan3A_550, %mul3A_586 : i32
        %add3A_588 = arith.constant 17 : i32
        %add3A_589 = arith.addi %add3A_588, %mul3A_587 : i32
        %add3A_590 = arith.constant 1 : i32
        %add3A_591 = arith.addi %add3A_589, %add3A_590 : i32
        %sub3A_592 = arith.constant 1 : i32
        %sub3A_593 = arith.subi %add3A_591, %sub3A_592 : i32
        %sub3A_594 = arith.constant 16 : i32
        %sub3A_595 = arith.subi %sub3A_593, %sub3A_594 : i32
        %mul3A_596 = arith.constant 1000 : i32
        %mul3A_597 = arith.muli %mul3A_596, %sub3A_595 : i32
        %add3A_598 = vector.broadcast %mul3A_597 : i32 to vector<16xi32>
        %add3A_599 = arith.addi %get3A_34, %add3A_598 : vector<16xi32>
        %dma_wait3A_600 = arith.constant 0 : i32
        %dma_wait3A_601 = arith.constant 0 : i32
        %dma_wait3A_602 = tpu.memref_slice %arg7[%dma_wait3A_600, %dma_wait3A_601] : memref<60000x512xf32, #tpu.memory_space<hbm>> -> memref<60000x512xf32, #tpu.memory_space<hbm>>
        tpu.wait_indirect_dma semaphore(%arg17 : memref<!tpu.dma_semaphore, #tpu.memory_space<semaphore_mem>>) src(%dma_wait3A_602 : memref<60000x512xf32, #tpu.memory_space<hbm>>) dst(%arg11 : memref<16x512xf32, #tpu.memory_space<vmem>>)
        %mul3A_603 = arith.constant 512 : i32
        %mul3A_604 = arith.muli %mul3A_603, %add3A_591 : i32
        %add3A_605 = arith.addi %mul3A_604, %add3A_39 : i32
        %dma_start3A_606 = arith.constant 0 : i32
        %dma_start3A_607 = tpu.memref_slice %arg9[%add3A_605, %dma_start3A_606] : memref<39424x512xf32, #tpu.memory_space<hbm>> -> memref<16x512xf32, #tpu.memory_space<hbm>>
        %dma_start3A_608 = arith.constant 0 : i32
        %dma_start3A_609 = tpu.memref_slice %arg9[%add3A_605, %dma_start3A_608] : memref<39424x512xf32, #tpu.memory_space<hbm>> -> memref<16x512xf32, #tpu.memory_space<hbm>>
        tpu.enqueue_dma source(%arg11 : memref<16x512xf32, #tpu.memory_space<vmem>>) target(%dma_start3A_609 : memref<16x512xf32, #tpu.memory_space<hbm>>) target_semaphore(%arg23 : memref<!tpu.dma_semaphore, #tpu.memory_space<semaphore_mem>>)
        %dma_wait3A_610 = arith.constant 0 : i32
        %dma_wait3A_611 = tpu.memref_slice %arg9[%add3A_605, %dma_wait3A_610] : memref<39424x512xf32, #tpu.memory_space<hbm>> -> memref<16x512xf32, #tpu.memory_space<hbm>>
        %dma_wait3A_612 = arith.constant 0 : i32
        %dma_wait3A_613 = tpu.memref_slice %arg9[%add3A_605, %dma_wait3A_612] : memref<39424x512xf32, #tpu.memory_space<hbm>> -> memref<16x512xf32, #tpu.memory_space<hbm>>
        tpu.wait_dma2 semaphore(%arg23 : memref<!tpu.dma_semaphore, #tpu.memory_space<semaphore_mem>>) src(%arg11 : memref<16x512xf32, #tpu.memory_space<vmem>>) dst(%dma_wait3A_613 : memref<16x512xf32, #tpu.memory_space<hbm>>)
        %add3A_614 = arith.constant 6 : i32
        %add3A_615 = arith.addi %add3A_591, %add3A_614 : i32
        %lt3A_616 = arith.constant 77 : i32
        %lt3A_617 = arith.cmpi slt, %add3A_615, %lt3A_616 : i32
        %convert_element_type3A_618 = arith.extui %lt3A_617 : i1 to i32
        %cond3A_619 = arith.constant 0 : i32
        %cond3A_620 = arith.cmpi ne, %convert_element_type3A_618, %cond3A_619 : i32
        scf.if %cond3A_620 {
          %add3A_761 = arith.constant 6 : i32
          %add3A_762 = arith.addi %add3A_591, %add3A_761 : i32
          %sub3A_763 = arith.constant 1 : i32
          %sub3A_764 = arith.subi %add3A_762, %sub3A_763 : i32
          %sub3A_765 = arith.constant 16 : i32
          %sub3A_766 = arith.subi %sub3A_764, %sub3A_765 : i32
          %mul3A_767 = arith.constant 1000 : i32
          %mul3A_768 = arith.muli %mul3A_767, %sub3A_766 : i32
          %add3A_769 = vector.broadcast %mul3A_768 : i32 to vector<16xi32>
          %add3A_770 = arith.addi %get3A_34, %add3A_769 : vector<16xi32>
          %dma_start3A_771 = arith.constant 0 : i32
          %dma_start3A_772 = arith.constant 0 : i32
          %dma_start3A_773 = tpu.memref_slice %arg7[%dma_start3A_771, %dma_start3A_772] : memref<60000x512xf32, #tpu.memory_space<hbm>> -> memref<60000x512xf32, #tpu.memory_space<hbm>>
          tpu.enqueue_indirect_dma source(%dma_start3A_773 : memref<60000x512xf32, #tpu.memory_space<hbm>>) target(%arg11 : memref<16x512xf32, #tpu.memory_space<vmem>>) offsets(%add3A_770 : vector<16xi32>) semaphore(%arg17 : memref<!tpu.dma_semaphore, #tpu.memory_space<semaphore_mem>>)
        } else {
        }
        %mul3A_621 = arith.constant 6 : i32
        %mul3A_622 = arith.muli %scan3A_550, %mul3A_621 : i32
        %add3A_623 = arith.constant 17 : i32
        %add3A_624 = arith.addi %add3A_623, %mul3A_622 : i32
        %add3A_625 = arith.constant 2 : i32
        %add3A_626 = arith.addi %add3A_624, %add3A_625 : i32
        %sub3A_627 = arith.constant 1 : i32
        %sub3A_628 = arith.subi %add3A_626, %sub3A_627 : i32
        %sub3A_629 = arith.constant 16 : i32
        %sub3A_630 = arith.subi %sub3A_628, %sub3A_629 : i32
        %mul3A_631 = arith.constant 1000 : i32
        %mul3A_632 = arith.muli %mul3A_631, %sub3A_630 : i32
        %add3A_633 = vector.broadcast %mul3A_632 : i32 to vector<16xi32>
        %add3A_634 = arith.addi %get3A_34, %add3A_633 : vector<16xi32>
        %dma_wait3A_635 = arith.constant 0 : i32
        %dma_wait3A_636 = arith.constant 0 : i32
        %dma_wait3A_637 = tpu.memref_slice %arg7[%dma_wait3A_635, %dma_wait3A_636] : memref<60000x512xf32, #tpu.memory_space<hbm>> -> memref<60000x512xf32, #tpu.memory_space<hbm>>
        tpu.wait_indirect_dma semaphore(%arg18 : memref<!tpu.dma_semaphore, #tpu.memory_space<semaphore_mem>>) src(%dma_wait3A_637 : memref<60000x512xf32, #tpu.memory_space<hbm>>) dst(%arg12 : memref<16x512xf32, #tpu.memory_space<vmem>>)
        %mul3A_638 = arith.constant 512 : i32
        %mul3A_639 = arith.muli %mul3A_638, %add3A_626 : i32
        %add3A_640 = arith.addi %mul3A_639, %add3A_39 : i32
        %dma_start3A_641 = arith.constant 0 : i32
        %dma_start3A_642 = tpu.memref_slice %arg9[%add3A_640, %dma_start3A_641] : memref<39424x512xf32, #tpu.memory_space<hbm>> -> memref<16x512xf32, #tpu.memory_space<hbm>>
        %dma_start3A_643 = arith.constant 0 : i32
        %dma_start3A_644 = tpu.memref_slice %arg9[%add3A_640, %dma_start3A_643] : memref<39424x512xf32, #tpu.memory_space<hbm>> -> memref<16x512xf32, #tpu.memory_space<hbm>>
        tpu.enqueue_dma source(%arg12 : memref<16x512xf32, #tpu.memory_space<vmem>>) target(%dma_start3A_644 : memref<16x512xf32, #tpu.memory_space<hbm>>) target_semaphore(%arg24 : memref<!tpu.dma_semaphore, #tpu.memory_space<semaphore_mem>>)
        %dma_wait3A_645 = arith.constant 0 : i32
        %dma_wait3A_646 = tpu.memref_slice %arg9[%add3A_640, %dma_wait3A_645] : memref<39424x512xf32, #tpu.memory_space<hbm>> -> memref<16x512xf32, #tpu.memory_space<hbm>>
        %dma_wait3A_647 = arith.constant 0 : i32
        %dma_wait3A_648 = tpu.memref_slice %arg9[%add3A_640, %dma_wait3A_647] : memref<39424x512xf32, #tpu.memory_space<hbm>> -> memref<16x512xf32, #tpu.memory_space<hbm>>
        tpu.wait_dma2 semaphore(%arg24 : memref<!tpu.dma_semaphore, #tpu.memory_space<semaphore_mem>>) src(%arg12 : memref<16x512xf32, #tpu.memory_space<vmem>>) dst(%dma_wait3A_648 : memref<16x512xf32, #tpu.memory_space<hbm>>)
        %add3A_649 = arith.constant 6 : i32
        %add3A_650 = arith.addi %add3A_626, %add3A_649 : i32
        %lt3A_651 = arith.constant 77 : i32
        %lt3A_652 = arith.cmpi slt, %add3A_650, %lt3A_651 : i32
        %convert_element_type3A_653 = arith.extui %lt3A_652 : i1 to i32
        %cond3A_654 = arith.constant 0 : i32
        %cond3A_655 = arith.cmpi ne, %convert_element_type3A_653, %cond3A_654 : i32
        scf.if %cond3A_655 {
          %add3A_761 = arith.constant 6 : i32
          %add3A_762 = arith.addi %add3A_626, %add3A_761 : i32
          %sub3A_763 = arith.constant 1 : i32
          %sub3A_764 = arith.subi %add3A_762, %sub3A_763 : i32
          %sub3A_765 = arith.constant 16 : i32
          %sub3A_766 = arith.subi %sub3A_764, %sub3A_765 : i32
          %mul3A_767 = arith.constant 1000 : i32
          %mul3A_768 = arith.muli %mul3A_767, %sub3A_766 : i32
          %add3A_769 = vector.broadcast %mul3A_768 : i32 to vector<16xi32>
          %add3A_770 = arith.addi %get3A_34, %add3A_769 : vector<16xi32>
          %dma_start3A_771 = arith.constant 0 : i32
          %dma_start3A_772 = arith.constant 0 : i32
          %dma_start3A_773 = tpu.memref_slice %arg7[%dma_start3A_771, %dma_start3A_772] : memref<60000x512xf32, #tpu.memory_space<hbm>> -> memref<60000x512xf32, #tpu.memory_space<hbm>>
          tpu.enqueue_indirect_dma source(%dma_start3A_773 : memref<60000x512xf32, #tpu.memory_space<hbm>>) target(%arg12 : memref<16x512xf32, #tpu.memory_space<vmem>>) offsets(%add3A_770 : vector<16xi32>) semaphore(%arg18 : memref<!tpu.dma_semaphore, #tpu.memory_space<semaphore_mem>>)
        } else {
        }
        %mul3A_656 = arith.constant 6 : i32
        %mul3A_657 = arith.muli %scan3A_550, %mul3A_656 : i32
        %add3A_658 = arith.constant 17 : i32
        %add3A_659 = arith.addi %add3A_658, %mul3A_657 : i32
        %add3A_660 = arith.constant 3 : i32
        %add3A_661 = arith.addi %add3A_659, %add3A_660 : i32
        %sub3A_662 = arith.constant 1 : i32
        %sub3A_663 = arith.subi %add3A_661, %sub3A_662 : i32
        %sub3A_664 = arith.constant 16 : i32
        %sub3A_665 = arith.subi %sub3A_663, %sub3A_664 : i32
        %mul3A_666 = arith.constant 1000 : i32
        %mul3A_667 = arith.muli %mul3A_666, %sub3A_665 : i32
        %add3A_668 = vector.broadcast %mul3A_667 : i32 to vector<16xi32>
        %add3A_669 = arith.addi %get3A_34, %add3A_668 : vector<16xi32>
        %dma_wait3A_670 = arith.constant 0 : i32
        %dma_wait3A_671 = arith.constant 0 : i32
        %dma_wait3A_672 = tpu.memref_slice %arg7[%dma_wait3A_670, %dma_wait3A_671] : memref<60000x512xf32, #tpu.memory_space<hbm>> -> memref<60000x512xf32, #tpu.memory_space<hbm>>
        tpu.wait_indirect_dma semaphore(%arg19 : memref<!tpu.dma_semaphore, #tpu.memory_space<semaphore_mem>>) src(%dma_wait3A_672 : memref<60000x512xf32, #tpu.memory_space<hbm>>) dst(%arg13 : memref<16x512xf32, #tpu.memory_space<vmem>>)
        %mul3A_673 = arith.constant 512 : i32
        %mul3A_674 = arith.muli %mul3A_673, %add3A_661 : i32
        %add3A_675 = arith.addi %mul3A_674, %add3A_39 : i32
        %dma_start3A_676 = arith.constant 0 : i32
        %dma_start3A_677 = tpu.memref_slice %arg9[%add3A_675, %dma_start3A_676] : memref<39424x512xf32, #tpu.memory_space<hbm>> -> memref<16x512xf32, #tpu.memory_space<hbm>>
        %dma_start3A_678 = arith.constant 0 : i32
        %dma_start3A_679 = tpu.memref_slice %arg9[%add3A_675, %dma_start3A_678] : memref<39424x512xf32, #tpu.memory_space<hbm>> -> memref<16x512xf32, #tpu.memory_space<hbm>>
        tpu.enqueue_dma source(%arg13 : memref<16x512xf32, #tpu.memory_space<vmem>>) target(%dma_start3A_679 : memref<16x512xf32, #tpu.memory_space<hbm>>) target_semaphore(%arg25 : memref<!tpu.dma_semaphore, #tpu.memory_space<semaphore_mem>>)
        %dma_wait3A_680 = arith.constant 0 : i32
        %dma_wait3A_681 = tpu.memref_slice %arg9[%add3A_675, %dma_wait3A_680] : memref<39424x512xf32, #tpu.memory_space<hbm>> -> memref<16x512xf32, #tpu.memory_space<hbm>>
        %dma_wait3A_682 = arith.constant 0 : i32
        %dma_wait3A_683 = tpu.memref_slice %arg9[%add3A_675, %dma_wait3A_682] : memref<39424x512xf32, #tpu.memory_space<hbm>> -> memref<16x512xf32, #tpu.memory_space<hbm>>
        tpu.wait_dma2 semaphore(%arg25 : memref<!tpu.dma_semaphore, #tpu.memory_space<semaphore_mem>>) src(%arg13 : memref<16x512xf32, #tpu.memory_space<vmem>>) dst(%dma_wait3A_683 : memref<16x512xf32, #tpu.memory_space<hbm>>)
        %add3A_684 = arith.constant 6 : i32
        %add3A_685 = arith.addi %add3A_661, %add3A_684 : i32
        %lt3A_686 = arith.constant 77 : i32
        %lt3A_687 = arith.cmpi slt, %add3A_685, %lt3A_686 : i32
        %convert_element_type3A_688 = arith.extui %lt3A_687 : i1 to i32
        %cond3A_689 = arith.constant 0 : i32
        %cond3A_690 = arith.cmpi ne, %convert_element_type3A_688, %cond3A_689 : i32
        scf.if %cond3A_690 {
          %add3A_761 = arith.constant 6 : i32
          %add3A_762 = arith.addi %add3A_661, %add3A_761 : i32
          %sub3A_763 = arith.constant 1 : i32
          %sub3A_764 = arith.subi %add3A_762, %sub3A_763 : i32
          %sub3A_765 = arith.constant 16 : i32
          %sub3A_766 = arith.subi %sub3A_764, %sub3A_765 : i32
          %mul3A_767 = arith.constant 1000 : i32
          %mul3A_768 = arith.muli %mul3A_767, %sub3A_766 : i32
          %add3A_769 = vector.broadcast %mul3A_768 : i32 to vector<16xi32>
          %add3A_770 = arith.addi %get3A_34, %add3A_769 : vector<16xi32>
          %dma_start3A_771 = arith.constant 0 : i32
          %dma_start3A_772 = arith.constant 0 : i32
          %dma_start3A_773 = tpu.memref_slice %arg7[%dma_start3A_771, %dma_start3A_772] : memref<60000x512xf32, #tpu.memory_space<hbm>> -> memref<60000x512xf32, #tpu.memory_space<hbm>>
          tpu.enqueue_indirect_dma source(%dma_start3A_773 : memref<60000x512xf32, #tpu.memory_space<hbm>>) target(%arg13 : memref<16x512xf32, #tpu.memory_space<vmem>>) offsets(%add3A_770 : vector<16xi32>) semaphore(%arg19 : memref<!tpu.dma_semaphore, #tpu.memory_space<semaphore_mem>>)
        } else {
        }
        %mul3A_691 = arith.constant 6 : i32
        %mul3A_692 = arith.muli %scan3A_550, %mul3A_691 : i32
        %add3A_693 = arith.constant 17 : i32
        %add3A_694 = arith.addi %add3A_693, %mul3A_692 : i32
        %add3A_695 = arith.constant 4 : i32
        %add3A_696 = arith.addi %add3A_694, %add3A_695 : i32
        %sub3A_697 = arith.constant 1 : i32
        %sub3A_698 = arith.subi %add3A_696, %sub3A_697 : i32
        %sub3A_699 = arith.constant 16 : i32
        %sub3A_700 = arith.subi %sub3A_698, %sub3A_699 : i32
        %mul3A_701 = arith.constant 1000 : i32
        %mul3A_702 = arith.muli %mul3A_701, %sub3A_700 : i32
        %add3A_703 = vector.broadcast %mul3A_702 : i32 to vector<16xi32>
        %add3A_704 = arith.addi %get3A_34, %add3A_703 : vector<16xi32>
        %dma_wait3A_705 = arith.constant 0 : i32
        %dma_wait3A_706 = arith.constant 0 : i32
        %dma_wait3A_707 = tpu.memref_slice %arg7[%dma_wait3A_705, %dma_wait3A_706] : memref<60000x512xf32, #tpu.memory_space<hbm>> -> memref<60000x512xf32, #tpu.memory_space<hbm>>
        tpu.wait_indirect_dma semaphore(%arg20 : memref<!tpu.dma_semaphore, #tpu.memory_space<semaphore_mem>>) src(%dma_wait3A_707 : memref<60000x512xf32, #tpu.memory_space<hbm>>) dst(%arg14 : memref<16x512xf32, #tpu.memory_space<vmem>>)
        %mul3A_708 = arith.constant 512 : i32
        %mul3A_709 = arith.muli %mul3A_708, %add3A_696 : i32
        %add3A_710 = arith.addi %mul3A_709, %add3A_39 : i32
        %dma_start3A_711 = arith.constant 0 : i32
        %dma_start3A_712 = tpu.memref_slice %arg9[%add3A_710, %dma_start3A_711] : memref<39424x512xf32, #tpu.memory_space<hbm>> -> memref<16x512xf32, #tpu.memory_space<hbm>>
        %dma_start3A_713 = arith.constant 0 : i32
        %dma_start3A_714 = tpu.memref_slice %arg9[%add3A_710, %dma_start3A_713] : memref<39424x512xf32, #tpu.memory_space<hbm>> -> memref<16x512xf32, #tpu.memory_space<hbm>>
        tpu.enqueue_dma source(%arg14 : memref<16x512xf32, #tpu.memory_space<vmem>>) target(%dma_start3A_714 : memref<16x512xf32, #tpu.memory_space<hbm>>) target_semaphore(%arg26 : memref<!tpu.dma_semaphore, #tpu.memory_space<semaphore_mem>>)
        %dma_wait3A_715 = arith.constant 0 : i32
        %dma_wait3A_716 = tpu.memref_slice %arg9[%add3A_710, %dma_wait3A_715] : memref<39424x512xf32, #tpu.memory_space<hbm>> -> memref<16x512xf32, #tpu.memory_space<hbm>>
        %dma_wait3A_717 = arith.constant 0 : i32
        %dma_wait3A_718 = tpu.memref_slice %arg9[%add3A_710, %dma_wait3A_717] : memref<39424x512xf32, #tpu.memory_space<hbm>> -> memref<16x512xf32, #tpu.memory_space<hbm>>
        tpu.wait_dma2 semaphore(%arg26 : memref<!tpu.dma_semaphore, #tpu.memory_space<semaphore_mem>>) src(%arg14 : memref<16x512xf32, #tpu.memory_space<vmem>>) dst(%dma_wait3A_718 : memref<16x512xf32, #tpu.memory_space<hbm>>)
        %add3A_719 = arith.constant 6 : i32
        %add3A_720 = arith.addi %add3A_696, %add3A_719 : i32
        %lt3A_721 = arith.constant 77 : i32
        %lt3A_722 = arith.cmpi slt, %add3A_720, %lt3A_721 : i32
        %convert_element_type3A_723 = arith.extui %lt3A_722 : i1 to i32
        %cond3A_724 = arith.constant 0 : i32
        %cond3A_725 = arith.cmpi ne, %convert_element_type3A_723, %cond3A_724 : i32
        scf.if %cond3A_725 {
          %add3A_761 = arith.constant 6 : i32
          %add3A_762 = arith.addi %add3A_696, %add3A_761 : i32
          %sub3A_763 = arith.constant 1 : i32
          %sub3A_764 = arith.subi %add3A_762, %sub3A_763 : i32
          %sub3A_765 = arith.constant 16 : i32
          %sub3A_766 = arith.subi %sub3A_764, %sub3A_765 : i32
          %mul3A_767 = arith.constant 1000 : i32
          %mul3A_768 = arith.muli %mul3A_767, %sub3A_766 : i32
          %add3A_769 = vector.broadcast %mul3A_768 : i32 to vector<16xi32>
          %add3A_770 = arith.addi %get3A_34, %add3A_769 : vector<16xi32>
          %dma_start3A_771 = arith.constant 0 : i32
          %dma_start3A_772 = arith.constant 0 : i32
          %dma_start3A_773 = tpu.memref_slice %arg7[%dma_start3A_771, %dma_start3A_772] : memref<60000x512xf32, #tpu.memory_space<hbm>> -> memref<60000x512xf32, #tpu.memory_space<hbm>>
          tpu.enqueue_indirect_dma source(%dma_start3A_773 : memref<60000x512xf32, #tpu.memory_space<hbm>>) target(%arg14 : memref<16x512xf32, #tpu.memory_space<vmem>>) offsets(%add3A_770 : vector<16xi32>) semaphore(%arg20 : memref<!tpu.dma_semaphore, #tpu.memory_space<semaphore_mem>>)
        } else {
        }
        %mul3A_726 = arith.constant 6 : i32
        %mul3A_727 = arith.muli %scan3A_550, %mul3A_726 : i32
        %add3A_728 = arith.constant 17 : i32
        %add3A_729 = arith.addi %add3A_728, %mul3A_727 : i32
        %add3A_730 = arith.constant 5 : i32
        %add3A_731 = arith.addi %add3A_729, %add3A_730 : i32
        %sub3A_732 = arith.constant 1 : i32
        %sub3A_733 = arith.subi %add3A_731, %sub3A_732 : i32
        %sub3A_734 = arith.constant 16 : i32
        %sub3A_735 = arith.subi %sub3A_733, %sub3A_734 : i32
        %mul3A_736 = arith.constant 1000 : i32
        %mul3A_737 = arith.muli %mul3A_736, %sub3A_735 : i32
        %add3A_738 = vector.broadcast %mul3A_737 : i32 to vector<16xi32>
        %add3A_739 = arith.addi %get3A_34, %add3A_738 : vector<16xi32>
        %dma_wait3A_740 = arith.constant 0 : i32
        %dma_wait3A_741 = arith.constant 0 : i32
        %dma_wait3A_742 = tpu.memref_slice %arg7[%dma_wait3A_740, %dma_wait3A_741] : memref<60000x512xf32, #tpu.memory_space<hbm>> -> memref<60000x512xf32, #tpu.memory_space<hbm>>
        tpu.wait_indirect_dma semaphore(%arg21 : memref<!tpu.dma_semaphore, #tpu.memory_space<semaphore_mem>>) src(%dma_wait3A_742 : memref<60000x512xf32, #tpu.memory_space<hbm>>) dst(%arg15 : memref<16x512xf32, #tpu.memory_space<vmem>>)
        %mul3A_743 = arith.constant 512 : i32
        %mul3A_744 = arith.muli %mul3A_743, %add3A_731 : i32
        %add3A_745 = arith.addi %mul3A_744, %add3A_39 : i32
        %dma_start3A_746 = arith.constant 0 : i32
        %dma_start3A_747 = tpu.memref_slice %arg9[%add3A_745, %dma_start3A_746] : memref<39424x512xf32, #tpu.memory_space<hbm>> -> memref<16x512xf32, #tpu.memory_space<hbm>>
        %dma_start3A_748 = arith.constant 0 : i32
        %dma_start3A_749 = tpu.memref_slice %arg9[%add3A_745, %dma_start3A_748] : memref<39424x512xf32, #tpu.memory_space<hbm>> -> memref<16x512xf32, #tpu.memory_space<hbm>>
        tpu.enqueue_dma source(%arg15 : memref<16x512xf32, #tpu.memory_space<vmem>>) target(%dma_start3A_749 : memref<16x512xf32, #tpu.memory_space<hbm>>) target_semaphore(%arg27 : memref<!tpu.dma_semaphore, #tpu.memory_space<semaphore_mem>>)
        %dma_wait3A_750 = arith.constant 0 : i32
        %dma_wait3A_751 = tpu.memref_slice %arg9[%add3A_745, %dma_wait3A_750] : memref<39424x512xf32, #tpu.memory_space<hbm>> -> memref<16x512xf32, #tpu.memory_space<hbm>>
        %dma_wait3A_752 = arith.constant 0 : i32
        %dma_wait3A_753 = tpu.memref_slice %arg9[%add3A_745, %dma_wait3A_752] : memref<39424x512xf32, #tpu.memory_space<hbm>> -> memref<16x512xf32, #tpu.memory_space<hbm>>
        tpu.wait_dma2 semaphore(%arg27 : memref<!tpu.dma_semaphore, #tpu.memory_space<semaphore_mem>>) src(%arg15 : memref<16x512xf32, #tpu.memory_space<vmem>>) dst(%dma_wait3A_753 : memref<16x512xf32, #tpu.memory_space<hbm>>)
        %add3A_754 = arith.constant 6 : i32
        %add3A_755 = arith.addi %add3A_731, %add3A_754 : i32
        %lt3A_756 = arith.constant 77 : i32
        %lt3A_757 = arith.cmpi slt, %add3A_755, %lt3A_756 : i32
        %convert_element_type3A_758 = arith.extui %lt3A_757 : i1 to i32
        %cond3A_759 = arith.constant 0 : i32
        %cond3A_760 = arith.cmpi ne, %convert_element_type3A_758, %cond3A_759 : i32
        scf.if %cond3A_760 {
          %add3A_761 = arith.constant 6 : i32
          %add3A_762 = arith.addi %add3A_731, %add3A_761 : i32
          %sub3A_763 = arith.constant 1 : i32
          %sub3A_764 = arith.subi %add3A_762, %sub3A_763 : i32
          %sub3A_765 = arith.constant 16 : i32
          %sub3A_766 = arith.subi %sub3A_764, %sub3A_765 : i32
          %mul3A_767 = arith.constant 1000 : i32
          %mul3A_768 = arith.muli %mul3A_767, %sub3A_766 : i32
          %add3A_769 = vector.broadcast %mul3A_768 : i32 to vector<16xi32>
          %add3A_770 = arith.addi %get3A_34, %add3A_769 : vector<16xi32>
          %dma_start3A_771 = arith.constant 0 : i32
          %dma_start3A_772 = arith.constant 0 : i32
          %dma_start3A_773 = tpu.memref_slice %arg7[%dma_start3A_771, %dma_start3A_772] : memref<60000x512xf32, #tpu.memory_space<hbm>> -> memref<60000x512xf32, #tpu.memory_space<hbm>>
          tpu.enqueue_indirect_dma source(%dma_start3A_773 : memref<60000x512xf32, #tpu.memory_space<hbm>>) target(%arg15 : memref<16x512xf32, #tpu.memory_space<vmem>>) offsets(%add3A_770 : vector<16xi32>) semaphore(%arg21 : memref<!tpu.dma_semaphore, #tpu.memory_space<semaphore_mem>>)
        } else {
        }
      }
      %scan3A_549 = arith.constant 10 : i32
    } else {
    }
    %eq3A_43 = arith.constant 1 : i32
    %eq3A_44 = arith.cmpi eq, %select_n3A, %eq3A_43 : i32
    %convert_element_type3A_45 = arith.extui %eq3A_44 : i1 to i32
    %cond3A_46 = arith.constant 0 : i32
    %cond3A_47 = arith.cmpi ne, %convert_element_type3A_45, %cond3A_46 : i32
    scf.if %cond3A_47 {
      %dma_start3A = arith.constant 0 : i32
      %dma_start3A_48 = arith.constant 0 : i32
      %dma_start3A_49 = tpu.memref_slice %arg4[%dma_start3A, %dma_start3A_48] : memref<1000x512xf32, #tpu.memory_space<hbm>> -> memref<1000x512xf32, #tpu.memory_space<hbm>>
      tpu.enqueue_indirect_dma source(%dma_start3A_49 : memref<1000x512xf32, #tpu.memory_space<hbm>>) target(%arg11 : memref<16x512xf32, #tpu.memory_space<vmem>>) offsets(%get3A_34 : vector<16xi32>) semaphore(%arg17 : memref<!tpu.dma_semaphore, #tpu.memory_space<semaphore_mem>>)
      %mul3A_50 = arith.constant 16 : i32
      %mul3A_51 = vector.broadcast %mul3A_50 : i32 to vector<16xi32>
      %mul3A_52 = arith.muli %get3A_34, %mul3A_51 : vector<16xi32>
      %add3A_53 = arith.constant 0 : i32
      %add3A_54 = vector.broadcast %add3A_53 : i32 to vector<16xi32>
      %add3A_55 = arith.addi %mul3A_52, %add3A_54 : vector<16xi32>
      %dma_start3A_56 = arith.constant 0 : i32
      %dma_start3A_57 = arith.constant 0 : i32
      %dma_start3A_58 = tpu.memref_slice %arg6[%dma_start3A_56, %dma_start3A_57] : memref<16000x512xf32, #tpu.memory_space<hbm>> -> memref<16000x512xf32, #tpu.memory_space<hbm>>
      tpu.enqueue_indirect_dma source(%dma_start3A_58 : memref<16000x512xf32, #tpu.memory_space<hbm>>) target(%arg12 : memref<16x512xf32, #tpu.memory_space<vmem>>) offsets(%add3A_55 : vector<16xi32>) semaphore(%arg18 : memref<!tpu.dma_semaphore, #tpu.memory_space<semaphore_mem>>)
      %mul3A_59 = arith.constant 16 : i32
      %mul3A_60 = vector.broadcast %mul3A_59 : i32 to vector<16xi32>
      %mul3A_61 = arith.muli %get3A_34, %mul3A_60 : vector<16xi32>
      %add3A_62 = arith.constant 1 : i32
      %add3A_63 = vector.broadcast %add3A_62 : i32 to vector<16xi32>
      %add3A_64 = arith.addi %mul3A_61, %add3A_63 : vector<16xi32>
      %dma_start3A_65 = arith.constant 0 : i32
      %dma_start3A_66 = arith.constant 0 : i32
      %dma_start3A_67 = tpu.memref_slice %arg6[%dma_start3A_65, %dma_start3A_66] : memref<16000x512xf32, #tpu.memory_space<hbm>> -> memref<16000x512xf32, #tpu.memory_space<hbm>>
      tpu.enqueue_indirect_dma source(%dma_start3A_67 : memref<16000x512xf32, #tpu.memory_space<hbm>>) target(%arg13 : memref<16x512xf32, #tpu.memory_space<vmem>>) offsets(%add3A_64 : vector<16xi32>) semaphore(%arg19 : memref<!tpu.dma_semaphore, #tpu.memory_space<semaphore_mem>>)
      %mul3A_68 = arith.constant 16 : i32
      %mul3A_69 = vector.broadcast %mul3A_68 : i32 to vector<16xi32>
      %mul3A_70 = arith.muli %get3A_34, %mul3A_69 : vector<16xi32>
      %add3A_71 = arith.constant 2 : i32
      %add3A_72 = vector.broadcast %add3A_71 : i32 to vector<16xi32>
      %add3A_73 = arith.addi %mul3A_70, %add3A_72 : vector<16xi32>
      %dma_start3A_74 = arith.constant 0 : i32
      %dma_start3A_75 = arith.constant 0 : i32
      %dma_start3A_76 = tpu.memref_slice %arg6[%dma_start3A_74, %dma_start3A_75] : memref<16000x512xf32, #tpu.memory_space<hbm>> -> memref<16000x512xf32, #tpu.memory_space<hbm>>
      tpu.enqueue_indirect_dma source(%dma_start3A_76 : memref<16000x512xf32, #tpu.memory_space<hbm>>) target(%arg14 : memref<16x512xf32, #tpu.memory_space<vmem>>) offsets(%add3A_73 : vector<16xi32>) semaphore(%arg20 : memref<!tpu.dma_semaphore, #tpu.memory_space<semaphore_mem>>)
      %mul3A_77 = arith.constant 16 : i32
      %mul3A_78 = vector.broadcast %mul3A_77 : i32 to vector<16xi32>
      %mul3A_79 = arith.muli %get3A_34, %mul3A_78 : vector<16xi32>
      %add3A_80 = arith.constant 3 : i32
      %add3A_81 = vector.broadcast %add3A_80 : i32 to vector<16xi32>
      %add3A_82 = arith.addi %mul3A_79, %add3A_81 : vector<16xi32>
      %dma_start3A_83 = arith.constant 0 : i32
      %dma_start3A_84 = arith.constant 0 : i32
      %dma_start3A_85 = tpu.memref_slice %arg6[%dma_start3A_83, %dma_start3A_84] : memref<16000x512xf32, #tpu.memory_space<hbm>> -> memref<16000x512xf32, #tpu.memory_space<hbm>>
      tpu.enqueue_indirect_dma source(%dma_start3A_85 : memref<16000x512xf32, #tpu.memory_space<hbm>>) target(%arg15 : memref<16x512xf32, #tpu.memory_space<vmem>>) offsets(%add3A_82 : vector<16xi32>) semaphore(%arg21 : memref<!tpu.dma_semaphore, #tpu.memory_space<semaphore_mem>>)
      %mul3A_86 = arith.constant 16 : i32
      %mul3A_87 = vector.broadcast %mul3A_86 : i32 to vector<16xi32>
      %mul3A_88 = arith.muli %get3A_34, %mul3A_87 : vector<16xi32>
      %add3A_89 = arith.constant 4 : i32
      %add3A_90 = vector.broadcast %add3A_89 : i32 to vector<16xi32>
      %add3A_91 = arith.addi %mul3A_88, %add3A_90 : vector<16xi32>
      %dma_start3A_92 = arith.constant 0 : i32
      %dma_start3A_93 = arith.constant 0 : i32
      %dma_start3A_94 = tpu.memref_slice %arg6[%dma_start3A_92, %dma_start3A_93] : memref<16000x512xf32, #tpu.memory_space<hbm>> -> memref<16000x512xf32, #tpu.memory_space<hbm>>
      tpu.enqueue_indirect_dma source(%dma_start3A_94 : memref<16000x512xf32, #tpu.memory_space<hbm>>) target(%arg16 : memref<16x512xf32, #tpu.memory_space<vmem>>) offsets(%add3A_91 : vector<16xi32>) semaphore(%arg22 : memref<!tpu.dma_semaphore, #tpu.memory_space<semaphore_mem>>)
      %dma_wait3A = arith.constant 0 : i32
      %dma_wait3A_95 = arith.constant 0 : i32
      %dma_wait3A_96 = tpu.memref_slice %arg4[%dma_wait3A, %dma_wait3A_95] : memref<1000x512xf32, #tpu.memory_space<hbm>> -> memref<1000x512xf32, #tpu.memory_space<hbm>>
      tpu.wait_indirect_dma semaphore(%arg17 : memref<!tpu.dma_semaphore, #tpu.memory_space<semaphore_mem>>) src(%dma_wait3A_96 : memref<1000x512xf32, #tpu.memory_space<hbm>>) dst(%arg11 : memref<16x512xf32, #tpu.memory_space<vmem>>)
      %add3A_97 = arith.constant 0 : i32
      %add3A_98 = arith.addi %add3A_97, %add3A_39 : i32
      %dma_start3A_99 = arith.constant 0 : i32
      %dma_start3A_100 = tpu.memref_slice %arg9[%add3A_98, %dma_start3A_99] : memref<39424x512xf32, #tpu.memory_space<hbm>> -> memref<16x512xf32, #tpu.memory_space<hbm>>
      %dma_start3A_101 = arith.constant 0 : i32
      %dma_start3A_102 = tpu.memref_slice %arg9[%add3A_98, %dma_start3A_101] : memref<39424x512xf32, #tpu.memory_space<hbm>> -> memref<16x512xf32, #tpu.memory_space<hbm>>
      tpu.enqueue_dma source(%arg11 : memref<16x512xf32, #tpu.memory_space<vmem>>) target(%dma_start3A_102 : memref<16x512xf32, #tpu.memory_space<hbm>>) target_semaphore(%arg23 : memref<!tpu.dma_semaphore, #tpu.memory_space<semaphore_mem>>)
      %dma_wait3A_103 = arith.constant 0 : i32
      %dma_wait3A_104 = tpu.memref_slice %arg9[%add3A_98, %dma_wait3A_103] : memref<39424x512xf32, #tpu.memory_space<hbm>> -> memref<16x512xf32, #tpu.memory_space<hbm>>
      %dma_wait3A_105 = arith.constant 0 : i32
      %dma_wait3A_106 = tpu.memref_slice %arg9[%add3A_98, %dma_wait3A_105] : memref<39424x512xf32, #tpu.memory_space<hbm>> -> memref<16x512xf32, #tpu.memory_space<hbm>>
      tpu.wait_dma2 semaphore(%arg23 : memref<!tpu.dma_semaphore, #tpu.memory_space<semaphore_mem>>) src(%arg11 : memref<16x512xf32, #tpu.memory_space<vmem>>) dst(%dma_wait3A_106 : memref<16x512xf32, #tpu.memory_space<hbm>>)
      %mul3A_107 = arith.constant 16 : i32
      %mul3A_108 = vector.broadcast %mul3A_107 : i32 to vector<16xi32>
      %mul3A_109 = arith.muli %get3A_34, %mul3A_108 : vector<16xi32>
      %add3A_110 = arith.constant 5 : i32
      %add3A_111 = vector.broadcast %add3A_110 : i32 to vector<16xi32>
      %add3A_112 = arith.addi %mul3A_109, %add3A_111 : vector<16xi32>
      %dma_start3A_113 = arith.constant 0 : i32
      %dma_start3A_114 = arith.constant 0 : i32
      %dma_start3A_115 = tpu.memref_slice %arg6[%dma_start3A_113, %dma_start3A_114] : memref<16000x512xf32, #tpu.memory_space<hbm>> -> memref<16000x512xf32, #tpu.memory_space<hbm>>
      tpu.enqueue_indirect_dma source(%dma_start3A_115 : memref<16000x512xf32, #tpu.memory_space<hbm>>) target(%arg11 : memref<16x512xf32, #tpu.memory_space<vmem>>) offsets(%add3A_112 : vector<16xi32>) semaphore(%arg17 : memref<!tpu.dma_semaphore, #tpu.memory_space<semaphore_mem>>)
      %mul3A_116 = arith.constant 16 : i32
      %mul3A_117 = vector.broadcast %mul3A_116 : i32 to vector<16xi32>
      %mul3A_118 = arith.muli %get3A_34, %mul3A_117 : vector<16xi32>
      %add3A_119 = arith.constant 0 : i32
      %add3A_120 = vector.broadcast %add3A_119 : i32 to vector<16xi32>
      %add3A_121 = arith.addi %mul3A_118, %add3A_120 : vector<16xi32>
      %dma_wait3A_122 = arith.constant 0 : i32
      %dma_wait3A_123 = arith.constant 0 : i32
      %dma_wait3A_124 = tpu.memref_slice %arg6[%dma_wait3A_122, %dma_wait3A_123] : memref<16000x512xf32, #tpu.memory_space<hbm>> -> memref<16000x512xf32, #tpu.memory_space<hbm>>
      tpu.wait_indirect_dma semaphore(%arg18 : memref<!tpu.dma_semaphore, #tpu.memory_space<semaphore_mem>>) src(%dma_wait3A_124 : memref<16000x512xf32, #tpu.memory_space<hbm>>) dst(%arg12 : memref<16x512xf32, #tpu.memory_space<vmem>>)
      %add3A_125 = arith.constant 512 : i32
      %add3A_126 = arith.addi %add3A_125, %add3A_39 : i32
      %dma_start3A_127 = arith.constant 0 : i32
      %dma_start3A_128 = tpu.memref_slice %arg9[%add3A_126, %dma_start3A_127] : memref<39424x512xf32, #tpu.memory_space<hbm>> -> memref<16x512xf32, #tpu.memory_space<hbm>>
      %dma_start3A_129 = arith.constant 0 : i32
      %dma_start3A_130 = tpu.memref_slice %arg9[%add3A_126, %dma_start3A_129] : memref<39424x512xf32, #tpu.memory_space<hbm>> -> memref<16x512xf32, #tpu.memory_space<hbm>>
      tpu.enqueue_dma source(%arg12 : memref<16x512xf32, #tpu.memory_space<vmem>>) target(%dma_start3A_130 : memref<16x512xf32, #tpu.memory_space<hbm>>) target_semaphore(%arg24 : memref<!tpu.dma_semaphore, #tpu.memory_space<semaphore_mem>>)
      %dma_wait3A_131 = arith.constant 0 : i32
      %dma_wait3A_132 = tpu.memref_slice %arg9[%add3A_126, %dma_wait3A_131] : memref<39424x512xf32, #tpu.memory_space<hbm>> -> memref<16x512xf32, #tpu.memory_space<hbm>>
      %dma_wait3A_133 = arith.constant 0 : i32
      %dma_wait3A_134 = tpu.memref_slice %arg9[%add3A_126, %dma_wait3A_133] : memref<39424x512xf32, #tpu.memory_space<hbm>> -> memref<16x512xf32, #tpu.memory_space<hbm>>
      tpu.wait_dma2 semaphore(%arg24 : memref<!tpu.dma_semaphore, #tpu.memory_space<semaphore_mem>>) src(%arg12 : memref<16x512xf32, #tpu.memory_space<vmem>>) dst(%dma_wait3A_134 : memref<16x512xf32, #tpu.memory_space<hbm>>)
      %mul3A_135 = arith.constant 16 : i32
      %mul3A_136 = vector.broadcast %mul3A_135 : i32 to vector<16xi32>
      %mul3A_137 = arith.muli %get3A_34, %mul3A_136 : vector<16xi32>
      %add3A_138 = arith.constant 6 : i32
      %add3A_139 = vector.broadcast %add3A_138 : i32 to vector<16xi32>
      %add3A_140 = arith.addi %mul3A_137, %add3A_139 : vector<16xi32>
      %dma_start3A_141 = arith.constant 0 : i32
      %dma_start3A_142 = arith.constant 0 : i32
      %dma_start3A_143 = tpu.memref_slice %arg6[%dma_start3A_141, %dma_start3A_142] : memref<16000x512xf32, #tpu.memory_space<hbm>> -> memref<16000x512xf32, #tpu.memory_space<hbm>>
      tpu.enqueue_indirect_dma source(%dma_start3A_143 : memref<16000x512xf32, #tpu.memory_space<hbm>>) target(%arg12 : memref<16x512xf32, #tpu.memory_space<vmem>>) offsets(%add3A_140 : vector<16xi32>) semaphore(%arg18 : memref<!tpu.dma_semaphore, #tpu.memory_space<semaphore_mem>>)
      %mul3A_144 = arith.constant 16 : i32
      %mul3A_145 = vector.broadcast %mul3A_144 : i32 to vector<16xi32>
      %mul3A_146 = arith.muli %get3A_34, %mul3A_145 : vector<16xi32>
      %add3A_147 = arith.constant 1 : i32
      %add3A_148 = vector.broadcast %add3A_147 : i32 to vector<16xi32>
      %add3A_149 = arith.addi %mul3A_146, %add3A_148 : vector<16xi32>
      %dma_wait3A_150 = arith.constant 0 : i32
      %dma_wait3A_151 = arith.constant 0 : i32
      %dma_wait3A_152 = tpu.memref_slice %arg6[%dma_wait3A_150, %dma_wait3A_151] : memref<16000x512xf32, #tpu.memory_space<hbm>> -> memref<16000x512xf32, #tpu.memory_space<hbm>>
      tpu.wait_indirect_dma semaphore(%arg19 : memref<!tpu.dma_semaphore, #tpu.memory_space<semaphore_mem>>) src(%dma_wait3A_152 : memref<16000x512xf32, #tpu.memory_space<hbm>>) dst(%arg13 : memref<16x512xf32, #tpu.memory_space<vmem>>)
      %add3A_153 = arith.constant 1024 : i32
      %add3A_154 = arith.addi %add3A_153, %add3A_39 : i32
      %dma_start3A_155 = arith.constant 0 : i32
      %dma_start3A_156 = tpu.memref_slice %arg9[%add3A_154, %dma_start3A_155] : memref<39424x512xf32, #tpu.memory_space<hbm>> -> memref<16x512xf32, #tpu.memory_space<hbm>>
      %dma_start3A_157 = arith.constant 0 : i32
      %dma_start3A_158 = tpu.memref_slice %arg9[%add3A_154, %dma_start3A_157] : memref<39424x512xf32, #tpu.memory_space<hbm>> -> memref<16x512xf32, #tpu.memory_space<hbm>>
      tpu.enqueue_dma source(%arg13 : memref<16x512xf32, #tpu.memory_space<vmem>>) target(%dma_start3A_158 : memref<16x512xf32, #tpu.memory_space<hbm>>) target_semaphore(%arg25 : memref<!tpu.dma_semaphore, #tpu.memory_space<semaphore_mem>>)
      %dma_wait3A_159 = arith.constant 0 : i32
      %dma_wait3A_160 = tpu.memref_slice %arg9[%add3A_154, %dma_wait3A_159] : memref<39424x512xf32, #tpu.memory_space<hbm>> -> memref<16x512xf32, #tpu.memory_space<hbm>>
      %dma_wait3A_161 = arith.constant 0 : i32
      %dma_wait3A_162 = tpu.memref_slice %arg9[%add3A_154, %dma_wait3A_161] : memref<39424x512xf32, #tpu.memory_space<hbm>> -> memref<16x512xf32, #tpu.memory_space<hbm>>
      tpu.wait_dma2 semaphore(%arg25 : memref<!tpu.dma_semaphore, #tpu.memory_space<semaphore_mem>>) src(%arg13 : memref<16x512xf32, #tpu.memory_space<vmem>>) dst(%dma_wait3A_162 : memref<16x512xf32, #tpu.memory_space<hbm>>)
      %mul3A_163 = arith.constant 16 : i32
      %mul3A_164 = vector.broadcast %mul3A_163 : i32 to vector<16xi32>
      %mul3A_165 = arith.muli %get3A_34, %mul3A_164 : vector<16xi32>
      %add3A_166 = arith.constant 7 : i32
      %add3A_167 = vector.broadcast %add3A_166 : i32 to vector<16xi32>
      %add3A_168 = arith.addi %mul3A_165, %add3A_167 : vector<16xi32>
      %dma_start3A_169 = arith.constant 0 : i32
      %dma_start3A_170 = arith.constant 0 : i32
      %dma_start3A_171 = tpu.memref_slice %arg6[%dma_start3A_169, %dma_start3A_170] : memref<16000x512xf32, #tpu.memory_space<hbm>> -> memref<16000x512xf32, #tpu.memory_space<hbm>>
      tpu.enqueue_indirect_dma source(%dma_start3A_171 : memref<16000x512xf32, #tpu.memory_space<hbm>>) target(%arg13 : memref<16x512xf32, #tpu.memory_space<vmem>>) offsets(%add3A_168 : vector<16xi32>) semaphore(%arg19 : memref<!tpu.dma_semaphore, #tpu.memory_space<semaphore_mem>>)
      %mul3A_172 = arith.constant 16 : i32
      %mul3A_173 = vector.broadcast %mul3A_172 : i32 to vector<16xi32>
      %mul3A_174 = arith.muli %get3A_34, %mul3A_173 : vector<16xi32>
      %add3A_175 = arith.constant 2 : i32
      %add3A_176 = vector.broadcast %add3A_175 : i32 to vector<16xi32>
      %add3A_177 = arith.addi %mul3A_174, %add3A_176 : vector<16xi32>
      %dma_wait3A_178 = arith.constant 0 : i32
      %dma_wait3A_179 = arith.constant 0 : i32
      %dma_wait3A_180 = tpu.memref_slice %arg6[%dma_wait3A_178, %dma_wait3A_179] : memref<16000x512xf32, #tpu.memory_space<hbm>> -> memref<16000x512xf32, #tpu.memory_space<hbm>>
      tpu.wait_indirect_dma semaphore(%arg20 : memref<!tpu.dma_semaphore, #tpu.memory_space<semaphore_mem>>) src(%dma_wait3A_180 : memref<16000x512xf32, #tpu.memory_space<hbm>>) dst(%arg14 : memref<16x512xf32, #tpu.memory_space<vmem>>)
      %add3A_181 = arith.constant 1536 : i32
      %add3A_182 = arith.addi %add3A_181, %add3A_39 : i32
      %dma_start3A_183 = arith.constant 0 : i32
      %dma_start3A_184 = tpu.memref_slice %arg9[%add3A_182, %dma_start3A_183] : memref<39424x512xf32, #tpu.memory_space<hbm>> -> memref<16x512xf32, #tpu.memory_space<hbm>>
      %dma_start3A_185 = arith.constant 0 : i32
      %dma_start3A_186 = tpu.memref_slice %arg9[%add3A_182, %dma_start3A_185] : memref<39424x512xf32, #tpu.memory_space<hbm>> -> memref<16x512xf32, #tpu.memory_space<hbm>>
      tpu.enqueue_dma source(%arg14 : memref<16x512xf32, #tpu.memory_space<vmem>>) target(%dma_start3A_186 : memref<16x512xf32, #tpu.memory_space<hbm>>) target_semaphore(%arg26 : memref<!tpu.dma_semaphore, #tpu.memory_space<semaphore_mem>>)
      %dma_wait3A_187 = arith.constant 0 : i32
      %dma_wait3A_188 = tpu.memref_slice %arg9[%add3A_182, %dma_wait3A_187] : memref<39424x512xf32, #tpu.memory_space<hbm>> -> memref<16x512xf32, #tpu.memory_space<hbm>>
      %dma_wait3A_189 = arith.constant 0 : i32
      %dma_wait3A_190 = tpu.memref_slice %arg9[%add3A_182, %dma_wait3A_189] : memref<39424x512xf32, #tpu.memory_space<hbm>> -> memref<16x512xf32, #tpu.memory_space<hbm>>
      tpu.wait_dma2 semaphore(%arg26 : memref<!tpu.dma_semaphore, #tpu.memory_space<semaphore_mem>>) src(%arg14 : memref<16x512xf32, #tpu.memory_space<vmem>>) dst(%dma_wait3A_190 : memref<16x512xf32, #tpu.memory_space<hbm>>)
      %mul3A_191 = arith.constant 16 : i32
      %mul3A_192 = vector.broadcast %mul3A_191 : i32 to vector<16xi32>
      %mul3A_193 = arith.muli %get3A_34, %mul3A_192 : vector<16xi32>
      %add3A_194 = arith.constant 8 : i32
      %add3A_195 = vector.broadcast %add3A_194 : i32 to vector<16xi32>
      %add3A_196 = arith.addi %mul3A_193, %add3A_195 : vector<16xi32>
      %dma_start3A_197 = arith.constant 0 : i32
      %dma_start3A_198 = arith.constant 0 : i32
      %dma_start3A_199 = tpu.memref_slice %arg6[%dma_start3A_197, %dma_start3A_198] : memref<16000x512xf32, #tpu.memory_space<hbm>> -> memref<16000x512xf32, #tpu.memory_space<hbm>>
      tpu.enqueue_indirect_dma source(%dma_start3A_199 : memref<16000x512xf32, #tpu.memory_space<hbm>>) target(%arg14 : memref<16x512xf32, #tpu.memory_space<vmem>>) offsets(%add3A_196 : vector<16xi32>) semaphore(%arg20 : memref<!tpu.dma_semaphore, #tpu.memory_space<semaphore_mem>>)
      %mul3A_200 = arith.constant 16 : i32
      %mul3A_201 = vector.broadcast %mul3A_200 : i32 to vector<16xi32>
      %mul3A_202 = arith.muli %get3A_34, %mul3A_201 : vector<16xi32>
      %add3A_203 = arith.constant 3 : i32
      %add3A_204 = vector.broadcast %add3A_203 : i32 to vector<16xi32>
      %add3A_205 = arith.addi %mul3A_202, %add3A_204 : vector<16xi32>
      %dma_wait3A_206 = arith.constant 0 : i32
      %dma_wait3A_207 = arith.constant 0 : i32
      %dma_wait3A_208 = tpu.memref_slice %arg6[%dma_wait3A_206, %dma_wait3A_207] : memref<16000x512xf32, #tpu.memory_space<hbm>> -> memref<16000x512xf32, #tpu.memory_space<hbm>>
      tpu.wait_indirect_dma semaphore(%arg21 : memref<!tpu.dma_semaphore, #tpu.memory_space<semaphore_mem>>) src(%dma_wait3A_208 : memref<16000x512xf32, #tpu.memory_space<hbm>>) dst(%arg15 : memref<16x512xf32, #tpu.memory_space<vmem>>)
      %add3A_209 = arith.constant 2048 : i32
      %add3A_210 = arith.addi %add3A_209, %add3A_39 : i32
      %dma_start3A_211 = arith.constant 0 : i32
      %dma_start3A_212 = tpu.memref_slice %arg9[%add3A_210, %dma_start3A_211] : memref<39424x512xf32, #tpu.memory_space<hbm>> -> memref<16x512xf32, #tpu.memory_space<hbm>>
      %dma_start3A_213 = arith.constant 0 : i32
      %dma_start3A_214 = tpu.memref_slice %arg9[%add3A_210, %dma_start3A_213] : memref<39424x512xf32, #tpu.memory_space<hbm>> -> memref<16x512xf32, #tpu.memory_space<hbm>>
      tpu.enqueue_dma source(%arg15 : memref<16x512xf32, #tpu.memory_space<vmem>>) target(%dma_start3A_214 : memref<16x512xf32, #tpu.memory_space<hbm>>) target_semaphore(%arg27 : memref<!tpu.dma_semaphore, #tpu.memory_space<semaphore_mem>>)
      %dma_wait3A_215 = arith.constant 0 : i32
      %dma_wait3A_216 = tpu.memref_slice %arg9[%add3A_210, %dma_wait3A_215] : memref<39424x512xf32, #tpu.memory_space<hbm>> -> memref<16x512xf32, #tpu.memory_space<hbm>>
      %dma_wait3A_217 = arith.constant 0 : i32
      %dma_wait3A_218 = tpu.memref_slice %arg9[%add3A_210, %dma_wait3A_217] : memref<39424x512xf32, #tpu.memory_space<hbm>> -> memref<16x512xf32, #tpu.memory_space<hbm>>
      tpu.wait_dma2 semaphore(%arg27 : memref<!tpu.dma_semaphore, #tpu.memory_space<semaphore_mem>>) src(%arg15 : memref<16x512xf32, #tpu.memory_space<vmem>>) dst(%dma_wait3A_218 : memref<16x512xf32, #tpu.memory_space<hbm>>)
      %mul3A_219 = arith.constant 16 : i32
      %mul3A_220 = vector.broadcast %mul3A_219 : i32 to vector<16xi32>
      %mul3A_221 = arith.muli %get3A_34, %mul3A_220 : vector<16xi32>
      %add3A_222 = arith.constant 9 : i32
      %add3A_223 = vector.broadcast %add3A_222 : i32 to vector<16xi32>
      %add3A_224 = arith.addi %mul3A_221, %add3A_223 : vector<16xi32>
      %dma_start3A_225 = arith.constant 0 : i32
      %dma_start3A_226 = arith.constant 0 : i32
      %dma_start3A_227 = tpu.memref_slice %arg6[%dma_start3A_225, %dma_start3A_226] : memref<16000x512xf32, #tpu.memory_space<hbm>> -> memref<16000x512xf32, #tpu.memory_space<hbm>>
      tpu.enqueue_indirect_dma source(%dma_start3A_227 : memref<16000x512xf32, #tpu.memory_space<hbm>>) target(%arg15 : memref<16x512xf32, #tpu.memory_space<vmem>>) offsets(%add3A_224 : vector<16xi32>) semaphore(%arg21 : memref<!tpu.dma_semaphore, #tpu.memory_space<semaphore_mem>>)
      %mul3A_228 = arith.constant 16 : i32
      %mul3A_229 = vector.broadcast %mul3A_228 : i32 to vector<16xi32>
      %mul3A_230 = arith.muli %get3A_34, %mul3A_229 : vector<16xi32>
      %add3A_231 = arith.constant 4 : i32
      %add3A_232 = vector.broadcast %add3A_231 : i32 to vector<16xi32>
      %add3A_233 = arith.addi %mul3A_230, %add3A_232 : vector<16xi32>
      %dma_wait3A_234 = arith.constant 0 : i32
      %dma_wait3A_235 = arith.constant 0 : i32
      %dma_wait3A_236 = tpu.memref_slice %arg6[%dma_wait3A_234, %dma_wait3A_235] : memref<16000x512xf32, #tpu.memory_space<hbm>> -> memref<16000x512xf32, #tpu.memory_space<hbm>>
      tpu.wait_indirect_dma semaphore(%arg22 : memref<!tpu.dma_semaphore, #tpu.memory_space<semaphore_mem>>) src(%dma_wait3A_236 : memref<16000x512xf32, #tpu.memory_space<hbm>>) dst(%arg16 : memref<16x512xf32, #tpu.memory_space<vmem>>)
      %add3A_237 = arith.constant 2560 : i32
      %add3A_238 = arith.addi %add3A_237, %add3A_39 : i32
      %dma_start3A_239 = arith.constant 0 : i32
      %dma_start3A_240 = tpu.memref_slice %arg9[%add3A_238, %dma_start3A_239] : memref<39424x512xf32, #tpu.memory_space<hbm>> -> memref<16x512xf32, #tpu.memory_space<hbm>>
      %dma_start3A_241 = arith.constant 0 : i32
      %dma_start3A_242 = tpu.memref_slice %arg9[%add3A_238, %dma_start3A_241] : memref<39424x512xf32, #tpu.memory_space<hbm>> -> memref<16x512xf32, #tpu.memory_space<hbm>>
      tpu.enqueue_dma source(%arg16 : memref<16x512xf32, #tpu.memory_space<vmem>>) target(%dma_start3A_242 : memref<16x512xf32, #tpu.memory_space<hbm>>) target_semaphore(%arg28 : memref<!tpu.dma_semaphore, #tpu.memory_space<semaphore_mem>>)
      %dma_wait3A_243 = arith.constant 0 : i32
      %dma_wait3A_244 = tpu.memref_slice %arg9[%add3A_238, %dma_wait3A_243] : memref<39424x512xf32, #tpu.memory_space<hbm>> -> memref<16x512xf32, #tpu.memory_space<hbm>>
      %dma_wait3A_245 = arith.constant 0 : i32
      %dma_wait3A_246 = tpu.memref_slice %arg9[%add3A_238, %dma_wait3A_245] : memref<39424x512xf32, #tpu.memory_space<hbm>> -> memref<16x512xf32, #tpu.memory_space<hbm>>
      tpu.wait_dma2 semaphore(%arg28 : memref<!tpu.dma_semaphore, #tpu.memory_space<semaphore_mem>>) src(%arg16 : memref<16x512xf32, #tpu.memory_space<vmem>>) dst(%dma_wait3A_246 : memref<16x512xf32, #tpu.memory_space<hbm>>)
      %mul3A_247 = arith.constant 16 : i32
      %mul3A_248 = vector.broadcast %mul3A_247 : i32 to vector<16xi32>
      %mul3A_249 = arith.muli %get3A_34, %mul3A_248 : vector<16xi32>
      %add3A_250 = arith.constant 10 : i32
      %add3A_251 = vector.broadcast %add3A_250 : i32 to vector<16xi32>
      %add3A_252 = arith.addi %mul3A_249, %add3A_251 : vector<16xi32>
      %dma_start3A_253 = arith.constant 0 : i32
      %dma_start3A_254 = arith.constant 0 : i32
      %dma_start3A_255 = tpu.memref_slice %arg6[%dma_start3A_253, %dma_start3A_254] : memref<16000x512xf32, #tpu.memory_space<hbm>> -> memref<16000x512xf32, #tpu.memory_space<hbm>>
      tpu.enqueue_indirect_dma source(%dma_start3A_255 : memref<16000x512xf32, #tpu.memory_space<hbm>>) target(%arg16 : memref<16x512xf32, #tpu.memory_space<vmem>>) offsets(%add3A_252 : vector<16xi32>) semaphore(%arg22 : memref<!tpu.dma_semaphore, #tpu.memory_space<semaphore_mem>>)
      %mul3A_256 = arith.constant 16 : i32
      %mul3A_257 = vector.broadcast %mul3A_256 : i32 to vector<16xi32>
      %mul3A_258 = arith.muli %get3A_34, %mul3A_257 : vector<16xi32>
      %add3A_259 = arith.constant 5 : i32
      %add3A_260 = vector.broadcast %add3A_259 : i32 to vector<16xi32>
      %add3A_261 = arith.addi %mul3A_258, %add3A_260 : vector<16xi32>
      %dma_wait3A_262 = arith.constant 0 : i32
      %dma_wait3A_263 = arith.constant 0 : i32
      %dma_wait3A_264 = tpu.memref_slice %arg6[%dma_wait3A_262, %dma_wait3A_263] : memref<16000x512xf32, #tpu.memory_space<hbm>> -> memref<16000x512xf32, #tpu.memory_space<hbm>>
      tpu.wait_indirect_dma semaphore(%arg17 : memref<!tpu.dma_semaphore, #tpu.memory_space<semaphore_mem>>) src(%dma_wait3A_264 : memref<16000x512xf32, #tpu.memory_space<hbm>>) dst(%arg11 : memref<16x512xf32, #tpu.memory_space<vmem>>)
      %add3A_265 = arith.constant 3072 : i32
      %add3A_266 = arith.addi %add3A_265, %add3A_39 : i32
      %dma_start3A_267 = arith.constant 0 : i32
      %dma_start3A_268 = tpu.memref_slice %arg9[%add3A_266, %dma_start3A_267] : memref<39424x512xf32, #tpu.memory_space<hbm>> -> memref<16x512xf32, #tpu.memory_space<hbm>>
      %dma_start3A_269 = arith.constant 0 : i32
      %dma_start3A_270 = tpu.memref_slice %arg9[%add3A_266, %dma_start3A_269] : memref<39424x512xf32, #tpu.memory_space<hbm>> -> memref<16x512xf32, #tpu.memory_space<hbm>>
      tpu.enqueue_dma source(%arg11 : memref<16x512xf32, #tpu.memory_space<vmem>>) target(%dma_start3A_270 : memref<16x512xf32, #tpu.memory_space<hbm>>) target_semaphore(%arg23 : memref<!tpu.dma_semaphore, #tpu.memory_space<semaphore_mem>>)
      %dma_wait3A_271 = arith.constant 0 : i32
      %dma_wait3A_272 = tpu.memref_slice %arg9[%add3A_266, %dma_wait3A_271] : memref<39424x512xf32, #tpu.memory_space<hbm>> -> memref<16x512xf32, #tpu.memory_space<hbm>>
      %dma_wait3A_273 = arith.constant 0 : i32
      %dma_wait3A_274 = tpu.memref_slice %arg9[%add3A_266, %dma_wait3A_273] : memref<39424x512xf32, #tpu.memory_space<hbm>> -> memref<16x512xf32, #tpu.memory_space<hbm>>
      tpu.wait_dma2 semaphore(%arg23 : memref<!tpu.dma_semaphore, #tpu.memory_space<semaphore_mem>>) src(%arg11 : memref<16x512xf32, #tpu.memory_space<vmem>>) dst(%dma_wait3A_274 : memref<16x512xf32, #tpu.memory_space<hbm>>)
      %mul3A_275 = arith.constant 16 : i32
      %mul3A_276 = vector.broadcast %mul3A_275 : i32 to vector<16xi32>
      %mul3A_277 = arith.muli %get3A_34, %mul3A_276 : vector<16xi32>
      %add3A_278 = arith.constant 11 : i32
      %add3A_279 = vector.broadcast %add3A_278 : i32 to vector<16xi32>
      %add3A_280 = arith.addi %mul3A_277, %add3A_279 : vector<16xi32>
      %dma_start3A_281 = arith.constant 0 : i32
      %dma_start3A_282 = arith.constant 0 : i32
      %dma_start3A_283 = tpu.memref_slice %arg6[%dma_start3A_281, %dma_start3A_282] : memref<16000x512xf32, #tpu.memory_space<hbm>> -> memref<16000x512xf32, #tpu.memory_space<hbm>>
      tpu.enqueue_indirect_dma source(%dma_start3A_283 : memref<16000x512xf32, #tpu.memory_space<hbm>>) target(%arg11 : memref<16x512xf32, #tpu.memory_space<vmem>>) offsets(%add3A_280 : vector<16xi32>) semaphore(%arg17 : memref<!tpu.dma_semaphore, #tpu.memory_space<semaphore_mem>>)
      %mul3A_284 = arith.constant 16 : i32
      %mul3A_285 = vector.broadcast %mul3A_284 : i32 to vector<16xi32>
      %mul3A_286 = arith.muli %get3A_34, %mul3A_285 : vector<16xi32>
      %add3A_287 = arith.constant 6 : i32
      %add3A_288 = vector.broadcast %add3A_287 : i32 to vector<16xi32>
      %add3A_289 = arith.addi %mul3A_286, %add3A_288 : vector<16xi32>
      %dma_wait3A_290 = arith.constant 0 : i32
      %dma_wait3A_291 = arith.constant 0 : i32
      %dma_wait3A_292 = tpu.memref_slice %arg6[%dma_wait3A_290, %dma_wait3A_291] : memref<16000x512xf32, #tpu.memory_space<hbm>> -> memref<16000x512xf32, #tpu.memory_space<hbm>>
      tpu.wait_indirect_dma semaphore(%arg18 : memref<!tpu.dma_semaphore, #tpu.memory_space<semaphore_mem>>) src(%dma_wait3A_292 : memref<16000x512xf32, #tpu.memory_space<hbm>>) dst(%arg12 : memref<16x512xf32, #tpu.memory_space<vmem>>)
      %add3A_293 = arith.constant 3584 : i32
      %add3A_294 = arith.addi %add3A_293, %add3A_39 : i32
      %dma_start3A_295 = arith.constant 0 : i32
      %dma_start3A_296 = tpu.memref_slice %arg9[%add3A_294, %dma_start3A_295] : memref<39424x512xf32, #tpu.memory_space<hbm>> -> memref<16x512xf32, #tpu.memory_space<hbm>>
      %dma_start3A_297 = arith.constant 0 : i32
      %dma_start3A_298 = tpu.memref_slice %arg9[%add3A_294, %dma_start3A_297] : memref<39424x512xf32, #tpu.memory_space<hbm>> -> memref<16x512xf32, #tpu.memory_space<hbm>>
      tpu.enqueue_dma source(%arg12 : memref<16x512xf32, #tpu.memory_space<vmem>>) target(%dma_start3A_298 : memref<16x512xf32, #tpu.memory_space<hbm>>) target_semaphore(%arg24 : memref<!tpu.dma_semaphore, #tpu.memory_space<semaphore_mem>>)
      %dma_wait3A_299 = arith.constant 0 : i32
      %dma_wait3A_300 = tpu.memref_slice %arg9[%add3A_294, %dma_wait3A_299] : memref<39424x512xf32, #tpu.memory_space<hbm>> -> memref<16x512xf32, #tpu.memory_space<hbm>>
      %dma_wait3A_301 = arith.constant 0 : i32
      %dma_wait3A_302 = tpu.memref_slice %arg9[%add3A_294, %dma_wait3A_301] : memref<39424x512xf32, #tpu.memory_space<hbm>> -> memref<16x512xf32, #tpu.memory_space<hbm>>
      tpu.wait_dma2 semaphore(%arg24 : memref<!tpu.dma_semaphore, #tpu.memory_space<semaphore_mem>>) src(%arg12 : memref<16x512xf32, #tpu.memory_space<vmem>>) dst(%dma_wait3A_302 : memref<16x512xf32, #tpu.memory_space<hbm>>)
      %mul3A_303 = arith.constant 16 : i32
      %mul3A_304 = vector.broadcast %mul3A_303 : i32 to vector<16xi32>
      %mul3A_305 = arith.muli %get3A_34, %mul3A_304 : vector<16xi32>
      %add3A_306 = arith.constant 12 : i32
      %add3A_307 = vector.broadcast %add3A_306 : i32 to vector<16xi32>
      %add3A_308 = arith.addi %mul3A_305, %add3A_307 : vector<16xi32>
      %dma_start3A_309 = arith.constant 0 : i32
      %dma_start3A_310 = arith.constant 0 : i32
      %dma_start3A_311 = tpu.memref_slice %arg6[%dma_start3A_309, %dma_start3A_310] : memref<16000x512xf32, #tpu.memory_space<hbm>> -> memref<16000x512xf32, #tpu.memory_space<hbm>>
      tpu.enqueue_indirect_dma source(%dma_start3A_311 : memref<16000x512xf32, #tpu.memory_space<hbm>>) target(%arg12 : memref<16x512xf32, #tpu.memory_space<vmem>>) offsets(%add3A_308 : vector<16xi32>) semaphore(%arg18 : memref<!tpu.dma_semaphore, #tpu.memory_space<semaphore_mem>>)
      %mul3A_312 = arith.constant 16 : i32
      %mul3A_313 = vector.broadcast %mul3A_312 : i32 to vector<16xi32>
      %mul3A_314 = arith.muli %get3A_34, %mul3A_313 : vector<16xi32>
      %add3A_315 = arith.constant 7 : i32
      %add3A_316 = vector.broadcast %add3A_315 : i32 to vector<16xi32>
      %add3A_317 = arith.addi %mul3A_314, %add3A_316 : vector<16xi32>
      %dma_wait3A_318 = arith.constant 0 : i32
      %dma_wait3A_319 = arith.constant 0 : i32
      %dma_wait3A_320 = tpu.memref_slice %arg6[%dma_wait3A_318, %dma_wait3A_319] : memref<16000x512xf32, #tpu.memory_space<hbm>> -> memref<16000x512xf32, #tpu.memory_space<hbm>>
      tpu.wait_indirect_dma semaphore(%arg19 : memref<!tpu.dma_semaphore, #tpu.memory_space<semaphore_mem>>) src(%dma_wait3A_320 : memref<16000x512xf32, #tpu.memory_space<hbm>>) dst(%arg13 : memref<16x512xf32, #tpu.memory_space<vmem>>)
      %add3A_321 = arith.constant 4096 : i32
      %add3A_322 = arith.addi %add3A_321, %add3A_39 : i32
      %dma_start3A_323 = arith.constant 0 : i32
      %dma_start3A_324 = tpu.memref_slice %arg9[%add3A_322, %dma_start3A_323] : memref<39424x512xf32, #tpu.memory_space<hbm>> -> memref<16x512xf32, #tpu.memory_space<hbm>>
      %dma_start3A_325 = arith.constant 0 : i32
      %dma_start3A_326 = tpu.memref_slice %arg9[%add3A_322, %dma_start3A_325] : memref<39424x512xf32, #tpu.memory_space<hbm>> -> memref<16x512xf32, #tpu.memory_space<hbm>>
      tpu.enqueue_dma source(%arg13 : memref<16x512xf32, #tpu.memory_space<vmem>>) target(%dma_start3A_326 : memref<16x512xf32, #tpu.memory_space<hbm>>) target_semaphore(%arg25 : memref<!tpu.dma_semaphore, #tpu.memory_space<semaphore_mem>>)
      %dma_wait3A_327 = arith.constant 0 : i32
      %dma_wait3A_328 = tpu.memref_slice %arg9[%add3A_322, %dma_wait3A_327] : memref<39424x512xf32, #tpu.memory_space<hbm>> -> memref<16x512xf32, #tpu.memory_space<hbm>>
      %dma_wait3A_329 = arith.constant 0 : i32
      %dma_wait3A_330 = tpu.memref_slice %arg9[%add3A_322, %dma_wait3A_329] : memref<39424x512xf32, #tpu.memory_space<hbm>> -> memref<16x512xf32, #tpu.memory_space<hbm>>
      tpu.wait_dma2 semaphore(%arg25 : memref<!tpu.dma_semaphore, #tpu.memory_space<semaphore_mem>>) src(%arg13 : memref<16x512xf32, #tpu.memory_space<vmem>>) dst(%dma_wait3A_330 : memref<16x512xf32, #tpu.memory_space<hbm>>)
      %mul3A_331 = arith.constant 16 : i32
      %mul3A_332 = vector.broadcast %mul3A_331 : i32 to vector<16xi32>
      %mul3A_333 = arith.muli %get3A_34, %mul3A_332 : vector<16xi32>
      %add3A_334 = arith.constant 13 : i32
      %add3A_335 = vector.broadcast %add3A_334 : i32 to vector<16xi32>
      %add3A_336 = arith.addi %mul3A_333, %add3A_335 : vector<16xi32>
      %dma_start3A_337 = arith.constant 0 : i32
      %dma_start3A_338 = arith.constant 0 : i32
      %dma_start3A_339 = tpu.memref_slice %arg6[%dma_start3A_337, %dma_start3A_338] : memref<16000x512xf32, #tpu.memory_space<hbm>> -> memref<16000x512xf32, #tpu.memory_space<hbm>>
      tpu.enqueue_indirect_dma source(%dma_start3A_339 : memref<16000x512xf32, #tpu.memory_space<hbm>>) target(%arg13 : memref<16x512xf32, #tpu.memory_space<vmem>>) offsets(%add3A_336 : vector<16xi32>) semaphore(%arg19 : memref<!tpu.dma_semaphore, #tpu.memory_space<semaphore_mem>>)
      %mul3A_340 = arith.constant 16 : i32
      %mul3A_341 = vector.broadcast %mul3A_340 : i32 to vector<16xi32>
      %mul3A_342 = arith.muli %get3A_34, %mul3A_341 : vector<16xi32>
      %add3A_343 = arith.constant 8 : i32
      %add3A_344 = vector.broadcast %add3A_343 : i32 to vector<16xi32>
      %add3A_345 = arith.addi %mul3A_342, %add3A_344 : vector<16xi32>
      %dma_wait3A_346 = arith.constant 0 : i32
      %dma_wait3A_347 = arith.constant 0 : i32
      %dma_wait3A_348 = tpu.memref_slice %arg6[%dma_wait3A_346, %dma_wait3A_347] : memref<16000x512xf32, #tpu.memory_space<hbm>> -> memref<16000x512xf32, #tpu.memory_space<hbm>>
      tpu.wait_indirect_dma semaphore(%arg20 : memref<!tpu.dma_semaphore, #tpu.memory_space<semaphore_mem>>) src(%dma_wait3A_348 : memref<16000x512xf32, #tpu.memory_space<hbm>>) dst(%arg14 : memref<16x512xf32, #tpu.memory_space<vmem>>)
      %add3A_349 = arith.constant 4608 : i32
      %add3A_350 = arith.addi %add3A_349, %add3A_39 : i32
      %dma_start3A_351 = arith.constant 0 : i32
      %dma_start3A_352 = tpu.memref_slice %arg9[%add3A_350, %dma_start3A_351] : memref<39424x512xf32, #tpu.memory_space<hbm>> -> memref<16x512xf32, #tpu.memory_space<hbm>>
      %dma_start3A_353 = arith.constant 0 : i32
      %dma_start3A_354 = tpu.memref_slice %arg9[%add3A_350, %dma_start3A_353] : memref<39424x512xf32, #tpu.memory_space<hbm>> -> memref<16x512xf32, #tpu.memory_space<hbm>>
      tpu.enqueue_dma source(%arg14 : memref<16x512xf32, #tpu.memory_space<vmem>>) target(%dma_start3A_354 : memref<16x512xf32, #tpu.memory_space<hbm>>) target_semaphore(%arg26 : memref<!tpu.dma_semaphore, #tpu.memory_space<semaphore_mem>>)
      %dma_wait3A_355 = arith.constant 0 : i32
      %dma_wait3A_356 = tpu.memref_slice %arg9[%add3A_350, %dma_wait3A_355] : memref<39424x512xf32, #tpu.memory_space<hbm>> -> memref<16x512xf32, #tpu.memory_space<hbm>>
      %dma_wait3A_357 = arith.constant 0 : i32
      %dma_wait3A_358 = tpu.memref_slice %arg9[%add3A_350, %dma_wait3A_357] : memref<39424x512xf32, #tpu.memory_space<hbm>> -> memref<16x512xf32, #tpu.memory_space<hbm>>
      tpu.wait_dma2 semaphore(%arg26 : memref<!tpu.dma_semaphore, #tpu.memory_space<semaphore_mem>>) src(%arg14 : memref<16x512xf32, #tpu.memory_space<vmem>>) dst(%dma_wait3A_358 : memref<16x512xf32, #tpu.memory_space<hbm>>)
      %mul3A_359 = arith.constant 16 : i32
      %mul3A_360 = vector.broadcast %mul3A_359 : i32 to vector<16xi32>
      %mul3A_361 = arith.muli %get3A_34, %mul3A_360 : vector<16xi32>
      %add3A_362 = arith.constant 14 : i32
      %add3A_363 = vector.broadcast %add3A_362 : i32 to vector<16xi32>
      %add3A_364 = arith.addi %mul3A_361, %add3A_363 : vector<16xi32>
      %dma_start3A_365 = arith.constant 0 : i32
      %dma_start3A_366 = arith.constant 0 : i32
      %dma_start3A_367 = tpu.memref_slice %arg6[%dma_start3A_365, %dma_start3A_366] : memref<16000x512xf32, #tpu.memory_space<hbm>> -> memref<16000x512xf32, #tpu.memory_space<hbm>>
      tpu.enqueue_indirect_dma source(%dma_start3A_367 : memref<16000x512xf32, #tpu.memory_space<hbm>>) target(%arg14 : memref<16x512xf32, #tpu.memory_space<vmem>>) offsets(%add3A_364 : vector<16xi32>) semaphore(%arg20 : memref<!tpu.dma_semaphore, #tpu.memory_space<semaphore_mem>>)
      %mul3A_368 = arith.constant 16 : i32
      %mul3A_369 = vector.broadcast %mul3A_368 : i32 to vector<16xi32>
      %mul3A_370 = arith.muli %get3A_34, %mul3A_369 : vector<16xi32>
      %add3A_371 = arith.constant 9 : i32
      %add3A_372 = vector.broadcast %add3A_371 : i32 to vector<16xi32>
      %add3A_373 = arith.addi %mul3A_370, %add3A_372 : vector<16xi32>
      %dma_wait3A_374 = arith.constant 0 : i32
      %dma_wait3A_375 = arith.constant 0 : i32
      %dma_wait3A_376 = tpu.memref_slice %arg6[%dma_wait3A_374, %dma_wait3A_375] : memref<16000x512xf32, #tpu.memory_space<hbm>> -> memref<16000x512xf32, #tpu.memory_space<hbm>>
      tpu.wait_indirect_dma semaphore(%arg21 : memref<!tpu.dma_semaphore, #tpu.memory_space<semaphore_mem>>) src(%dma_wait3A_376 : memref<16000x512xf32, #tpu.memory_space<hbm>>) dst(%arg15 : memref<16x512xf32, #tpu.memory_space<vmem>>)
      %add3A_377 = arith.constant 5120 : i32
      %add3A_378 = arith.addi %add3A_377, %add3A_39 : i32
      %dma_start3A_379 = arith.constant 0 : i32
      %dma_start3A_380 = tpu.memref_slice %arg9[%add3A_378, %dma_start3A_379] : memref<39424x512xf32, #tpu.memory_space<hbm>> -> memref<16x512xf32, #tpu.memory_space<hbm>>
      %dma_start3A_381 = arith.constant 0 : i32
      %dma_start3A_382 = tpu.memref_slice %arg9[%add3A_378, %dma_start3A_381] : memref<39424x512xf32, #tpu.memory_space<hbm>> -> memref<16x512xf32, #tpu.memory_space<hbm>>
      tpu.enqueue_dma source(%arg15 : memref<16x512xf32, #tpu.memory_space<vmem>>) target(%dma_start3A_382 : memref<16x512xf32, #tpu.memory_space<hbm>>) target_semaphore(%arg27 : memref<!tpu.dma_semaphore, #tpu.memory_space<semaphore_mem>>)
      %dma_wait3A_383 = arith.constant 0 : i32
      %dma_wait3A_384 = tpu.memref_slice %arg9[%add3A_378, %dma_wait3A_383] : memref<39424x512xf32, #tpu.memory_space<hbm>> -> memref<16x512xf32, #tpu.memory_space<hbm>>
      %dma_wait3A_385 = arith.constant 0 : i32
      %dma_wait3A_386 = tpu.memref_slice %arg9[%add3A_378, %dma_wait3A_385] : memref<39424x512xf32, #tpu.memory_space<hbm>> -> memref<16x512xf32, #tpu.memory_space<hbm>>
      tpu.wait_dma2 semaphore(%arg27 : memref<!tpu.dma_semaphore, #tpu.memory_space<semaphore_mem>>) src(%arg15 : memref<16x512xf32, #tpu.memory_space<vmem>>) dst(%dma_wait3A_386 : memref<16x512xf32, #tpu.memory_space<hbm>>)
      %mul3A_387 = arith.constant 16 : i32
      %mul3A_388 = vector.broadcast %mul3A_387 : i32 to vector<16xi32>
      %mul3A_389 = arith.muli %get3A_34, %mul3A_388 : vector<16xi32>
      %add3A_390 = arith.constant 15 : i32
      %add3A_391 = vector.broadcast %add3A_390 : i32 to vector<16xi32>
      %add3A_392 = arith.addi %mul3A_389, %add3A_391 : vector<16xi32>
      %dma_start3A_393 = arith.constant 0 : i32
      %dma_start3A_394 = arith.constant 0 : i32
      %dma_start3A_395 = tpu.memref_slice %arg6[%dma_start3A_393, %dma_start3A_394] : memref<16000x512xf32, #tpu.memory_space<hbm>> -> memref<16000x512xf32, #tpu.memory_space<hbm>>
      tpu.enqueue_indirect_dma source(%dma_start3A_395 : memref<16000x512xf32, #tpu.memory_space<hbm>>) target(%arg15 : memref<16x512xf32, #tpu.memory_space<vmem>>) offsets(%add3A_392 : vector<16xi32>) semaphore(%arg21 : memref<!tpu.dma_semaphore, #tpu.memory_space<semaphore_mem>>)
      %mul3A_396 = arith.constant 16 : i32
      %mul3A_397 = vector.broadcast %mul3A_396 : i32 to vector<16xi32>
      %mul3A_398 = arith.muli %get3A_34, %mul3A_397 : vector<16xi32>
      %add3A_399 = arith.constant 10 : i32
      %add3A_400 = vector.broadcast %add3A_399 : i32 to vector<16xi32>
      %add3A_401 = arith.addi %mul3A_398, %add3A_400 : vector<16xi32>
      %dma_wait3A_402 = arith.constant 0 : i32
      %dma_wait3A_403 = arith.constant 0 : i32
      %dma_wait3A_404 = tpu.memref_slice %arg6[%dma_wait3A_402, %dma_wait3A_403] : memref<16000x512xf32, #tpu.memory_space<hbm>> -> memref<16000x512xf32, #tpu.memory_space<hbm>>
      tpu.wait_indirect_dma semaphore(%arg22 : memref<!tpu.dma_semaphore, #tpu.memory_space<semaphore_mem>>) src(%dma_wait3A_404 : memref<16000x512xf32, #tpu.memory_space<hbm>>) dst(%arg16 : memref<16x512xf32, #tpu.memory_space<vmem>>)
      %add3A_405 = arith.constant 5632 : i32
      %add3A_406 = arith.addi %add3A_405, %add3A_39 : i32
      %dma_start3A_407 = arith.constant 0 : i32
      %dma_start3A_408 = tpu.memref_slice %arg9[%add3A_406, %dma_start3A_407] : memref<39424x512xf32, #tpu.memory_space<hbm>> -> memref<16x512xf32, #tpu.memory_space<hbm>>
      %dma_start3A_409 = arith.constant 0 : i32
      %dma_start3A_410 = tpu.memref_slice %arg9[%add3A_406, %dma_start3A_409] : memref<39424x512xf32, #tpu.memory_space<hbm>> -> memref<16x512xf32, #tpu.memory_space<hbm>>
      tpu.enqueue_dma source(%arg16 : memref<16x512xf32, #tpu.memory_space<vmem>>) target(%dma_start3A_410 : memref<16x512xf32, #tpu.memory_space<hbm>>) target_semaphore(%arg28 : memref<!tpu.dma_semaphore, #tpu.memory_space<semaphore_mem>>)
      %dma_wait3A_411 = arith.constant 0 : i32
      %dma_wait3A_412 = tpu.memref_slice %arg9[%add3A_406, %dma_wait3A_411] : memref<39424x512xf32, #tpu.memory_space<hbm>> -> memref<16x512xf32, #tpu.memory_space<hbm>>
      %dma_wait3A_413 = arith.constant 0 : i32
      %dma_wait3A_414 = tpu.memref_slice %arg9[%add3A_406, %dma_wait3A_413] : memref<39424x512xf32, #tpu.memory_space<hbm>> -> memref<16x512xf32, #tpu.memory_space<hbm>>
      tpu.wait_dma2 semaphore(%arg28 : memref<!tpu.dma_semaphore, #tpu.memory_space<semaphore_mem>>) src(%arg16 : memref<16x512xf32, #tpu.memory_space<vmem>>) dst(%dma_wait3A_414 : memref<16x512xf32, #tpu.memory_space<hbm>>)
      %add3A_415 = arith.constant 0 : i32
      %add3A_416 = vector.broadcast %add3A_415 : i32 to vector<16xi32>
      %add3A_417 = arith.addi %get3A_34, %add3A_416 : vector<16xi32>
      %dma_start3A_418 = arith.constant 0 : i32
      %dma_start3A_419 = arith.constant 0 : i32
      %dma_start3A_420 = tpu.memref_slice %arg8[%dma_start3A_418, %dma_start3A_419] : memref<60000x512xf32, #tpu.memory_space<hbm>> -> memref<60000x512xf32, #tpu.memory_space<hbm>>
      tpu.enqueue_indirect_dma source(%dma_start3A_420 : memref<60000x512xf32, #tpu.memory_space<hbm>>) target(%arg16 : memref<16x512xf32, #tpu.memory_space<vmem>>) offsets(%add3A_417 : vector<16xi32>) semaphore(%arg22 : memref<!tpu.dma_semaphore, #tpu.memory_space<semaphore_mem>>)
      %mul3A_421 = arith.constant 16 : i32
      %mul3A_422 = vector.broadcast %mul3A_421 : i32 to vector<16xi32>
      %mul3A_423 = arith.muli %get3A_34, %mul3A_422 : vector<16xi32>
      %add3A_424 = arith.constant 11 : i32
      %add3A_425 = vector.broadcast %add3A_424 : i32 to vector<16xi32>
      %add3A_426 = arith.addi %mul3A_423, %add3A_425 : vector<16xi32>
      %dma_wait3A_427 = arith.constant 0 : i32
      %dma_wait3A_428 = arith.constant 0 : i32
      %dma_wait3A_429 = tpu.memref_slice %arg6[%dma_wait3A_427, %dma_wait3A_428] : memref<16000x512xf32, #tpu.memory_space<hbm>> -> memref<16000x512xf32, #tpu.memory_space<hbm>>
      tpu.wait_indirect_dma semaphore(%arg17 : memref<!tpu.dma_semaphore, #tpu.memory_space<semaphore_mem>>) src(%dma_wait3A_429 : memref<16000x512xf32, #tpu.memory_space<hbm>>) dst(%arg11 : memref<16x512xf32, #tpu.memory_space<vmem>>)
      %add3A_430 = arith.constant 6144 : i32
      %add3A_431 = arith.addi %add3A_430, %add3A_39 : i32
      %dma_start3A_432 = arith.constant 0 : i32
      %dma_start3A_433 = tpu.memref_slice %arg9[%add3A_431, %dma_start3A_432] : memref<39424x512xf32, #tpu.memory_space<hbm>> -> memref<16x512xf32, #tpu.memory_space<hbm>>
      %dma_start3A_434 = arith.constant 0 : i32
      %dma_start3A_435 = tpu.memref_slice %arg9[%add3A_431, %dma_start3A_434] : memref<39424x512xf32, #tpu.memory_space<hbm>> -> memref<16x512xf32, #tpu.memory_space<hbm>>
      tpu.enqueue_dma source(%arg11 : memref<16x512xf32, #tpu.memory_space<vmem>>) target(%dma_start3A_435 : memref<16x512xf32, #tpu.memory_space<hbm>>) target_semaphore(%arg23 : memref<!tpu.dma_semaphore, #tpu.memory_space<semaphore_mem>>)
      %dma_wait3A_436 = arith.constant 0 : i32
      %dma_wait3A_437 = tpu.memref_slice %arg9[%add3A_431, %dma_wait3A_436] : memref<39424x512xf32, #tpu.memory_space<hbm>> -> memref<16x512xf32, #tpu.memory_space<hbm>>
      %dma_wait3A_438 = arith.constant 0 : i32
      %dma_wait3A_439 = tpu.memref_slice %arg9[%add3A_431, %dma_wait3A_438] : memref<39424x512xf32, #tpu.memory_space<hbm>> -> memref<16x512xf32, #tpu.memory_space<hbm>>
      tpu.wait_dma2 semaphore(%arg23 : memref<!tpu.dma_semaphore, #tpu.memory_space<semaphore_mem>>) src(%arg11 : memref<16x512xf32, #tpu.memory_space<vmem>>) dst(%dma_wait3A_439 : memref<16x512xf32, #tpu.memory_space<hbm>>)
      %add3A_440 = arith.constant 1000 : i32
      %add3A_441 = vector.broadcast %add3A_440 : i32 to vector<16xi32>
      %add3A_442 = arith.addi %get3A_34, %add3A_441 : vector<16xi32>
      %dma_start3A_443 = arith.constant 0 : i32
      %dma_start3A_444 = arith.constant 0 : i32
      %dma_start3A_445 = tpu.memref_slice %arg8[%dma_start3A_443, %dma_start3A_444] : memref<60000x512xf32, #tpu.memory_space<hbm>> -> memref<60000x512xf32, #tpu.memory_space<hbm>>
      tpu.enqueue_indirect_dma source(%dma_start3A_445 : memref<60000x512xf32, #tpu.memory_space<hbm>>) target(%arg11 : memref<16x512xf32, #tpu.memory_space<vmem>>) offsets(%add3A_442 : vector<16xi32>) semaphore(%arg17 : memref<!tpu.dma_semaphore, #tpu.memory_space<semaphore_mem>>)
      %mul3A_446 = arith.constant 16 : i32
      %mul3A_447 = vector.broadcast %mul3A_446 : i32 to vector<16xi32>
      %mul3A_448 = arith.muli %get3A_34, %mul3A_447 : vector<16xi32>
      %add3A_449 = arith.constant 12 : i32
      %add3A_450 = vector.broadcast %add3A_449 : i32 to vector<16xi32>
      %add3A_451 = arith.addi %mul3A_448, %add3A_450 : vector<16xi32>
      %dma_wait3A_452 = arith.constant 0 : i32
      %dma_wait3A_453 = arith.constant 0 : i32
      %dma_wait3A_454 = tpu.memref_slice %arg6[%dma_wait3A_452, %dma_wait3A_453] : memref<16000x512xf32, #tpu.memory_space<hbm>> -> memref<16000x512xf32, #tpu.memory_space<hbm>>
      tpu.wait_indirect_dma semaphore(%arg18 : memref<!tpu.dma_semaphore, #tpu.memory_space<semaphore_mem>>) src(%dma_wait3A_454 : memref<16000x512xf32, #tpu.memory_space<hbm>>) dst(%arg12 : memref<16x512xf32, #tpu.memory_space<vmem>>)
      %add3A_455 = arith.constant 6656 : i32
      %add3A_456 = arith.addi %add3A_455, %add3A_39 : i32
      %dma_start3A_457 = arith.constant 0 : i32
      %dma_start3A_458 = tpu.memref_slice %arg9[%add3A_456, %dma_start3A_457] : memref<39424x512xf32, #tpu.memory_space<hbm>> -> memref<16x512xf32, #tpu.memory_space<hbm>>
      %dma_start3A_459 = arith.constant 0 : i32
      %dma_start3A_460 = tpu.memref_slice %arg9[%add3A_456, %dma_start3A_459] : memref<39424x512xf32, #tpu.memory_space<hbm>> -> memref<16x512xf32, #tpu.memory_space<hbm>>
      tpu.enqueue_dma source(%arg12 : memref<16x512xf32, #tpu.memory_space<vmem>>) target(%dma_start3A_460 : memref<16x512xf32, #tpu.memory_space<hbm>>) target_semaphore(%arg24 : memref<!tpu.dma_semaphore, #tpu.memory_space<semaphore_mem>>)
      %dma_wait3A_461 = arith.constant 0 : i32
      %dma_wait3A_462 = tpu.memref_slice %arg9[%add3A_456, %dma_wait3A_461] : memref<39424x512xf32, #tpu.memory_space<hbm>> -> memref<16x512xf32, #tpu.memory_space<hbm>>
      %dma_wait3A_463 = arith.constant 0 : i32
      %dma_wait3A_464 = tpu.memref_slice %arg9[%add3A_456, %dma_wait3A_463] : memref<39424x512xf32, #tpu.memory_space<hbm>> -> memref<16x512xf32, #tpu.memory_space<hbm>>
      tpu.wait_dma2 semaphore(%arg24 : memref<!tpu.dma_semaphore, #tpu.memory_space<semaphore_mem>>) src(%arg12 : memref<16x512xf32, #tpu.memory_space<vmem>>) dst(%dma_wait3A_464 : memref<16x512xf32, #tpu.memory_space<hbm>>)
      %add3A_465 = arith.constant 2000 : i32
      %add3A_466 = vector.broadcast %add3A_465 : i32 to vector<16xi32>
      %add3A_467 = arith.addi %get3A_34, %add3A_466 : vector<16xi32>
      %dma_start3A_468 = arith.constant 0 : i32
      %dma_start3A_469 = arith.constant 0 : i32
      %dma_start3A_470 = tpu.memref_slice %arg8[%dma_start3A_468, %dma_start3A_469] : memref<60000x512xf32, #tpu.memory_space<hbm>> -> memref<60000x512xf32, #tpu.memory_space<hbm>>
      tpu.enqueue_indirect_dma source(%dma_start3A_470 : memref<60000x512xf32, #tpu.memory_space<hbm>>) target(%arg12 : memref<16x512xf32, #tpu.memory_space<vmem>>) offsets(%add3A_467 : vector<16xi32>) semaphore(%arg18 : memref<!tpu.dma_semaphore, #tpu.memory_space<semaphore_mem>>)
      %mul3A_471 = arith.constant 16 : i32
      %mul3A_472 = vector.broadcast %mul3A_471 : i32 to vector<16xi32>
      %mul3A_473 = arith.muli %get3A_34, %mul3A_472 : vector<16xi32>
      %add3A_474 = arith.constant 13 : i32
      %add3A_475 = vector.broadcast %add3A_474 : i32 to vector<16xi32>
      %add3A_476 = arith.addi %mul3A_473, %add3A_475 : vector<16xi32>
      %dma_wait3A_477 = arith.constant 0 : i32
      %dma_wait3A_478 = arith.constant 0 : i32
      %dma_wait3A_479 = tpu.memref_slice %arg6[%dma_wait3A_477, %dma_wait3A_478] : memref<16000x512xf32, #tpu.memory_space<hbm>> -> memref<16000x512xf32, #tpu.memory_space<hbm>>
      tpu.wait_indirect_dma semaphore(%arg19 : memref<!tpu.dma_semaphore, #tpu.memory_space<semaphore_mem>>) src(%dma_wait3A_479 : memref<16000x512xf32, #tpu.memory_space<hbm>>) dst(%arg13 : memref<16x512xf32, #tpu.memory_space<vmem>>)
      %add3A_480 = arith.constant 7168 : i32
      %add3A_481 = arith.addi %add3A_480, %add3A_39 : i32
      %dma_start3A_482 = arith.constant 0 : i32
      %dma_start3A_483 = tpu.memref_slice %arg9[%add3A_481, %dma_start3A_482] : memref<39424x512xf32, #tpu.memory_space<hbm>> -> memref<16x512xf32, #tpu.memory_space<hbm>>
      %dma_start3A_484 = arith.constant 0 : i32
      %dma_start3A_485 = tpu.memref_slice %arg9[%add3A_481, %dma_start3A_484] : memref<39424x512xf32, #tpu.memory_space<hbm>> -> memref<16x512xf32, #tpu.memory_space<hbm>>
      tpu.enqueue_dma source(%arg13 : memref<16x512xf32, #tpu.memory_space<vmem>>) target(%dma_start3A_485 : memref<16x512xf32, #tpu.memory_space<hbm>>) target_semaphore(%arg25 : memref<!tpu.dma_semaphore, #tpu.memory_space<semaphore_mem>>)
      %dma_wait3A_486 = arith.constant 0 : i32
      %dma_wait3A_487 = tpu.memref_slice %arg9[%add3A_481, %dma_wait3A_486] : memref<39424x512xf32, #tpu.memory_space<hbm>> -> memref<16x512xf32, #tpu.memory_space<hbm>>
      %dma_wait3A_488 = arith.constant 0 : i32
      %dma_wait3A_489 = tpu.memref_slice %arg9[%add3A_481, %dma_wait3A_488] : memref<39424x512xf32, #tpu.memory_space<hbm>> -> memref<16x512xf32, #tpu.memory_space<hbm>>
      tpu.wait_dma2 semaphore(%arg25 : memref<!tpu.dma_semaphore, #tpu.memory_space<semaphore_mem>>) src(%arg13 : memref<16x512xf32, #tpu.memory_space<vmem>>) dst(%dma_wait3A_489 : memref<16x512xf32, #tpu.memory_space<hbm>>)
      %add3A_490 = arith.constant 3000 : i32
      %add3A_491 = vector.broadcast %add3A_490 : i32 to vector<16xi32>
      %add3A_492 = arith.addi %get3A_34, %add3A_491 : vector<16xi32>
      %dma_start3A_493 = arith.constant 0 : i32
      %dma_start3A_494 = arith.constant 0 : i32
      %dma_start3A_495 = tpu.memref_slice %arg8[%dma_start3A_493, %dma_start3A_494] : memref<60000x512xf32, #tpu.memory_space<hbm>> -> memref<60000x512xf32, #tpu.memory_space<hbm>>
      tpu.enqueue_indirect_dma source(%dma_start3A_495 : memref<60000x512xf32, #tpu.memory_space<hbm>>) target(%arg13 : memref<16x512xf32, #tpu.memory_space<vmem>>) offsets(%add3A_492 : vector<16xi32>) semaphore(%arg19 : memref<!tpu.dma_semaphore, #tpu.memory_space<semaphore_mem>>)
      %mul3A_496 = arith.constant 16 : i32
      %mul3A_497 = vector.broadcast %mul3A_496 : i32 to vector<16xi32>
      %mul3A_498 = arith.muli %get3A_34, %mul3A_497 : vector<16xi32>
      %add3A_499 = arith.constant 14 : i32
      %add3A_500 = vector.broadcast %add3A_499 : i32 to vector<16xi32>
      %add3A_501 = arith.addi %mul3A_498, %add3A_500 : vector<16xi32>
      %dma_wait3A_502 = arith.constant 0 : i32
      %dma_wait3A_503 = arith.constant 0 : i32
      %dma_wait3A_504 = tpu.memref_slice %arg6[%dma_wait3A_502, %dma_wait3A_503] : memref<16000x512xf32, #tpu.memory_space<hbm>> -> memref<16000x512xf32, #tpu.memory_space<hbm>>
      tpu.wait_indirect_dma semaphore(%arg20 : memref<!tpu.dma_semaphore, #tpu.memory_space<semaphore_mem>>) src(%dma_wait3A_504 : memref<16000x512xf32, #tpu.memory_space<hbm>>) dst(%arg14 : memref<16x512xf32, #tpu.memory_space<vmem>>)
      %add3A_505 = arith.constant 7680 : i32
      %add3A_506 = arith.addi %add3A_505, %add3A_39 : i32
      %dma_start3A_507 = arith.constant 0 : i32
      %dma_start3A_508 = tpu.memref_slice %arg9[%add3A_506, %dma_start3A_507] : memref<39424x512xf32, #tpu.memory_space<hbm>> -> memref<16x512xf32, #tpu.memory_space<hbm>>
      %dma_start3A_509 = arith.constant 0 : i32
      %dma_start3A_510 = tpu.memref_slice %arg9[%add3A_506, %dma_start3A_509] : memref<39424x512xf32, #tpu.memory_space<hbm>> -> memref<16x512xf32, #tpu.memory_space<hbm>>
      tpu.enqueue_dma source(%arg14 : memref<16x512xf32, #tpu.memory_space<vmem>>) target(%dma_start3A_510 : memref<16x512xf32, #tpu.memory_space<hbm>>) target_semaphore(%arg26 : memref<!tpu.dma_semaphore, #tpu.memory_space<semaphore_mem>>)
      %dma_wait3A_511 = arith.constant 0 : i32
      %dma_wait3A_512 = tpu.memref_slice %arg9[%add3A_506, %dma_wait3A_511] : memref<39424x512xf32, #tpu.memory_space<hbm>> -> memref<16x512xf32, #tpu.memory_space<hbm>>
      %dma_wait3A_513 = arith.constant 0 : i32
      %dma_wait3A_514 = tpu.memref_slice %arg9[%add3A_506, %dma_wait3A_513] : memref<39424x512xf32, #tpu.memory_space<hbm>> -> memref<16x512xf32, #tpu.memory_space<hbm>>
      tpu.wait_dma2 semaphore(%arg26 : memref<!tpu.dma_semaphore, #tpu.memory_space<semaphore_mem>>) src(%arg14 : memref<16x512xf32, #tpu.memory_space<vmem>>) dst(%dma_wait3A_514 : memref<16x512xf32, #tpu.memory_space<hbm>>)
      %add3A_515 = arith.constant 4000 : i32
      %add3A_516 = vector.broadcast %add3A_515 : i32 to vector<16xi32>
      %add3A_517 = arith.addi %get3A_34, %add3A_516 : vector<16xi32>
      %dma_start3A_518 = arith.constant 0 : i32
      %dma_start3A_519 = arith.constant 0 : i32
      %dma_start3A_520 = tpu.memref_slice %arg8[%dma_start3A_518, %dma_start3A_519] : memref<60000x512xf32, #tpu.memory_space<hbm>> -> memref<60000x512xf32, #tpu.memory_space<hbm>>
      tpu.enqueue_indirect_dma source(%dma_start3A_520 : memref<60000x512xf32, #tpu.memory_space<hbm>>) target(%arg14 : memref<16x512xf32, #tpu.memory_space<vmem>>) offsets(%add3A_517 : vector<16xi32>) semaphore(%arg20 : memref<!tpu.dma_semaphore, #tpu.memory_space<semaphore_mem>>)
      %mul3A_521 = arith.constant 16 : i32
      %mul3A_522 = vector.broadcast %mul3A_521 : i32 to vector<16xi32>
      %mul3A_523 = arith.muli %get3A_34, %mul3A_522 : vector<16xi32>
      %add3A_524 = arith.constant 15 : i32
      %add3A_525 = vector.broadcast %add3A_524 : i32 to vector<16xi32>
      %add3A_526 = arith.addi %mul3A_523, %add3A_525 : vector<16xi32>
      %dma_wait3A_527 = arith.constant 0 : i32
      %dma_wait3A_528 = arith.constant 0 : i32
      %dma_wait3A_529 = tpu.memref_slice %arg6[%dma_wait3A_527, %dma_wait3A_528] : memref<16000x512xf32, #tpu.memory_space<hbm>> -> memref<16000x512xf32, #tpu.memory_space<hbm>>
      tpu.wait_indirect_dma semaphore(%arg21 : memref<!tpu.dma_semaphore, #tpu.memory_space<semaphore_mem>>) src(%dma_wait3A_529 : memref<16000x512xf32, #tpu.memory_space<hbm>>) dst(%arg15 : memref<16x512xf32, #tpu.memory_space<vmem>>)
      %add3A_530 = arith.constant 8192 : i32
      %add3A_531 = arith.addi %add3A_530, %add3A_39 : i32
      %dma_start3A_532 = arith.constant 0 : i32
      %dma_start3A_533 = tpu.memref_slice %arg9[%add3A_531, %dma_start3A_532] : memref<39424x512xf32, #tpu.memory_space<hbm>> -> memref<16x512xf32, #tpu.memory_space<hbm>>
      %dma_start3A_534 = arith.constant 0 : i32
      %dma_start3A_535 = tpu.memref_slice %arg9[%add3A_531, %dma_start3A_534] : memref<39424x512xf32, #tpu.memory_space<hbm>> -> memref<16x512xf32, #tpu.memory_space<hbm>>
      tpu.enqueue_dma source(%arg15 : memref<16x512xf32, #tpu.memory_space<vmem>>) target(%dma_start3A_535 : memref<16x512xf32, #tpu.memory_space<hbm>>) target_semaphore(%arg27 : memref<!tpu.dma_semaphore, #tpu.memory_space<semaphore_mem>>)
      %dma_wait3A_536 = arith.constant 0 : i32
      %dma_wait3A_537 = tpu.memref_slice %arg9[%add3A_531, %dma_wait3A_536] : memref<39424x512xf32, #tpu.memory_space<hbm>> -> memref<16x512xf32, #tpu.memory_space<hbm>>
      %dma_wait3A_538 = arith.constant 0 : i32
      %dma_wait3A_539 = tpu.memref_slice %arg9[%add3A_531, %dma_wait3A_538] : memref<39424x512xf32, #tpu.memory_space<hbm>> -> memref<16x512xf32, #tpu.memory_space<hbm>>
      tpu.wait_dma2 semaphore(%arg27 : memref<!tpu.dma_semaphore, #tpu.memory_space<semaphore_mem>>) src(%arg15 : memref<16x512xf32, #tpu.memory_space<vmem>>) dst(%dma_wait3A_539 : memref<16x512xf32, #tpu.memory_space<hbm>>)
      %add3A_540 = arith.constant 5000 : i32
      %add3A_541 = vector.broadcast %add3A_540 : i32 to vector<16xi32>
      %add3A_542 = arith.addi %get3A_34, %add3A_541 : vector<16xi32>
      %dma_start3A_543 = arith.constant 0 : i32
      %dma_start3A_544 = arith.constant 0 : i32
      %dma_start3A_545 = tpu.memref_slice %arg8[%dma_start3A_543, %dma_start3A_544] : memref<60000x512xf32, #tpu.memory_space<hbm>> -> memref<60000x512xf32, #tpu.memory_space<hbm>>
      tpu.enqueue_indirect_dma source(%dma_start3A_545 : memref<60000x512xf32, #tpu.memory_space<hbm>>) target(%arg15 : memref<16x512xf32, #tpu.memory_space<vmem>>) offsets(%add3A_542 : vector<16xi32>) semaphore(%arg21 : memref<!tpu.dma_semaphore, #tpu.memory_space<semaphore_mem>>)
      %scan3A = arith.constant 0 : i32
      %scan3A_546 = arith.constant 10 : i32
      %scan3A_547 = arith.addi %scan3A, %scan3A_546 : i32
      %scan3A_548 = arith.constant 1 : i32
      scf.for %scan3A_550 = %scan3A to %scan3A_547 step %scan3A_548  : i32 {
        %mul3A_551 = arith.constant 6 : i32
        %mul3A_552 = arith.muli %scan3A_550, %mul3A_551 : i32
        %add3A_553 = arith.constant 17 : i32
        %add3A_554 = arith.addi %add3A_553, %mul3A_552 : i32
        %add3A_555 = arith.constant 0 : i32
        %add3A_556 = arith.addi %add3A_554, %add3A_555 : i32
        %sub3A_557 = arith.constant 1 : i32
        %sub3A_558 = arith.subi %add3A_556, %sub3A_557 : i32
        %sub3A_559 = arith.constant 16 : i32
        %sub3A_560 = arith.subi %sub3A_558, %sub3A_559 : i32
        %mul3A_561 = arith.constant 1000 : i32
        %mul3A_562 = arith.muli %mul3A_561, %sub3A_560 : i32
        %add3A_563 = vector.broadcast %mul3A_562 : i32 to vector<16xi32>
        %add3A_564 = arith.addi %get3A_34, %add3A_563 : vector<16xi32>
        %dma_wait3A_565 = arith.constant 0 : i32
        %dma_wait3A_566 = arith.constant 0 : i32
        %dma_wait3A_567 = tpu.memref_slice %arg8[%dma_wait3A_565, %dma_wait3A_566] : memref<60000x512xf32, #tpu.memory_space<hbm>> -> memref<60000x512xf32, #tpu.memory_space<hbm>>
        tpu.wait_indirect_dma semaphore(%arg22 : memref<!tpu.dma_semaphore, #tpu.memory_space<semaphore_mem>>) src(%dma_wait3A_567 : memref<60000x512xf32, #tpu.memory_space<hbm>>) dst(%arg16 : memref<16x512xf32, #tpu.memory_space<vmem>>)
        %mul3A_568 = arith.constant 512 : i32
        %mul3A_569 = arith.muli %mul3A_568, %add3A_556 : i32
        %add3A_570 = arith.addi %mul3A_569, %add3A_39 : i32
        %dma_start3A_571 = arith.constant 0 : i32
        %dma_start3A_572 = tpu.memref_slice %arg9[%add3A_570, %dma_start3A_571] : memref<39424x512xf32, #tpu.memory_space<hbm>> -> memref<16x512xf32, #tpu.memory_space<hbm>>
        %dma_start3A_573 = arith.constant 0 : i32
        %dma_start3A_574 = tpu.memref_slice %arg9[%add3A_570, %dma_start3A_573] : memref<39424x512xf32, #tpu.memory_space<hbm>> -> memref<16x512xf32, #tpu.memory_space<hbm>>
        tpu.enqueue_dma source(%arg16 : memref<16x512xf32, #tpu.memory_space<vmem>>) target(%dma_start3A_574 : memref<16x512xf32, #tpu.memory_space<hbm>>) target_semaphore(%arg28 : memref<!tpu.dma_semaphore, #tpu.memory_space<semaphore_mem>>)
        %dma_wait3A_575 = arith.constant 0 : i32
        %dma_wait3A_576 = tpu.memref_slice %arg9[%add3A_570, %dma_wait3A_575] : memref<39424x512xf32, #tpu.memory_space<hbm>> -> memref<16x512xf32, #tpu.memory_space<hbm>>
        %dma_wait3A_577 = arith.constant 0 : i32
        %dma_wait3A_578 = tpu.memref_slice %arg9[%add3A_570, %dma_wait3A_577] : memref<39424x512xf32, #tpu.memory_space<hbm>> -> memref<16x512xf32, #tpu.memory_space<hbm>>
        tpu.wait_dma2 semaphore(%arg28 : memref<!tpu.dma_semaphore, #tpu.memory_space<semaphore_mem>>) src(%arg16 : memref<16x512xf32, #tpu.memory_space<vmem>>) dst(%dma_wait3A_578 : memref<16x512xf32, #tpu.memory_space<hbm>>)
        %add3A_579 = arith.constant 6 : i32
        %add3A_580 = arith.addi %add3A_556, %add3A_579 : i32
        %lt3A_581 = arith.constant 77 : i32
        %lt3A_582 = arith.cmpi slt, %add3A_580, %lt3A_581 : i32
        %convert_element_type3A_583 = arith.extui %lt3A_582 : i1 to i32
        %cond3A_584 = arith.constant 0 : i32
        %cond3A_585 = arith.cmpi ne, %convert_element_type3A_583, %cond3A_584 : i32
        scf.if %cond3A_585 {
          %add3A_761 = arith.constant 6 : i32
          %add3A_762 = arith.addi %add3A_556, %add3A_761 : i32
          %sub3A_763 = arith.constant 1 : i32
          %sub3A_764 = arith.subi %add3A_762, %sub3A_763 : i32
          %sub3A_765 = arith.constant 16 : i32
          %sub3A_766 = arith.subi %sub3A_764, %sub3A_765 : i32
          %mul3A_767 = arith.constant 1000 : i32
          %mul3A_768 = arith.muli %mul3A_767, %sub3A_766 : i32
          %add3A_769 = vector.broadcast %mul3A_768 : i32 to vector<16xi32>
          %add3A_770 = arith.addi %get3A_34, %add3A_769 : vector<16xi32>
          %dma_start3A_771 = arith.constant 0 : i32
          %dma_start3A_772 = arith.constant 0 : i32
          %dma_start3A_773 = tpu.memref_slice %arg8[%dma_start3A_771, %dma_start3A_772] : memref<60000x512xf32, #tpu.memory_space<hbm>> -> memref<60000x512xf32, #tpu.memory_space<hbm>>
          tpu.enqueue_indirect_dma source(%dma_start3A_773 : memref<60000x512xf32, #tpu.memory_space<hbm>>) target(%arg16 : memref<16x512xf32, #tpu.memory_space<vmem>>) offsets(%add3A_770 : vector<16xi32>) semaphore(%arg22 : memref<!tpu.dma_semaphore, #tpu.memory_space<semaphore_mem>>)
        } else {
        }
        %mul3A_586 = arith.constant 6 : i32
        %mul3A_587 = arith.muli %scan3A_550, %mul3A_586 : i32
        %add3A_588 = arith.constant 17 : i32
        %add3A_589 = arith.addi %add3A_588, %mul3A_587 : i32
        %add3A_590 = arith.constant 1 : i32
        %add3A_591 = arith.addi %add3A_589, %add3A_590 : i32
        %sub3A_592 = arith.constant 1 : i32
        %sub3A_593 = arith.subi %add3A_591, %sub3A_592 : i32
        %sub3A_594 = arith.constant 16 : i32
        %sub3A_595 = arith.subi %sub3A_593, %sub3A_594 : i32
        %mul3A_596 = arith.constant 1000 : i32
        %mul3A_597 = arith.muli %mul3A_596, %sub3A_595 : i32
        %add3A_598 = vector.broadcast %mul3A_597 : i32 to vector<16xi32>
        %add3A_599 = arith.addi %get3A_34, %add3A_598 : vector<16xi32>
        %dma_wait3A_600 = arith.constant 0 : i32
        %dma_wait3A_601 = arith.constant 0 : i32
        %dma_wait3A_602 = tpu.memref_slice %arg8[%dma_wait3A_600, %dma_wait3A_601] : memref<60000x512xf32, #tpu.memory_space<hbm>> -> memref<60000x512xf32, #tpu.memory_space<hbm>>
        tpu.wait_indirect_dma semaphore(%arg17 : memref<!tpu.dma_semaphore, #tpu.memory_space<semaphore_mem>>) src(%dma_wait3A_602 : memref<60000x512xf32, #tpu.memory_space<hbm>>) dst(%arg11 : memref<16x512xf32, #tpu.memory_space<vmem>>)
        %mul3A_603 = arith.constant 512 : i32
        %mul3A_604 = arith.muli %mul3A_603, %add3A_591 : i32
        %add3A_605 = arith.addi %mul3A_604, %add3A_39 : i32
        %dma_start3A_606 = arith.constant 0 : i32
        %dma_start3A_607 = tpu.memref_slice %arg9[%add3A_605, %dma_start3A_606] : memref<39424x512xf32, #tpu.memory_space<hbm>> -> memref<16x512xf32, #tpu.memory_space<hbm>>
        %dma_start3A_608 = arith.constant 0 : i32
        %dma_start3A_609 = tpu.memref_slice %arg9[%add3A_605, %dma_start3A_608] : memref<39424x512xf32, #tpu.memory_space<hbm>> -> memref<16x512xf32, #tpu.memory_space<hbm>>
        tpu.enqueue_dma source(%arg11 : memref<16x512xf32, #tpu.memory_space<vmem>>) target(%dma_start3A_609 : memref<16x512xf32, #tpu.memory_space<hbm>>) target_semaphore(%arg23 : memref<!tpu.dma_semaphore, #tpu.memory_space<semaphore_mem>>)
        %dma_wait3A_610 = arith.constant 0 : i32
        %dma_wait3A_611 = tpu.memref_slice %arg9[%add3A_605, %dma_wait3A_610] : memref<39424x512xf32, #tpu.memory_space<hbm>> -> memref<16x512xf32, #tpu.memory_space<hbm>>
        %dma_wait3A_612 = arith.constant 0 : i32
        %dma_wait3A_613 = tpu.memref_slice %arg9[%add3A_605, %dma_wait3A_612] : memref<39424x512xf32, #tpu.memory_space<hbm>> -> memref<16x512xf32, #tpu.memory_space<hbm>>
        tpu.wait_dma2 semaphore(%arg23 : memref<!tpu.dma_semaphore, #tpu.memory_space<semaphore_mem>>) src(%arg11 : memref<16x512xf32, #tpu.memory_space<vmem>>) dst(%dma_wait3A_613 : memref<16x512xf32, #tpu.memory_space<hbm>>)
        %add3A_614 = arith.constant 6 : i32
        %add3A_615 = arith.addi %add3A_591, %add3A_614 : i32
        %lt3A_616 = arith.constant 77 : i32
        %lt3A_617 = arith.cmpi slt, %add3A_615, %lt3A_616 : i32
        %convert_element_type3A_618 = arith.extui %lt3A_617 : i1 to i32
        %cond3A_619 = arith.constant 0 : i32
        %cond3A_620 = arith.cmpi ne, %convert_element_type3A_618, %cond3A_619 : i32
        scf.if %cond3A_620 {
          %add3A_761 = arith.constant 6 : i32
          %add3A_762 = arith.addi %add3A_591, %add3A_761 : i32
          %sub3A_763 = arith.constant 1 : i32
          %sub3A_764 = arith.subi %add3A_762, %sub3A_763 : i32
          %sub3A_765 = arith.constant 16 : i32
          %sub3A_766 = arith.subi %sub3A_764, %sub3A_765 : i32
          %mul3A_767 = arith.constant 1000 : i32
          %mul3A_768 = arith.muli %mul3A_767, %sub3A_766 : i32
          %add3A_769 = vector.broadcast %mul3A_768 : i32 to vector<16xi32>
          %add3A_770 = arith.addi %get3A_34, %add3A_769 : vector<16xi32>
          %dma_start3A_771 = arith.constant 0 : i32
          %dma_start3A_772 = arith.constant 0 : i32
          %dma_start3A_773 = tpu.memref_slice %arg8[%dma_start3A_771, %dma_start3A_772] : memref<60000x512xf32, #tpu.memory_space<hbm>> -> memref<60000x512xf32, #tpu.memory_space<hbm>>
          tpu.enqueue_indirect_dma source(%dma_start3A_773 : memref<60000x512xf32, #tpu.memory_space<hbm>>) target(%arg11 : memref<16x512xf32, #tpu.memory_space<vmem>>) offsets(%add3A_770 : vector<16xi32>) semaphore(%arg17 : memref<!tpu.dma_semaphore, #tpu.memory_space<semaphore_mem>>)
        } else {
        }
        %mul3A_621 = arith.constant 6 : i32
        %mul3A_622 = arith.muli %scan3A_550, %mul3A_621 : i32
        %add3A_623 = arith.constant 17 : i32
        %add3A_624 = arith.addi %add3A_623, %mul3A_622 : i32
        %add3A_625 = arith.constant 2 : i32
        %add3A_626 = arith.addi %add3A_624, %add3A_625 : i32
        %sub3A_627 = arith.constant 1 : i32
        %sub3A_628 = arith.subi %add3A_626, %sub3A_627 : i32
        %sub3A_629 = arith.constant 16 : i32
        %sub3A_630 = arith.subi %sub3A_628, %sub3A_629 : i32
        %mul3A_631 = arith.constant 1000 : i32
        %mul3A_632 = arith.muli %mul3A_631, %sub3A_630 : i32
        %add3A_633 = vector.broadcast %mul3A_632 : i32 to vector<16xi32>
        %add3A_634 = arith.addi %get3A_34, %add3A_633 : vector<16xi32>
        %dma_wait3A_635 = arith.constant 0 : i32
        %dma_wait3A_636 = arith.constant 0 : i32
        %dma_wait3A_637 = tpu.memref_slice %arg8[%dma_wait3A_635, %dma_wait3A_636] : memref<60000x512xf32, #tpu.memory_space<hbm>> -> memref<60000x512xf32, #tpu.memory_space<hbm>>
        tpu.wait_indirect_dma semaphore(%arg18 : memref<!tpu.dma_semaphore, #tpu.memory_space<semaphore_mem>>) src(%dma_wait3A_637 : memref<60000x512xf32, #tpu.memory_space<hbm>>) dst(%arg12 : memref<16x512xf32, #tpu.memory_space<vmem>>)
        %mul3A_638 = arith.constant 512 : i32
        %mul3A_639 = arith.muli %mul3A_638, %add3A_626 : i32
        %add3A_640 = arith.addi %mul3A_639, %add3A_39 : i32
        %dma_start3A_641 = arith.constant 0 : i32
        %dma_start3A_642 = tpu.memref_slice %arg9[%add3A_640, %dma_start3A_641] : memref<39424x512xf32, #tpu.memory_space<hbm>> -> memref<16x512xf32, #tpu.memory_space<hbm>>
        %dma_start3A_643 = arith.constant 0 : i32
        %dma_start3A_644 = tpu.memref_slice %arg9[%add3A_640, %dma_start3A_643] : memref<39424x512xf32, #tpu.memory_space<hbm>> -> memref<16x512xf32, #tpu.memory_space<hbm>>
        tpu.enqueue_dma source(%arg12 : memref<16x512xf32, #tpu.memory_space<vmem>>) target(%dma_start3A_644 : memref<16x512xf32, #tpu.memory_space<hbm>>) target_semaphore(%arg24 : memref<!tpu.dma_semaphore, #tpu.memory_space<semaphore_mem>>)
        %dma_wait3A_645 = arith.constant 0 : i32
        %dma_wait3A_646 = tpu.memref_slice %arg9[%add3A_640, %dma_wait3A_645] : memref<39424x512xf32, #tpu.memory_space<hbm>> -> memref<16x512xf32, #tpu.memory_space<hbm>>
        %dma_wait3A_647 = arith.constant 0 : i32
        %dma_wait3A_648 = tpu.memref_slice %arg9[%add3A_640, %dma_wait3A_647] : memref<39424x512xf32, #tpu.memory_space<hbm>> -> memref<16x512xf32, #tpu.memory_space<hbm>>
        tpu.wait_dma2 semaphore(%arg24 : memref<!tpu.dma_semaphore, #tpu.memory_space<semaphore_mem>>) src(%arg12 : memref<16x512xf32, #tpu.memory_space<vmem>>) dst(%dma_wait3A_648 : memref<16x512xf32, #tpu.memory_space<hbm>>)
        %add3A_649 = arith.constant 6 : i32
        %add3A_650 = arith.addi %add3A_626, %add3A_649 : i32
        %lt3A_651 = arith.constant 77 : i32
        %lt3A_652 = arith.cmpi slt, %add3A_650, %lt3A_651 : i32
        %convert_element_type3A_653 = arith.extui %lt3A_652 : i1 to i32
        %cond3A_654 = arith.constant 0 : i32
        %cond3A_655 = arith.cmpi ne, %convert_element_type3A_653, %cond3A_654 : i32
        scf.if %cond3A_655 {
          %add3A_761 = arith.constant 6 : i32
          %add3A_762 = arith.addi %add3A_626, %add3A_761 : i32
          %sub3A_763 = arith.constant 1 : i32
          %sub3A_764 = arith.subi %add3A_762, %sub3A_763 : i32
          %sub3A_765 = arith.constant 16 : i32
          %sub3A_766 = arith.subi %sub3A_764, %sub3A_765 : i32
          %mul3A_767 = arith.constant 1000 : i32
          %mul3A_768 = arith.muli %mul3A_767, %sub3A_766 : i32
          %add3A_769 = vector.broadcast %mul3A_768 : i32 to vector<16xi32>
          %add3A_770 = arith.addi %get3A_34, %add3A_769 : vector<16xi32>
          %dma_start3A_771 = arith.constant 0 : i32
          %dma_start3A_772 = arith.constant 0 : i32
          %dma_start3A_773 = tpu.memref_slice %arg8[%dma_start3A_771, %dma_start3A_772] : memref<60000x512xf32, #tpu.memory_space<hbm>> -> memref<60000x512xf32, #tpu.memory_space<hbm>>
          tpu.enqueue_indirect_dma source(%dma_start3A_773 : memref<60000x512xf32, #tpu.memory_space<hbm>>) target(%arg12 : memref<16x512xf32, #tpu.memory_space<vmem>>) offsets(%add3A_770 : vector<16xi32>) semaphore(%arg18 : memref<!tpu.dma_semaphore, #tpu.memory_space<semaphore_mem>>)
        } else {
        }
        %mul3A_656 = arith.constant 6 : i32
        %mul3A_657 = arith.muli %scan3A_550, %mul3A_656 : i32
        %add3A_658 = arith.constant 17 : i32
        %add3A_659 = arith.addi %add3A_658, %mul3A_657 : i32
        %add3A_660 = arith.constant 3 : i32
        %add3A_661 = arith.addi %add3A_659, %add3A_660 : i32
        %sub3A_662 = arith.constant 1 : i32
        %sub3A_663 = arith.subi %add3A_661, %sub3A_662 : i32
        %sub3A_664 = arith.constant 16 : i32
        %sub3A_665 = arith.subi %sub3A_663, %sub3A_664 : i32
        %mul3A_666 = arith.constant 1000 : i32
        %mul3A_667 = arith.muli %mul3A_666, %sub3A_665 : i32
        %add3A_668 = vector.broadcast %mul3A_667 : i32 to vector<16xi32>
        %add3A_669 = arith.addi %get3A_34, %add3A_668 : vector<16xi32>
        %dma_wait3A_670 = arith.constant 0 : i32
        %dma_wait3A_671 = arith.constant 0 : i32
        %dma_wait3A_672 = tpu.memref_slice %arg8[%dma_wait3A_670, %dma_wait3A_671] : memref<60000x512xf32, #tpu.memory_space<hbm>> -> memref<60000x512xf32, #tpu.memory_space<hbm>>
        tpu.wait_indirect_dma semaphore(%arg19 : memref<!tpu.dma_semaphore, #tpu.memory_space<semaphore_mem>>) src(%dma_wait3A_672 : memref<60000x512xf32, #tpu.memory_space<hbm>>) dst(%arg13 : memref<16x512xf32, #tpu.memory_space<vmem>>)
        %mul3A_673 = arith.constant 512 : i32
        %mul3A_674 = arith.muli %mul3A_673, %add3A_661 : i32
        %add3A_675 = arith.addi %mul3A_674, %add3A_39 : i32
        %dma_start3A_676 = arith.constant 0 : i32
        %dma_start3A_677 = tpu.memref_slice %arg9[%add3A_675, %dma_start3A_676] : memref<39424x512xf32, #tpu.memory_space<hbm>> -> memref<16x512xf32, #tpu.memory_space<hbm>>
        %dma_start3A_678 = arith.constant 0 : i32
        %dma_start3A_679 = tpu.memref_slice %arg9[%add3A_675, %dma_start3A_678] : memref<39424x512xf32, #tpu.memory_space<hbm>> -> memref<16x512xf32, #tpu.memory_space<hbm>>
        tpu.enqueue_dma source(%arg13 : memref<16x512xf32, #tpu.memory_space<vmem>>) target(%dma_start3A_679 : memref<16x512xf32, #tpu.memory_space<hbm>>) target_semaphore(%arg25 : memref<!tpu.dma_semaphore, #tpu.memory_space<semaphore_mem>>)
        %dma_wait3A_680 = arith.constant 0 : i32
        %dma_wait3A_681 = tpu.memref_slice %arg9[%add3A_675, %dma_wait3A_680] : memref<39424x512xf32, #tpu.memory_space<hbm>> -> memref<16x512xf32, #tpu.memory_space<hbm>>
        %dma_wait3A_682 = arith.constant 0 : i32
        %dma_wait3A_683 = tpu.memref_slice %arg9[%add3A_675, %dma_wait3A_682] : memref<39424x512xf32, #tpu.memory_space<hbm>> -> memref<16x512xf32, #tpu.memory_space<hbm>>
        tpu.wait_dma2 semaphore(%arg25 : memref<!tpu.dma_semaphore, #tpu.memory_space<semaphore_mem>>) src(%arg13 : memref<16x512xf32, #tpu.memory_space<vmem>>) dst(%dma_wait3A_683 : memref<16x512xf32, #tpu.memory_space<hbm>>)
        %add3A_684 = arith.constant 6 : i32
        %add3A_685 = arith.addi %add3A_661, %add3A_684 : i32
        %lt3A_686 = arith.constant 77 : i32
        %lt3A_687 = arith.cmpi slt, %add3A_685, %lt3A_686 : i32
        %convert_element_type3A_688 = arith.extui %lt3A_687 : i1 to i32
        %cond3A_689 = arith.constant 0 : i32
        %cond3A_690 = arith.cmpi ne, %convert_element_type3A_688, %cond3A_689 : i32
        scf.if %cond3A_690 {
          %add3A_761 = arith.constant 6 : i32
          %add3A_762 = arith.addi %add3A_661, %add3A_761 : i32
          %sub3A_763 = arith.constant 1 : i32
          %sub3A_764 = arith.subi %add3A_762, %sub3A_763 : i32
          %sub3A_765 = arith.constant 16 : i32
          %sub3A_766 = arith.subi %sub3A_764, %sub3A_765 : i32
          %mul3A_767 = arith.constant 1000 : i32
          %mul3A_768 = arith.muli %mul3A_767, %sub3A_766 : i32
          %add3A_769 = vector.broadcast %mul3A_768 : i32 to vector<16xi32>
          %add3A_770 = arith.addi %get3A_34, %add3A_769 : vector<16xi32>
          %dma_start3A_771 = arith.constant 0 : i32
          %dma_start3A_772 = arith.constant 0 : i32
          %dma_start3A_773 = tpu.memref_slice %arg8[%dma_start3A_771, %dma_start3A_772] : memref<60000x512xf32, #tpu.memory_space<hbm>> -> memref<60000x512xf32, #tpu.memory_space<hbm>>
          tpu.enqueue_indirect_dma source(%dma_start3A_773 : memref<60000x512xf32, #tpu.memory_space<hbm>>) target(%arg13 : memref<16x512xf32, #tpu.memory_space<vmem>>) offsets(%add3A_770 : vector<16xi32>) semaphore(%arg19 : memref<!tpu.dma_semaphore, #tpu.memory_space<semaphore_mem>>)
        } else {
        }
        %mul3A_691 = arith.constant 6 : i32
        %mul3A_692 = arith.muli %scan3A_550, %mul3A_691 : i32
        %add3A_693 = arith.constant 17 : i32
        %add3A_694 = arith.addi %add3A_693, %mul3A_692 : i32
        %add3A_695 = arith.constant 4 : i32
        %add3A_696 = arith.addi %add3A_694, %add3A_695 : i32
        %sub3A_697 = arith.constant 1 : i32
        %sub3A_698 = arith.subi %add3A_696, %sub3A_697 : i32
        %sub3A_699 = arith.constant 16 : i32
        %sub3A_700 = arith.subi %sub3A_698, %sub3A_699 : i32
        %mul3A_701 = arith.constant 1000 : i32
        %mul3A_702 = arith.muli %mul3A_701, %sub3A_700 : i32
        %add3A_703 = vector.broadcast %mul3A_702 : i32 to vector<16xi32>
        %add3A_704 = arith.addi %get3A_34, %add3A_703 : vector<16xi32>
        %dma_wait3A_705 = arith.constant 0 : i32
        %dma_wait3A_706 = arith.constant 0 : i32
        %dma_wait3A_707 = tpu.memref_slice %arg8[%dma_wait3A_705, %dma_wait3A_706] : memref<60000x512xf32, #tpu.memory_space<hbm>> -> memref<60000x512xf32, #tpu.memory_space<hbm>>
        tpu.wait_indirect_dma semaphore(%arg20 : memref<!tpu.dma_semaphore, #tpu.memory_space<semaphore_mem>>) src(%dma_wait3A_707 : memref<60000x512xf32, #tpu.memory_space<hbm>>) dst(%arg14 : memref<16x512xf32, #tpu.memory_space<vmem>>)
        %mul3A_708 = arith.constant 512 : i32
        %mul3A_709 = arith.muli %mul3A_708, %add3A_696 : i32
        %add3A_710 = arith.addi %mul3A_709, %add3A_39 : i32
        %dma_start3A_711 = arith.constant 0 : i32
        %dma_start3A_712 = tpu.memref_slice %arg9[%add3A_710, %dma_start3A_711] : memref<39424x512xf32, #tpu.memory_space<hbm>> -> memref<16x512xf32, #tpu.memory_space<hbm>>
        %dma_start3A_713 = arith.constant 0 : i32
        %dma_start3A_714 = tpu.memref_slice %arg9[%add3A_710, %dma_start3A_713] : memref<39424x512xf32, #tpu.memory_space<hbm>> -> memref<16x512xf32, #tpu.memory_space<hbm>>
        tpu.enqueue_dma source(%arg14 : memref<16x512xf32, #tpu.memory_space<vmem>>) target(%dma_start3A_714 : memref<16x512xf32, #tpu.memory_space<hbm>>) target_semaphore(%arg26 : memref<!tpu.dma_semaphore, #tpu.memory_space<semaphore_mem>>)
        %dma_wait3A_715 = arith.constant 0 : i32
        %dma_wait3A_716 = tpu.memref_slice %arg9[%add3A_710, %dma_wait3A_715] : memref<39424x512xf32, #tpu.memory_space<hbm>> -> memref<16x512xf32, #tpu.memory_space<hbm>>
        %dma_wait3A_717 = arith.constant 0 : i32
        %dma_wait3A_718 = tpu.memref_slice %arg9[%add3A_710, %dma_wait3A_717] : memref<39424x512xf32, #tpu.memory_space<hbm>> -> memref<16x512xf32, #tpu.memory_space<hbm>>
        tpu.wait_dma2 semaphore(%arg26 : memref<!tpu.dma_semaphore, #tpu.memory_space<semaphore_mem>>) src(%arg14 : memref<16x512xf32, #tpu.memory_space<vmem>>) dst(%dma_wait3A_718 : memref<16x512xf32, #tpu.memory_space<hbm>>)
        %add3A_719 = arith.constant 6 : i32
        %add3A_720 = arith.addi %add3A_696, %add3A_719 : i32
        %lt3A_721 = arith.constant 77 : i32
        %lt3A_722 = arith.cmpi slt, %add3A_720, %lt3A_721 : i32
        %convert_element_type3A_723 = arith.extui %lt3A_722 : i1 to i32
        %cond3A_724 = arith.constant 0 : i32
        %cond3A_725 = arith.cmpi ne, %convert_element_type3A_723, %cond3A_724 : i32
        scf.if %cond3A_725 {
          %add3A_761 = arith.constant 6 : i32
          %add3A_762 = arith.addi %add3A_696, %add3A_761 : i32
          %sub3A_763 = arith.constant 1 : i32
          %sub3A_764 = arith.subi %add3A_762, %sub3A_763 : i32
          %sub3A_765 = arith.constant 16 : i32
          %sub3A_766 = arith.subi %sub3A_764, %sub3A_765 : i32
          %mul3A_767 = arith.constant 1000 : i32
          %mul3A_768 = arith.muli %mul3A_767, %sub3A_766 : i32
          %add3A_769 = vector.broadcast %mul3A_768 : i32 to vector<16xi32>
          %add3A_770 = arith.addi %get3A_34, %add3A_769 : vector<16xi32>
          %dma_start3A_771 = arith.constant 0 : i32
          %dma_start3A_772 = arith.constant 0 : i32
          %dma_start3A_773 = tpu.memref_slice %arg8[%dma_start3A_771, %dma_start3A_772] : memref<60000x512xf32, #tpu.memory_space<hbm>> -> memref<60000x512xf32, #tpu.memory_space<hbm>>
          tpu.enqueue_indirect_dma source(%dma_start3A_773 : memref<60000x512xf32, #tpu.memory_space<hbm>>) target(%arg14 : memref<16x512xf32, #tpu.memory_space<vmem>>) offsets(%add3A_770 : vector<16xi32>) semaphore(%arg20 : memref<!tpu.dma_semaphore, #tpu.memory_space<semaphore_mem>>)
        } else {
        }
        %mul3A_726 = arith.constant 6 : i32
        %mul3A_727 = arith.muli %scan3A_550, %mul3A_726 : i32
        %add3A_728 = arith.constant 17 : i32
        %add3A_729 = arith.addi %add3A_728, %mul3A_727 : i32
        %add3A_730 = arith.constant 5 : i32
        %add3A_731 = arith.addi %add3A_729, %add3A_730 : i32
        %sub3A_732 = arith.constant 1 : i32
        %sub3A_733 = arith.subi %add3A_731, %sub3A_732 : i32
        %sub3A_734 = arith.constant 16 : i32
        %sub3A_735 = arith.subi %sub3A_733, %sub3A_734 : i32
        %mul3A_736 = arith.constant 1000 : i32
        %mul3A_737 = arith.muli %mul3A_736, %sub3A_735 : i32
        %add3A_738 = vector.broadcast %mul3A_737 : i32 to vector<16xi32>
        %add3A_739 = arith.addi %get3A_34, %add3A_738 : vector<16xi32>
        %dma_wait3A_740 = arith.constant 0 : i32
        %dma_wait3A_741 = arith.constant 0 : i32
        %dma_wait3A_742 = tpu.memref_slice %arg8[%dma_wait3A_740, %dma_wait3A_741] : memref<60000x512xf32, #tpu.memory_space<hbm>> -> memref<60000x512xf32, #tpu.memory_space<hbm>>
        tpu.wait_indirect_dma semaphore(%arg21 : memref<!tpu.dma_semaphore, #tpu.memory_space<semaphore_mem>>) src(%dma_wait3A_742 : memref<60000x512xf32, #tpu.memory_space<hbm>>) dst(%arg15 : memref<16x512xf32, #tpu.memory_space<vmem>>)
        %mul3A_743 = arith.constant 512 : i32
        %mul3A_744 = arith.muli %mul3A_743, %add3A_731 : i32
        %add3A_745 = arith.addi %mul3A_744, %add3A_39 : i32
        %dma_start3A_746 = arith.constant 0 : i32
        %dma_start3A_747 = tpu.memref_slice %arg9[%add3A_745, %dma_start3A_746] : memref<39424x512xf32, #tpu.memory_space<hbm>> -> memref<16x512xf32, #tpu.memory_space<hbm>>
        %dma_start3A_748 = arith.constant 0 : i32
        %dma_start3A_749 = tpu.memref_slice %arg9[%add3A_745, %dma_start3A_748] : memref<39424x512xf32, #tpu.memory_space<hbm>> -> memref<16x512xf32, #tpu.memory_space<hbm>>
        tpu.enqueue_dma source(%arg15 : memref<16x512xf32, #tpu.memory_space<vmem>>) target(%dma_start3A_749 : memref<16x512xf32, #tpu.memory_space<hbm>>) target_semaphore(%arg27 : memref<!tpu.dma_semaphore, #tpu.memory_space<semaphore_mem>>)
        %dma_wait3A_750 = arith.constant 0 : i32
        %dma_wait3A_751 = tpu.memref_slice %arg9[%add3A_745, %dma_wait3A_750] : memref<39424x512xf32, #tpu.memory_space<hbm>> -> memref<16x512xf32, #tpu.memory_space<hbm>>
        %dma_wait3A_752 = arith.constant 0 : i32
        %dma_wait3A_753 = tpu.memref_slice %arg9[%add3A_745, %dma_wait3A_752] : memref<39424x512xf32, #tpu.memory_space<hbm>> -> memref<16x512xf32, #tpu.memory_space<hbm>>
        tpu.wait_dma2 semaphore(%arg27 : memref<!tpu.dma_semaphore, #tpu.memory_space<semaphore_mem>>) src(%arg15 : memref<16x512xf32, #tpu.memory_space<vmem>>) dst(%dma_wait3A_753 : memref<16x512xf32, #tpu.memory_space<hbm>>)
        %add3A_754 = arith.constant 6 : i32
        %add3A_755 = arith.addi %add3A_731, %add3A_754 : i32
        %lt3A_756 = arith.constant 77 : i32
        %lt3A_757 = arith.cmpi slt, %add3A_755, %lt3A_756 : i32
        %convert_element_type3A_758 = arith.extui %lt3A_757 : i1 to i32
        %cond3A_759 = arith.constant 0 : i32
        %cond3A_760 = arith.cmpi ne, %convert_element_type3A_758, %cond3A_759 : i32
        scf.if %cond3A_760 {
          %add3A_761 = arith.constant 6 : i32
          %add3A_762 = arith.addi %add3A_731, %add3A_761 : i32
          %sub3A_763 = arith.constant 1 : i32
          %sub3A_764 = arith.subi %add3A_762, %sub3A_763 : i32
          %sub3A_765 = arith.constant 16 : i32
          %sub3A_766 = arith.subi %sub3A_764, %sub3A_765 : i32
          %mul3A_767 = arith.constant 1000 : i32
          %mul3A_768 = arith.muli %mul3A_767, %sub3A_766 : i32
          %add3A_769 = vector.broadcast %mul3A_768 : i32 to vector<16xi32>
          %add3A_770 = arith.addi %get3A_34, %add3A_769 : vector<16xi32>
          %dma_start3A_771 = arith.constant 0 : i32
          %dma_start3A_772 = arith.constant 0 : i32
          %dma_start3A_773 = tpu.memref_slice %arg8[%dma_start3A_771, %dma_start3A_772] : memref<60000x512xf32, #tpu.memory_space<hbm>> -> memref<60000x512xf32, #tpu.memory_space<hbm>>
          tpu.enqueue_indirect_dma source(%dma_start3A_773 : memref<60000x512xf32, #tpu.memory_space<hbm>>) target(%arg15 : memref<16x512xf32, #tpu.memory_space<vmem>>) offsets(%add3A_770 : vector<16xi32>) semaphore(%arg21 : memref<!tpu.dma_semaphore, #tpu.memory_space<semaphore_mem>>)
        } else {
        }
      }
      %scan3A_549 = arith.constant 10 : i32
    } else {
    }
    return
  }
}

#map = affine_map<(d0, d1) -> (0)>
#map1 = affine_map<(d0, d1) -> (0, 0)>
module attributes {stable_mosaic.version = 14 : i64} {
  func.func @_tok_body(%arg0: i32, %arg1: i32, %arg2: memref<256xi32, #tpu.memory_space<hbm>>, %arg3: memref<77x2000xi32, #tpu.memory_space<hbm>>, %arg4: memref<77x512xi32, #tpu.memory_space<hbm>>, %arg5: memref<256xi32, #tpu.memory_space<vmem>>, %arg6: memref<2000xi32, #tpu.memory_space<vmem>>, %arg7: memref<512xi32, #tpu.memory_space<vmem>>, %arg8: memref<!tpu.dma_semaphore, #tpu.memory_space<semaphore_mem>>) attributes {dimension_semantics = [#tpu.dimension_semantics<core_parallel>, #tpu.dimension_semantics<subcore_parallel>], iteration_bounds = array<i64: 2, 16>, scalar_prefetch = 0 : i64, scratch_operands = 4 : i64, tpu.core_type = #tpu.core_type<sc_vector_subcore>, window_params = [{transform_indices = #map}, {transform_indices = #map1}, {transform_indices = #map1}]} {
    %mul3A = arith.constant 2 : i32
    %mul3A_0 = arith.muli %arg1, %mul3A : i32
    %add3A = arith.addi %mul3A_0, %arg0 : i32
    "tpu.region"() ({
      %run_scoped3A = tpu.sem_alloc : memref<!tpu.dma_semaphore, #tpu.memory_space<semaphore_mem>>
      tpu.enqueue_dma source(%arg2 : memref<256xi32, #tpu.memory_space<hbm>>) target(%arg5 : memref<256xi32, #tpu.memory_space<vmem>>) target_semaphore(%run_scoped3A : memref<!tpu.dma_semaphore, #tpu.memory_space<semaphore_mem>>)
      tpu.wait_dma2 semaphore(%run_scoped3A : memref<!tpu.dma_semaphore, #tpu.memory_space<semaphore_mem>>) src(%arg2 : memref<256xi32, #tpu.memory_space<hbm>>) dst(%arg5 : memref<256xi32, #tpu.memory_space<vmem>>)
      tpu.yield
    }) : () -> ()
    %mul3A_1 = arith.constant 3 : i32
    %mul3A_2 = arith.muli %add3A, %mul3A_1 : i32
    %add3A_3 = arith.constant 0 : i32
    %add3A_4 = arith.addi %mul3A_2, %add3A_3 : i32
    %lt3A = arith.constant 77 : i32
    %lt3A_5 = arith.cmpi slt, %add3A_4, %lt3A : i32
    %convert_element_type3A = arith.extui %lt3A_5 : i1 to i32
    %cond3A = arith.constant 0 : i32
    %cond3A_6 = arith.cmpi ne, %convert_element_type3A, %cond3A : i32
    scf.if %cond3A_6 {
      "tpu.region"() ({
        %run_scoped3A = tpu.sem_alloc : memref<!tpu.dma_semaphore, #tpu.memory_space<semaphore_mem>>
        %dma_start3A = arith.constant 0 : i32
        %dma_start3A_230 = tpu.memref_slice %arg3[%add3A_4, %dma_start3A] : memref<77x2000xi32, #tpu.memory_space<hbm>> -> memref<1x2000xi32, #tpu.memory_space<hbm>>
        %dma_start3A_231 = tpu.memref_squeeze %dma_start3A_230 : memref<1x2000xi32, #tpu.memory_space<hbm>> -> memref<2000xi32, #tpu.memory_space<hbm>>
        %dma_start3A_232 = arith.constant 0 : i32
        %dma_start3A_233 = tpu.memref_slice %arg3[%add3A_4, %dma_start3A_232] : memref<77x2000xi32, #tpu.memory_space<hbm>> -> memref<1x2000xi32, #tpu.memory_space<hbm>>
        %dma_start3A_234 = tpu.memref_squeeze %dma_start3A_233 : memref<1x2000xi32, #tpu.memory_space<hbm>> -> memref<2000xi32, #tpu.memory_space<hbm>>
        tpu.enqueue_dma source(%dma_start3A_234 : memref<2000xi32, #tpu.memory_space<hbm>>) target(%arg6 : memref<2000xi32, #tpu.memory_space<vmem>>) target_semaphore(%run_scoped3A : memref<!tpu.dma_semaphore, #tpu.memory_space<semaphore_mem>>)
        %dma_wait3A = arith.constant 0 : i32
        %dma_wait3A_235 = tpu.memref_slice %arg3[%add3A_4, %dma_wait3A] : memref<77x2000xi32, #tpu.memory_space<hbm>> -> memref<1x2000xi32, #tpu.memory_space<hbm>>
        %dma_wait3A_236 = tpu.memref_squeeze %dma_wait3A_235 : memref<1x2000xi32, #tpu.memory_space<hbm>> -> memref<2000xi32, #tpu.memory_space<hbm>>
        %dma_wait3A_237 = arith.constant 0 : i32
        %dma_wait3A_238 = tpu.memref_slice %arg3[%add3A_4, %dma_wait3A_237] : memref<77x2000xi32, #tpu.memory_space<hbm>> -> memref<1x2000xi32, #tpu.memory_space<hbm>>
        %dma_wait3A_239 = tpu.memref_squeeze %dma_wait3A_238 : memref<1x2000xi32, #tpu.memory_space<hbm>> -> memref<2000xi32, #tpu.memory_space<hbm>>
        tpu.wait_dma2 semaphore(%run_scoped3A : memref<!tpu.dma_semaphore, #tpu.memory_space<semaphore_mem>>) src(%dma_wait3A_239 : memref<2000xi32, #tpu.memory_space<hbm>>) dst(%arg6 : memref<2000xi32, #tpu.memory_space<vmem>>)
        tpu.yield
      }) : () -> ()
      %get3A = arith.constant 0 : index
      %get3A_25 = tpu.vector_load %arg5[%get3A] {strides = array<i32>} : memref<256xi32, #tpu.memory_space<vmem>>, vector<16xi32>,
      %gather3A = tpu.vector_load_idx %arg6[%get3A_25] : memref<2000xi32, #tpu.memory_space<vmem>>[vector<16xi32>], vector<16xi32>,
      %swap3A = arith.constant 0 : index
      %swap3A_26 = tpu.vector_load %arg7[%swap3A] {strides = array<i32>} : memref<512xi32, #tpu.memory_space<vmem>>, vector<16xi32>,
      tpu.vector_store %arg7[%swap3A], %gather3A {strides = array<i32>} : memref<512xi32, #tpu.memory_space<vmem>>, vector<16xi32>,
      %get3A_27 = arith.constant 16 : index
      %get3A_28 = tpu.vector_load %arg5[%get3A_27] {strides = array<i32>} : memref<256xi32, #tpu.memory_space<vmem>>, vector<16xi32>,
      %gather3A_29 = tpu.vector_load_idx %arg6[%get3A_28] : memref<2000xi32, #tpu.memory_space<vmem>>[vector<16xi32>], vector<16xi32>,
      %swap3A_30 = arith.constant 16 : index
      %swap3A_31 = tpu.vector_load %arg7[%swap3A_30] {strides = array<i32>} : memref<512xi32, #tpu.memory_space<vmem>>, vector<16xi32>,
      tpu.vector_store %arg7[%swap3A_30], %gather3A_29 {strides = array<i32>} : memref<512xi32, #tpu.memory_space<vmem>>, vector<16xi32>,
      %get3A_32 = arith.constant 32 : index
      %get3A_33 = tpu.vector_load %arg5[%get3A_32] {strides = array<i32>} : memref<256xi32, #tpu.memory_space<vmem>>, vector<16xi32>,
      %gather3A_34 = tpu.vector_load_idx %arg6[%get3A_33] : memref<2000xi32, #tpu.memory_space<vmem>>[vector<16xi32>], vector<16xi32>,
      %swap3A_35 = arith.constant 32 : index
      %swap3A_36 = tpu.vector_load %arg7[%swap3A_35] {strides = array<i32>} : memref<512xi32, #tpu.memory_space<vmem>>, vector<16xi32>,
      tpu.vector_store %arg7[%swap3A_35], %gather3A_34 {strides = array<i32>} : memref<512xi32, #tpu.memory_space<vmem>>, vector<16xi32>,
      %get3A_37 = arith.constant 48 : index
      %get3A_38 = tpu.vector_load %arg5[%get3A_37] {strides = array<i32>} : memref<256xi32, #tpu.memory_space<vmem>>, vector<16xi32>,
      %gather3A_39 = tpu.vector_load_idx %arg6[%get3A_38] : memref<2000xi32, #tpu.memory_space<vmem>>[vector<16xi32>], vector<16xi32>,
      %swap3A_40 = arith.constant 48 : index
      %swap3A_41 = tpu.vector_load %arg7[%swap3A_40] {strides = array<i32>} : memref<512xi32, #tpu.memory_space<vmem>>, vector<16xi32>,
      tpu.vector_store %arg7[%swap3A_40], %gather3A_39 {strides = array<i32>} : memref<512xi32, #tpu.memory_space<vmem>>, vector<16xi32>,
      %get3A_42 = arith.constant 64 : index
      %get3A_43 = tpu.vector_load %arg5[%get3A_42] {strides = array<i32>} : memref<256xi32, #tpu.memory_space<vmem>>, vector<16xi32>,
      %gather3A_44 = tpu.vector_load_idx %arg6[%get3A_43] : memref<2000xi32, #tpu.memory_space<vmem>>[vector<16xi32>], vector<16xi32>,
      %swap3A_45 = arith.constant 64 : index
      %swap3A_46 = tpu.vector_load %arg7[%swap3A_45] {strides = array<i32>} : memref<512xi32, #tpu.memory_space<vmem>>, vector<16xi32>,
      tpu.vector_store %arg7[%swap3A_45], %gather3A_44 {strides = array<i32>} : memref<512xi32, #tpu.memory_space<vmem>>, vector<16xi32>,
      %get3A_47 = arith.constant 80 : index
      %get3A_48 = tpu.vector_load %arg5[%get3A_47] {strides = array<i32>} : memref<256xi32, #tpu.memory_space<vmem>>, vector<16xi32>,
      %gather3A_49 = tpu.vector_load_idx %arg6[%get3A_48] : memref<2000xi32, #tpu.memory_space<vmem>>[vector<16xi32>], vector<16xi32>,
      %swap3A_50 = arith.constant 80 : index
      %swap3A_51 = tpu.vector_load %arg7[%swap3A_50] {strides = array<i32>} : memref<512xi32, #tpu.memory_space<vmem>>, vector<16xi32>,
      tpu.vector_store %arg7[%swap3A_50], %gather3A_49 {strides = array<i32>} : memref<512xi32, #tpu.memory_space<vmem>>, vector<16xi32>,
      %get3A_52 = arith.constant 96 : index
      %get3A_53 = tpu.vector_load %arg5[%get3A_52] {strides = array<i32>} : memref<256xi32, #tpu.memory_space<vmem>>, vector<16xi32>,
      %gather3A_54 = tpu.vector_load_idx %arg6[%get3A_53] : memref<2000xi32, #tpu.memory_space<vmem>>[vector<16xi32>], vector<16xi32>,
      %swap3A_55 = arith.constant 96 : index
      %swap3A_56 = tpu.vector_load %arg7[%swap3A_55] {strides = array<i32>} : memref<512xi32, #tpu.memory_space<vmem>>, vector<16xi32>,
      tpu.vector_store %arg7[%swap3A_55], %gather3A_54 {strides = array<i32>} : memref<512xi32, #tpu.memory_space<vmem>>, vector<16xi32>,
      %get3A_57 = arith.constant 112 : index
      %get3A_58 = tpu.vector_load %arg5[%get3A_57] {strides = array<i32>} : memref<256xi32, #tpu.memory_space<vmem>>, vector<16xi32>,
      %gather3A_59 = tpu.vector_load_idx %arg6[%get3A_58] : memref<2000xi32, #tpu.memory_space<vmem>>[vector<16xi32>], vector<16xi32>,
      %swap3A_60 = arith.constant 112 : index
      %swap3A_61 = tpu.vector_load %arg7[%swap3A_60] {strides = array<i32>} : memref<512xi32, #tpu.memory_space<vmem>>, vector<16xi32>,
      tpu.vector_store %arg7[%swap3A_60], %gather3A_59 {strides = array<i32>} : memref<512xi32, #tpu.memory_space<vmem>>, vector<16xi32>,
      %get3A_62 = arith.constant 128 : index
      %get3A_63 = tpu.vector_load %arg5[%get3A_62] {strides = array<i32>} : memref<256xi32, #tpu.memory_space<vmem>>, vector<16xi32>,
      %gather3A_64 = tpu.vector_load_idx %arg6[%get3A_63] : memref<2000xi32, #tpu.memory_space<vmem>>[vector<16xi32>], vector<16xi32>,
      %swap3A_65 = arith.constant 128 : index
      %swap3A_66 = tpu.vector_load %arg7[%swap3A_65] {strides = array<i32>} : memref<512xi32, #tpu.memory_space<vmem>>, vector<16xi32>,
      tpu.vector_store %arg7[%swap3A_65], %gather3A_64 {strides = array<i32>} : memref<512xi32, #tpu.memory_space<vmem>>, vector<16xi32>,
      %get3A_67 = arith.constant 144 : index
      %get3A_68 = tpu.vector_load %arg5[%get3A_67] {strides = array<i32>} : memref<256xi32, #tpu.memory_space<vmem>>, vector<16xi32>,
      %gather3A_69 = tpu.vector_load_idx %arg6[%get3A_68] : memref<2000xi32, #tpu.memory_space<vmem>>[vector<16xi32>], vector<16xi32>,
      %swap3A_70 = arith.constant 144 : index
      %swap3A_71 = tpu.vector_load %arg7[%swap3A_70] {strides = array<i32>} : memref<512xi32, #tpu.memory_space<vmem>>, vector<16xi32>,
      tpu.vector_store %arg7[%swap3A_70], %gather3A_69 {strides = array<i32>} : memref<512xi32, #tpu.memory_space<vmem>>, vector<16xi32>,
      %get3A_72 = arith.constant 160 : index
      %get3A_73 = tpu.vector_load %arg5[%get3A_72] {strides = array<i32>} : memref<256xi32, #tpu.memory_space<vmem>>, vector<16xi32>,
      %gather3A_74 = tpu.vector_load_idx %arg6[%get3A_73] : memref<2000xi32, #tpu.memory_space<vmem>>[vector<16xi32>], vector<16xi32>,
      %swap3A_75 = arith.constant 160 : index
      %swap3A_76 = tpu.vector_load %arg7[%swap3A_75] {strides = array<i32>} : memref<512xi32, #tpu.memory_space<vmem>>, vector<16xi32>,
      tpu.vector_store %arg7[%swap3A_75], %gather3A_74 {strides = array<i32>} : memref<512xi32, #tpu.memory_space<vmem>>, vector<16xi32>,
      %get3A_77 = arith.constant 176 : index
      %get3A_78 = tpu.vector_load %arg5[%get3A_77] {strides = array<i32>} : memref<256xi32, #tpu.memory_space<vmem>>, vector<16xi32>,
      %gather3A_79 = tpu.vector_load_idx %arg6[%get3A_78] : memref<2000xi32, #tpu.memory_space<vmem>>[vector<16xi32>], vector<16xi32>,
      %swap3A_80 = arith.constant 176 : index
      %swap3A_81 = tpu.vector_load %arg7[%swap3A_80] {strides = array<i32>} : memref<512xi32, #tpu.memory_space<vmem>>, vector<16xi32>,
      tpu.vector_store %arg7[%swap3A_80], %gather3A_79 {strides = array<i32>} : memref<512xi32, #tpu.memory_space<vmem>>, vector<16xi32>,
      %get3A_82 = arith.constant 192 : index
      %get3A_83 = tpu.vector_load %arg5[%get3A_82] {strides = array<i32>} : memref<256xi32, #tpu.memory_space<vmem>>, vector<16xi32>,
      %gather3A_84 = tpu.vector_load_idx %arg6[%get3A_83] : memref<2000xi32, #tpu.memory_space<vmem>>[vector<16xi32>], vector<16xi32>,
      %swap3A_85 = arith.constant 192 : index
      %swap3A_86 = tpu.vector_load %arg7[%swap3A_85] {strides = array<i32>} : memref<512xi32, #tpu.memory_space<vmem>>, vector<16xi32>,
      tpu.vector_store %arg7[%swap3A_85], %gather3A_84 {strides = array<i32>} : memref<512xi32, #tpu.memory_space<vmem>>, vector<16xi32>,
      %get3A_87 = arith.constant 208 : index
      %get3A_88 = tpu.vector_load %arg5[%get3A_87] {strides = array<i32>} : memref<256xi32, #tpu.memory_space<vmem>>, vector<16xi32>,
      %gather3A_89 = tpu.vector_load_idx %arg6[%get3A_88] : memref<2000xi32, #tpu.memory_space<vmem>>[vector<16xi32>], vector<16xi32>,
      %swap3A_90 = arith.constant 208 : index
      %swap3A_91 = tpu.vector_load %arg7[%swap3A_90] {strides = array<i32>} : memref<512xi32, #tpu.memory_space<vmem>>, vector<16xi32>,
      tpu.vector_store %arg7[%swap3A_90], %gather3A_89 {strides = array<i32>} : memref<512xi32, #tpu.memory_space<vmem>>, vector<16xi32>,
      %get3A_92 = arith.constant 224 : index
      %get3A_93 = tpu.vector_load %arg5[%get3A_92] {strides = array<i32>} : memref<256xi32, #tpu.memory_space<vmem>>, vector<16xi32>,
      %gather3A_94 = tpu.vector_load_idx %arg6[%get3A_93] : memref<2000xi32, #tpu.memory_space<vmem>>[vector<16xi32>], vector<16xi32>,
      %swap3A_95 = arith.constant 224 : index
      %swap3A_96 = tpu.vector_load %arg7[%swap3A_95] {strides = array<i32>} : memref<512xi32, #tpu.memory_space<vmem>>, vector<16xi32>,
      tpu.vector_store %arg7[%swap3A_95], %gather3A_94 {strides = array<i32>} : memref<512xi32, #tpu.memory_space<vmem>>, vector<16xi32>,
      %get3A_97 = arith.constant 240 : index
      %get3A_98 = tpu.vector_load %arg5[%get3A_97] {strides = array<i32>} : memref<256xi32, #tpu.memory_space<vmem>>, vector<16xi32>,
      %gather3A_99 = tpu.vector_load_idx %arg6[%get3A_98] : memref<2000xi32, #tpu.memory_space<vmem>>[vector<16xi32>], vector<16xi32>,
      %swap3A_100 = arith.constant 240 : index
      %swap3A_101 = tpu.vector_load %arg7[%swap3A_100] {strides = array<i32>} : memref<512xi32, #tpu.memory_space<vmem>>, vector<16xi32>,
      tpu.vector_store %arg7[%swap3A_100], %gather3A_99 {strides = array<i32>} : memref<512xi32, #tpu.memory_space<vmem>>, vector<16xi32>,
      %get3A_102 = arith.constant 0 : index
      %get3A_103 = tpu.vector_load %arg5[%get3A_102] {strides = array<i32>} : memref<256xi32, #tpu.memory_space<vmem>>, vector<16xi32>,
      %add3A_104 = arith.constant 1000 : i32
      %add3A_105 = vector.broadcast %add3A_104 : i32 to vector<16xi32>
      %add3A_106 = arith.addi %get3A_103, %add3A_105 : vector<16xi32>
      %gather3A_107 = tpu.vector_load_idx %arg6[%add3A_106] : memref<2000xi32, #tpu.memory_space<vmem>>[vector<16xi32>], vector<16xi32>,
      %swap3A_108 = arith.constant 256 : index
      %swap3A_109 = tpu.vector_load %arg7[%swap3A_108] {strides = array<i32>} : memref<512xi32, #tpu.memory_space<vmem>>, vector<16xi32>,
      tpu.vector_store %arg7[%swap3A_108], %gather3A_107 {strides = array<i32>} : memref<512xi32, #tpu.memory_space<vmem>>, vector<16xi32>,
      %get3A_110 = arith.constant 16 : index
      %get3A_111 = tpu.vector_load %arg5[%get3A_110] {strides = array<i32>} : memref<256xi32, #tpu.memory_space<vmem>>, vector<16xi32>,
      %add3A_112 = arith.constant 1000 : i32
      %add3A_113 = vector.broadcast %add3A_112 : i32 to vector<16xi32>
      %add3A_114 = arith.addi %get3A_111, %add3A_113 : vector<16xi32>
      %gather3A_115 = tpu.vector_load_idx %arg6[%add3A_114] : memref<2000xi32, #tpu.memory_space<vmem>>[vector<16xi32>], vector<16xi32>,
      %swap3A_116 = arith.constant 272 : index
      %swap3A_117 = tpu.vector_load %arg7[%swap3A_116] {strides = array<i32>} : memref<512xi32, #tpu.memory_space<vmem>>, vector<16xi32>,
      tpu.vector_store %arg7[%swap3A_116], %gather3A_115 {strides = array<i32>} : memref<512xi32, #tpu.memory_space<vmem>>, vector<16xi32>,
      %get3A_118 = arith.constant 32 : index
      %get3A_119 = tpu.vector_load %arg5[%get3A_118] {strides = array<i32>} : memref<256xi32, #tpu.memory_space<vmem>>, vector<16xi32>,
      %add3A_120 = arith.constant 1000 : i32
      %add3A_121 = vector.broadcast %add3A_120 : i32 to vector<16xi32>
      %add3A_122 = arith.addi %get3A_119, %add3A_121 : vector<16xi32>
      %gather3A_123 = tpu.vector_load_idx %arg6[%add3A_122] : memref<2000xi32, #tpu.memory_space<vmem>>[vector<16xi32>], vector<16xi32>,
      %swap3A_124 = arith.constant 288 : index
      %swap3A_125 = tpu.vector_load %arg7[%swap3A_124] {strides = array<i32>} : memref<512xi32, #tpu.memory_space<vmem>>, vector<16xi32>,
      tpu.vector_store %arg7[%swap3A_124], %gather3A_123 {strides = array<i32>} : memref<512xi32, #tpu.memory_space<vmem>>, vector<16xi32>,
      %get3A_126 = arith.constant 48 : index
      %get3A_127 = tpu.vector_load %arg5[%get3A_126] {strides = array<i32>} : memref<256xi32, #tpu.memory_space<vmem>>, vector<16xi32>,
      %add3A_128 = arith.constant 1000 : i32
      %add3A_129 = vector.broadcast %add3A_128 : i32 to vector<16xi32>
      %add3A_130 = arith.addi %get3A_127, %add3A_129 : vector<16xi32>
      %gather3A_131 = tpu.vector_load_idx %arg6[%add3A_130] : memref<2000xi32, #tpu.memory_space<vmem>>[vector<16xi32>], vector<16xi32>,
      %swap3A_132 = arith.constant 304 : index
      %swap3A_133 = tpu.vector_load %arg7[%swap3A_132] {strides = array<i32>} : memref<512xi32, #tpu.memory_space<vmem>>, vector<16xi32>,
      tpu.vector_store %arg7[%swap3A_132], %gather3A_131 {strides = array<i32>} : memref<512xi32, #tpu.memory_space<vmem>>, vector<16xi32>,
      %get3A_134 = arith.constant 64 : index
      %get3A_135 = tpu.vector_load %arg5[%get3A_134] {strides = array<i32>} : memref<256xi32, #tpu.memory_space<vmem>>, vector<16xi32>,
      %add3A_136 = arith.constant 1000 : i32
      %add3A_137 = vector.broadcast %add3A_136 : i32 to vector<16xi32>
      %add3A_138 = arith.addi %get3A_135, %add3A_137 : vector<16xi32>
      %gather3A_139 = tpu.vector_load_idx %arg6[%add3A_138] : memref<2000xi32, #tpu.memory_space<vmem>>[vector<16xi32>], vector<16xi32>,
      %swap3A_140 = arith.constant 320 : index
      %swap3A_141 = tpu.vector_load %arg7[%swap3A_140] {strides = array<i32>} : memref<512xi32, #tpu.memory_space<vmem>>, vector<16xi32>,
      tpu.vector_store %arg7[%swap3A_140], %gather3A_139 {strides = array<i32>} : memref<512xi32, #tpu.memory_space<vmem>>, vector<16xi32>,
      %get3A_142 = arith.constant 80 : index
      %get3A_143 = tpu.vector_load %arg5[%get3A_142] {strides = array<i32>} : memref<256xi32, #tpu.memory_space<vmem>>, vector<16xi32>,
      %add3A_144 = arith.constant 1000 : i32
      %add3A_145 = vector.broadcast %add3A_144 : i32 to vector<16xi32>
      %add3A_146 = arith.addi %get3A_143, %add3A_145 : vector<16xi32>
      %gather3A_147 = tpu.vector_load_idx %arg6[%add3A_146] : memref<2000xi32, #tpu.memory_space<vmem>>[vector<16xi32>], vector<16xi32>,
      %swap3A_148 = arith.constant 336 : index
      %swap3A_149 = tpu.vector_load %arg7[%swap3A_148] {strides = array<i32>} : memref<512xi32, #tpu.memory_space<vmem>>, vector<16xi32>,
      tpu.vector_store %arg7[%swap3A_148], %gather3A_147 {strides = array<i32>} : memref<512xi32, #tpu.memory_space<vmem>>, vector<16xi32>,
      %get3A_150 = arith.constant 96 : index
      %get3A_151 = tpu.vector_load %arg5[%get3A_150] {strides = array<i32>} : memref<256xi32, #tpu.memory_space<vmem>>, vector<16xi32>,
      %add3A_152 = arith.constant 1000 : i32
      %add3A_153 = vector.broadcast %add3A_152 : i32 to vector<16xi32>
      %add3A_154 = arith.addi %get3A_151, %add3A_153 : vector<16xi32>
      %gather3A_155 = tpu.vector_load_idx %arg6[%add3A_154] : memref<2000xi32, #tpu.memory_space<vmem>>[vector<16xi32>], vector<16xi32>,
      %swap3A_156 = arith.constant 352 : index
      %swap3A_157 = tpu.vector_load %arg7[%swap3A_156] {strides = array<i32>} : memref<512xi32, #tpu.memory_space<vmem>>, vector<16xi32>,
      tpu.vector_store %arg7[%swap3A_156], %gather3A_155 {strides = array<i32>} : memref<512xi32, #tpu.memory_space<vmem>>, vector<16xi32>,
      %get3A_158 = arith.constant 112 : index
      %get3A_159 = tpu.vector_load %arg5[%get3A_158] {strides = array<i32>} : memref<256xi32, #tpu.memory_space<vmem>>, vector<16xi32>,
      %add3A_160 = arith.constant 1000 : i32
      %add3A_161 = vector.broadcast %add3A_160 : i32 to vector<16xi32>
      %add3A_162 = arith.addi %get3A_159, %add3A_161 : vector<16xi32>
      %gather3A_163 = tpu.vector_load_idx %arg6[%add3A_162] : memref<2000xi32, #tpu.memory_space<vmem>>[vector<16xi32>], vector<16xi32>,
      %swap3A_164 = arith.constant 368 : index
      %swap3A_165 = tpu.vector_load %arg7[%swap3A_164] {strides = array<i32>} : memref<512xi32, #tpu.memory_space<vmem>>, vector<16xi32>,
      tpu.vector_store %arg7[%swap3A_164], %gather3A_163 {strides = array<i32>} : memref<512xi32, #tpu.memory_space<vmem>>, vector<16xi32>,
      %get3A_166 = arith.constant 128 : index
      %get3A_167 = tpu.vector_load %arg5[%get3A_166] {strides = array<i32>} : memref<256xi32, #tpu.memory_space<vmem>>, vector<16xi32>,
      %add3A_168 = arith.constant 1000 : i32
      %add3A_169 = vector.broadcast %add3A_168 : i32 to vector<16xi32>
      %add3A_170 = arith.addi %get3A_167, %add3A_169 : vector<16xi32>
      %gather3A_171 = tpu.vector_load_idx %arg6[%add3A_170] : memref<2000xi32, #tpu.memory_space<vmem>>[vector<16xi32>], vector<16xi32>,
      %swap3A_172 = arith.constant 384 : index
      %swap3A_173 = tpu.vector_load %arg7[%swap3A_172] {strides = array<i32>} : memref<512xi32, #tpu.memory_space<vmem>>, vector<16xi32>,
      tpu.vector_store %arg7[%swap3A_172], %gather3A_171 {strides = array<i32>} : memref<512xi32, #tpu.memory_space<vmem>>, vector<16xi32>,
      %get3A_174 = arith.constant 144 : index
      %get3A_175 = tpu.vector_load %arg5[%get3A_174] {strides = array<i32>} : memref<256xi32, #tpu.memory_space<vmem>>, vector<16xi32>,
      %add3A_176 = arith.constant 1000 : i32
      %add3A_177 = vector.broadcast %add3A_176 : i32 to vector<16xi32>
      %add3A_178 = arith.addi %get3A_175, %add3A_177 : vector<16xi32>
      %gather3A_179 = tpu.vector_load_idx %arg6[%add3A_178] : memref<2000xi32, #tpu.memory_space<vmem>>[vector<16xi32>], vector<16xi32>,
      %swap3A_180 = arith.constant 400 : index
      %swap3A_181 = tpu.vector_load %arg7[%swap3A_180] {strides = array<i32>} : memref<512xi32, #tpu.memory_space<vmem>>, vector<16xi32>,
      tpu.vector_store %arg7[%swap3A_180], %gather3A_179 {strides = array<i32>} : memref<512xi32, #tpu.memory_space<vmem>>, vector<16xi32>,
      %get3A_182 = arith.constant 160 : index
      %get3A_183 = tpu.vector_load %arg5[%get3A_182] {strides = array<i32>} : memref<256xi32, #tpu.memory_space<vmem>>, vector<16xi32>,
      %add3A_184 = arith.constant 1000 : i32
      %add3A_185 = vector.broadcast %add3A_184 : i32 to vector<16xi32>
      %add3A_186 = arith.addi %get3A_183, %add3A_185 : vector<16xi32>
      %gather3A_187 = tpu.vector_load_idx %arg6[%add3A_186] : memref<2000xi32, #tpu.memory_space<vmem>>[vector<16xi32>], vector<16xi32>,
      %swap3A_188 = arith.constant 416 : index
      %swap3A_189 = tpu.vector_load %arg7[%swap3A_188] {strides = array<i32>} : memref<512xi32, #tpu.memory_space<vmem>>, vector<16xi32>,
      tpu.vector_store %arg7[%swap3A_188], %gather3A_187 {strides = array<i32>} : memref<512xi32, #tpu.memory_space<vmem>>, vector<16xi32>,
      %get3A_190 = arith.constant 176 : index
      %get3A_191 = tpu.vector_load %arg5[%get3A_190] {strides = array<i32>} : memref<256xi32, #tpu.memory_space<vmem>>, vector<16xi32>,
      %add3A_192 = arith.constant 1000 : i32
      %add3A_193 = vector.broadcast %add3A_192 : i32 to vector<16xi32>
      %add3A_194 = arith.addi %get3A_191, %add3A_193 : vector<16xi32>
      %gather3A_195 = tpu.vector_load_idx %arg6[%add3A_194] : memref<2000xi32, #tpu.memory_space<vmem>>[vector<16xi32>], vector<16xi32>,
      %swap3A_196 = arith.constant 432 : index
      %swap3A_197 = tpu.vector_load %arg7[%swap3A_196] {strides = array<i32>} : memref<512xi32, #tpu.memory_space<vmem>>, vector<16xi32>,
      tpu.vector_store %arg7[%swap3A_196], %gather3A_195 {strides = array<i32>} : memref<512xi32, #tpu.memory_space<vmem>>, vector<16xi32>,
      %get3A_198 = arith.constant 192 : index
      %get3A_199 = tpu.vector_load %arg5[%get3A_198] {strides = array<i32>} : memref<256xi32, #tpu.memory_space<vmem>>, vector<16xi32>,
      %add3A_200 = arith.constant 1000 : i32
      %add3A_201 = vector.broadcast %add3A_200 : i32 to vector<16xi32>
      %add3A_202 = arith.addi %get3A_199, %add3A_201 : vector<16xi32>
      %gather3A_203 = tpu.vector_load_idx %arg6[%add3A_202] : memref<2000xi32, #tpu.memory_space<vmem>>[vector<16xi32>], vector<16xi32>,
      %swap3A_204 = arith.constant 448 : index
      %swap3A_205 = tpu.vector_load %arg7[%swap3A_204] {strides = array<i32>} : memref<512xi32, #tpu.memory_space<vmem>>, vector<16xi32>,
      tpu.vector_store %arg7[%swap3A_204], %gather3A_203 {strides = array<i32>} : memref<512xi32, #tpu.memory_space<vmem>>, vector<16xi32>,
      %get3A_206 = arith.constant 208 : index
      %get3A_207 = tpu.vector_load %arg5[%get3A_206] {strides = array<i32>} : memref<256xi32, #tpu.memory_space<vmem>>, vector<16xi32>,
      %add3A_208 = arith.constant 1000 : i32
      %add3A_209 = vector.broadcast %add3A_208 : i32 to vector<16xi32>
      %add3A_210 = arith.addi %get3A_207, %add3A_209 : vector<16xi32>
      %gather3A_211 = tpu.vector_load_idx %arg6[%add3A_210] : memref<2000xi32, #tpu.memory_space<vmem>>[vector<16xi32>], vector<16xi32>,
      %swap3A_212 = arith.constant 464 : index
      %swap3A_213 = tpu.vector_load %arg7[%swap3A_212] {strides = array<i32>} : memref<512xi32, #tpu.memory_space<vmem>>, vector<16xi32>,
      tpu.vector_store %arg7[%swap3A_212], %gather3A_211 {strides = array<i32>} : memref<512xi32, #tpu.memory_space<vmem>>, vector<16xi32>,
      %get3A_214 = arith.constant 224 : index
      %get3A_215 = tpu.vector_load %arg5[%get3A_214] {strides = array<i32>} : memref<256xi32, #tpu.memory_space<vmem>>, vector<16xi32>,
      %add3A_216 = arith.constant 1000 : i32
      %add3A_217 = vector.broadcast %add3A_216 : i32 to vector<16xi32>
      %add3A_218 = arith.addi %get3A_215, %add3A_217 : vector<16xi32>
      %gather3A_219 = tpu.vector_load_idx %arg6[%add3A_218] : memref<2000xi32, #tpu.memory_space<vmem>>[vector<16xi32>], vector<16xi32>,
      %swap3A_220 = arith.constant 480 : index
      %swap3A_221 = tpu.vector_load %arg7[%swap3A_220] {strides = array<i32>} : memref<512xi32, #tpu.memory_space<vmem>>, vector<16xi32>,
      tpu.vector_store %arg7[%swap3A_220], %gather3A_219 {strides = array<i32>} : memref<512xi32, #tpu.memory_space<vmem>>, vector<16xi32>,
      %get3A_222 = arith.constant 240 : index
      %get3A_223 = tpu.vector_load %arg5[%get3A_222] {strides = array<i32>} : memref<256xi32, #tpu.memory_space<vmem>>, vector<16xi32>,
      %add3A_224 = arith.constant 1000 : i32
      %add3A_225 = vector.broadcast %add3A_224 : i32 to vector<16xi32>
      %add3A_226 = arith.addi %get3A_223, %add3A_225 : vector<16xi32>
      %gather3A_227 = tpu.vector_load_idx %arg6[%add3A_226] : memref<2000xi32, #tpu.memory_space<vmem>>[vector<16xi32>], vector<16xi32>,
      %swap3A_228 = arith.constant 496 : index
      %swap3A_229 = tpu.vector_load %arg7[%swap3A_228] {strides = array<i32>} : memref<512xi32, #tpu.memory_space<vmem>>, vector<16xi32>,
      tpu.vector_store %arg7[%swap3A_228], %gather3A_227 {strides = array<i32>} : memref<512xi32, #tpu.memory_space<vmem>>, vector<16xi32>,
      "tpu.region"() ({
        %run_scoped3A = tpu.sem_alloc : memref<!tpu.dma_semaphore, #tpu.memory_space<semaphore_mem>>
        %dma_start3A = arith.constant 0 : i32
        %dma_start3A_230 = tpu.memref_slice %arg4[%add3A_4, %dma_start3A] : memref<77x512xi32, #tpu.memory_space<hbm>> -> memref<1x512xi32, #tpu.memory_space<hbm>>
        %dma_start3A_231 = tpu.memref_squeeze %dma_start3A_230 : memref<1x512xi32, #tpu.memory_space<hbm>> -> memref<512xi32, #tpu.memory_space<hbm>>
        %dma_start3A_232 = arith.constant 0 : i32
        %dma_start3A_233 = tpu.memref_slice %arg4[%add3A_4, %dma_start3A_232] : memref<77x512xi32, #tpu.memory_space<hbm>> -> memref<1x512xi32, #tpu.memory_space<hbm>>
        %dma_start3A_234 = tpu.memref_squeeze %dma_start3A_233 : memref<1x512xi32, #tpu.memory_space<hbm>> -> memref<512xi32, #tpu.memory_space<hbm>>
        tpu.enqueue_dma source(%arg7 : memref<512xi32, #tpu.memory_space<vmem>>) target(%dma_start3A_234 : memref<512xi32, #tpu.memory_space<hbm>>) target_semaphore(%run_scoped3A : memref<!tpu.dma_semaphore, #tpu.memory_space<semaphore_mem>>)
        %dma_wait3A = arith.constant 0 : i32
        %dma_wait3A_235 = tpu.memref_slice %arg4[%add3A_4, %dma_wait3A] : memref<77x512xi32, #tpu.memory_space<hbm>> -> memref<1x512xi32, #tpu.memory_space<hbm>>
        %dma_wait3A_236 = tpu.memref_squeeze %dma_wait3A_235 : memref<1x512xi32, #tpu.memory_space<hbm>> -> memref<512xi32, #tpu.memory_space<hbm>>
        %dma_wait3A_237 = arith.constant 0 : i32
        %dma_wait3A_238 = tpu.memref_slice %arg4[%add3A_4, %dma_wait3A_237] : memref<77x512xi32, #tpu.memory_space<hbm>> -> memref<1x512xi32, #tpu.memory_space<hbm>>
        %dma_wait3A_239 = tpu.memref_squeeze %dma_wait3A_238 : memref<1x512xi32, #tpu.memory_space<hbm>> -> memref<512xi32, #tpu.memory_space<hbm>>
        tpu.wait_dma2 semaphore(%run_scoped3A : memref<!tpu.dma_semaphore, #tpu.memory_space<semaphore_mem>>) src(%arg7 : memref<512xi32, #tpu.memory_space<vmem>>) dst(%dma_wait3A_239 : memref<512xi32, #tpu.memory_space<hbm>>)
        tpu.yield
      }) : () -> ()
    } else {
    }
    %mul3A_7 = arith.constant 3 : i32
    %mul3A_8 = arith.muli %add3A, %mul3A_7 : i32
    %add3A_9 = arith.constant 1 : i32
    %add3A_10 = arith.addi %mul3A_8, %add3A_9 : i32
    %lt3A_11 = arith.constant 77 : i32
    %lt3A_12 = arith.cmpi slt, %add3A_10, %lt3A_11 : i32
    %convert_element_type3A_13 = arith.extui %lt3A_12 : i1 to i32
    %cond3A_14 = arith.constant 0 : i32
    %cond3A_15 = arith.cmpi ne, %convert_element_type3A_13, %cond3A_14 : i32
    scf.if %cond3A_15 {
      "tpu.region"() ({
        %run_scoped3A = tpu.sem_alloc : memref<!tpu.dma_semaphore, #tpu.memory_space<semaphore_mem>>
        %dma_start3A = arith.constant 0 : i32
        %dma_start3A_230 = tpu.memref_slice %arg3[%add3A_10, %dma_start3A] : memref<77x2000xi32, #tpu.memory_space<hbm>> -> memref<1x2000xi32, #tpu.memory_space<hbm>>
        %dma_start3A_231 = tpu.memref_squeeze %dma_start3A_230 : memref<1x2000xi32, #tpu.memory_space<hbm>> -> memref<2000xi32, #tpu.memory_space<hbm>>
        %dma_start3A_232 = arith.constant 0 : i32
        %dma_start3A_233 = tpu.memref_slice %arg3[%add3A_10, %dma_start3A_232] : memref<77x2000xi32, #tpu.memory_space<hbm>> -> memref<1x2000xi32, #tpu.memory_space<hbm>>
        %dma_start3A_234 = tpu.memref_squeeze %dma_start3A_233 : memref<1x2000xi32, #tpu.memory_space<hbm>> -> memref<2000xi32, #tpu.memory_space<hbm>>
        tpu.enqueue_dma source(%dma_start3A_234 : memref<2000xi32, #tpu.memory_space<hbm>>) target(%arg6 : memref<2000xi32, #tpu.memory_space<vmem>>) target_semaphore(%run_scoped3A : memref<!tpu.dma_semaphore, #tpu.memory_space<semaphore_mem>>)
        %dma_wait3A = arith.constant 0 : i32
        %dma_wait3A_235 = tpu.memref_slice %arg3[%add3A_10, %dma_wait3A] : memref<77x2000xi32, #tpu.memory_space<hbm>> -> memref<1x2000xi32, #tpu.memory_space<hbm>>
        %dma_wait3A_236 = tpu.memref_squeeze %dma_wait3A_235 : memref<1x2000xi32, #tpu.memory_space<hbm>> -> memref<2000xi32, #tpu.memory_space<hbm>>
        %dma_wait3A_237 = arith.constant 0 : i32
        %dma_wait3A_238 = tpu.memref_slice %arg3[%add3A_10, %dma_wait3A_237] : memref<77x2000xi32, #tpu.memory_space<hbm>> -> memref<1x2000xi32, #tpu.memory_space<hbm>>
        %dma_wait3A_239 = tpu.memref_squeeze %dma_wait3A_238 : memref<1x2000xi32, #tpu.memory_space<hbm>> -> memref<2000xi32, #tpu.memory_space<hbm>>
        tpu.wait_dma2 semaphore(%run_scoped3A : memref<!tpu.dma_semaphore, #tpu.memory_space<semaphore_mem>>) src(%dma_wait3A_239 : memref<2000xi32, #tpu.memory_space<hbm>>) dst(%arg6 : memref<2000xi32, #tpu.memory_space<vmem>>)
        tpu.yield
      }) : () -> ()
      %get3A = arith.constant 0 : index
      %get3A_25 = tpu.vector_load %arg5[%get3A] {strides = array<i32>} : memref<256xi32, #tpu.memory_space<vmem>>, vector<16xi32>,
      %gather3A = tpu.vector_load_idx %arg6[%get3A_25] : memref<2000xi32, #tpu.memory_space<vmem>>[vector<16xi32>], vector<16xi32>,
      %swap3A = arith.constant 0 : index
      %swap3A_26 = tpu.vector_load %arg7[%swap3A] {strides = array<i32>} : memref<512xi32, #tpu.memory_space<vmem>>, vector<16xi32>,
      tpu.vector_store %arg7[%swap3A], %gather3A {strides = array<i32>} : memref<512xi32, #tpu.memory_space<vmem>>, vector<16xi32>,
      %get3A_27 = arith.constant 16 : index
      %get3A_28 = tpu.vector_load %arg5[%get3A_27] {strides = array<i32>} : memref<256xi32, #tpu.memory_space<vmem>>, vector<16xi32>,
      %gather3A_29 = tpu.vector_load_idx %arg6[%get3A_28] : memref<2000xi32, #tpu.memory_space<vmem>>[vector<16xi32>], vector<16xi32>,
      %swap3A_30 = arith.constant 16 : index
      %swap3A_31 = tpu.vector_load %arg7[%swap3A_30] {strides = array<i32>} : memref<512xi32, #tpu.memory_space<vmem>>, vector<16xi32>,
      tpu.vector_store %arg7[%swap3A_30], %gather3A_29 {strides = array<i32>} : memref<512xi32, #tpu.memory_space<vmem>>, vector<16xi32>,
      %get3A_32 = arith.constant 32 : index
      %get3A_33 = tpu.vector_load %arg5[%get3A_32] {strides = array<i32>} : memref<256xi32, #tpu.memory_space<vmem>>, vector<16xi32>,
      %gather3A_34 = tpu.vector_load_idx %arg6[%get3A_33] : memref<2000xi32, #tpu.memory_space<vmem>>[vector<16xi32>], vector<16xi32>,
      %swap3A_35 = arith.constant 32 : index
      %swap3A_36 = tpu.vector_load %arg7[%swap3A_35] {strides = array<i32>} : memref<512xi32, #tpu.memory_space<vmem>>, vector<16xi32>,
      tpu.vector_store %arg7[%swap3A_35], %gather3A_34 {strides = array<i32>} : memref<512xi32, #tpu.memory_space<vmem>>, vector<16xi32>,
      %get3A_37 = arith.constant 48 : index
      %get3A_38 = tpu.vector_load %arg5[%get3A_37] {strides = array<i32>} : memref<256xi32, #tpu.memory_space<vmem>>, vector<16xi32>,
      %gather3A_39 = tpu.vector_load_idx %arg6[%get3A_38] : memref<2000xi32, #tpu.memory_space<vmem>>[vector<16xi32>], vector<16xi32>,
      %swap3A_40 = arith.constant 48 : index
      %swap3A_41 = tpu.vector_load %arg7[%swap3A_40] {strides = array<i32>} : memref<512xi32, #tpu.memory_space<vmem>>, vector<16xi32>,
      tpu.vector_store %arg7[%swap3A_40], %gather3A_39 {strides = array<i32>} : memref<512xi32, #tpu.memory_space<vmem>>, vector<16xi32>,
      %get3A_42 = arith.constant 64 : index
      %get3A_43 = tpu.vector_load %arg5[%get3A_42] {strides = array<i32>} : memref<256xi32, #tpu.memory_space<vmem>>, vector<16xi32>,
      %gather3A_44 = tpu.vector_load_idx %arg6[%get3A_43] : memref<2000xi32, #tpu.memory_space<vmem>>[vector<16xi32>], vector<16xi32>,
      %swap3A_45 = arith.constant 64 : index
      %swap3A_46 = tpu.vector_load %arg7[%swap3A_45] {strides = array<i32>} : memref<512xi32, #tpu.memory_space<vmem>>, vector<16xi32>,
      tpu.vector_store %arg7[%swap3A_45], %gather3A_44 {strides = array<i32>} : memref<512xi32, #tpu.memory_space<vmem>>, vector<16xi32>,
      %get3A_47 = arith.constant 80 : index
      %get3A_48 = tpu.vector_load %arg5[%get3A_47] {strides = array<i32>} : memref<256xi32, #tpu.memory_space<vmem>>, vector<16xi32>,
      %gather3A_49 = tpu.vector_load_idx %arg6[%get3A_48] : memref<2000xi32, #tpu.memory_space<vmem>>[vector<16xi32>], vector<16xi32>,
      %swap3A_50 = arith.constant 80 : index
      %swap3A_51 = tpu.vector_load %arg7[%swap3A_50] {strides = array<i32>} : memref<512xi32, #tpu.memory_space<vmem>>, vector<16xi32>,
      tpu.vector_store %arg7[%swap3A_50], %gather3A_49 {strides = array<i32>} : memref<512xi32, #tpu.memory_space<vmem>>, vector<16xi32>,
      %get3A_52 = arith.constant 96 : index
      %get3A_53 = tpu.vector_load %arg5[%get3A_52] {strides = array<i32>} : memref<256xi32, #tpu.memory_space<vmem>>, vector<16xi32>,
      %gather3A_54 = tpu.vector_load_idx %arg6[%get3A_53] : memref<2000xi32, #tpu.memory_space<vmem>>[vector<16xi32>], vector<16xi32>,
      %swap3A_55 = arith.constant 96 : index
      %swap3A_56 = tpu.vector_load %arg7[%swap3A_55] {strides = array<i32>} : memref<512xi32, #tpu.memory_space<vmem>>, vector<16xi32>,
      tpu.vector_store %arg7[%swap3A_55], %gather3A_54 {strides = array<i32>} : memref<512xi32, #tpu.memory_space<vmem>>, vector<16xi32>,
      %get3A_57 = arith.constant 112 : index
      %get3A_58 = tpu.vector_load %arg5[%get3A_57] {strides = array<i32>} : memref<256xi32, #tpu.memory_space<vmem>>, vector<16xi32>,
      %gather3A_59 = tpu.vector_load_idx %arg6[%get3A_58] : memref<2000xi32, #tpu.memory_space<vmem>>[vector<16xi32>], vector<16xi32>,
      %swap3A_60 = arith.constant 112 : index
      %swap3A_61 = tpu.vector_load %arg7[%swap3A_60] {strides = array<i32>} : memref<512xi32, #tpu.memory_space<vmem>>, vector<16xi32>,
      tpu.vector_store %arg7[%swap3A_60], %gather3A_59 {strides = array<i32>} : memref<512xi32, #tpu.memory_space<vmem>>, vector<16xi32>,
      %get3A_62 = arith.constant 128 : index
      %get3A_63 = tpu.vector_load %arg5[%get3A_62] {strides = array<i32>} : memref<256xi32, #tpu.memory_space<vmem>>, vector<16xi32>,
      %gather3A_64 = tpu.vector_load_idx %arg6[%get3A_63] : memref<2000xi32, #tpu.memory_space<vmem>>[vector<16xi32>], vector<16xi32>,
      %swap3A_65 = arith.constant 128 : index
      %swap3A_66 = tpu.vector_load %arg7[%swap3A_65] {strides = array<i32>} : memref<512xi32, #tpu.memory_space<vmem>>, vector<16xi32>,
      tpu.vector_store %arg7[%swap3A_65], %gather3A_64 {strides = array<i32>} : memref<512xi32, #tpu.memory_space<vmem>>, vector<16xi32>,
      %get3A_67 = arith.constant 144 : index
      %get3A_68 = tpu.vector_load %arg5[%get3A_67] {strides = array<i32>} : memref<256xi32, #tpu.memory_space<vmem>>, vector<16xi32>,
      %gather3A_69 = tpu.vector_load_idx %arg6[%get3A_68] : memref<2000xi32, #tpu.memory_space<vmem>>[vector<16xi32>], vector<16xi32>,
      %swap3A_70 = arith.constant 144 : index
      %swap3A_71 = tpu.vector_load %arg7[%swap3A_70] {strides = array<i32>} : memref<512xi32, #tpu.memory_space<vmem>>, vector<16xi32>,
      tpu.vector_store %arg7[%swap3A_70], %gather3A_69 {strides = array<i32>} : memref<512xi32, #tpu.memory_space<vmem>>, vector<16xi32>,
      %get3A_72 = arith.constant 160 : index
      %get3A_73 = tpu.vector_load %arg5[%get3A_72] {strides = array<i32>} : memref<256xi32, #tpu.memory_space<vmem>>, vector<16xi32>,
      %gather3A_74 = tpu.vector_load_idx %arg6[%get3A_73] : memref<2000xi32, #tpu.memory_space<vmem>>[vector<16xi32>], vector<16xi32>,
      %swap3A_75 = arith.constant 160 : index
      %swap3A_76 = tpu.vector_load %arg7[%swap3A_75] {strides = array<i32>} : memref<512xi32, #tpu.memory_space<vmem>>, vector<16xi32>,
      tpu.vector_store %arg7[%swap3A_75], %gather3A_74 {strides = array<i32>} : memref<512xi32, #tpu.memory_space<vmem>>, vector<16xi32>,
      %get3A_77 = arith.constant 176 : index
      %get3A_78 = tpu.vector_load %arg5[%get3A_77] {strides = array<i32>} : memref<256xi32, #tpu.memory_space<vmem>>, vector<16xi32>,
      %gather3A_79 = tpu.vector_load_idx %arg6[%get3A_78] : memref<2000xi32, #tpu.memory_space<vmem>>[vector<16xi32>], vector<16xi32>,
      %swap3A_80 = arith.constant 176 : index
      %swap3A_81 = tpu.vector_load %arg7[%swap3A_80] {strides = array<i32>} : memref<512xi32, #tpu.memory_space<vmem>>, vector<16xi32>,
      tpu.vector_store %arg7[%swap3A_80], %gather3A_79 {strides = array<i32>} : memref<512xi32, #tpu.memory_space<vmem>>, vector<16xi32>,
      %get3A_82 = arith.constant 192 : index
      %get3A_83 = tpu.vector_load %arg5[%get3A_82] {strides = array<i32>} : memref<256xi32, #tpu.memory_space<vmem>>, vector<16xi32>,
      %gather3A_84 = tpu.vector_load_idx %arg6[%get3A_83] : memref<2000xi32, #tpu.memory_space<vmem>>[vector<16xi32>], vector<16xi32>,
      %swap3A_85 = arith.constant 192 : index
      %swap3A_86 = tpu.vector_load %arg7[%swap3A_85] {strides = array<i32>} : memref<512xi32, #tpu.memory_space<vmem>>, vector<16xi32>,
      tpu.vector_store %arg7[%swap3A_85], %gather3A_84 {strides = array<i32>} : memref<512xi32, #tpu.memory_space<vmem>>, vector<16xi32>,
      %get3A_87 = arith.constant 208 : index
      %get3A_88 = tpu.vector_load %arg5[%get3A_87] {strides = array<i32>} : memref<256xi32, #tpu.memory_space<vmem>>, vector<16xi32>,
      %gather3A_89 = tpu.vector_load_idx %arg6[%get3A_88] : memref<2000xi32, #tpu.memory_space<vmem>>[vector<16xi32>], vector<16xi32>,
      %swap3A_90 = arith.constant 208 : index
      %swap3A_91 = tpu.vector_load %arg7[%swap3A_90] {strides = array<i32>} : memref<512xi32, #tpu.memory_space<vmem>>, vector<16xi32>,
      tpu.vector_store %arg7[%swap3A_90], %gather3A_89 {strides = array<i32>} : memref<512xi32, #tpu.memory_space<vmem>>, vector<16xi32>,
      %get3A_92 = arith.constant 224 : index
      %get3A_93 = tpu.vector_load %arg5[%get3A_92] {strides = array<i32>} : memref<256xi32, #tpu.memory_space<vmem>>, vector<16xi32>,
      %gather3A_94 = tpu.vector_load_idx %arg6[%get3A_93] : memref<2000xi32, #tpu.memory_space<vmem>>[vector<16xi32>], vector<16xi32>,
      %swap3A_95 = arith.constant 224 : index
      %swap3A_96 = tpu.vector_load %arg7[%swap3A_95] {strides = array<i32>} : memref<512xi32, #tpu.memory_space<vmem>>, vector<16xi32>,
      tpu.vector_store %arg7[%swap3A_95], %gather3A_94 {strides = array<i32>} : memref<512xi32, #tpu.memory_space<vmem>>, vector<16xi32>,
      %get3A_97 = arith.constant 240 : index
      %get3A_98 = tpu.vector_load %arg5[%get3A_97] {strides = array<i32>} : memref<256xi32, #tpu.memory_space<vmem>>, vector<16xi32>,
      %gather3A_99 = tpu.vector_load_idx %arg6[%get3A_98] : memref<2000xi32, #tpu.memory_space<vmem>>[vector<16xi32>], vector<16xi32>,
      %swap3A_100 = arith.constant 240 : index
      %swap3A_101 = tpu.vector_load %arg7[%swap3A_100] {strides = array<i32>} : memref<512xi32, #tpu.memory_space<vmem>>, vector<16xi32>,
      tpu.vector_store %arg7[%swap3A_100], %gather3A_99 {strides = array<i32>} : memref<512xi32, #tpu.memory_space<vmem>>, vector<16xi32>,
      %get3A_102 = arith.constant 0 : index
      %get3A_103 = tpu.vector_load %arg5[%get3A_102] {strides = array<i32>} : memref<256xi32, #tpu.memory_space<vmem>>, vector<16xi32>,
      %add3A_104 = arith.constant 1000 : i32
      %add3A_105 = vector.broadcast %add3A_104 : i32 to vector<16xi32>
      %add3A_106 = arith.addi %get3A_103, %add3A_105 : vector<16xi32>
      %gather3A_107 = tpu.vector_load_idx %arg6[%add3A_106] : memref<2000xi32, #tpu.memory_space<vmem>>[vector<16xi32>], vector<16xi32>,
      %swap3A_108 = arith.constant 256 : index
      %swap3A_109 = tpu.vector_load %arg7[%swap3A_108] {strides = array<i32>} : memref<512xi32, #tpu.memory_space<vmem>>, vector<16xi32>,
      tpu.vector_store %arg7[%swap3A_108], %gather3A_107 {strides = array<i32>} : memref<512xi32, #tpu.memory_space<vmem>>, vector<16xi32>,
      %get3A_110 = arith.constant 16 : index
      %get3A_111 = tpu.vector_load %arg5[%get3A_110] {strides = array<i32>} : memref<256xi32, #tpu.memory_space<vmem>>, vector<16xi32>,
      %add3A_112 = arith.constant 1000 : i32
      %add3A_113 = vector.broadcast %add3A_112 : i32 to vector<16xi32>
      %add3A_114 = arith.addi %get3A_111, %add3A_113 : vector<16xi32>
      %gather3A_115 = tpu.vector_load_idx %arg6[%add3A_114] : memref<2000xi32, #tpu.memory_space<vmem>>[vector<16xi32>], vector<16xi32>,
      %swap3A_116 = arith.constant 272 : index
      %swap3A_117 = tpu.vector_load %arg7[%swap3A_116] {strides = array<i32>} : memref<512xi32, #tpu.memory_space<vmem>>, vector<16xi32>,
      tpu.vector_store %arg7[%swap3A_116], %gather3A_115 {strides = array<i32>} : memref<512xi32, #tpu.memory_space<vmem>>, vector<16xi32>,
      %get3A_118 = arith.constant 32 : index
      %get3A_119 = tpu.vector_load %arg5[%get3A_118] {strides = array<i32>} : memref<256xi32, #tpu.memory_space<vmem>>, vector<16xi32>,
      %add3A_120 = arith.constant 1000 : i32
      %add3A_121 = vector.broadcast %add3A_120 : i32 to vector<16xi32>
      %add3A_122 = arith.addi %get3A_119, %add3A_121 : vector<16xi32>
      %gather3A_123 = tpu.vector_load_idx %arg6[%add3A_122] : memref<2000xi32, #tpu.memory_space<vmem>>[vector<16xi32>], vector<16xi32>,
      %swap3A_124 = arith.constant 288 : index
      %swap3A_125 = tpu.vector_load %arg7[%swap3A_124] {strides = array<i32>} : memref<512xi32, #tpu.memory_space<vmem>>, vector<16xi32>,
      tpu.vector_store %arg7[%swap3A_124], %gather3A_123 {strides = array<i32>} : memref<512xi32, #tpu.memory_space<vmem>>, vector<16xi32>,
      %get3A_126 = arith.constant 48 : index
      %get3A_127 = tpu.vector_load %arg5[%get3A_126] {strides = array<i32>} : memref<256xi32, #tpu.memory_space<vmem>>, vector<16xi32>,
      %add3A_128 = arith.constant 1000 : i32
      %add3A_129 = vector.broadcast %add3A_128 : i32 to vector<16xi32>
      %add3A_130 = arith.addi %get3A_127, %add3A_129 : vector<16xi32>
      %gather3A_131 = tpu.vector_load_idx %arg6[%add3A_130] : memref<2000xi32, #tpu.memory_space<vmem>>[vector<16xi32>], vector<16xi32>,
      %swap3A_132 = arith.constant 304 : index
      %swap3A_133 = tpu.vector_load %arg7[%swap3A_132] {strides = array<i32>} : memref<512xi32, #tpu.memory_space<vmem>>, vector<16xi32>,
      tpu.vector_store %arg7[%swap3A_132], %gather3A_131 {strides = array<i32>} : memref<512xi32, #tpu.memory_space<vmem>>, vector<16xi32>,
      %get3A_134 = arith.constant 64 : index
      %get3A_135 = tpu.vector_load %arg5[%get3A_134] {strides = array<i32>} : memref<256xi32, #tpu.memory_space<vmem>>, vector<16xi32>,
      %add3A_136 = arith.constant 1000 : i32
      %add3A_137 = vector.broadcast %add3A_136 : i32 to vector<16xi32>
      %add3A_138 = arith.addi %get3A_135, %add3A_137 : vector<16xi32>
      %gather3A_139 = tpu.vector_load_idx %arg6[%add3A_138] : memref<2000xi32, #tpu.memory_space<vmem>>[vector<16xi32>], vector<16xi32>,
      %swap3A_140 = arith.constant 320 : index
      %swap3A_141 = tpu.vector_load %arg7[%swap3A_140] {strides = array<i32>} : memref<512xi32, #tpu.memory_space<vmem>>, vector<16xi32>,
      tpu.vector_store %arg7[%swap3A_140], %gather3A_139 {strides = array<i32>} : memref<512xi32, #tpu.memory_space<vmem>>, vector<16xi32>,
      %get3A_142 = arith.constant 80 : index
      %get3A_143 = tpu.vector_load %arg5[%get3A_142] {strides = array<i32>} : memref<256xi32, #tpu.memory_space<vmem>>, vector<16xi32>,
      %add3A_144 = arith.constant 1000 : i32
      %add3A_145 = vector.broadcast %add3A_144 : i32 to vector<16xi32>
      %add3A_146 = arith.addi %get3A_143, %add3A_145 : vector<16xi32>
      %gather3A_147 = tpu.vector_load_idx %arg6[%add3A_146] : memref<2000xi32, #tpu.memory_space<vmem>>[vector<16xi32>], vector<16xi32>,
      %swap3A_148 = arith.constant 336 : index
      %swap3A_149 = tpu.vector_load %arg7[%swap3A_148] {strides = array<i32>} : memref<512xi32, #tpu.memory_space<vmem>>, vector<16xi32>,
      tpu.vector_store %arg7[%swap3A_148], %gather3A_147 {strides = array<i32>} : memref<512xi32, #tpu.memory_space<vmem>>, vector<16xi32>,
      %get3A_150 = arith.constant 96 : index
      %get3A_151 = tpu.vector_load %arg5[%get3A_150] {strides = array<i32>} : memref<256xi32, #tpu.memory_space<vmem>>, vector<16xi32>,
      %add3A_152 = arith.constant 1000 : i32
      %add3A_153 = vector.broadcast %add3A_152 : i32 to vector<16xi32>
      %add3A_154 = arith.addi %get3A_151, %add3A_153 : vector<16xi32>
      %gather3A_155 = tpu.vector_load_idx %arg6[%add3A_154] : memref<2000xi32, #tpu.memory_space<vmem>>[vector<16xi32>], vector<16xi32>,
      %swap3A_156 = arith.constant 352 : index
      %swap3A_157 = tpu.vector_load %arg7[%swap3A_156] {strides = array<i32>} : memref<512xi32, #tpu.memory_space<vmem>>, vector<16xi32>,
      tpu.vector_store %arg7[%swap3A_156], %gather3A_155 {strides = array<i32>} : memref<512xi32, #tpu.memory_space<vmem>>, vector<16xi32>,
      %get3A_158 = arith.constant 112 : index
      %get3A_159 = tpu.vector_load %arg5[%get3A_158] {strides = array<i32>} : memref<256xi32, #tpu.memory_space<vmem>>, vector<16xi32>,
      %add3A_160 = arith.constant 1000 : i32
      %add3A_161 = vector.broadcast %add3A_160 : i32 to vector<16xi32>
      %add3A_162 = arith.addi %get3A_159, %add3A_161 : vector<16xi32>
      %gather3A_163 = tpu.vector_load_idx %arg6[%add3A_162] : memref<2000xi32, #tpu.memory_space<vmem>>[vector<16xi32>], vector<16xi32>,
      %swap3A_164 = arith.constant 368 : index
      %swap3A_165 = tpu.vector_load %arg7[%swap3A_164] {strides = array<i32>} : memref<512xi32, #tpu.memory_space<vmem>>, vector<16xi32>,
      tpu.vector_store %arg7[%swap3A_164], %gather3A_163 {strides = array<i32>} : memref<512xi32, #tpu.memory_space<vmem>>, vector<16xi32>,
      %get3A_166 = arith.constant 128 : index
      %get3A_167 = tpu.vector_load %arg5[%get3A_166] {strides = array<i32>} : memref<256xi32, #tpu.memory_space<vmem>>, vector<16xi32>,
      %add3A_168 = arith.constant 1000 : i32
      %add3A_169 = vector.broadcast %add3A_168 : i32 to vector<16xi32>
      %add3A_170 = arith.addi %get3A_167, %add3A_169 : vector<16xi32>
      %gather3A_171 = tpu.vector_load_idx %arg6[%add3A_170] : memref<2000xi32, #tpu.memory_space<vmem>>[vector<16xi32>], vector<16xi32>,
      %swap3A_172 = arith.constant 384 : index
      %swap3A_173 = tpu.vector_load %arg7[%swap3A_172] {strides = array<i32>} : memref<512xi32, #tpu.memory_space<vmem>>, vector<16xi32>,
      tpu.vector_store %arg7[%swap3A_172], %gather3A_171 {strides = array<i32>} : memref<512xi32, #tpu.memory_space<vmem>>, vector<16xi32>,
      %get3A_174 = arith.constant 144 : index
      %get3A_175 = tpu.vector_load %arg5[%get3A_174] {strides = array<i32>} : memref<256xi32, #tpu.memory_space<vmem>>, vector<16xi32>,
      %add3A_176 = arith.constant 1000 : i32
      %add3A_177 = vector.broadcast %add3A_176 : i32 to vector<16xi32>
      %add3A_178 = arith.addi %get3A_175, %add3A_177 : vector<16xi32>
      %gather3A_179 = tpu.vector_load_idx %arg6[%add3A_178] : memref<2000xi32, #tpu.memory_space<vmem>>[vector<16xi32>], vector<16xi32>,
      %swap3A_180 = arith.constant 400 : index
      %swap3A_181 = tpu.vector_load %arg7[%swap3A_180] {strides = array<i32>} : memref<512xi32, #tpu.memory_space<vmem>>, vector<16xi32>,
      tpu.vector_store %arg7[%swap3A_180], %gather3A_179 {strides = array<i32>} : memref<512xi32, #tpu.memory_space<vmem>>, vector<16xi32>,
      %get3A_182 = arith.constant 160 : index
      %get3A_183 = tpu.vector_load %arg5[%get3A_182] {strides = array<i32>} : memref<256xi32, #tpu.memory_space<vmem>>, vector<16xi32>,
      %add3A_184 = arith.constant 1000 : i32
      %add3A_185 = vector.broadcast %add3A_184 : i32 to vector<16xi32>
      %add3A_186 = arith.addi %get3A_183, %add3A_185 : vector<16xi32>
      %gather3A_187 = tpu.vector_load_idx %arg6[%add3A_186] : memref<2000xi32, #tpu.memory_space<vmem>>[vector<16xi32>], vector<16xi32>,
      %swap3A_188 = arith.constant 416 : index
      %swap3A_189 = tpu.vector_load %arg7[%swap3A_188] {strides = array<i32>} : memref<512xi32, #tpu.memory_space<vmem>>, vector<16xi32>,
      tpu.vector_store %arg7[%swap3A_188], %gather3A_187 {strides = array<i32>} : memref<512xi32, #tpu.memory_space<vmem>>, vector<16xi32>,
      %get3A_190 = arith.constant 176 : index
      %get3A_191 = tpu.vector_load %arg5[%get3A_190] {strides = array<i32>} : memref<256xi32, #tpu.memory_space<vmem>>, vector<16xi32>,
      %add3A_192 = arith.constant 1000 : i32
      %add3A_193 = vector.broadcast %add3A_192 : i32 to vector<16xi32>
      %add3A_194 = arith.addi %get3A_191, %add3A_193 : vector<16xi32>
      %gather3A_195 = tpu.vector_load_idx %arg6[%add3A_194] : memref<2000xi32, #tpu.memory_space<vmem>>[vector<16xi32>], vector<16xi32>,
      %swap3A_196 = arith.constant 432 : index
      %swap3A_197 = tpu.vector_load %arg7[%swap3A_196] {strides = array<i32>} : memref<512xi32, #tpu.memory_space<vmem>>, vector<16xi32>,
      tpu.vector_store %arg7[%swap3A_196], %gather3A_195 {strides = array<i32>} : memref<512xi32, #tpu.memory_space<vmem>>, vector<16xi32>,
      %get3A_198 = arith.constant 192 : index
      %get3A_199 = tpu.vector_load %arg5[%get3A_198] {strides = array<i32>} : memref<256xi32, #tpu.memory_space<vmem>>, vector<16xi32>,
      %add3A_200 = arith.constant 1000 : i32
      %add3A_201 = vector.broadcast %add3A_200 : i32 to vector<16xi32>
      %add3A_202 = arith.addi %get3A_199, %add3A_201 : vector<16xi32>
      %gather3A_203 = tpu.vector_load_idx %arg6[%add3A_202] : memref<2000xi32, #tpu.memory_space<vmem>>[vector<16xi32>], vector<16xi32>,
      %swap3A_204 = arith.constant 448 : index
      %swap3A_205 = tpu.vector_load %arg7[%swap3A_204] {strides = array<i32>} : memref<512xi32, #tpu.memory_space<vmem>>, vector<16xi32>,
      tpu.vector_store %arg7[%swap3A_204], %gather3A_203 {strides = array<i32>} : memref<512xi32, #tpu.memory_space<vmem>>, vector<16xi32>,
      %get3A_206 = arith.constant 208 : index
      %get3A_207 = tpu.vector_load %arg5[%get3A_206] {strides = array<i32>} : memref<256xi32, #tpu.memory_space<vmem>>, vector<16xi32>,
      %add3A_208 = arith.constant 1000 : i32
      %add3A_209 = vector.broadcast %add3A_208 : i32 to vector<16xi32>
      %add3A_210 = arith.addi %get3A_207, %add3A_209 : vector<16xi32>
      %gather3A_211 = tpu.vector_load_idx %arg6[%add3A_210] : memref<2000xi32, #tpu.memory_space<vmem>>[vector<16xi32>], vector<16xi32>,
      %swap3A_212 = arith.constant 464 : index
      %swap3A_213 = tpu.vector_load %arg7[%swap3A_212] {strides = array<i32>} : memref<512xi32, #tpu.memory_space<vmem>>, vector<16xi32>,
      tpu.vector_store %arg7[%swap3A_212], %gather3A_211 {strides = array<i32>} : memref<512xi32, #tpu.memory_space<vmem>>, vector<16xi32>,
      %get3A_214 = arith.constant 224 : index
      %get3A_215 = tpu.vector_load %arg5[%get3A_214] {strides = array<i32>} : memref<256xi32, #tpu.memory_space<vmem>>, vector<16xi32>,
      %add3A_216 = arith.constant 1000 : i32
      %add3A_217 = vector.broadcast %add3A_216 : i32 to vector<16xi32>
      %add3A_218 = arith.addi %get3A_215, %add3A_217 : vector<16xi32>
      %gather3A_219 = tpu.vector_load_idx %arg6[%add3A_218] : memref<2000xi32, #tpu.memory_space<vmem>>[vector<16xi32>], vector<16xi32>,
      %swap3A_220 = arith.constant 480 : index
      %swap3A_221 = tpu.vector_load %arg7[%swap3A_220] {strides = array<i32>} : memref<512xi32, #tpu.memory_space<vmem>>, vector<16xi32>,
      tpu.vector_store %arg7[%swap3A_220], %gather3A_219 {strides = array<i32>} : memref<512xi32, #tpu.memory_space<vmem>>, vector<16xi32>,
      %get3A_222 = arith.constant 240 : index
      %get3A_223 = tpu.vector_load %arg5[%get3A_222] {strides = array<i32>} : memref<256xi32, #tpu.memory_space<vmem>>, vector<16xi32>,
      %add3A_224 = arith.constant 1000 : i32
      %add3A_225 = vector.broadcast %add3A_224 : i32 to vector<16xi32>
      %add3A_226 = arith.addi %get3A_223, %add3A_225 : vector<16xi32>
      %gather3A_227 = tpu.vector_load_idx %arg6[%add3A_226] : memref<2000xi32, #tpu.memory_space<vmem>>[vector<16xi32>], vector<16xi32>,
      %swap3A_228 = arith.constant 496 : index
      %swap3A_229 = tpu.vector_load %arg7[%swap3A_228] {strides = array<i32>} : memref<512xi32, #tpu.memory_space<vmem>>, vector<16xi32>,
      tpu.vector_store %arg7[%swap3A_228], %gather3A_227 {strides = array<i32>} : memref<512xi32, #tpu.memory_space<vmem>>, vector<16xi32>,
      "tpu.region"() ({
        %run_scoped3A = tpu.sem_alloc : memref<!tpu.dma_semaphore, #tpu.memory_space<semaphore_mem>>
        %dma_start3A = arith.constant 0 : i32
        %dma_start3A_230 = tpu.memref_slice %arg4[%add3A_10, %dma_start3A] : memref<77x512xi32, #tpu.memory_space<hbm>> -> memref<1x512xi32, #tpu.memory_space<hbm>>
        %dma_start3A_231 = tpu.memref_squeeze %dma_start3A_230 : memref<1x512xi32, #tpu.memory_space<hbm>> -> memref<512xi32, #tpu.memory_space<hbm>>
        %dma_start3A_232 = arith.constant 0 : i32
        %dma_start3A_233 = tpu.memref_slice %arg4[%add3A_10, %dma_start3A_232] : memref<77x512xi32, #tpu.memory_space<hbm>> -> memref<1x512xi32, #tpu.memory_space<hbm>>
        %dma_start3A_234 = tpu.memref_squeeze %dma_start3A_233 : memref<1x512xi32, #tpu.memory_space<hbm>> -> memref<512xi32, #tpu.memory_space<hbm>>
        tpu.enqueue_dma source(%arg7 : memref<512xi32, #tpu.memory_space<vmem>>) target(%dma_start3A_234 : memref<512xi32, #tpu.memory_space<hbm>>) target_semaphore(%run_scoped3A : memref<!tpu.dma_semaphore, #tpu.memory_space<semaphore_mem>>)
        %dma_wait3A = arith.constant 0 : i32
        %dma_wait3A_235 = tpu.memref_slice %arg4[%add3A_10, %dma_wait3A] : memref<77x512xi32, #tpu.memory_space<hbm>> -> memref<1x512xi32, #tpu.memory_space<hbm>>
        %dma_wait3A_236 = tpu.memref_squeeze %dma_wait3A_235 : memref<1x512xi32, #tpu.memory_space<hbm>> -> memref<512xi32, #tpu.memory_space<hbm>>
        %dma_wait3A_237 = arith.constant 0 : i32
        %dma_wait3A_238 = tpu.memref_slice %arg4[%add3A_10, %dma_wait3A_237] : memref<77x512xi32, #tpu.memory_space<hbm>> -> memref<1x512xi32, #tpu.memory_space<hbm>>
        %dma_wait3A_239 = tpu.memref_squeeze %dma_wait3A_238 : memref<1x512xi32, #tpu.memory_space<hbm>> -> memref<512xi32, #tpu.memory_space<hbm>>
        tpu.wait_dma2 semaphore(%run_scoped3A : memref<!tpu.dma_semaphore, #tpu.memory_space<semaphore_mem>>) src(%arg7 : memref<512xi32, #tpu.memory_space<vmem>>) dst(%dma_wait3A_239 : memref<512xi32, #tpu.memory_space<hbm>>)
        tpu.yield
      }) : () -> ()
    } else {
    }
    %mul3A_16 = arith.constant 3 : i32
    %mul3A_17 = arith.muli %add3A, %mul3A_16 : i32
    %add3A_18 = arith.constant 2 : i32
    %add3A_19 = arith.addi %mul3A_17, %add3A_18 : i32
    %lt3A_20 = arith.constant 77 : i32
    %lt3A_21 = arith.cmpi slt, %add3A_19, %lt3A_20 : i32
    %convert_element_type3A_22 = arith.extui %lt3A_21 : i1 to i32
    %cond3A_23 = arith.constant 0 : i32
    %cond3A_24 = arith.cmpi ne, %convert_element_type3A_22, %cond3A_23 : i32
    scf.if %cond3A_24 {
      "tpu.region"() ({
        %run_scoped3A = tpu.sem_alloc : memref<!tpu.dma_semaphore, #tpu.memory_space<semaphore_mem>>
        %dma_start3A = arith.constant 0 : i32
        %dma_start3A_230 = tpu.memref_slice %arg3[%add3A_19, %dma_start3A] : memref<77x2000xi32, #tpu.memory_space<hbm>> -> memref<1x2000xi32, #tpu.memory_space<hbm>>
        %dma_start3A_231 = tpu.memref_squeeze %dma_start3A_230 : memref<1x2000xi32, #tpu.memory_space<hbm>> -> memref<2000xi32, #tpu.memory_space<hbm>>
        %dma_start3A_232 = arith.constant 0 : i32
        %dma_start3A_233 = tpu.memref_slice %arg3[%add3A_19, %dma_start3A_232] : memref<77x2000xi32, #tpu.memory_space<hbm>> -> memref<1x2000xi32, #tpu.memory_space<hbm>>
        %dma_start3A_234 = tpu.memref_squeeze %dma_start3A_233 : memref<1x2000xi32, #tpu.memory_space<hbm>> -> memref<2000xi32, #tpu.memory_space<hbm>>
        tpu.enqueue_dma source(%dma_start3A_234 : memref<2000xi32, #tpu.memory_space<hbm>>) target(%arg6 : memref<2000xi32, #tpu.memory_space<vmem>>) target_semaphore(%run_scoped3A : memref<!tpu.dma_semaphore, #tpu.memory_space<semaphore_mem>>)
        %dma_wait3A = arith.constant 0 : i32
        %dma_wait3A_235 = tpu.memref_slice %arg3[%add3A_19, %dma_wait3A] : memref<77x2000xi32, #tpu.memory_space<hbm>> -> memref<1x2000xi32, #tpu.memory_space<hbm>>
        %dma_wait3A_236 = tpu.memref_squeeze %dma_wait3A_235 : memref<1x2000xi32, #tpu.memory_space<hbm>> -> memref<2000xi32, #tpu.memory_space<hbm>>
        %dma_wait3A_237 = arith.constant 0 : i32
        %dma_wait3A_238 = tpu.memref_slice %arg3[%add3A_19, %dma_wait3A_237] : memref<77x2000xi32, #tpu.memory_space<hbm>> -> memref<1x2000xi32, #tpu.memory_space<hbm>>
        %dma_wait3A_239 = tpu.memref_squeeze %dma_wait3A_238 : memref<1x2000xi32, #tpu.memory_space<hbm>> -> memref<2000xi32, #tpu.memory_space<hbm>>
        tpu.wait_dma2 semaphore(%run_scoped3A : memref<!tpu.dma_semaphore, #tpu.memory_space<semaphore_mem>>) src(%dma_wait3A_239 : memref<2000xi32, #tpu.memory_space<hbm>>) dst(%arg6 : memref<2000xi32, #tpu.memory_space<vmem>>)
        tpu.yield
      }) : () -> ()
      %get3A = arith.constant 0 : index
      %get3A_25 = tpu.vector_load %arg5[%get3A] {strides = array<i32>} : memref<256xi32, #tpu.memory_space<vmem>>, vector<16xi32>,
      %gather3A = tpu.vector_load_idx %arg6[%get3A_25] : memref<2000xi32, #tpu.memory_space<vmem>>[vector<16xi32>], vector<16xi32>,
      %swap3A = arith.constant 0 : index
      %swap3A_26 = tpu.vector_load %arg7[%swap3A] {strides = array<i32>} : memref<512xi32, #tpu.memory_space<vmem>>, vector<16xi32>,
      tpu.vector_store %arg7[%swap3A], %gather3A {strides = array<i32>} : memref<512xi32, #tpu.memory_space<vmem>>, vector<16xi32>,
      %get3A_27 = arith.constant 16 : index
      %get3A_28 = tpu.vector_load %arg5[%get3A_27] {strides = array<i32>} : memref<256xi32, #tpu.memory_space<vmem>>, vector<16xi32>,
      %gather3A_29 = tpu.vector_load_idx %arg6[%get3A_28] : memref<2000xi32, #tpu.memory_space<vmem>>[vector<16xi32>], vector<16xi32>,
      %swap3A_30 = arith.constant 16 : index
      %swap3A_31 = tpu.vector_load %arg7[%swap3A_30] {strides = array<i32>} : memref<512xi32, #tpu.memory_space<vmem>>, vector<16xi32>,
      tpu.vector_store %arg7[%swap3A_30], %gather3A_29 {strides = array<i32>} : memref<512xi32, #tpu.memory_space<vmem>>, vector<16xi32>,
      %get3A_32 = arith.constant 32 : index
      %get3A_33 = tpu.vector_load %arg5[%get3A_32] {strides = array<i32>} : memref<256xi32, #tpu.memory_space<vmem>>, vector<16xi32>,
      %gather3A_34 = tpu.vector_load_idx %arg6[%get3A_33] : memref<2000xi32, #tpu.memory_space<vmem>>[vector<16xi32>], vector<16xi32>,
      %swap3A_35 = arith.constant 32 : index
      %swap3A_36 = tpu.vector_load %arg7[%swap3A_35] {strides = array<i32>} : memref<512xi32, #tpu.memory_space<vmem>>, vector<16xi32>,
      tpu.vector_store %arg7[%swap3A_35], %gather3A_34 {strides = array<i32>} : memref<512xi32, #tpu.memory_space<vmem>>, vector<16xi32>,
      %get3A_37 = arith.constant 48 : index
      %get3A_38 = tpu.vector_load %arg5[%get3A_37] {strides = array<i32>} : memref<256xi32, #tpu.memory_space<vmem>>, vector<16xi32>,
      %gather3A_39 = tpu.vector_load_idx %arg6[%get3A_38] : memref<2000xi32, #tpu.memory_space<vmem>>[vector<16xi32>], vector<16xi32>,
      %swap3A_40 = arith.constant 48 : index
      %swap3A_41 = tpu.vector_load %arg7[%swap3A_40] {strides = array<i32>} : memref<512xi32, #tpu.memory_space<vmem>>, vector<16xi32>,
      tpu.vector_store %arg7[%swap3A_40], %gather3A_39 {strides = array<i32>} : memref<512xi32, #tpu.memory_space<vmem>>, vector<16xi32>,
      %get3A_42 = arith.constant 64 : index
      %get3A_43 = tpu.vector_load %arg5[%get3A_42] {strides = array<i32>} : memref<256xi32, #tpu.memory_space<vmem>>, vector<16xi32>,
      %gather3A_44 = tpu.vector_load_idx %arg6[%get3A_43] : memref<2000xi32, #tpu.memory_space<vmem>>[vector<16xi32>], vector<16xi32>,
      %swap3A_45 = arith.constant 64 : index
      %swap3A_46 = tpu.vector_load %arg7[%swap3A_45] {strides = array<i32>} : memref<512xi32, #tpu.memory_space<vmem>>, vector<16xi32>,
      tpu.vector_store %arg7[%swap3A_45], %gather3A_44 {strides = array<i32>} : memref<512xi32, #tpu.memory_space<vmem>>, vector<16xi32>,
      %get3A_47 = arith.constant 80 : index
      %get3A_48 = tpu.vector_load %arg5[%get3A_47] {strides = array<i32>} : memref<256xi32, #tpu.memory_space<vmem>>, vector<16xi32>,
      %gather3A_49 = tpu.vector_load_idx %arg6[%get3A_48] : memref<2000xi32, #tpu.memory_space<vmem>>[vector<16xi32>], vector<16xi32>,
      %swap3A_50 = arith.constant 80 : index
      %swap3A_51 = tpu.vector_load %arg7[%swap3A_50] {strides = array<i32>} : memref<512xi32, #tpu.memory_space<vmem>>, vector<16xi32>,
      tpu.vector_store %arg7[%swap3A_50], %gather3A_49 {strides = array<i32>} : memref<512xi32, #tpu.memory_space<vmem>>, vector<16xi32>,
      %get3A_52 = arith.constant 96 : index
      %get3A_53 = tpu.vector_load %arg5[%get3A_52] {strides = array<i32>} : memref<256xi32, #tpu.memory_space<vmem>>, vector<16xi32>,
      %gather3A_54 = tpu.vector_load_idx %arg6[%get3A_53] : memref<2000xi32, #tpu.memory_space<vmem>>[vector<16xi32>], vector<16xi32>,
      %swap3A_55 = arith.constant 96 : index
      %swap3A_56 = tpu.vector_load %arg7[%swap3A_55] {strides = array<i32>} : memref<512xi32, #tpu.memory_space<vmem>>, vector<16xi32>,
      tpu.vector_store %arg7[%swap3A_55], %gather3A_54 {strides = array<i32>} : memref<512xi32, #tpu.memory_space<vmem>>, vector<16xi32>,
      %get3A_57 = arith.constant 112 : index
      %get3A_58 = tpu.vector_load %arg5[%get3A_57] {strides = array<i32>} : memref<256xi32, #tpu.memory_space<vmem>>, vector<16xi32>,
      %gather3A_59 = tpu.vector_load_idx %arg6[%get3A_58] : memref<2000xi32, #tpu.memory_space<vmem>>[vector<16xi32>], vector<16xi32>,
      %swap3A_60 = arith.constant 112 : index
      %swap3A_61 = tpu.vector_load %arg7[%swap3A_60] {strides = array<i32>} : memref<512xi32, #tpu.memory_space<vmem>>, vector<16xi32>,
      tpu.vector_store %arg7[%swap3A_60], %gather3A_59 {strides = array<i32>} : memref<512xi32, #tpu.memory_space<vmem>>, vector<16xi32>,
      %get3A_62 = arith.constant 128 : index
      %get3A_63 = tpu.vector_load %arg5[%get3A_62] {strides = array<i32>} : memref<256xi32, #tpu.memory_space<vmem>>, vector<16xi32>,
      %gather3A_64 = tpu.vector_load_idx %arg6[%get3A_63] : memref<2000xi32, #tpu.memory_space<vmem>>[vector<16xi32>], vector<16xi32>,
      %swap3A_65 = arith.constant 128 : index
      %swap3A_66 = tpu.vector_load %arg7[%swap3A_65] {strides = array<i32>} : memref<512xi32, #tpu.memory_space<vmem>>, vector<16xi32>,
      tpu.vector_store %arg7[%swap3A_65], %gather3A_64 {strides = array<i32>} : memref<512xi32, #tpu.memory_space<vmem>>, vector<16xi32>,
      %get3A_67 = arith.constant 144 : index
      %get3A_68 = tpu.vector_load %arg5[%get3A_67] {strides = array<i32>} : memref<256xi32, #tpu.memory_space<vmem>>, vector<16xi32>,
      %gather3A_69 = tpu.vector_load_idx %arg6[%get3A_68] : memref<2000xi32, #tpu.memory_space<vmem>>[vector<16xi32>], vector<16xi32>,
      %swap3A_70 = arith.constant 144 : index
      %swap3A_71 = tpu.vector_load %arg7[%swap3A_70] {strides = array<i32>} : memref<512xi32, #tpu.memory_space<vmem>>, vector<16xi32>,
      tpu.vector_store %arg7[%swap3A_70], %gather3A_69 {strides = array<i32>} : memref<512xi32, #tpu.memory_space<vmem>>, vector<16xi32>,
      %get3A_72 = arith.constant 160 : index
      %get3A_73 = tpu.vector_load %arg5[%get3A_72] {strides = array<i32>} : memref<256xi32, #tpu.memory_space<vmem>>, vector<16xi32>,
      %gather3A_74 = tpu.vector_load_idx %arg6[%get3A_73] : memref<2000xi32, #tpu.memory_space<vmem>>[vector<16xi32>], vector<16xi32>,
      %swap3A_75 = arith.constant 160 : index
      %swap3A_76 = tpu.vector_load %arg7[%swap3A_75] {strides = array<i32>} : memref<512xi32, #tpu.memory_space<vmem>>, vector<16xi32>,
      tpu.vector_store %arg7[%swap3A_75], %gather3A_74 {strides = array<i32>} : memref<512xi32, #tpu.memory_space<vmem>>, vector<16xi32>,
      %get3A_77 = arith.constant 176 : index
      %get3A_78 = tpu.vector_load %arg5[%get3A_77] {strides = array<i32>} : memref<256xi32, #tpu.memory_space<vmem>>, vector<16xi32>,
      %gather3A_79 = tpu.vector_load_idx %arg6[%get3A_78] : memref<2000xi32, #tpu.memory_space<vmem>>[vector<16xi32>], vector<16xi32>,
      %swap3A_80 = arith.constant 176 : index
      %swap3A_81 = tpu.vector_load %arg7[%swap3A_80] {strides = array<i32>} : memref<512xi32, #tpu.memory_space<vmem>>, vector<16xi32>,
      tpu.vector_store %arg7[%swap3A_80], %gather3A_79 {strides = array<i32>} : memref<512xi32, #tpu.memory_space<vmem>>, vector<16xi32>,
      %get3A_82 = arith.constant 192 : index
      %get3A_83 = tpu.vector_load %arg5[%get3A_82] {strides = array<i32>} : memref<256xi32, #tpu.memory_space<vmem>>, vector<16xi32>,
      %gather3A_84 = tpu.vector_load_idx %arg6[%get3A_83] : memref<2000xi32, #tpu.memory_space<vmem>>[vector<16xi32>], vector<16xi32>,
      %swap3A_85 = arith.constant 192 : index
      %swap3A_86 = tpu.vector_load %arg7[%swap3A_85] {strides = array<i32>} : memref<512xi32, #tpu.memory_space<vmem>>, vector<16xi32>,
      tpu.vector_store %arg7[%swap3A_85], %gather3A_84 {strides = array<i32>} : memref<512xi32, #tpu.memory_space<vmem>>, vector<16xi32>,
      %get3A_87 = arith.constant 208 : index
      %get3A_88 = tpu.vector_load %arg5[%get3A_87] {strides = array<i32>} : memref<256xi32, #tpu.memory_space<vmem>>, vector<16xi32>,
      %gather3A_89 = tpu.vector_load_idx %arg6[%get3A_88] : memref<2000xi32, #tpu.memory_space<vmem>>[vector<16xi32>], vector<16xi32>,
      %swap3A_90 = arith.constant 208 : index
      %swap3A_91 = tpu.vector_load %arg7[%swap3A_90] {strides = array<i32>} : memref<512xi32, #tpu.memory_space<vmem>>, vector<16xi32>,
      tpu.vector_store %arg7[%swap3A_90], %gather3A_89 {strides = array<i32>} : memref<512xi32, #tpu.memory_space<vmem>>, vector<16xi32>,
      %get3A_92 = arith.constant 224 : index
      %get3A_93 = tpu.vector_load %arg5[%get3A_92] {strides = array<i32>} : memref<256xi32, #tpu.memory_space<vmem>>, vector<16xi32>,
      %gather3A_94 = tpu.vector_load_idx %arg6[%get3A_93] : memref<2000xi32, #tpu.memory_space<vmem>>[vector<16xi32>], vector<16xi32>,
      %swap3A_95 = arith.constant 224 : index
      %swap3A_96 = tpu.vector_load %arg7[%swap3A_95] {strides = array<i32>} : memref<512xi32, #tpu.memory_space<vmem>>, vector<16xi32>,
      tpu.vector_store %arg7[%swap3A_95], %gather3A_94 {strides = array<i32>} : memref<512xi32, #tpu.memory_space<vmem>>, vector<16xi32>,
      %get3A_97 = arith.constant 240 : index
      %get3A_98 = tpu.vector_load %arg5[%get3A_97] {strides = array<i32>} : memref<256xi32, #tpu.memory_space<vmem>>, vector<16xi32>,
      %gather3A_99 = tpu.vector_load_idx %arg6[%get3A_98] : memref<2000xi32, #tpu.memory_space<vmem>>[vector<16xi32>], vector<16xi32>,
      %swap3A_100 = arith.constant 240 : index
      %swap3A_101 = tpu.vector_load %arg7[%swap3A_100] {strides = array<i32>} : memref<512xi32, #tpu.memory_space<vmem>>, vector<16xi32>,
      tpu.vector_store %arg7[%swap3A_100], %gather3A_99 {strides = array<i32>} : memref<512xi32, #tpu.memory_space<vmem>>, vector<16xi32>,
      %get3A_102 = arith.constant 0 : index
      %get3A_103 = tpu.vector_load %arg5[%get3A_102] {strides = array<i32>} : memref<256xi32, #tpu.memory_space<vmem>>, vector<16xi32>,
      %add3A_104 = arith.constant 1000 : i32
      %add3A_105 = vector.broadcast %add3A_104 : i32 to vector<16xi32>
      %add3A_106 = arith.addi %get3A_103, %add3A_105 : vector<16xi32>
      %gather3A_107 = tpu.vector_load_idx %arg6[%add3A_106] : memref<2000xi32, #tpu.memory_space<vmem>>[vector<16xi32>], vector<16xi32>,
      %swap3A_108 = arith.constant 256 : index
      %swap3A_109 = tpu.vector_load %arg7[%swap3A_108] {strides = array<i32>} : memref<512xi32, #tpu.memory_space<vmem>>, vector<16xi32>,
      tpu.vector_store %arg7[%swap3A_108], %gather3A_107 {strides = array<i32>} : memref<512xi32, #tpu.memory_space<vmem>>, vector<16xi32>,
      %get3A_110 = arith.constant 16 : index
      %get3A_111 = tpu.vector_load %arg5[%get3A_110] {strides = array<i32>} : memref<256xi32, #tpu.memory_space<vmem>>, vector<16xi32>,
      %add3A_112 = arith.constant 1000 : i32
      %add3A_113 = vector.broadcast %add3A_112 : i32 to vector<16xi32>
      %add3A_114 = arith.addi %get3A_111, %add3A_113 : vector<16xi32>
      %gather3A_115 = tpu.vector_load_idx %arg6[%add3A_114] : memref<2000xi32, #tpu.memory_space<vmem>>[vector<16xi32>], vector<16xi32>,
      %swap3A_116 = arith.constant 272 : index
      %swap3A_117 = tpu.vector_load %arg7[%swap3A_116] {strides = array<i32>} : memref<512xi32, #tpu.memory_space<vmem>>, vector<16xi32>,
      tpu.vector_store %arg7[%swap3A_116], %gather3A_115 {strides = array<i32>} : memref<512xi32, #tpu.memory_space<vmem>>, vector<16xi32>,
      %get3A_118 = arith.constant 32 : index
      %get3A_119 = tpu.vector_load %arg5[%get3A_118] {strides = array<i32>} : memref<256xi32, #tpu.memory_space<vmem>>, vector<16xi32>,
      %add3A_120 = arith.constant 1000 : i32
      %add3A_121 = vector.broadcast %add3A_120 : i32 to vector<16xi32>
      %add3A_122 = arith.addi %get3A_119, %add3A_121 : vector<16xi32>
      %gather3A_123 = tpu.vector_load_idx %arg6[%add3A_122] : memref<2000xi32, #tpu.memory_space<vmem>>[vector<16xi32>], vector<16xi32>,
      %swap3A_124 = arith.constant 288 : index
      %swap3A_125 = tpu.vector_load %arg7[%swap3A_124] {strides = array<i32>} : memref<512xi32, #tpu.memory_space<vmem>>, vector<16xi32>,
      tpu.vector_store %arg7[%swap3A_124], %gather3A_123 {strides = array<i32>} : memref<512xi32, #tpu.memory_space<vmem>>, vector<16xi32>,
      %get3A_126 = arith.constant 48 : index
      %get3A_127 = tpu.vector_load %arg5[%get3A_126] {strides = array<i32>} : memref<256xi32, #tpu.memory_space<vmem>>, vector<16xi32>,
      %add3A_128 = arith.constant 1000 : i32
      %add3A_129 = vector.broadcast %add3A_128 : i32 to vector<16xi32>
      %add3A_130 = arith.addi %get3A_127, %add3A_129 : vector<16xi32>
      %gather3A_131 = tpu.vector_load_idx %arg6[%add3A_130] : memref<2000xi32, #tpu.memory_space<vmem>>[vector<16xi32>], vector<16xi32>,
      %swap3A_132 = arith.constant 304 : index
      %swap3A_133 = tpu.vector_load %arg7[%swap3A_132] {strides = array<i32>} : memref<512xi32, #tpu.memory_space<vmem>>, vector<16xi32>,
      tpu.vector_store %arg7[%swap3A_132], %gather3A_131 {strides = array<i32>} : memref<512xi32, #tpu.memory_space<vmem>>, vector<16xi32>,
      %get3A_134 = arith.constant 64 : index
      %get3A_135 = tpu.vector_load %arg5[%get3A_134] {strides = array<i32>} : memref<256xi32, #tpu.memory_space<vmem>>, vector<16xi32>,
      %add3A_136 = arith.constant 1000 : i32
      %add3A_137 = vector.broadcast %add3A_136 : i32 to vector<16xi32>
      %add3A_138 = arith.addi %get3A_135, %add3A_137 : vector<16xi32>
      %gather3A_139 = tpu.vector_load_idx %arg6[%add3A_138] : memref<2000xi32, #tpu.memory_space<vmem>>[vector<16xi32>], vector<16xi32>,
      %swap3A_140 = arith.constant 320 : index
      %swap3A_141 = tpu.vector_load %arg7[%swap3A_140] {strides = array<i32>} : memref<512xi32, #tpu.memory_space<vmem>>, vector<16xi32>,
      tpu.vector_store %arg7[%swap3A_140], %gather3A_139 {strides = array<i32>} : memref<512xi32, #tpu.memory_space<vmem>>, vector<16xi32>,
      %get3A_142 = arith.constant 80 : index
      %get3A_143 = tpu.vector_load %arg5[%get3A_142] {strides = array<i32>} : memref<256xi32, #tpu.memory_space<vmem>>, vector<16xi32>,
      %add3A_144 = arith.constant 1000 : i32
      %add3A_145 = vector.broadcast %add3A_144 : i32 to vector<16xi32>
      %add3A_146 = arith.addi %get3A_143, %add3A_145 : vector<16xi32>
      %gather3A_147 = tpu.vector_load_idx %arg6[%add3A_146] : memref<2000xi32, #tpu.memory_space<vmem>>[vector<16xi32>], vector<16xi32>,
      %swap3A_148 = arith.constant 336 : index
      %swap3A_149 = tpu.vector_load %arg7[%swap3A_148] {strides = array<i32>} : memref<512xi32, #tpu.memory_space<vmem>>, vector<16xi32>,
      tpu.vector_store %arg7[%swap3A_148], %gather3A_147 {strides = array<i32>} : memref<512xi32, #tpu.memory_space<vmem>>, vector<16xi32>,
      %get3A_150 = arith.constant 96 : index
      %get3A_151 = tpu.vector_load %arg5[%get3A_150] {strides = array<i32>} : memref<256xi32, #tpu.memory_space<vmem>>, vector<16xi32>,
      %add3A_152 = arith.constant 1000 : i32
      %add3A_153 = vector.broadcast %add3A_152 : i32 to vector<16xi32>
      %add3A_154 = arith.addi %get3A_151, %add3A_153 : vector<16xi32>
      %gather3A_155 = tpu.vector_load_idx %arg6[%add3A_154] : memref<2000xi32, #tpu.memory_space<vmem>>[vector<16xi32>], vector<16xi32>,
      %swap3A_156 = arith.constant 352 : index
      %swap3A_157 = tpu.vector_load %arg7[%swap3A_156] {strides = array<i32>} : memref<512xi32, #tpu.memory_space<vmem>>, vector<16xi32>,
      tpu.vector_store %arg7[%swap3A_156], %gather3A_155 {strides = array<i32>} : memref<512xi32, #tpu.memory_space<vmem>>, vector<16xi32>,
      %get3A_158 = arith.constant 112 : index
      %get3A_159 = tpu.vector_load %arg5[%get3A_158] {strides = array<i32>} : memref<256xi32, #tpu.memory_space<vmem>>, vector<16xi32>,
      %add3A_160 = arith.constant 1000 : i32
      %add3A_161 = vector.broadcast %add3A_160 : i32 to vector<16xi32>
      %add3A_162 = arith.addi %get3A_159, %add3A_161 : vector<16xi32>
      %gather3A_163 = tpu.vector_load_idx %arg6[%add3A_162] : memref<2000xi32, #tpu.memory_space<vmem>>[vector<16xi32>], vector<16xi32>,
      %swap3A_164 = arith.constant 368 : index
      %swap3A_165 = tpu.vector_load %arg7[%swap3A_164] {strides = array<i32>} : memref<512xi32, #tpu.memory_space<vmem>>, vector<16xi32>,
      tpu.vector_store %arg7[%swap3A_164], %gather3A_163 {strides = array<i32>} : memref<512xi32, #tpu.memory_space<vmem>>, vector<16xi32>,
      %get3A_166 = arith.constant 128 : index
      %get3A_167 = tpu.vector_load %arg5[%get3A_166] {strides = array<i32>} : memref<256xi32, #tpu.memory_space<vmem>>, vector<16xi32>,
      %add3A_168 = arith.constant 1000 : i32
      %add3A_169 = vector.broadcast %add3A_168 : i32 to vector<16xi32>
      %add3A_170 = arith.addi %get3A_167, %add3A_169 : vector<16xi32>
      %gather3A_171 = tpu.vector_load_idx %arg6[%add3A_170] : memref<2000xi32, #tpu.memory_space<vmem>>[vector<16xi32>], vector<16xi32>,
      %swap3A_172 = arith.constant 384 : index
      %swap3A_173 = tpu.vector_load %arg7[%swap3A_172] {strides = array<i32>} : memref<512xi32, #tpu.memory_space<vmem>>, vector<16xi32>,
      tpu.vector_store %arg7[%swap3A_172], %gather3A_171 {strides = array<i32>} : memref<512xi32, #tpu.memory_space<vmem>>, vector<16xi32>,
      %get3A_174 = arith.constant 144 : index
      %get3A_175 = tpu.vector_load %arg5[%get3A_174] {strides = array<i32>} : memref<256xi32, #tpu.memory_space<vmem>>, vector<16xi32>,
      %add3A_176 = arith.constant 1000 : i32
      %add3A_177 = vector.broadcast %add3A_176 : i32 to vector<16xi32>
      %add3A_178 = arith.addi %get3A_175, %add3A_177 : vector<16xi32>
      %gather3A_179 = tpu.vector_load_idx %arg6[%add3A_178] : memref<2000xi32, #tpu.memory_space<vmem>>[vector<16xi32>], vector<16xi32>,
      %swap3A_180 = arith.constant 400 : index
      %swap3A_181 = tpu.vector_load %arg7[%swap3A_180] {strides = array<i32>} : memref<512xi32, #tpu.memory_space<vmem>>, vector<16xi32>,
      tpu.vector_store %arg7[%swap3A_180], %gather3A_179 {strides = array<i32>} : memref<512xi32, #tpu.memory_space<vmem>>, vector<16xi32>,
      %get3A_182 = arith.constant 160 : index
      %get3A_183 = tpu.vector_load %arg5[%get3A_182] {strides = array<i32>} : memref<256xi32, #tpu.memory_space<vmem>>, vector<16xi32>,
      %add3A_184 = arith.constant 1000 : i32
      %add3A_185 = vector.broadcast %add3A_184 : i32 to vector<16xi32>
      %add3A_186 = arith.addi %get3A_183, %add3A_185 : vector<16xi32>
      %gather3A_187 = tpu.vector_load_idx %arg6[%add3A_186] : memref<2000xi32, #tpu.memory_space<vmem>>[vector<16xi32>], vector<16xi32>,
      %swap3A_188 = arith.constant 416 : index
      %swap3A_189 = tpu.vector_load %arg7[%swap3A_188] {strides = array<i32>} : memref<512xi32, #tpu.memory_space<vmem>>, vector<16xi32>,
      tpu.vector_store %arg7[%swap3A_188], %gather3A_187 {strides = array<i32>} : memref<512xi32, #tpu.memory_space<vmem>>, vector<16xi32>,
      %get3A_190 = arith.constant 176 : index
      %get3A_191 = tpu.vector_load %arg5[%get3A_190] {strides = array<i32>} : memref<256xi32, #tpu.memory_space<vmem>>, vector<16xi32>,
      %add3A_192 = arith.constant 1000 : i32
      %add3A_193 = vector.broadcast %add3A_192 : i32 to vector<16xi32>
      %add3A_194 = arith.addi %get3A_191, %add3A_193 : vector<16xi32>
      %gather3A_195 = tpu.vector_load_idx %arg6[%add3A_194] : memref<2000xi32, #tpu.memory_space<vmem>>[vector<16xi32>], vector<16xi32>,
      %swap3A_196 = arith.constant 432 : index
      %swap3A_197 = tpu.vector_load %arg7[%swap3A_196] {strides = array<i32>} : memref<512xi32, #tpu.memory_space<vmem>>, vector<16xi32>,
      tpu.vector_store %arg7[%swap3A_196], %gather3A_195 {strides = array<i32>} : memref<512xi32, #tpu.memory_space<vmem>>, vector<16xi32>,
      %get3A_198 = arith.constant 192 : index
      %get3A_199 = tpu.vector_load %arg5[%get3A_198] {strides = array<i32>} : memref<256xi32, #tpu.memory_space<vmem>>, vector<16xi32>,
      %add3A_200 = arith.constant 1000 : i32
      %add3A_201 = vector.broadcast %add3A_200 : i32 to vector<16xi32>
      %add3A_202 = arith.addi %get3A_199, %add3A_201 : vector<16xi32>
      %gather3A_203 = tpu.vector_load_idx %arg6[%add3A_202] : memref<2000xi32, #tpu.memory_space<vmem>>[vector<16xi32>], vector<16xi32>,
      %swap3A_204 = arith.constant 448 : index
      %swap3A_205 = tpu.vector_load %arg7[%swap3A_204] {strides = array<i32>} : memref<512xi32, #tpu.memory_space<vmem>>, vector<16xi32>,
      tpu.vector_store %arg7[%swap3A_204], %gather3A_203 {strides = array<i32>} : memref<512xi32, #tpu.memory_space<vmem>>, vector<16xi32>,
      %get3A_206 = arith.constant 208 : index
      %get3A_207 = tpu.vector_load %arg5[%get3A_206] {strides = array<i32>} : memref<256xi32, #tpu.memory_space<vmem>>, vector<16xi32>,
      %add3A_208 = arith.constant 1000 : i32
      %add3A_209 = vector.broadcast %add3A_208 : i32 to vector<16xi32>
      %add3A_210 = arith.addi %get3A_207, %add3A_209 : vector<16xi32>
      %gather3A_211 = tpu.vector_load_idx %arg6[%add3A_210] : memref<2000xi32, #tpu.memory_space<vmem>>[vector<16xi32>], vector<16xi32>,
      %swap3A_212 = arith.constant 464 : index
      %swap3A_213 = tpu.vector_load %arg7[%swap3A_212] {strides = array<i32>} : memref<512xi32, #tpu.memory_space<vmem>>, vector<16xi32>,
      tpu.vector_store %arg7[%swap3A_212], %gather3A_211 {strides = array<i32>} : memref<512xi32, #tpu.memory_space<vmem>>, vector<16xi32>,
      %get3A_214 = arith.constant 224 : index
      %get3A_215 = tpu.vector_load %arg5[%get3A_214] {strides = array<i32>} : memref<256xi32, #tpu.memory_space<vmem>>, vector<16xi32>,
      %add3A_216 = arith.constant 1000 : i32
      %add3A_217 = vector.broadcast %add3A_216 : i32 to vector<16xi32>
      %add3A_218 = arith.addi %get3A_215, %add3A_217 : vector<16xi32>
      %gather3A_219 = tpu.vector_load_idx %arg6[%add3A_218] : memref<2000xi32, #tpu.memory_space<vmem>>[vector<16xi32>], vector<16xi32>,
      %swap3A_220 = arith.constant 480 : index
      %swap3A_221 = tpu.vector_load %arg7[%swap3A_220] {strides = array<i32>} : memref<512xi32, #tpu.memory_space<vmem>>, vector<16xi32>,
      tpu.vector_store %arg7[%swap3A_220], %gather3A_219 {strides = array<i32>} : memref<512xi32, #tpu.memory_space<vmem>>, vector<16xi32>,
      %get3A_222 = arith.constant 240 : index
      %get3A_223 = tpu.vector_load %arg5[%get3A_222] {strides = array<i32>} : memref<256xi32, #tpu.memory_space<vmem>>, vector<16xi32>,
      %add3A_224 = arith.constant 1000 : i32
      %add3A_225 = vector.broadcast %add3A_224 : i32 to vector<16xi32>
      %add3A_226 = arith.addi %get3A_223, %add3A_225 : vector<16xi32>
      %gather3A_227 = tpu.vector_load_idx %arg6[%add3A_226] : memref<2000xi32, #tpu.memory_space<vmem>>[vector<16xi32>], vector<16xi32>,
      %swap3A_228 = arith.constant 496 : index
      %swap3A_229 = tpu.vector_load %arg7[%swap3A_228] {strides = array<i32>} : memref<512xi32, #tpu.memory_space<vmem>>, vector<16xi32>,
      tpu.vector_store %arg7[%swap3A_228], %gather3A_227 {strides = array<i32>} : memref<512xi32, #tpu.memory_space<vmem>>, vector<16xi32>,
      "tpu.region"() ({
        %run_scoped3A = tpu.sem_alloc : memref<!tpu.dma_semaphore, #tpu.memory_space<semaphore_mem>>
        %dma_start3A = arith.constant 0 : i32
        %dma_start3A_230 = tpu.memref_slice %arg4[%add3A_19, %dma_start3A] : memref<77x512xi32, #tpu.memory_space<hbm>> -> memref<1x512xi32, #tpu.memory_space<hbm>>
        %dma_start3A_231 = tpu.memref_squeeze %dma_start3A_230 : memref<1x512xi32, #tpu.memory_space<hbm>> -> memref<512xi32, #tpu.memory_space<hbm>>
        %dma_start3A_232 = arith.constant 0 : i32
        %dma_start3A_233 = tpu.memref_slice %arg4[%add3A_19, %dma_start3A_232] : memref<77x512xi32, #tpu.memory_space<hbm>> -> memref<1x512xi32, #tpu.memory_space<hbm>>
        %dma_start3A_234 = tpu.memref_squeeze %dma_start3A_233 : memref<1x512xi32, #tpu.memory_space<hbm>> -> memref<512xi32, #tpu.memory_space<hbm>>
        tpu.enqueue_dma source(%arg7 : memref<512xi32, #tpu.memory_space<vmem>>) target(%dma_start3A_234 : memref<512xi32, #tpu.memory_space<hbm>>) target_semaphore(%run_scoped3A : memref<!tpu.dma_semaphore, #tpu.memory_space<semaphore_mem>>)
        %dma_wait3A = arith.constant 0 : i32
        %dma_wait3A_235 = tpu.memref_slice %arg4[%add3A_19, %dma_wait3A] : memref<77x512xi32, #tpu.memory_space<hbm>> -> memref<1x512xi32, #tpu.memory_space<hbm>>
        %dma_wait3A_236 = tpu.memref_squeeze %dma_wait3A_235 : memref<1x512xi32, #tpu.memory_space<hbm>> -> memref<512xi32, #tpu.memory_space<hbm>>
        %dma_wait3A_237 = arith.constant 0 : i32
        %dma_wait3A_238 = tpu.memref_slice %arg4[%add3A_19, %dma_wait3A_237] : memref<77x512xi32, #tpu.memory_space<hbm>> -> memref<1x512xi32, #tpu.memory_space<hbm>>
        %dma_wait3A_239 = tpu.memref_squeeze %dma_wait3A_238 : memref<1x512xi32, #tpu.memory_space<hbm>> -> memref<512xi32, #tpu.memory_space<hbm>>
        tpu.wait_dma2 semaphore(%run_scoped3A : memref<!tpu.dma_semaphore, #tpu.memory_space<semaphore_mem>>) src(%arg7 : memref<512xi32, #tpu.memory_space<vmem>>) dst(%dma_wait3A_239 : memref<512xi32, #tpu.memory_space<hbm>>)
        tpu.yield
      }) : () -> ()
    } else {
    }
    return
  }
}

</mosaic_0001>

<sc_bundles>
// kernel: kernel.4.cloned.1.call-start
scs
__scs_entry_jumppad:
0x0: {  	(pc) =	sbr.rel $0x88, $3  }
0x1: {  	(tag) =	ssettag $0x0;
	lr =	simm.s32 $0x1  }
0x2: {  	[smem:$0x3F99] =	sst lr;
	_ =	strace $0xD0000000  }
0x3: {  	_ = 	snop  }
0x4: {  	_ = 	snop  }
0x5: {  	_ = 	snop  }
0x6: {  	_ = 	snop  }
0x7: {  	_ = 	snop  }
__scs_overlays_trampoline_lowered:
0x8: {  	[smem:$0x3FA8] =	sst s0  }
0x9: {  	[smem:$0x3FA9] =	sst s1  }
0xa: {  	[smem:$0x3FAA] =	sst s2  }
0xb: {  	[smem:$0x3FAB] =	sst s3  }
0xc: {  	[smem:$0x3FAC] =	sst s4  }
0xd: {  	[smem:$0x3FAD] =	sst s5  }
0xe: {  	[smem:$0x3FAE] =	sst s6  }
0xf: {  	[smem:$0x3FAF] =	sst s7  }
0x10: {  	[smem:$0x3FB0] =	sst s8  }
0x11: {  	[smem:$0x3FB1] =	sst s9;
	s0 =	simm.s32 @!p0 $0x0  }
0x12: {  	s1 =	sld [smem:$0x3F97];
	s0 =	simm.s32 @p0 $0x1  }
0x13: {  	[smem:$0x3FB2] =	sst s0;
	s0 =	simm.s32 @!p1 $0x0  }
0x14: {  	s2 =	sld [smem:$0x3F96];
	s0 =	simm.s32 @p1 $0x1  }
0x15: {  	[smem:$0x3FB3] =	sst s0;
	s0 =	simm.s32 @!p2 $0x0  }
0x16: {  	s3 =	sld [smem:$0x3FDB];
	s0 =	simm.s32 @p2 $0x1  }
0x17: {  	s4 =	simm.s32 $0x1BF5;
	[smem:$0x3FB5] =	sst s0  }
0x18: {  	s0 =	sld [smem:$0x3F98];
	_ =	swait.ge [sflag:s4], $0x0  }
0x19: {  	s7 =	sld [smem:$0x3F99]  }
0x1a: {  	s8 =	sadd.s32 $0xFFFFE003, lr  }
0x1b: {  	s9 =	sadd.s32 $0xFFFFFEF7, lr;
	s5 =	simm.s32 $0xFFFFFFFF;
	p2 =	slt.u32 s8, $0xFFFFF086  }
0x1c: {  	p1 =	slt.u32 s9, $0xF7A;
	s5 =	simm.s32 @!p2 $0x0  }
0x1d: {  	s5 =	simm.s32 @p1 $0x1;
	p0 =	seq.s32 s7, s2  }
0x1e: {  	s7 =	smul.u32 @!p0 $0xF7A, s2;
	p2 =	seq.s32 @!p0 s5, $0x0  }
0x1f: {  	s9 =	smul.u32 $0xF7A, s1;
	s8 =	simm.s32 @!p0 $0x1BF5;
	p2 =	por !p2, p0  }
0x20: {  	[sflag:s8] =	ssyncset.s32 @!p0 $0xFFFFF086;
	s6 =	sadd.s32 @!p0 s3, s7;
	s7 =	simm.s32 @!p0 $0x108  }
0x21: {  	s3 =	sadd.s32 s3, s9;
	s6 =	sadd.s32 @!p0 $0x88, s6;
	s7 =	simm.s32 @p2 $0x1082  }
0x22: {  	[simem:s7], [sflag:s8] =	dma.local @!p0 [hbm:s6], $0xF7A  }
0x23: {  	s9 =	sor.u32 $0xD0000000, s2;
	s6 =	simm.s32 $0x108;
	_ =	swait.ge @!p0 [sflag:s8], $0x0  }
0x24: {  	s3 =	sadd.s32 $0x88, s3;
	s6 =	simm.s32 @!p1 $0x1082;
	[sflag:s4] =	ssyncset.s32 $0xFFFFF086  }
0x25: {  	[simem:s6], [sflag:s4] =	dma.local [hbm:s3], $0xF7A  }
0x26: {  	[smem:$0x3F99] =	sst s1;
	(tag) =	ssettag s2;
	_ =	strace s9  }
0x27: {  	s1 =	sld [smem:$0x3FA9]  }
0x28: {  	s2 =	sld [smem:$0x3FAA]  }
0x29: {  	s4 =	sld [smem:$0x3FAC]  }
0x2a: {  	p0 =	seq.s32 s5, $0x0;
	s5 =	sld [smem:$0x3FAD]  }
0x2b: {  	s6 =	sld [smem:$0x3FAE]  }
0x2c: {  	s7 =	sld [smem:$0x3FAF]  }
0x2d: {  	s3 =	simm.s32 $0x108;
	s8 =	sld [smem:$0x3FB0]  }
0x2e: {  	s3 =	simm.s32 @!p0 $0x1082;
	s9 =	sld [smem:$0x3FB1]  }
0x2f: {  	lr =	sadd.s32 s0, s3;
	s0 =	sld [smem:$0x3FA8]  }
0x30: {  	s3 =	sld [smem:$0x3FAB]  }
0x31: {  	[smem:$0x3FB4] =	sst s10  }
0x32: {  	s10 =	sld [smem:$0x3FB2];
	_ =	sdelay $0x3  }
0x33: {  	p0 =	seq.s32 s10, $0x1;
	s10 =	sld [smem:$0x3FB4];
	_ =	sdelay $0x3  }
0x34: {  	[smem:$0x3FB4] =	sst s10  }
0x35: {  	s10 =	sld [smem:$0x3FB3];
	_ =	sdelay $0x3  }
0x36: {  	p1 =	seq.s32 s10, $0x1;
	s10 =	sld [smem:$0x3FB4];
	_ =	sdelay $0x3  }
0x37: {  	[smem:$0x3FB4] =	sst s10  }
0x38: {  	s10 =	sld [smem:$0x3FB5]  }
0x39: {  	_ = 	snop;
	(pc) =	sbr.ind lr, $3  }
0x3a: {  	_ = 	snop  }
0x3b: {  	_ = 	snop  }
0x3c: {  	p2 =	seq.s32 s10, $0x1;
	s10 =	sld [smem:$0x3FB4]  }
0x3d: {  	_ =	shalt  }
0x3e: {  	_ =	shalt  }
0x3f: {  	_ =	shalt  }
0x40: {  	_ =	shalt  }
0x41: {  	_ =	shalt  }
0x42: {  	_ =	shalt  }
0x43: {  	_ =	shalt  }
0x44: {  	_ =	shalt  }
0x45: {  	_ =	shalt  }
0x46: {  	_ =	shalt  }
0x47: {  	_ =	shalt  }
0x48: {  	_ =	shalt  }
0x49: {  	_ =	shalt  }
0x4a: {  	_ =	shalt  }
0x4b: {  	_ =	shalt  }
0x4c: {  	_ =	shalt  }
0x4d: {  	_ =	shalt  }
0x4e: {  	_ =	shalt  }
0x4f: {  	_ =	shalt  }
0x50: {  	_ =	shalt  }
0x51: {  	_ =	shalt  }
0x52: {  	_ =	shalt  }
0x53: {  	_ =	shalt  }
0x54: {  	_ =	shalt  }
0x55: {  	_ =	shalt  }
0x56: {  	_ =	shalt  }
0x57: {  	_ =	shalt  }
0x58: {  	_ =	shalt  }
0x59: {  	_ =	shalt  }
0x5a: {  	_ =	shalt  }
0x5b: {  	_ =	shalt  }
0x5c: {  	_ =	shalt  }
0x5d: {  	_ =	shalt  }
0x5e: {  	_ =	shalt  }
0x5f: {  	_ =	shalt  }
0x60: {  	_ =	shalt  }
0x61: {  	_ =	shalt  }
0x62: {  	_ =	shalt  }
0x63: {  	_ =	shalt  }
0x64: {  	_ =	shalt  }
0x65: {  	_ =	shalt  }
0x66: {  	_ =	shalt  }
0x67: {  	_ =	shalt  }
0x68: {  	_ =	shalt  }
0x69: {  	_ =	shalt  }
0x6a: {  	_ =	shalt  }
0x6b: {  	_ =	shalt  }
0x6c: {  	_ =	shalt  }
0x6d: {  	_ =	shalt  }
0x6e: {  	_ =	shalt  }
0x6f: {  	_ =	shalt  }
0x70: {  	_ =	shalt  }
0x71: {  	_ =	shalt  }
0x72: {  	_ =	shalt  }
0x73: {  	_ =	shalt  }
0x74: {  	_ =	shalt  }
0x75: {  	_ =	shalt  }
0x76: {  	_ =	shalt  }
0x77: {  	_ =	shalt  }
0x78: {  	_ =	shalt  }
0x79: {  	_ =	shalt  }
0x7a: {  	_ =	shalt  }
0x7b: {  	_ =	shalt  }
0x7c: {  	_ =	shalt  }
0x7d: {  	_ =	shalt  }
0x7e: {  	_ =	shalt  }
0x7f: {  	_ =	shalt  }
0x80: {  	_ =	shalt  }
0x81: {  	_ =	shalt  }
0x82: {  	_ =	shalt  }
0x83: {  	_ =	shalt  }
0x84: {  	_ =	shalt  }
0x85: {  	_ =	shalt  }
0x86: {  	_ =	shalt  }
0x87: {  	_ =	shalt  }
.Lfunc_end0:
.L_simem_size_0:
called_computation_lowered:
.L_overlay_start_0:
0x88: {  	s2 =	sld [smem:$0x3FD9]  }
0x89: {  	s3 =	sld [smem:$0x3FFE];
	_ =	sdelay $0x1  }
0x8a: {  	s1 =	srdreg.scid  }
0x8b: {  	s0 =	sand.u32 $0x1, s1  }
0x8c: {  	s14 =	sshll.u32 s0, $0xA;
	s2 =	sadd.s32 s3, s2  }
0x8d: {  	s2 =	sadd.s32 s2, s14  }
0x8e: {  	[smem:$0x3FC0] =	sst s2  }
0x8f: {  	_ = 	snop  }
0x90: {  	s2 =	sld [smem:$0x3FC9]  }
0x91: {  	s15 =	sld [smem:$0x3FC8]  }
0x92: {  	s4 =	sld [smem:$0x3FD0]  }
0x93: {  	s5 =	sld [smem:$0x3FC7]  }
0x94: {  	s6 =	sld [smem:$0x3FC5]  }
0x95: {  	s8 =	simm.s32 $0xB;
	s9 =	simm.s32 $0x10;
	s7 =	sld [smem:$0x3FC3]  }
0x96: {  	[smem:s9], [sflag:s8] =	dma.local [hbm:s4], $0x1  }
0x97: {  	_ =	swait.eq [sflag:s8], $0x1  }
0x98: {  	[sflag:s8] =	ssyncset.done $0x0  }
0x99: {  	[sflag:s8] =	ssyncadd.s32 $0xFFFFFFFF  }
0x9a: {  	s16 =	sld [smem:$0x10];
	(tm) =	ssettm $0x1  }
0x9b: {  	s17 =	sld [smem:$0x3FFB];
	_ =	sdelay $0x3  }
0x9c: {  	_ =	strace s17  }
0x9d: {  	s8 =	sld [smem:$0x3FFC];
	_ =	sdelay $0x3  }
0x9e: {  	_ =	strace s8  }
0x9f: {  	s8 =	sld [smem:$0x3FFD];
	_ =	sdelay $0x3  }
0xa0: {  	_ =	strace s8  }
0xa1: {  	_ =	strace $0x8FFFFFFF  }
0xa2: {  	s18 =	sld [smem:$0x3FDB];
	_ =	sdelay $0x1  }
0xa3: {  	s19 =	simm.s32 $_scs_section_size  }
0xa4: {  	s10 =	simm.s32 $_size__tile_overlayer_lowered;
	s11 =	simm.s32 $_tile_overlayer_lowered  }
0xa5: {  	s22 =	simm.s32 $0x1BFF;
	s21 =	sshll.u32 s11, $0x1;
	s8 =	sadd.s32 s19, s18  }
0xa6: {  	s12 =	simm.s32 $0x0;
	s20 =	sshll.u32 s10, $0x1;
	s10 =	sadd.s32 s21, s8  }
0xa7: {  	[timem:s12], [sflag:s22] =	dma.local [hbm:s10], s20  }
0xa8: {  	_ =	swait.ge [sflag:s22], s20  }
0xa9: {  	s9 =	ssub.s32 $0x0, s20;
	[sflag:s22] =	ssyncset.done $0x0  }
0xaa: {  	[sflag:s22] =	ssyncadd.s32 s9;
	_ =	sdelay $0x1  }
0xab: {  	s23 =	simm.s32 $0x1B8B  }
0xac: {  	_ =	swait.ge [sflag:s23], $0x1  }
0xad: {  	[sflag:s23] =	ssyncset.done $0x0  }
0xae: {  	s25 =	simm.s32 $0x1B8E;
	s24 =	sld [smem:$0x3FFE];
	[sflag:s23] =	ssyncadd.s32 $0xFFFFFFFF  }
0xaf: {  	s26 =	simm.s32 $execute0_lowered;
	[smem:$0x3FD2] =	sst s25  }
0xb0: {  	s10 =	sshll.u32 s26, $0x1;
	_ =	strace $0x80000046;
	[dreg:$0x1] =	wrdreg $0xFFFFFFFF  }
0xb1: {  	s28 =	simm.s32 $_size_execute0_lowered;
	s8 =	sadd.s32 s8, s10;
	[dreg:$0x0] =	wrdreg $0x0  }
0xb2: {  	s10 =	sshll.u32 s28, $0x1;
	[dreg:$0x2] =	wrdreg s8  }
0xb3: {  	[dreg:$0x3] =	wrdreg s10  }
0xb4: {  	[dreg:$0x4] =	wrdreg $0xC0  }
0xb5: {  	_ =	task [dreg:s12], $0x5FFFF  }
0xb6: {  	[dreg:$0x1] =	wrdreg $0xFFFFFFFF  }
0xb7: {  	[dreg:$0x0] =	wrdreg $0x60  }
0xb8: {  	[dreg:$0x2] =	wrdreg s2  }
0xb9: {  	[dreg:$0x3] =	wrdreg s24  }
0xba: {  	[dreg:$0x4] =	wrdreg s5  }
0xbb: {  	[dreg:$0x5] =	wrdreg s15  }
0xbc: {  	[dreg:$0x6] =	wrdreg s7  }
0xbd: {  	[dreg:$0x7] =	wrdreg s6  }
0xbe: {  	[dreg:$0x8] =	wrdreg s16  }
0xbf: {  	[dreg:$0x9] =	wrdreg $0x9  }
0xc0: {  	_ =	task.clear_ibuf [dreg:s12], $0xAFFFF;
	_ =	strace $0x90000046  }
0xc1: {  	s29 =	simm.s32 $0x9;
	_ =	strace $0x80000048  }
0xc2: {  	_ =	swait.ge [sflag:s29], $0x1  }
0xc3: {  	[sflag:s29] =	ssyncadd.s32 $0xFFFFFFFF  }
0xc4: {  	_ =	strace $0x90000048  }
0xc5: {  	_ =	sfence  }
0xc6: {  	s30 =	sld [smem:$0x0];
	_ =	sdelay $0x2  }
0xc7: {  	s31 =	sshll.u32 s1, $0xD;
	s1 =	sshrl.u32 s1, $0x2  }
0xc8: {  	s3 =	sand.u32 $0x4000, s31;
	s1 =	sadd.s32 s1, s30  }
0xc9: {  	s0 =	sor.u32 s3, s0;
	s1 =	sshll.u32 s1, $0x11  }
0xca: {  	s0 =	sor.u32 s1, s0  }
0xcb: {  	s0 =	sadd.s32 $0x8F2B, s0  }
0xcc: {  	[sflag:s0] =	ssyncadd.remote.s32 $0x1  }
0xcd: {  	_ =	sfence.sel $0xFFFF  }
0xce: {  	[dreg:$0x0] =	wrdreg $0xFFFFFFFF;
	(pc) =	sbr.abs _section_cstart, $3  }
0xcf: {  	[dreg:$0x1] =	wrdreg $0xFFFFFFFF  }
0xd0: {  	_ =	task.clear_ibuf [dreg:s12], $0x2FFFF;
	_ =	strace $0x9FFFFFFF  }
0xd1: {  	(tm) =	ssettm $0x7FFFFFFF  }
tec
execute0_lowered:
.L_overlay_start_1:
0x0: {  	(tag) =	ssettag $0x1  }
0x1: {  	s0 =	srdreg.scid;
	s23 =	stileid.u32  }
0x2: {  	s2 =	sand.u32 $0x1, s0;
	s3 =	sshll.u32 s23, $0x1  }
0x3: {  	s0 =	ssub.s32 $0x2, s2;
	s3 =	sand.u32 $0xE, s3  }
0x4: {  	s5 =	sshrl.u32 s0, $0x1;
	s3 =	sor.u32 s2, s3  }
0x5: {  	s4 =	rddreg [dreg:$0x6];
	s0 =	ssub.s32 s0, s5;
	s5 =	sshll.u32 s3, $0xA  }
0x6: {  	s8 =	sadd.s32 s4, s5  }
0x7: {  	[dreg:$0x8] =	wrdreg s8;
	s8 =	sadd.s32 $0x10000, s4  }
0x8: {  	s9 =	sadd.s32 s5, s8  }
0x9: {  	[dreg:$0xa] =	wrdreg s9;
	s9 =	sadd.s32 $0x18000, s4  }
0xa: {  	s11 =	sadd.s32 s5, s9  }
0xb: {  	[dreg:$0xb] =	wrdreg s11;
	s11 =	sadd.s32 $0x28000, s4  }
0xc: {  	s12 =	sadd.s32 s5, s11  }
0xd: {  	s1 =	simm.s32 $0x0;
	[dreg:$0xd] =	wrdreg s12;
	s12 =	sadd.s32 $0x30000, s4  }
0xe: {  	[smem:$0x7FF] =	sst s1;
	s14 =	sadd.s32 s5, s12  }
0xf: {  	s6 =	sshrl.u32 s23, $0x3;
	[dreg:$0xe] =	wrdreg s14;
	s14 =	sadd.s32 $0x40000, s4  }
0x10: {  	s7 =	sadd.s32 $0x8000, s4;
	s10 =	sadd.s32 $0x20000, s4;
	s15 =	sadd.s32 s5, s14  }
0x11: {  	s13 =	sadd.s32 $0x38000, s4;
	[dreg:$0x10] =	wrdreg s15;
	s15 =	sadd.s32 $0x48000, s4  }
0x12: {  	s17 =	sadd.s32 $0x58000, s4;
	s23 =	sand.u32 $0x7, s23;
	s16 =	sadd.s32 s5, s15  }
0x13: {  	s21 =	sadd.s32 s5, s7;
	[dreg:$0x11] =	wrdreg s16;
	s16 =	sadd.s32 $0x50000, s4  }
0x14: {  	s20 =	sand.u32 $0x1, s6;
	[dreg:$0x9] =	wrdreg s21;
	s18 =	sadd.s32 s5, s16  }
0x15: {  	s22 =	sadd.s32 s5, s10;
	[dreg:$0x12] =	wrdreg s18;
	s18 =	sadd.s32 $0x60000, s4  }
0x16: {  	s6 =	sshll.u32 s6, $0xE;
	[dreg:$0xc] =	wrdreg s22;
	s19 =	sadd.s32 s5, s18  }
0x17: {  	s24 =	sadd.s32 s5, s13;
	[dreg:$0x14] =	wrdreg s19;
	s19 =	sadd.s32 $0x68000, s4  }
0x18: {  	p0 =	seq.s32 s20, $0x1;
	[dreg:$0xf] =	wrdreg s24;
	s21 =	sadd.s32 s5, s19  }
0x19: {  	s25 =	sadd.s32 s5, s17;
	[dreg:$0x15] =	wrdreg s21;
	s21 =	sadd.s32 $0x78000, s4  }
0x1a: {  	s20 =	sadd.s32 $0x70000, s4;
	[dreg:$0x13] =	wrdreg s25;
	s22 =	sadd.s32 s5, s21  }
0x1b: {  	s26 =	sadd.s32 s5, s20;
	[dreg:$0x17] =	wrdreg s22;
	s22 =	sadd.s32 $0x80000, s4  }
0x1c: {  	s23 =	sshll.u32 s23, $0xB;
	[dreg:$0x16] =	wrdreg s26;
	s24 =	sadd.s32 s5, s22  }
0x1d: {  	s23 =	sadd.s32 s23, s4;
	s5 =	sor.u32 s5, s6;
	[dreg:$0x18] =	wrdreg s24  }
0x1e: {  	s4 =	sadd.s32 s4, s5;
	s24 =	sadd.s32 s5, s8;
	s26 =	sadd.s32 s5, s10  }
0x1f: {  	s8 =	sadd.s32 s5, s12;
	s10 =	sadd.s32 s5, s14;
	s14 =	rddreg [dreg:$0x2]  }
0x20: {  	s12 =	sadd.s32 s5, s15;
	s15 =	sadd.s32 s5, s17;
	s17 =	rddreg [dreg:$0x3]  }
0x21: {  	s7 =	sadd.s32 s5, s7;
	[dreg:$0x19] =	wrdreg s4  }
0x22: {  	[dreg:$0x1a] =	wrdreg s7  }
0x23: {  	s25 =	sadd.s32 s5, s9;
	[dreg:$0x1b] =	wrdreg s24  }
0x24: {  	[dreg:$0x1c] =	wrdreg s25  }
0x25: {  	[dreg:$0x1d] =	wrdreg s26  }
0x26: {  	s9 =	sadd.s32 s5, s13;
	[dreg:$0x1f] =	wrdreg s8  }
0x27: {  	[smem:$0x7EB] =	sst s9  }
0x28: {  	[smem:$0x7EC] =	sst s10  }
0x29: {  	s7 =	sadd.s32 s5, s11;
	s11 =	rddreg [dreg:$0x1]  }
0x2a: {  	s13 =	sadd.s32 s5, s16;
	[smem:$0x7ED] =	sst s12  }
0x2b: {  	[smem:$0x7EE] =	sst s13  }
0x2c: {  	s16 =	sadd.s32 s5, s18;
	[smem:$0x7EF] =	sst s15  }
0x2d: {  	s18 =	sadd.s32 s5, s19;
	[smem:$0x7F0] =	sst s16  }
0x2e: {  	s29 =	simm.s32 $0x2100;
	s19 =	sadd.s32 s5, s20;
	[smem:$0x7F1] =	sst s18  }
0x2f: {  	s28 =	simm.s32 $0x8;
	s20 =	sadd.s32 s5, s21;
	[smem:$0x7F2] =	sst s19  }
0x30: {  	s30 =	simm.s32 $0x3;
	s2 =	sshll.u32 s2, $0xA;
	[smem:$0x7F3] =	sst s20  }
0x31: {  	s31 =	simm.s32 $0x9;
	s2 =	sadd.s32 s2, s23;
	s8 =	rddreg [dreg:$0x5]  }
0x32: {  	s3 =	sshll.u32 s3, $0x4;
	s2 =	sadd.s32 $0xB0000, s2;
	[dreg:$0x1e] =	wrdreg s7  }
0x33: {  	s0 =	smax.u32 s0, $0x1;
	s5 =	sadd.s32 s5, s22;
	s7 =	rddreg [dreg:$0x4]  }
0x34: {  	s25 =	sadd.s32 s6, s2;
	s26 =	sadd.s32 $0x100, s14;
	[smem:$0x7F4] =	sst s5  }
0x35: {  	s21 =	sadd.s32 $0x10400, s11;
	_ =	strace $0x80000047;
	[smem:$0x7F5] =	sst s3  }
0x36: {  	s20 =	sadd.s32 $0x100, s17;
	s22 =	sadd.s32 $0xA00, s11;
	[smem:$0x7F6] =	sst s21  }
0x37: {  	s9 =	simm.s32 $0x6100;
	s23 =	sadd.s32 $0x10500, s11;
	[smem:$0x7F7] =	sst s22  }
0x38: {  	s12 =	simm.s32 $0x8100;
	s24 =	sadd.s32 $0xB00, s11;
	[smem:$0x7F8] =	sst s23  }
0x39: {  	s13 =	simm.s32 $0x8900;
	s14 =	simm.s32 $0x9100;
	[smem:$0x7F9] =	sst s24  }
0x3a: {  	s15 =	simm.s32 $0x9900;
	s16 =	simm.s32 $0xA100;
	[smem:$0x7FA] =	sst s0  }
0x3b: {  	s6 =	simm.s32 $0x5;
	s17 =	simm.s32 $0x6;
	[smem:$0x7FB] =	sst s2  }
.Ltmp0:
0x3c: {  	s4 =	simm.s32 $0x0;
	[smem:$0x7FC] =	sst s25;
	(pc) =	sbr.rel .LBB2_1-.Ltmp0, $4  }
0x3d: {  	s5 =	simm.s32 $0xA;
	s11 =	simm.s32 $0xC;
	[smem:$0x7FD] =	sst s26  }
0x3e: {  	v0 =	vlaneseq.u32;
	s19 =	sadd.s32 $0x100, s7;
	s21 =	sadd.s32 $0x100, s8;
	s23 =	simm.s32 $0x100  }
0x3f: {  	v1 =	vand.u32 $0x7, v0;
	v2 =	vshrl.u32 v0, $0x3;
	s3 =	simm.s32 $0x4100;
	s22 =	simm.s32 $0x1;
	s24 =	simm.s32 $0x7  }
0x40: {  	vm0 =	vmmov $0xffff;
	v2 =	vmul.u32 $0x8, v2;
	v3 =	vor.u32 $0x8, v1;
	s25 =	simm.s32 $0x2;
	s2 =	simm.s32 $0x4;
	s26 =	simm.s32 $0xB  }
.LBB2_8:
0x41: {  	s4 =	sld [smem:$0x7EA]  }
0x42: {  	s0 =	sld [smem:$0x7FA];
	_ =	sdelay $0x1  }
0x43: {  	s4 =	sadd.s32 $0x1, s4  }
0x44: {  	p1 =	sne.s32 s4, s0  }
.Ltmp1:
0x45: {  	_ = 	snop;
	(pc) =	sbr.rel @!p1 .LBB2_9-.Ltmp1, $1  }
0x46: {  	_ =	sdelay $0x3  }
.LBB2_1:
0x47: {  	[smem:$0x7EA] =	sst s4  }
0x48: {  	s0 =	rddreg [dreg:$0x0];
	s10 =	simm.s32 $0xD  }
0x49: {  	[tilespmem:s1], [sflag:$0xD] =	stream.linear.gather [hbm4b:s0+s1], $0x100, $0x38;
	[tilespmem:$0xC100] =	vst v63  }
0x4a: {  	_ =	swait.ge [sflag:s10], $0x100  }
0x4b: {  	s18 =	sld [smem:$0x7F5]  }
0x4c: {  	[sflag:s10] =	ssyncset.done $0x0  }
0x4d: {  	[sflag:s10] =	ssyncadd.s32 $0xFFFFFF00  }
0x4e: {  	v4 =	vld [tilespmem:s18+$0x0];
	_ =	sdelay $0x4  }
0x4f: {  	v6 =	vshll.u32 v4, $0x2  }
.Ltmp2:
0x50: {  	v5 =	vand.u32 $0x7, v4;
	v6 =	vand.u32 $0xFFFFFFE0, v6;
	(pc) =	sbr.rel @!p0 .LBB2_2-.Ltmp2, $4  }
0x51: {  	v9 =	vor.u32 v5, v6  }
0x52: {  	v7 =	vperm.xlane v9, v1;
	v9 =	vperm.xlane v9, v3  }
0x53: {  	v8 =	vshll.u32 v4, $0x6  }
0x54: {  	v10 =	vor.u32 $0x1, v8;
	v7 =	vadd.s32 v2, v7;
	v9 =	vadd.s32 v2, v9  }
0x55: {  	_ = 	snop  }
0x56: {  	s0 =	sld [smem:$0x7F7];
	_ =	sdelay $0x1  }
0x57: {  	s4 =	sld [smem:$0x7F9]  }
0x58: {  	[tilespmem:s23], [sflag:$0x1] =	stream.indirect_vreg.gather [hbm4b:s0+s1], $0x80, v7, vm0, $0xb8;
	[tilespmem:$0xC100] =	vst v63  }
0x59: {  	v11 =	vperm.xlane v8, v1;
	s10 =	simm.s32 $0x900  }
0x5a: {  	[tilespmem:s10], [sflag:$0x1] =	stream.indirect_vreg.gather [hbm4b:s4+s1], $0x80, v7, vm0, $0xb8;
	[tilespmem:$0xC100] =	vst v63  }
0x5b: {  	s18 =	simm.s32 $0x1100;
	v11 =	vadd.s32 v2, v11  }
0x5c: {  	[tilespmem:s18], [sflag:$0x1] =	stream.indirect_vreg.gather [hbm4b:s0+s1], $0x80, v9, vm0, $0xb8;
	[tilespmem:$0xC100] =	vst v63  }
0x5d: {  	v12 =	vperm.xlane v8, v3;
	s10 =	simm.s32 $0x1900  }
0x5e: {  	[tilespmem:s10], [sflag:$0x1] =	stream.indirect_vreg.gather [hbm4b:s4+s1], $0x80, v9, vm0, $0xb8;
	[tilespmem:$0xC100] =	vst v63  }
0x5f: {  	v12 =	vadd.s32 v2, v12;
	s4 =	rddreg [dreg:$0x3]  }
0x60: {  	[tilespmem:s29], [sflag:$0x2] =	stream.indirect_vreg.gather [hbm4b:s4+s1], $0x80, v11, vm0, $0xb8;
	[tilespmem:$0xC100] =	vst v63  }
0x61: {  	v13 =	vperm.xlane v10, v1;
	s0 =	simm.s32 $0x2900  }
0x62: {  	[tilespmem:s0], [sflag:$0x2] =	stream.indirect_vreg.gather [hbm4b:s20+s1], $0x80, v11, vm0, $0xb8;
	[tilespmem:$0xC100] =	vst v63  }
0x63: {  	v24 =	vadd.s32 v2, v13;
	s0 =	simm.s32 $0x3100  }
0x64: {  	[tilespmem:s0], [sflag:$0x2] =	stream.indirect_vreg.gather [hbm4b:s4+s1], $0x80, v12, vm0, $0xb8;
	[tilespmem:$0xC100] =	vst v63  }
0x65: {  	v25 =	vperm.xlane v10, v3;
	s0 =	simm.s32 $0x3900  }
0x66: {  	[tilespmem:s0], [sflag:$0x2] =	stream.indirect_vreg.gather [hbm4b:s20+s1], $0x80, v12, vm0, $0xb8;
	[tilespmem:$0xC100] =	vst v63  }
0x67: {  	v10 =	vadd.s32 v2, v25  }
0x68: {  	v26 =	vor.u32 $0x2, v8;
	[tilespmem:s3], [sflag:$0x3] =	stream.indirect_vreg.gather [hbm4b:s4+s1], $0x80, v24, vm0, $0xb8;
	[tilespmem:$0xC100] =	vst v63  }
0x69: {  	v27 =	vperm.xlane v26, v1;
	s0 =	simm.s32 $0x4900  }
0x6a: {  	[tilespmem:s0], [sflag:$0x3] =	stream.indirect_vreg.gather [hbm4b:s20+s1], $0x80, v24, vm0, $0xb8;
	[tilespmem:$0xC100] =	vst v63  }
0x6b: {  	v28 =	vadd.s32 v2, v27;
	s0 =	simm.s32 $0x5100  }
0x6c: {  	[tilespmem:s0], [sflag:$0x3] =	stream.indirect_vreg.gather [hbm4b:s4+s1], $0x80, v10, vm0, $0xb8;
	[tilespmem:$0xC100] =	vst v63  }
0x6d: {  	v12 =	vperm.xlane v26, v3;
	s0 =	simm.s32 $0x5900  }
0x6e: {  	[tilespmem:s0], [sflag:$0x3] =	stream.indirect_vreg.gather [hbm4b:s20+s1], $0x80, v10, vm0, $0xb8;
	[tilespmem:$0xC100] =	vst v63  }
0x6f: {  	v29 =	vadd.s32 v2, v12  }
0x70: {  	v30 =	vor.u32 $0x3, v8;
	[tilespmem:s9], [sflag:$0x4] =	stream.indirect_vreg.gather [hbm4b:s4+s1], $0x80, v28, vm0, $0xb8;
	[tilespmem:$0xC100] =	vst v63  }
0x71: {  	v31 =	vperm.xlane v30, v1;
	s0 =	simm.s32 $0x6900  }
0x72: {  	[tilespmem:s0], [sflag:$0x4] =	stream.indirect_vreg.gather [hbm4b:s20+s1], $0x80, v28, vm0, $0xb8;
	[tilespmem:$0xC100] =	vst v63  }
0x73: {  	v32 =	vadd.s32 v2, v31;
	s0 =	simm.s32 $0x7100  }
0x74: {  	[tilespmem:s0], [sflag:$0x4] =	stream.indirect_vreg.gather [hbm4b:s4+s1], $0x80, v29, vm0, $0xb8;
	[tilespmem:$0xC100] =	vst v63  }
0x75: {  	v12 =	vperm.xlane v30, v3;
	s0 =	simm.s32 $0x7900  }
0x76: {  	[tilespmem:s0], [sflag:$0x4] =	stream.indirect_vreg.gather [hbm4b:s20+s1], $0x80, v29, vm0, $0xb8;
	[tilespmem:$0xC100] =	vst v63  }
0x77: {  	v33 =	vadd.s32 v2, v12  }
0x78: {  	v34 =	vor.u32 $0x4, v8;
	[tilespmem:s12], [sflag:$0x5] =	stream.indirect_vreg.gather [hbm4b:s4+s1], $0x80, v32, vm0, $0xb8;
	[tilespmem:$0xC100] =	vst v63  }
0x79: {  	v35 =	vperm.xlane v34, v1  }
0x7a: {  	[tilespmem:s13], [sflag:$0x5] =	stream.indirect_vreg.gather [hbm4b:s20+s1], $0x80, v32, vm0, $0xb8;
	[tilespmem:$0xC100] =	vst v63  }
0x7b: {  	v36 =	vadd.s32 v2, v35  }
0x7c: {  	[tilespmem:s14], [sflag:$0x5] =	stream.indirect_vreg.gather [hbm4b:s4+s1], $0x80, v33, vm0, $0xb8;
	[tilespmem:$0xC100] =	vst v63  }
0x7d: {  	v12 =	vperm.xlane v34, v3  }
0x7e: {  	[tilespmem:s15], [sflag:$0x5] =	stream.indirect_vreg.gather [hbm4b:s20+s1], $0x80, v33, vm0, $0xb8;
	[tilespmem:$0xC100] =	vst v63  }
0x7f: {  	v37 =	vadd.s32 v2, v12  }
0x80: {  	[tilespmem:s16], [sflag:$0x6] =	stream.indirect_vreg.gather [hbm4b:s4+s1], $0x80, v36, vm0, $0xb8;
	[tilespmem:$0xC100] =	vst v63  }
0x81: {  	s0 =	simm.s32 $0xA900  }
0x82: {  	[tilespmem:s0], [sflag:$0x6] =	stream.indirect_vreg.gather [hbm4b:s20+s1], $0x80, v36, vm0, $0xb8;
	[tilespmem:$0xC100] =	vst v63  }
0x83: {  	s0 =	simm.s32 $0xB100  }
0x84: {  	[tilespmem:s0], [sflag:$0x6] =	stream.indirect_vreg.gather [hbm4b:s4+s1], $0x80, v37, vm0, $0xb8;
	[tilespmem:$0xC100] =	vst v63  }
0x85: {  	s0 =	simm.s32 $0xB900  }
0x86: {  	v38 =	vor.u32 $0x5, v8;
	[tilespmem:s0], [sflag:$0x6] =	stream.indirect_vreg.gather [hbm4b:s20+s1], $0x80, v37, vm0, $0xb8;
	[tilespmem:$0xC100] =	vst v63  }
0x87: {  	v39 =	vperm.xlane v38, v1;
	_ =	swait.ge [sflag:s22], $0x2000  }
0x88: {  	[sflag:s22] =	ssyncset.done $0x0  }
0x89: {  	v11 =	vadd.s32 v2, v39;
	s0 =	rddreg [dreg:$0x19];
	[sflag:s22] =	ssyncadd.s32 $0xFFFFE000  }
0x8a: {  	[hbm4b:s0+s1] =	stream.linear.scatter [tilespmem:s23], [sflag:$0x7], $0x2000, $0x38;
	[tilespmem:$0xC100] =	vst v63  }
0x8b: {  	v10 =	vperm.xlane v38, v3;
	_ =	swait.ge [sflag:s24], $0x2000  }
0x8c: {  	[sflag:s24] =	ssyncset.done $0x0  }
0x8d: {  	v10 =	vadd.s32 v2, v10;
	[sflag:s24] =	ssyncadd.s32 $0xFFFFE000  }
0x8e: {  	[tilespmem:s23], [sflag:$0x1] =	stream.indirect_vreg.gather [hbm4b:s4+s1], $0x80, v11, vm0, $0xb8;
	[tilespmem:$0xC100] =	vst v63  }
0x8f: {  	s0 =	simm.s32 $0x900  }
0x90: {  	[tilespmem:s0], [sflag:$0x1] =	stream.indirect_vreg.gather [hbm4b:s20+s1], $0x80, v11, vm0, $0xb8;
	[tilespmem:$0xC100] =	vst v63  }
0x91: {  	s18 =	simm.s32 $0x1100  }
0x92: {  	[tilespmem:s18], [sflag:$0x1] =	stream.indirect_vreg.gather [hbm4b:s4+s1], $0x80, v10, vm0, $0xb8;
	[tilespmem:$0xC100] =	vst v63  }
0x93: {  	s10 =	simm.s32 $0x1900  }
0x94: {  	v40 =	vor.u32 $0x6, v8;
	[tilespmem:s10], [sflag:$0x1] =	stream.indirect_vreg.gather [hbm4b:s20+s1], $0x80, v10, vm0, $0xb8;
	[tilespmem:$0xC100] =	vst v63  }
0x95: {  	v41 =	vperm.xlane v40, v1;
	_ =	swait.ge [sflag:s25], $0x2000  }
0x96: {  	[sflag:s25] =	ssyncset.done $0x0  }
0x97: {  	v11 =	vadd.s32 v2, v41;
	s10 =	rddreg [dreg:$0x1a];
	[sflag:s25] =	ssyncadd.s32 $0xFFFFE000  }
0x98: {  	[hbm4b:s10+s1] =	stream.linear.scatter [tilespmem:s29], [sflag:$0x8], $0x2000, $0x38;
	[tilespmem:$0xC100] =	vst v63  }
0x99: {  	v10 =	vperm.xlane v40, v3;
	_ =	swait.ge [sflag:s28], $0x2000  }
0x9a: {  	[sflag:s28] =	ssyncset.done $0x0  }
0x9b: {  	v10 =	vadd.s32 v2, v10;
	[sflag:s28] =	ssyncadd.s32 $0xFFFFE000  }
0x9c: {  	[tilespmem:s29], [sflag:$0x2] =	stream.indirect_vreg.gather [hbm4b:s4+s1], $0x80, v11, vm0, $0xb8;
	[tilespmem:$0xC100] =	vst v63  }
0x9d: {  	s18 =	simm.s32 $0x2900  }
0x9e: {  	[tilespmem:s18], [sflag:$0x2] =	stream.indirect_vreg.gather [hbm4b:s20+s1], $0x80, v11, vm0, $0xb8;
	[tilespmem:$0xC100] =	vst v63  }
0x9f: {  	s10 =	simm.s32 $0x3100  }
0xa0: {  	[tilespmem:s10], [sflag:$0x2] =	stream.indirect_vreg.gather [hbm4b:s4+s1], $0x80, v10, vm0, $0xb8;
	[tilespmem:$0xC100] =	vst v63  }
0xa1: {  	s18 =	simm.s32 $0x3900  }
0xa2: {  	v42 =	vor.u32 $0x7, v8;
	[tilespmem:s18], [sflag:$0x2] =	stream.indirect_vreg.gather [hbm4b:s20+s1], $0x80, v10, vm0, $0xb8;
	[tilespmem:$0xC100] =	vst v63  }
0xa3: {  	v43 =	vperm.xlane v42, v1;
	_ =	swait.ge [sflag:s30], $0x2000  }
0xa4: {  	[sflag:s30] =	ssyncset.done $0x0  }
0xa5: {  	v11 =	vadd.s32 v2, v43;
	s10 =	rddreg [dreg:$0x1b];
	[sflag:s30] =	ssyncadd.s32 $0xFFFFE000  }
0xa6: {  	[hbm4b:s10+s1] =	stream.linear.scatter [tilespmem:s3], [sflag:$0x9], $0x2000, $0x38;
	[tilespmem:$0xC100] =	vst v63  }
0xa7: {  	v10 =	vperm.xlane v42, v3;
	_ =	swait.ge [sflag:s31], $0x2000  }
0xa8: {  	[sflag:s31] =	ssyncset.done $0x0  }
0xa9: {  	v10 =	vadd.s32 v2, v10;
	[sflag:s31] =	ssyncadd.s32 $0xFFFFE000  }
0xaa: {  	[tilespmem:s3], [sflag:$0x3] =	stream.indirect_vreg.gather [hbm4b:s4+s1], $0x80, v11, vm0, $0xb8;
	[tilespmem:$0xC100] =	vst v63  }
0xab: {  	s18 =	simm.s32 $0x4900  }
0xac: {  	[tilespmem:s18], [sflag:$0x3] =	stream.indirect_vreg.gather [hbm4b:s20+s1], $0x80, v11, vm0, $0xb8;
	[tilespmem:$0xC100] =	vst v63  }
0xad: {  	s10 =	simm.s32 $0x5100  }
0xae: {  	[tilespmem:s10], [sflag:$0x3] =	stream.indirect_vreg.gather [hbm4b:s4+s1], $0x80, v10, vm0, $0xb8;
	[tilespmem:$0xC100] =	vst v63  }
0xaf: {  	s18 =	simm.s32 $0x5900  }
0xb0: {  	v44 =	vor.u32 $0x20, v8;
	[tilespmem:s18], [sflag:$0x3] =	stream.indirect_vreg.gather [hbm4b:s20+s1], $0x80, v10, vm0, $0xb8;
	[tilespmem:$0xC100] =	vst v63  }
0xb1: {  	v45 =	vperm.xlane v44, v1;
	_ =	swait.ge [sflag:s2], $0x2000  }
0xb2: {  	[sflag:s2] =	ssyncset.done $0x0  }
0xb3: {  	v11 =	vadd.s32 v2, v45;
	s10 =	rddreg [dreg:$0x1c];
	[sflag:s2] =	ssyncadd.s32 $0xFFFFE000  }
0xb4: {  	[hbm4b:s10+s1] =	stream.linear.scatter [tilespmem:s9], [sflag:$0xA], $0x2000, $0x38;
	[tilespmem:$0xC100] =	vst v63  }
0xb5: {  	v10 =	vperm.xlane v44, v3;
	_ =	swait.ge [sflag:s5], $0x2000  }
0xb6: {  	[sflag:s5] =	ssyncset.done $0x0  }
0xb7: {  	v10 =	vadd.s32 v2, v10;
	[sflag:s5] =	ssyncadd.s32 $0xFFFFE000  }
0xb8: {  	[tilespmem:s9], [sflag:$0x4] =	stream.indirect_vreg.gather [hbm4b:s4+s1], $0x80, v11, vm0, $0xb8;
	[tilespmem:$0xC100] =	vst v63  }
0xb9: {  	s18 =	simm.s32 $0x6900  }
0xba: {  	[tilespmem:s18], [sflag:$0x4] =	stream.indirect_vreg.gather [hbm4b:s20+s1], $0x80, v11, vm0, $0xb8;
	[tilespmem:$0xC100] =	vst v63  }
0xbb: {  	s10 =	simm.s32 $0x7100  }
0xbc: {  	[tilespmem:s10], [sflag:$0x4] =	stream.indirect_vreg.gather [hbm4b:s4+s1], $0x80, v10, vm0, $0xb8;
	[tilespmem:$0xC100] =	vst v63  }
0xbd: {  	s18 =	simm.s32 $0x7900  }
0xbe: {  	v46 =	vor.u32 $0x21, v8;
	[tilespmem:s18], [sflag:$0x4] =	stream.indirect_vreg.gather [hbm4b:s20+s1], $0x80, v10, vm0, $0xb8;
	[tilespmem:$0xC100] =	vst v63  }
0xbf: {  	v47 =	vperm.xlane v46, v1;
	_ =	swait.ge [sflag:s6], $0x2000  }
0xc0: {  	[sflag:s6] =	ssyncset.done $0x0  }
0xc1: {  	v11 =	vadd.s32 v2, v47;
	s10 =	rddreg [dreg:$0x1d];
	[sflag:s6] =	ssyncadd.s32 $0xFFFFE000  }
0xc2: {  	[hbm4b:s10+s1] =	stream.linear.scatter [tilespmem:s12], [sflag:$0xB], $0x2000, $0x38;
	[tilespmem:$0xC100] =	vst v63  }
0xc3: {  	v10 =	vperm.xlane v46, v3;
	_ =	swait.ge [sflag:s26], $0x2000  }
0xc4: {  	[sflag:s26] =	ssyncset.done $0x0  }
0xc5: {  	v10 =	vadd.s32 v2, v10;
	[sflag:s26] =	ssyncadd.s32 $0xFFFFE000  }
0xc6: {  	[tilespmem:s12], [sflag:$0x5] =	stream.indirect_vreg.gather [hbm4b:s4+s1], $0x80, v11, vm0, $0xb8;
	[tilespmem:$0xC100] =	vst v63  }
0xc7: {  	_ = 	snop  }
0xc8: {  	[tilespmem:s13], [sflag:$0x5] =	stream.indirect_vreg.gather [hbm4b:s20+s1], $0x80, v11, vm0, $0xb8;
	[tilespmem:$0xC100] =	vst v63  }
0xc9: {  	_ = 	snop  }
0xca: {  	[tilespmem:s14], [sflag:$0x5] =	stream.indirect_vreg.gather [hbm4b:s4+s1], $0x80, v10, vm0, $0xb8;
	[tilespmem:$0xC100] =	vst v63  }
0xcb: {  	_ = 	snop  }
0xcc: {  	v48 =	vor.u32 $0x22, v8;
	[tilespmem:s15], [sflag:$0x5] =	stream.indirect_vreg.gather [hbm4b:s20+s1], $0x80, v10, vm0, $0xb8;
	[tilespmem:$0xC100] =	vst v63  }
0xcd: {  	v49 =	vperm.xlane v48, v1;
	_ =	swait.ge [sflag:s17], $0x2000  }
0xce: {  	[sflag:s17] =	ssyncset.done $0x0  }
0xcf: {  	v11 =	vadd.s32 v2, v49;
	s18 =	rddreg [dreg:$0x1e];
	[sflag:s17] =	ssyncadd.s32 $0xFFFFE000  }
0xd0: {  	[hbm4b:s18+s1] =	stream.linear.scatter [tilespmem:s16], [sflag:$0xC], $0x2000, $0x38;
	[tilespmem:$0xC100] =	vst v63  }
0xd1: {  	v10 =	vperm.xlane v48, v3;
	_ =	swait.ge [sflag:s11], $0x2000  }
0xd2: {  	[sflag:s11] =	ssyncset.done $0x0  }
0xd3: {  	v10 =	vadd.s32 v2, v10;
	[sflag:s11] =	ssyncadd.s32 $0xFFFFE000  }
0xd4: {  	[tilespmem:s16], [sflag:$0x6] =	stream.indirect_vreg.gather [hbm4b:s4+s1], $0x80, v11, vm0, $0xb8;
	[tilespmem:$0xC100] =	vst v63  }
0xd5: {  	s10 =	simm.s32 $0xA900  }
0xd6: {  	[tilespmem:s10], [sflag:$0x6] =	stream.indirect_vreg.gather [hbm4b:s20+s1], $0x80, v11, vm0, $0xb8;
	[tilespmem:$0xC100] =	vst v63  }
0xd7: {  	s18 =	simm.s32 $0xB100  }
0xd8: {  	[tilespmem:s18], [sflag:$0x6] =	stream.indirect_vreg.gather [hbm4b:s4+s1], $0x80, v10, vm0, $0xb8;
	[tilespmem:$0xC100] =	vst v63  }
0xd9: {  	s0 =	simm.s32 $0xB900  }
0xda: {  	v50 =	vor.u32 $0x23, v8;
	[tilespmem:s0], [sflag:$0x6] =	stream.indirect_vreg.gather [hbm4b:s20+s1], $0x80, v10, vm0, $0xb8;
	[tilespmem:$0xC100] =	vst v63  }
0xdb: {  	v51 =	vperm.xlane v50, v1;
	_ =	swait.ge [sflag:s22], $0x2000  }
0xdc: {  	[sflag:s22] =	ssyncset.done $0x0  }
0xdd: {  	v11 =	vadd.s32 v2, v51;
	s0 =	rddreg [dreg:$0x1f];
	[sflag:s22] =	ssyncadd.s32 $0xFFFFE000  }
0xde: {  	[hbm4b:s0+s1] =	stream.linear.scatter [tilespmem:s23], [sflag:$0x7], $0x2000, $0x38;
	[tilespmem:$0xC100] =	vst v63  }
0xdf: {  	v10 =	vperm.xlane v50, v3;
	_ =	swait.ge [sflag:s24], $0x2000  }
0xe0: {  	[sflag:s24] =	ssyncset.done $0x0  }
0xe1: {  	v10 =	vadd.s32 v2, v10;
	[sflag:s24] =	ssyncadd.s32 $0xFFFFE000  }
0xe2: {  	[tilespmem:s23], [sflag:$0x1] =	stream.indirect_vreg.gather [hbm4b:s4+s1], $0x80, v11, vm0, $0xb8;
	[tilespmem:$0xC100] =	vst v63  }
0xe3: {  	s0 =	simm.s32 $0x900  }
0xe4: {  	[tilespmem:s0], [sflag:$0x1] =	stream.indirect_vreg.gather [hbm4b:s20+s1], $0x80, v11, vm0, $0xb8;
	[tilespmem:$0xC100] =	vst v63  }
0xe5: {  	s0 =	simm.s32 $0x1100  }
0xe6: {  	[tilespmem:s0], [sflag:$0x1] =	stream.indirect_vreg.gather [hbm4b:s4+s1], $0x80, v10, vm0, $0xb8;
	[tilespmem:$0xC100] =	vst v63  }
0xe7: {  	s0 =	simm.s32 $0x1900  }
0xe8: {  	[tilespmem:s0], [sflag:$0x1] =	stream.indirect_vreg.gather [hbm4b:s20+s1], $0x80, v10, vm0, $0xb8;
	[tilespmem:$0xC100] =	vst v63  }
0xe9: {  	v52 =	vor.u32 $0x24, v8;
	_ =	swait.ge [sflag:s25], $0x2000  }
0xea: {  	v53 =	vperm.xlane v52, v1;
	s0 =	sld [smem:$0x7EB]  }
0xeb: {  	[sflag:s25] =	ssyncset.done $0x0  }
0xec: {  	v11 =	vadd.s32 v2, v53;
	[sflag:s25] =	ssyncadd.s32 $0xFFFFE000  }
0xed: {  	[hbm4b:s0+s1] =	stream.linear.scatter [tilespmem:s29], [sflag:$0x8], $0x2000, $0x38;
	[tilespmem:$0xC100] =	vst v63  }
0xee: {  	v10 =	vperm.xlane v52, v3;
	_ =	swait.ge [sflag:s28], $0x2000  }
0xef: {  	[sflag:s28] =	ssyncset.done $0x0  }
0xf0: {  	v10 =	vadd.s32 v2, v10;
	[sflag:s28] =	ssyncadd.s32 $0xFFFFE000  }
0xf1: {  	[tilespmem:s29], [sflag:$0x2] =	stream.indirect_vreg.gather [hbm4b:s4+s1], $0x80, v11, vm0, $0xb8;
	[tilespmem:$0xC100] =	vst v63  }
0xf2: {  	s0 =	simm.s32 $0x2900  }
0xf3: {  	[tilespmem:s0], [sflag:$0x2] =	stream.indirect_vreg.gather [hbm4b:s20+s1], $0x80, v11, vm0, $0xb8;
	[tilespmem:$0xC100] =	vst v63  }
0xf4: {  	s0 =	simm.s32 $0x3100  }
0xf5: {  	[tilespmem:s0], [sflag:$0x2] =	stream.indirect_vreg.gather [hbm4b:s4+s1], $0x80, v10, vm0, $0xb8;
	[tilespmem:$0xC100] =	vst v63  }
0xf6: {  	s0 =	simm.s32 $0x3900  }
0xf7: {  	[tilespmem:s0], [sflag:$0x2] =	stream.indirect_vreg.gather [hbm4b:s20+s1], $0x80, v10, vm0, $0xb8;
	[tilespmem:$0xC100] =	vst v63  }
0xf8: {  	v54 =	vor.u32 $0x25, v8;
	_ =	swait.ge [sflag:s30], $0x2000  }
0xf9: {  	v55 =	vperm.xlane v54, v1;
	s0 =	sld [smem:$0x7EC]  }
0xfa: {  	[sflag:s30] =	ssyncset.done $0x0  }
0xfb: {  	v11 =	vadd.s32 v2, v55;
	[sflag:s30] =	ssyncadd.s32 $0xFFFFE000  }
0xfc: {  	[hbm4b:s0+s1] =	stream.linear.scatter [tilespmem:s3], [sflag:$0x9], $0x2000, $0x38;
	[tilespmem:$0xC100] =	vst v63  }
0xfd: {  	v10 =	vperm.xlane v54, v3;
	_ =	swait.ge [sflag:s31], $0x2000  }
0xfe: {  	[sflag:s31] =	ssyncset.done $0x0  }
0xff: {  	v10 =	vadd.s32 v2, v10;
	[sflag:s31] =	ssyncadd.s32 $0xFFFFE000  }
0x100: {  	[tilespmem:s3], [sflag:$0x3] =	stream.indirect_vreg.gather [hbm4b:s4+s1], $0x80, v11, vm0, $0xb8;
	[tilespmem:$0xC100] =	vst v63  }
0x101: {  	s0 =	simm.s32 $0x4900  }
0x102: {  	[tilespmem:s0], [sflag:$0x3] =	stream.indirect_vreg.gather [hbm4b:s20+s1], $0x80, v11, vm0, $0xb8;
	[tilespmem:$0xC100] =	vst v63  }
0x103: {  	s0 =	simm.s32 $0x5100  }
0x104: {  	[tilespmem:s0], [sflag:$0x3] =	stream.indirect_vreg.gather [hbm4b:s4+s1], $0x80, v10, vm0, $0xb8;
	[tilespmem:$0xC100] =	vst v63  }
0x105: {  	s0 =	simm.s32 $0x5900  }
0x106: {  	[tilespmem:s0], [sflag:$0x3] =	stream.indirect_vreg.gather [hbm4b:s20+s1], $0x80, v10, vm0, $0xb8;
	[tilespmem:$0xC100] =	vst v63  }
0x107: {  	v56 =	vor.u32 $0x26, v8;
	_ =	swait.ge [sflag:s2], $0x2000  }
0x108: {  	v57 =	vperm.xlane v56, v1;
	s0 =	sld [smem:$0x7ED]  }
0x109: {  	[sflag:s2] =	ssyncset.done $0x0  }
0x10a: {  	v11 =	vadd.s32 v2, v57;
	[sflag:s2] =	ssyncadd.s32 $0xFFFFE000  }
0x10b: {  	[hbm4b:s0+s1] =	stream.linear.scatter [tilespmem:s9], [sflag:$0xA], $0x2000, $0x38;
	[tilespmem:$0xC100] =	vst v63  }
0x10c: {  	v10 =	vperm.xlane v56, v3;
	_ =	swait.ge [sflag:s5], $0x2000  }
0x10d: {  	[sflag:s5] =	ssyncset.done $0x0  }
0x10e: {  	v10 =	vadd.s32 v2, v10;
	[sflag:s5] =	ssyncadd.s32 $0xFFFFE000  }
0x10f: {  	[tilespmem:s9], [sflag:$0x4] =	stream.indirect_vreg.gather [hbm4b:s4+s1], $0x80, v11, vm0, $0xb8;
	[tilespmem:$0xC100] =	vst v63  }
0x110: {  	s0 =	simm.s32 $0x6900  }
0x111: {  	[tilespmem:s0], [sflag:$0x4] =	stream.indirect_vreg.gather [hbm4b:s20+s1], $0x80, v11, vm0, $0xb8;
	[tilespmem:$0xC100] =	vst v63  }
0x112: {  	s0 =	simm.s32 $0x7100  }
0x113: {  	[tilespmem:s0], [sflag:$0x4] =	stream.indirect_vreg.gather [hbm4b:s4+s1], $0x80, v10, vm0, $0xb8;
	[tilespmem:$0xC100] =	vst v63  }
0x114: {  	s0 =	simm.s32 $0x7900  }
0x115: {  	[tilespmem:s0], [sflag:$0x4] =	stream.indirect_vreg.gather [hbm4b:s20+s1], $0x80, v10, vm0, $0xb8;
	[tilespmem:$0xC100] =	vst v63  }
0x116: {  	v58 =	vor.u32 $0x27, v8;
	_ =	swait.ge [sflag:s6], $0x2000  }
0x117: {  	v59 =	vperm.xlane v58, v1;
	s0 =	sld [smem:$0x7EE]  }
0x118: {  	[sflag:s6] =	ssyncset.done $0x0  }
0x119: {  	v10 =	vadd.s32 v2, v59;
	[sflag:s6] =	ssyncadd.s32 $0xFFFFE000  }
0x11a: {  	[hbm4b:s0+s1] =	stream.linear.scatter [tilespmem:s12], [sflag:$0xB], $0x2000, $0x38;
	[tilespmem:$0xC100] =	vst v63  }
0x11b: {  	v8 =	vperm.xlane v58, v3;
	_ =	swait.ge [sflag:s26], $0x2000  }
0x11c: {  	[sflag:s26] =	ssyncset.done $0x0  }
0x11d: {  	v8 =	vadd.s32 v2, v8;
	[sflag:s26] =	ssyncadd.s32 $0xFFFFE000  }
0x11e: {  	[tilespmem:s12], [sflag:$0x5] =	stream.indirect_vreg.gather [hbm4b:s4+s1], $0x80, v10, vm0, $0xb8;
	[tilespmem:$0xC100] =	vst v63  }
0x11f: {  	_ = 	snop  }
0x120: {  	[tilespmem:s13], [sflag:$0x5] =	stream.indirect_vreg.gather [hbm4b:s20+s1], $0x80, v10, vm0, $0xb8;
	[tilespmem:$0xC100] =	vst v63  }
0x121: {  	_ = 	snop  }
0x122: {  	[tilespmem:s14], [sflag:$0x5] =	stream.indirect_vreg.gather [hbm4b:s4+s1], $0x80, v8, vm0, $0xb8;
	[tilespmem:$0xC100] =	vst v63  }
0x123: {  	_ = 	snop  }
0x124: {  	[tilespmem:s15], [sflag:$0x5] =	stream.indirect_vreg.gather [hbm4b:s20+s1], $0x80, v8, vm0, $0xb8;
	[tilespmem:$0xC100] =	vst v63  }
0x125: {  	_ =	swait.ge [sflag:s17], $0x2000  }
0x126: {  	s4 =	sld [smem:$0x7EF]  }
0x127: {  	[sflag:s17] =	ssyncset.done $0x0  }
0x128: {  	[sflag:s17] =	ssyncadd.s32 $0xFFFFE000  }
0x129: {  	[hbm4b:s4+s1] =	stream.linear.scatter [tilespmem:s16], [sflag:$0xC], $0x2000, $0x38;
	[tilespmem:$0xC100] =	vst v63  }
0x12a: {  	_ =	swait.ge [sflag:s11], $0x2000  }
0x12b: {  	[sflag:s11] =	ssyncset.done $0x0  }
0x12c: {  	[sflag:s11] =	ssyncadd.s32 $0xFFFFE000  }
0x12d: {  	[tilespmem:s16], [sflag:$0x6] =	stream.indirect_vreg.gather [hbm4b:s8+s1], $0x80, v7, vm0, $0xb8;
	[tilespmem:$0xC100] =	vst v63  }
0x12e: {  	s10 =	simm.s32 $0xA900  }
0x12f: {  	[tilespmem:s10], [sflag:$0x6] =	stream.indirect_vreg.gather [hbm4b:s21+s1], $0x80, v7, vm0, $0xb8;
	[tilespmem:$0xC100] =	vst v63  }
0x130: {  	s18 =	simm.s32 $0xB100  }
0x131: {  	[tilespmem:s18], [sflag:$0x6] =	stream.indirect_vreg.gather [hbm4b:s8+s1], $0x80, v9, vm0, $0xb8;
	[tilespmem:$0xC100] =	vst v63  }
0x132: {  	s4 =	simm.s32 $0xB900  }
0x133: {  	v6 =	vadd.s32 v5, v6;
	[tilespmem:s4], [sflag:$0x6] =	stream.indirect_vreg.gather [hbm4b:s21+s1], $0x80, v9, vm0, $0xb8;
	[tilespmem:$0xC100] =	vst v63  }
0x134: {  	v7 =	vadd.s32 $0xFA0, v6;
	_ =	swait.ge [sflag:s22], $0x2000  }
0x135: {  	v60 =	vperm.xlane v7, v1;
	s10 =	sld [smem:$0x7F0]  }
0x136: {  	[sflag:s22] =	ssyncset.done $0x0  }
0x137: {  	v8 =	vadd.s32 v2, v60;
	[sflag:s22] =	ssyncadd.s32 $0xFFFFE000  }
0x138: {  	[hbm4b:s10+s1] =	stream.linear.scatter [tilespmem:s23], [sflag:$0x7], $0x2000, $0x38;
	[tilespmem:$0xC100] =	vst v63  }
0x139: {  	v7 =	vperm.xlane v7, v3;
	_ =	swait.ge [sflag:s24], $0x2000  }
0x13a: {  	[sflag:s24] =	ssyncset.done $0x0  }
0x13b: {  	v7 =	vadd.s32 v2, v7;
	[sflag:s24] =	ssyncadd.s32 $0xFFFFE000  }
0x13c: {  	[tilespmem:s23], [sflag:$0x1] =	stream.indirect_vreg.gather [hbm4b:s8+s1], $0x80, v8, vm0, $0xb8;
	[tilespmem:$0xC100] =	vst v63  }
0x13d: {  	s18 =	simm.s32 $0x900  }
0x13e: {  	[tilespmem:s18], [sflag:$0x1] =	stream.indirect_vreg.gather [hbm4b:s21+s1], $0x80, v8, vm0, $0xb8;
	[tilespmem:$0xC100] =	vst v63  }
0x13f: {  	s4 =	simm.s32 $0x1100  }
0x140: {  	[tilespmem:s4], [sflag:$0x1] =	stream.indirect_vreg.gather [hbm4b:s8+s1], $0x80, v7, vm0, $0xb8;
	[tilespmem:$0xC100] =	vst v63  }
0x141: {  	s10 =	simm.s32 $0x1900  }
0x142: {  	[tilespmem:s10], [sflag:$0x1] =	stream.indirect_vreg.gather [hbm4b:s21+s1], $0x80, v7, vm0, $0xb8;
	[tilespmem:$0xC100] =	vst v63  }
0x143: {  	v7 =	vadd.s32 $0x1F40, v6;
	_ =	swait.ge [sflag:s25], $0x2000  }
0x144: {  	v61 =	vperm.xlane v7, v1;
	s18 =	sld [smem:$0x7F1]  }
0x145: {  	[sflag:s25] =	ssyncset.done $0x0  }
0x146: {  	[sflag:s25] =	ssyncadd.s32 $0xFFFFE000;
	v8 =	vadd.s32 v2, v61  }
0x147: {  	[hbm4b:s18+s1] =	stream.linear.scatter [tilespmem:s29], [sflag:$0x8], $0x2000, $0x38;
	[tilespmem:$0xC100] =	vst v63  }
0x148: {  	v7 =	vperm.xlane v7, v3;
	_ =	swait.ge [sflag:s28], $0x2000  }
0x149: {  	[sflag:s28] =	ssyncset.done $0x0  }
0x14a: {  	v7 =	vadd.s32 v2, v7;
	[sflag:s28] =	ssyncadd.s32 $0xFFFFE000  }
0x14b: {  	[tilespmem:s29], [sflag:$0x2] =	stream.indirect_vreg.gather [hbm4b:s8+s1], $0x80, v8, vm0, $0xb8;
	[tilespmem:$0xC100] =	vst v63  }
0x14c: {  	s4 =	simm.s32 $0x2900  }
0x14d: {  	[tilespmem:s4], [sflag:$0x2] =	stream.indirect_vreg.gather [hbm4b:s21+s1], $0x80, v8, vm0, $0xb8;
	[tilespmem:$0xC100] =	vst v63  }
0x14e: {  	s10 =	simm.s32 $0x3100  }
0x14f: {  	[tilespmem:s10], [sflag:$0x2] =	stream.indirect_vreg.gather [hbm4b:s8+s1], $0x80, v7, vm0, $0xb8;
	[tilespmem:$0xC100] =	vst v63  }
0x150: {  	s18 =	simm.s32 $0x3900  }
0x151: {  	[tilespmem:s18], [sflag:$0x2] =	stream.indirect_vreg.gather [hbm4b:s21+s1], $0x80, v7, vm0, $0xb8;
	[tilespmem:$0xC100] =	vst v63  }
0x152: {  	v7 =	vadd.s32 $0x2EE0, v6;
	_ =	swait.ge [sflag:s30], $0x2000  }
0x153: {  	v62 =	vperm.xlane v7, v1;
	s4 =	sld [smem:$0x7F2]  }
0x154: {  	[sflag:s30] =	ssyncset.done $0x0  }
0x155: {  	[sflag:s30] =	ssyncadd.s32 $0xFFFFE000;
	v8 =	vadd.s32 v2, v62  }
0x156: {  	[hbm4b:s4+s1] =	stream.linear.scatter [tilespmem:s3], [sflag:$0x9], $0x2000, $0x38;
	[tilespmem:$0xC100] =	vst v63  }
0x157: {  	v7 =	vperm.xlane v7, v3;
	_ =	swait.ge [sflag:s31], $0x2000  }
0x158: {  	[sflag:s31] =	ssyncset.done $0x0  }
0x159: {  	v7 =	vadd.s32 v2, v7;
	[sflag:s31] =	ssyncadd.s32 $0xFFFFE000  }
0x15a: {  	[tilespmem:s3], [sflag:$0x3] =	stream.indirect_vreg.gather [hbm4b:s8+s1], $0x80, v8, vm0, $0xb8;
	[tilespmem:$0xC100] =	vst v63  }
0x15b: {  	s10 =	simm.s32 $0x4900  }
0x15c: {  	[tilespmem:s10], [sflag:$0x3] =	stream.indirect_vreg.gather [hbm4b:s21+s1], $0x80, v8, vm0, $0xb8;
	[tilespmem:$0xC100] =	vst v63  }
0x15d: {  	s18 =	simm.s32 $0x5100  }
0x15e: {  	[tilespmem:s18], [sflag:$0x3] =	stream.indirect_vreg.gather [hbm4b:s8+s1], $0x80, v7, vm0, $0xb8;
	[tilespmem:$0xC100] =	vst v63  }
0x15f: {  	s4 =	simm.s32 $0x5900  }
0x160: {  	[tilespmem:s4], [sflag:$0x3] =	stream.indirect_vreg.gather [hbm4b:s21+s1], $0x80, v7, vm0, $0xb8;
	[tilespmem:$0xC100] =	vst v63  }
0x161: {  	v7 =	vadd.s32 $0x3E80, v6;
	_ =	swait.ge [sflag:s2], $0x2000  }
0x162: {  	v63 =	vperm.xlane v7, v1;
	s10 =	sld [smem:$0x7F3]  }
0x163: {  	[sflag:s2] =	ssyncset.done $0x0  }
0x164: {  	[sflag:s2] =	ssyncadd.s32 $0xFFFFE000;
	v8 =	vadd.s32 v2, v63  }
0x165: {  	[hbm4b:s10+s1] =	stream.linear.scatter [tilespmem:s9], [sflag:$0xA], $0x2000, $0x38;
	[tilespmem:$0xC100] =	vst v63  }
0x166: {  	v7 =	vperm.xlane v7, v3;
	_ =	swait.ge [sflag:s5], $0x2000  }
0x167: {  	[sflag:s5] =	ssyncset.done $0x0  }
0x168: {  	v7 =	vadd.s32 v2, v7;
	[sflag:s5] =	ssyncadd.s32 $0xFFFFE000  }
0x169: {  	[tilespmem:s9], [sflag:$0x4] =	stream.indirect_vreg.gather [hbm4b:s8+s1], $0x80, v8, vm0, $0xb8;
	[tilespmem:$0xC100] =	vst v63  }
0x16a: {  	s18 =	simm.s32 $0x6900  }
0x16b: {  	[tilespmem:s18], [sflag:$0x4] =	stream.indirect_vreg.gather [hbm4b:s21+s1], $0x80, v8, vm0, $0xb8;
	[tilespmem:$0xC100] =	vst v63  }
0x16c: {  	s4 =	simm.s32 $0x7100  }
0x16d: {  	[tilespmem:s4], [sflag:$0x4] =	stream.indirect_vreg.gather [hbm4b:s8+s1], $0x80, v7, vm0, $0xb8;
	[tilespmem:$0xC100] =	vst v63  }
0x16e: {  	s10 =	simm.s32 $0x7900  }
0x16f: {  	[tilespmem:s10], [sflag:$0x4] =	stream.indirect_vreg.gather [hbm4b:s21+s1], $0x80, v7, vm0, $0xb8;
	[tilespmem:$0xC100] =	vst v63  }
0x170: {  	v6 =	vadd.s32 $0x4E20, v6;
	_ =	swait.ge [sflag:s6], $0x2000  }
0x171: {  	v7 =	vperm.xlane v6, v1;
	s18 =	sld [smem:$0x7F4]  }
0x172: {  	[sflag:s6] =	ssyncset.done $0x0  }
0x173: {  	v7 =	vadd.s32 v2, v7;
	[sflag:s6] =	ssyncadd.s32 $0xFFFFE000  }
0x174: {  	[hbm4b:s18+s1] =	stream.linear.scatter [tilespmem:s12], [sflag:$0xB], $0x2000, $0x38;
	[tilespmem:$0xC100] =	vst v63  }
0x175: {  	v6 =	vperm.xlane v6, v3;
	_ =	swait.ge [sflag:s26], $0x2000  }
0x176: {  	[sflag:s26] =	ssyncset.done $0x0  }
0x177: {  	v6 =	vadd.s32 v2, v6;
	[sflag:s26] =	ssyncadd.s32 $0xFFFFE000  }
0x178: {  	[tilespmem:s12], [sflag:$0x5] =	stream.indirect_vreg.gather [hbm4b:s8+s1], $0x80, v7, vm0, $0xb8;
	[tilespmem:$0xC100] =	vst v63  }
0x179: {  	_ = 	snop  }
0x17a: {  	[tilespmem:s13], [sflag:$0x5] =	stream.indirect_vreg.gather [hbm4b:s21+s1], $0x80, v7, vm0, $0xb8;
	[tilespmem:$0xC100] =	vst v63  }
0x17b: {  	_ = 	snop  }
0x17c: {  	[tilespmem:s14], [sflag:$0x5] =	stream.indirect_vreg.gather [hbm4b:s8+s1], $0x80, v6, vm0, $0xb8;
	[tilespmem:$0xC100] =	vst v63  }
0x17d: {  	s10 =	simm.s32 $0x2AF8;
	s0 =	sld [smem:$0x7FC]  }
0x17e: {  	[tilespmem:s15], [sflag:$0x5] =	stream.indirect_vreg.gather [hbm4b:s21+s1], $0x80, v6, vm0, $0xb8;
	[tilespmem:$0xC100] =	vst v63  }
.LBB2_6:
0x17f: {  	p1 =	seq.s32 s10, $0xFDE8  }
0x180: {  	s4 =	sadd.s32 @!p1 $0xFFFFEC78, s10  }
0x181: {  	v6 =	vadd.s32 @!p1 s4, v4  }
0x182: {  	v6 =	vshll.u32 @!p1 v6, $0x2  }
0x183: {  	v7 =	vlaneseq.u32 @!p1;
	v6 =	vand.u32 @!p1 $0xFFFFFFE0, v6  }
0x184: {  	v8 =	vand.u32 @!p1 $0x7, v7;
	v9 =	vshrl.u32 @!p1 v7, $0x3;
	v6 =	vor.u32 @!p1 v5, v6  }
0x185: {  	_ =	swait.ge [sflag:s17], $0x2000;
	v9 =	vmul.u32 @!p1 $0x8, v9;
	v10 =	vperm.xlane @!p1 v6, v8  }
0x186: {  	[sflag:s17] =	ssyncset.done $0x0  }
0x187: {  	s18 =	sadd.s32 $0xFFFD8000, s0;
	[sflag:s17] =	ssyncadd.s32 $0xFFFFE000;
	v10 =	vadd.s32 @!p1 v9, v10  }
0x188: {  	[hbm4b:s18+s1] =	stream.linear.scatter [tilespmem:s16], [sflag:$0xC], $0x2000, $0x38;
	[tilespmem:$0xC100] =	vst v63  }
0x189: {  	v7 =	vor.u32 @!p1 $0x8, v7;
	_ =	swait.ge [sflag:s11], $0x2000  }
0x18a: {  	[sflag:s11] =	ssyncset.done $0x0;
	v6 =	vperm.xlane @!p1 v6, v7  }
0x18b: {  	vm1 =	vmmov @!p1 $0xffff;
	s4 =	simm.s32 @!p1 $0x0;
	s18 =	simm.s32 @!p1 $0xA100;
	[sflag:s11] =	ssyncadd.s32 $0xFFFFE000  }
0x18c: {  	v6 =	vadd.s32 @!p1 v9, v6;
	[tilespmem:s18], [sflag:$0x6] =	stream.indirect_vreg.gather @!p1 [hbm4b:s8+s4], $0x80, v10, vm1, $0xb8;
	[tilespmem:$0xC100] =	vst v63  }
0x18d: {  	s18 =	simm.s32 @!p1 $0xA900  }
0x18e: {  	[tilespmem:s18], [sflag:$0x6] =	stream.indirect_vreg.gather @!p1 [hbm4b:s21+s4], $0x80, v10, vm1, $0xb8;
	[tilespmem:$0xC100] =	vst v63  }
0x18f: {  	s18 =	sadd.s32 @!p1 $0xFFFFF060, s10  }
0x190: {  	v10 =	vadd.s32 @!p1 s18, v4;
	s18 =	simm.s32 @!p1 $0xB100  }
0x191: {  	[tilespmem:s18], [sflag:$0x6] =	stream.indirect_vreg.gather @!p1 [hbm4b:s8+s4], $0x80, v6, vm1, $0xb8;
	v10 =	vshll.u32 @!p1 v10, $0x2;
	[tilespmem:$0xC100] =	vst v63  }
0x192: {  	s18 =	simm.s32 @!p1 $0xB900;
	v10 =	vand.u32 @!p1 $0xFFFFFFE0, v10  }
0x193: {  	[tilespmem:s18], [sflag:$0x6] =	stream.indirect_vreg.gather @!p1 [hbm4b:s21+s4], $0x80, v6, vm1, $0xb8;
	v6 =	vor.u32 @!p1 v5, v10;
	[tilespmem:$0xC100] =	vst v63  }
0x194: {  	_ =	swait.ge [sflag:s22], $0x2000;
	v10 =	vperm.xlane @!p1 v6, v8  }
0x195: {  	[sflag:s22] =	ssyncset.done $0x0  }
0x196: {  	s18 =	sadd.s32 $0xFFFE0000, s0;
	[sflag:s22] =	ssyncadd.s32 $0xFFFFE000;
	v10 =	vadd.s32 @!p1 v9, v10  }
0x197: {  	[hbm4b:s18+s1] =	stream.linear.scatter [tilespmem:s23], [sflag:$0x7], $0x2000, $0x38;
	[tilespmem:$0xC100] =	vst v63  }
0x198: {  	_ =	swait.ge [sflag:s24], $0x2000  }
0x199: {  	v6 =	vperm.xlane @!p1 v6, v7;
	[sflag:s24] =	ssyncset.done $0x0  }
0x19a: {  	s18 =	simm.s32 @!p1 $0x100;
	[sflag:s24] =	ssyncadd.s32 $0xFFFFE000  }
0x19b: {  	v6 =	vadd.s32 @!p1 v9, v6;
	[tilespmem:s18], [sflag:$0x1] =	stream.indirect_vreg.gather @!p1 [hbm4b:s8+s4], $0x80, v10, vm1, $0xb8;
	[tilespmem:$0xC100] =	vst v63  }
0x19c: {  	s18 =	simm.s32 @!p1 $0x900  }
0x19d: {  	[tilespmem:s18], [sflag:$0x1] =	stream.indirect_vreg.gather @!p1 [hbm4b:s21+s4], $0x80, v10, vm1, $0xb8;
	[tilespmem:$0xC100] =	vst v63  }
0x19e: {  	s18 =	sadd.s32 @!p1 $0xFFFFF448, s10  }
0x19f: {  	v10 =	vadd.s32 @!p1 s18, v4;
	s18 =	simm.s32 @!p1 $0x1100  }
0x1a0: {  	[tilespmem:s18], [sflag:$0x1] =	stream.indirect_vreg.gather @!p1 [hbm4b:s8+s4], $0x80, v6, vm1, $0xb8;
	v10 =	vshll.u32 @!p1 v10, $0x2;
	[tilespmem:$0xC100] =	vst v63  }
0x1a1: {  	s18 =	simm.s32 @!p1 $0x1900;
	v10 =	vand.u32 @!p1 $0xFFFFFFE0, v10  }
0x1a2: {  	[tilespmem:s18], [sflag:$0x1] =	stream.indirect_vreg.gather @!p1 [hbm4b:s21+s4], $0x80, v6, vm1, $0xb8;
	v6 =	vor.u32 @!p1 v5, v10;
	[tilespmem:$0xC100] =	vst v63  }
0x1a3: {  	_ =	swait.ge [sflag:s25], $0x2000;
	v10 =	vperm.xlane @!p1 v6, v8  }
0x1a4: {  	[sflag:s25] =	ssyncset.done $0x0  }
0x1a5: {  	s18 =	sadd.s32 $0xFFFE8000, s0;
	[sflag:s25] =	ssyncadd.s32 $0xFFFFE000;
	v10 =	vadd.s32 @!p1 v9, v10  }
0x1a6: {  	[hbm4b:s18+s1] =	stream.linear.scatter [tilespmem:s29], [sflag:$0x8], $0x2000, $0x38;
	[tilespmem:$0xC100] =	vst v63  }
0x1a7: {  	_ =	swait.ge [sflag:s28], $0x2000  }
0x1a8: {  	v6 =	vperm.xlane @!p1 v6, v7;
	[sflag:s28] =	ssyncset.done $0x0  }
0x1a9: {  	s18 =	simm.s32 @!p1 $0x2100;
	[sflag:s28] =	ssyncadd.s32 $0xFFFFE000  }
0x1aa: {  	v6 =	vadd.s32 @!p1 v9, v6;
	[tilespmem:s18], [sflag:$0x2] =	stream.indirect_vreg.gather @!p1 [hbm4b:s8+s4], $0x80, v10, vm1, $0xb8;
	[tilespmem:$0xC100] =	vst v63  }
0x1ab: {  	s18 =	simm.s32 @!p1 $0x2900  }
0x1ac: {  	[tilespmem:s18], [sflag:$0x2] =	stream.indirect_vreg.gather @!p1 [hbm4b:s21+s4], $0x80, v10, vm1, $0xb8;
	[tilespmem:$0xC100] =	vst v63  }
0x1ad: {  	s18 =	sadd.s32 @!p1 $0xFFFFF830, s10  }
0x1ae: {  	v10 =	vadd.s32 @!p1 s18, v4;
	s18 =	simm.s32 @!p1 $0x3100  }
0x1af: {  	[tilespmem:s18], [sflag:$0x2] =	stream.indirect_vreg.gather @!p1 [hbm4b:s8+s4], $0x80, v6, vm1, $0xb8;
	v10 =	vshll.u32 @!p1 v10, $0x2;
	[tilespmem:$0xC100] =	vst v63  }
0x1b0: {  	s18 =	simm.s32 @!p1 $0x3900;
	v10 =	vand.u32 @!p1 $0xFFFFFFE0, v10  }
0x1b1: {  	[tilespmem:s18], [sflag:$0x2] =	stream.indirect_vreg.gather @!p1 [hbm4b:s21+s4], $0x80, v6, vm1, $0xb8;
	v6 =	vor.u32 @!p1 v5, v10;
	[tilespmem:$0xC100] =	vst v63  }
0x1b2: {  	_ =	swait.ge [sflag:s30], $0x2000;
	v10 =	vperm.xlane @!p1 v6, v8  }
0x1b3: {  	[sflag:s30] =	ssyncset.done $0x0  }
0x1b4: {  	s18 =	sadd.s32 $0xFFFF0000, s0;
	[sflag:s30] =	ssyncadd.s32 $0xFFFFE000;
	v10 =	vadd.s32 @!p1 v9, v10  }
0x1b5: {  	[hbm4b:s18+s1] =	stream.linear.scatter [tilespmem:s3], [sflag:$0x9], $0x2000, $0x38;
	[tilespmem:$0xC100] =	vst v63  }
0x1b6: {  	_ =	swait.ge [sflag:s31], $0x2000  }
0x1b7: {  	v6 =	vperm.xlane @!p1 v6, v7;
	[sflag:s31] =	ssyncset.done $0x0  }
0x1b8: {  	s18 =	simm.s32 @!p1 $0x4100;
	[sflag:s31] =	ssyncadd.s32 $0xFFFFE000  }
0x1b9: {  	v6 =	vadd.s32 @!p1 v9, v6;
	[tilespmem:s18], [sflag:$0x3] =	stream.indirect_vreg.gather @!p1 [hbm4b:s8+s4], $0x80, v10, vm1, $0xb8;
	[tilespmem:$0xC100] =	vst v63  }
0x1ba: {  	s18 =	simm.s32 @!p1 $0x4900  }
0x1bb: {  	[tilespmem:s18], [sflag:$0x3] =	stream.indirect_vreg.gather @!p1 [hbm4b:s21+s4], $0x80, v10, vm1, $0xb8;
	[tilespmem:$0xC100] =	vst v63  }
0x1bc: {  	s18 =	sadd.s32 @!p1 $0xFFFFFC18, s10  }
0x1bd: {  	v10 =	vadd.s32 @!p1 s18, v4;
	s18 =	simm.s32 @!p1 $0x5100  }
0x1be: {  	[tilespmem:s18], [sflag:$0x3] =	stream.indirect_vreg.gather @!p1 [hbm4b:s8+s4], $0x80, v6, vm1, $0xb8;
	v10 =	vshll.u32 @!p1 v10, $0x2;
	[tilespmem:$0xC100] =	vst v63  }
0x1bf: {  	s18 =	simm.s32 @!p1 $0x5900;
	v10 =	vand.u32 @!p1 $0xFFFFFFE0, v10  }
0x1c0: {  	[tilespmem:s18], [sflag:$0x3] =	stream.indirect_vreg.gather @!p1 [hbm4b:s21+s4], $0x80, v6, vm1, $0xb8;
	v6 =	vor.u32 @!p1 v5, v10;
	[tilespmem:$0xC100] =	vst v63  }
0x1c1: {  	_ =	swait.ge [sflag:s2], $0x2000;
	v8 =	vperm.xlane @!p1 v6, v8  }
0x1c2: {  	[sflag:s2] =	ssyncset.done $0x0  }
0x1c3: {  	s18 =	sadd.s32 $0xFFFF8000, s0;
	[sflag:s2] =	ssyncadd.s32 $0xFFFFE000;
	v8 =	vadd.s32 @!p1 v9, v8  }
0x1c4: {  	[hbm4b:s18+s1] =	stream.linear.scatter [tilespmem:s9], [sflag:$0xA], $0x2000, $0x38;
	[tilespmem:$0xC100] =	vst v63  }
0x1c5: {  	v6 =	vperm.xlane @!p1 v6, v7;
	_ =	swait.ge [sflag:s5], $0x2000  }
0x1c6: {  	[sflag:s5] =	ssyncset.done $0x0  }
0x1c7: {  	v6 =	vadd.s32 @!p1 v9, v6;
	s18 =	simm.s32 @!p1 $0x6100;
	[sflag:s5] =	ssyncadd.s32 $0xFFFFE000  }
0x1c8: {  	[tilespmem:s18], [sflag:$0x4] =	stream.indirect_vreg.gather @!p1 [hbm4b:s8+s4], $0x80, v8, vm1, $0xb8;
	[tilespmem:$0xC100] =	vst v63  }
0x1c9: {  	s18 =	simm.s32 @!p1 $0x6900  }
0x1ca: {  	[tilespmem:s18], [sflag:$0x4] =	stream.indirect_vreg.gather @!p1 [hbm4b:s21+s4], $0x80, v8, vm1, $0xb8;
	[tilespmem:$0xC100] =	vst v63  }
0x1cb: {  	s18 =	simm.s32 @!p1 $0x7100  }
0x1cc: {  	[tilespmem:s18], [sflag:$0x4] =	stream.indirect_vreg.gather @!p1 [hbm4b:s8+s4], $0x80, v6, vm1, $0xb8;
	[tilespmem:$0xC100] =	vst v63  }
0x1cd: {  	s18 =	simm.s32 @!p1 $0x7900  }
0x1ce: {  	[tilespmem:s18], [sflag:$0x4] =	stream.indirect_vreg.gather @!p1 [hbm4b:s21+s4], $0x80, v6, vm1, $0xb8;
	[tilespmem:$0xC100] =	vst v63  }
0x1cf: {  	_ =	swait.ge [sflag:s6], $0x2000  }
0x1d0: {  	[sflag:s6] =	ssyncset.done $0x0  }
.Ltmp3:
0x1d1: {  	[sflag:s6] =	ssyncadd.s32 $0xFFFFE000;
	(pc) =	sbr.rel @p1 .LBB2_8-.Ltmp3, $4  }
0x1d2: {  	[hbm4b:s0+s1] =	stream.linear.scatter [tilespmem:s12], [sflag:$0xB], $0x2000, $0x38;
	[tilespmem:$0xC100] =	vst v63  }
0x1d3: {  	_ =	swait.ge [sflag:s26], $0x2000  }
0x1d4: {  	[sflag:s26] =	ssyncset.done $0x0  }
0x1d5: {  	[sflag:s26] =	ssyncadd.s32 $0xFFFFE000  }
0x1d6: {  	v6 =	vadd.s32 s10, v4  }
0x1d7: {  	v6 =	vshll.u32 v6, $0x2  }
0x1d8: {  	v6 =	vand.u32 $0xFFFFFFE0, v6  }
0x1d9: {  	v6 =	vor.u32 v5, v6  }
0x1da: {  	v7 =	vperm.xlane v6, v1;
	_ =	sdelay $0x1  }
0x1db: {  	v7 =	vadd.s32 v2, v7;
	_ =	sdelay $0x1  }
0x1dc: {  	v8 =	vor.u32 $0x8, v0  }
0x1dd: {  	v6 =	vperm.xlane v6, v8;
	_ =	sdelay $0x1  }
0x1de: {  	v6 =	vadd.s32 v2, v6;
	[tilespmem:s12], [sflag:$0x5] =	stream.indirect_vreg.gather [hbm4b:s8+s1], $0x80, v7, vm0, $0xb8;
	[tilespmem:$0xC100] =	vst v63  }
0x1df: {  	_ = 	snop  }
0x1e0: {  	[tilespmem:s13], [sflag:$0x5] =	stream.indirect_vreg.gather [hbm4b:s21+s1], $0x80, v7, vm0, $0xb8;
	[tilespmem:$0xC100] =	vst v63  }
.Ltmp4:
0x1e1: {  	_ = 	snop;
	(pc) =	sbr.rel .LBB2_6-.Ltmp4, $4  }
0x1e2: {  	_ = 	snop  }
0x1e3: {  	[tilespmem:s14], [sflag:$0x5] =	stream.indirect_vreg.gather [hbm4b:s8+s1], $0x80, v6, vm0, $0xb8;
	[tilespmem:$0xC100] =	vst v63  }
0x1e4: {  	s10 =	sadd.s32 $0x1770, s10;
	s0 =	sadd.s32 $0x30000, s0  }
0x1e5: {  	[tilespmem:s15], [sflag:$0x5] =	stream.indirect_vreg.gather [hbm4b:s21+s1], $0x80, v6, vm0, $0xb8;
	[tilespmem:$0xC100] =	vst v63  }
.LBB2_2:
0x1e6: {  	_ = 	snop  }
0x1e7: {  	s0 =	sld [smem:$0x7F6];
	_ =	sdelay $0x1  }
0x1e8: {  	s4 =	sld [smem:$0x7F8]  }
0x1e9: {  	[tilespmem:s23], [sflag:$0x1] =	stream.indirect_vreg.gather [hbm4b:s0+s1], $0x80, v7, vm0, $0xb8;
	[tilespmem:$0xC100] =	vst v63  }
0x1ea: {  	s10 =	simm.s32 $0x900  }
0x1eb: {  	v11 =	vperm.xlane v8, v1;
	[tilespmem:s10], [sflag:$0x1] =	stream.indirect_vreg.gather [hbm4b:s4+s1], $0x80, v7, vm0, $0xb8;
	[tilespmem:$0xC100] =	vst v63  }
0x1ec: {  	s18 =	simm.s32 $0x1100  }
0x1ed: {  	v11 =	vadd.s32 v2, v11;
	[tilespmem:s18], [sflag:$0x1] =	stream.indirect_vreg.gather [hbm4b:s0+s1], $0x80, v9, vm0, $0xb8;
	[tilespmem:$0xC100] =	vst v63  }
0x1ee: {  	s10 =	simm.s32 $0x1900  }
0x1ef: {  	v12 =	vperm.xlane v8, v3;
	[tilespmem:s10], [sflag:$0x1] =	stream.indirect_vreg.gather [hbm4b:s4+s1], $0x80, v9, vm0, $0xb8;
	[tilespmem:$0xC100] =	vst v63  }
0x1f0: {  	s4 =	rddreg [dreg:$0x2]  }
0x1f1: {  	v12 =	vadd.s32 v2, v12;
	s10 =	sld [smem:$0x7FD]  }
0x1f2: {  	[tilespmem:s29], [sflag:$0x2] =	stream.indirect_vreg.gather [hbm4b:s4+s1], $0x80, v11, vm0, $0xb8;
	[tilespmem:$0xC100] =	vst v63  }
0x1f3: {  	v13 =	vperm.xlane v10, v1;
	s0 =	simm.s32 $0x2900  }
0x1f4: {  	[tilespmem:s0], [sflag:$0x2] =	stream.indirect_vreg.gather [hbm4b:s10+s1], $0x80, v11, vm0, $0xb8;
	[tilespmem:$0xC100] =	vst v63  }
0x1f5: {  	v24 =	vadd.s32 v2, v13;
	s0 =	simm.s32 $0x3100  }
0x1f6: {  	[tilespmem:s0], [sflag:$0x2] =	stream.indirect_vreg.gather [hbm4b:s4+s1], $0x80, v12, vm0, $0xb8;
	[tilespmem:$0xC100] =	vst v63  }
0x1f7: {  	v25 =	vperm.xlane v10, v3;
	s0 =	simm.s32 $0x3900  }
0x1f8: {  	[tilespmem:s0], [sflag:$0x2] =	stream.indirect_vreg.gather [hbm4b:s10+s1], $0x80, v12, vm0, $0xb8;
	[tilespmem:$0xC100] =	vst v63  }
0x1f9: {  	v10 =	vadd.s32 v2, v25  }
0x1fa: {  	v26 =	vor.u32 $0x2, v8;
	[tilespmem:s3], [sflag:$0x3] =	stream.indirect_vreg.gather [hbm4b:s4+s1], $0x80, v24, vm0, $0xb8;
	[tilespmem:$0xC100] =	vst v63  }
0x1fb: {  	v27 =	vperm.xlane v26, v1;
	s0 =	simm.s32 $0x4900  }
0x1fc: {  	[tilespmem:s0], [sflag:$0x3] =	stream.indirect_vreg.gather [hbm4b:s10+s1], $0x80, v24, vm0, $0xb8;
	[tilespmem:$0xC100] =	vst v63  }
0x1fd: {  	v28 =	vadd.s32 v2, v27;
	s0 =	simm.s32 $0x5100  }
0x1fe: {  	[tilespmem:s0], [sflag:$0x3] =	stream.indirect_vreg.gather [hbm4b:s4+s1], $0x80, v10, vm0, $0xb8;
	[tilespmem:$0xC100] =	vst v63  }
0x1ff: {  	v12 =	vperm.xlane v26, v3;
	s0 =	simm.s32 $0x5900  }
0x200: {  	[tilespmem:s0], [sflag:$0x3] =	stream.indirect_vreg.gather [hbm4b:s10+s1], $0x80, v10, vm0, $0xb8;
	[tilespmem:$0xC100] =	vst v63  }
0x201: {  	v29 =	vadd.s32 v2, v12  }
0x202: {  	v30 =	vor.u32 $0x3, v8;
	[tilespmem:s9], [sflag:$0x4] =	stream.indirect_vreg.gather [hbm4b:s4+s1], $0x80, v28, vm0, $0xb8;
	[tilespmem:$0xC100] =	vst v63  }
0x203: {  	v31 =	vperm.xlane v30, v1;
	s0 =	simm.s32 $0x6900  }
0x204: {  	[tilespmem:s0], [sflag:$0x4] =	stream.indirect_vreg.gather [hbm4b:s10+s1], $0x80, v28, vm0, $0xb8;
	[tilespmem:$0xC100] =	vst v63  }
0x205: {  	v32 =	vadd.s32 v2, v31;
	s0 =	simm.s32 $0x7100  }
0x206: {  	[tilespmem:s0], [sflag:$0x4] =	stream.indirect_vreg.gather [hbm4b:s4+s1], $0x80, v29, vm0, $0xb8;
	[tilespmem:$0xC100] =	vst v63  }
0x207: {  	v12 =	vperm.xlane v30, v3;
	s0 =	simm.s32 $0x7900  }
0x208: {  	[tilespmem:s0], [sflag:$0x4] =	stream.indirect_vreg.gather [hbm4b:s10+s1], $0x80, v29, vm0, $0xb8;
	[tilespmem:$0xC100] =	vst v63  }
0x209: {  	v33 =	vadd.s32 v2, v12  }
0x20a: {  	v34 =	vor.u32 $0x4, v8;
	[tilespmem:s12], [sflag:$0x5] =	stream.indirect_vreg.gather [hbm4b:s4+s1], $0x80, v32, vm0, $0xb8;
	[tilespmem:$0xC100] =	vst v63  }
0x20b: {  	v35 =	vperm.xlane v34, v1  }
0x20c: {  	[tilespmem:s13], [sflag:$0x5] =	stream.indirect_vreg.gather [hbm4b:s10+s1], $0x80, v32, vm0, $0xb8;
	[tilespmem:$0xC100] =	vst v63  }
0x20d: {  	v36 =	vadd.s32 v2, v35  }
0x20e: {  	[tilespmem:s14], [sflag:$0x5] =	stream.indirect_vreg.gather [hbm4b:s4+s1], $0x80, v33, vm0, $0xb8;
	[tilespmem:$0xC100] =	vst v63  }
0x20f: {  	v12 =	vperm.xlane v34, v3  }
0x210: {  	[tilespmem:s15], [sflag:$0x5] =	stream.indirect_vreg.gather [hbm4b:s10+s1], $0x80, v33, vm0, $0xb8;
	[tilespmem:$0xC100] =	vst v63  }
0x211: {  	v37 =	vadd.s32 v2, v12  }
0x212: {  	[tilespmem:s16], [sflag:$0x6] =	stream.indirect_vreg.gather [hbm4b:s4+s1], $0x80, v36, vm0, $0xb8;
	[tilespmem:$0xC100] =	vst v63  }
0x213: {  	s0 =	simm.s32 $0xA900  }
0x214: {  	[tilespmem:s0], [sflag:$0x6] =	stream.indirect_vreg.gather [hbm4b:s10+s1], $0x80, v36, vm0, $0xb8;
	[tilespmem:$0xC100] =	vst v63  }
0x215: {  	s0 =	simm.s32 $0xB100  }
0x216: {  	[tilespmem:s0], [sflag:$0x6] =	stream.indirect_vreg.gather [hbm4b:s4+s1], $0x80, v37, vm0, $0xb8;
	[tilespmem:$0xC100] =	vst v63  }
0x217: {  	s0 =	simm.s32 $0xB900  }
0x218: {  	v38 =	vor.u32 $0x5, v8;
	[tilespmem:s0], [sflag:$0x6] =	stream.indirect_vreg.gather [hbm4b:s10+s1], $0x80, v37, vm0, $0xb8;
	[tilespmem:$0xC100] =	vst v63  }
0x219: {  	v39 =	vperm.xlane v38, v1;
	_ =	swait.ge [sflag:s22], $0x2000  }
0x21a: {  	[sflag:s22] =	ssyncset.done $0x0  }
0x21b: {  	v11 =	vadd.s32 v2, v39;
	s0 =	rddreg [dreg:$0x8];
	[sflag:s22] =	ssyncadd.s32 $0xFFFFE000  }
0x21c: {  	[hbm4b:s0+s1] =	stream.linear.scatter [tilespmem:s23], [sflag:$0x7], $0x2000, $0x38;
	[tilespmem:$0xC100] =	vst v63  }
0x21d: {  	v10 =	vperm.xlane v38, v3;
	_ =	swait.ge [sflag:s24], $0x2000  }
0x21e: {  	[sflag:s24] =	ssyncset.done $0x0  }
0x21f: {  	v10 =	vadd.s32 v2, v10;
	[sflag:s24] =	ssyncadd.s32 $0xFFFFE000  }
0x220: {  	[tilespmem:s23], [sflag:$0x1] =	stream.indirect_vreg.gather [hbm4b:s4+s1], $0x80, v11, vm0, $0xb8;
	[tilespmem:$0xC100] =	vst v63  }
0x221: {  	s0 =	simm.s32 $0x900  }
0x222: {  	[tilespmem:s0], [sflag:$0x1] =	stream.indirect_vreg.gather [hbm4b:s10+s1], $0x80, v11, vm0, $0xb8;
	[tilespmem:$0xC100] =	vst v63  }
0x223: {  	s0 =	simm.s32 $0x1100  }
0x224: {  	[tilespmem:s0], [sflag:$0x1] =	stream.indirect_vreg.gather [hbm4b:s4+s1], $0x80, v10, vm0, $0xb8;
	[tilespmem:$0xC100] =	vst v63  }
0x225: {  	s18 =	simm.s32 $0x1900  }
0x226: {  	v40 =	vor.u32 $0x6, v8;
	[tilespmem:s18], [sflag:$0x1] =	stream.indirect_vreg.gather [hbm4b:s10+s1], $0x80, v10, vm0, $0xb8;
	[tilespmem:$0xC100] =	vst v63  }
0x227: {  	v41 =	vperm.xlane v40, v1;
	_ =	swait.ge [sflag:s25], $0x2000  }
0x228: {  	[sflag:s25] =	ssyncset.done $0x0  }
0x229: {  	v11 =	vadd.s32 v2, v41;
	s18 =	rddreg [dreg:$0x9];
	[sflag:s25] =	ssyncadd.s32 $0xFFFFE000  }
0x22a: {  	[hbm4b:s18+s1] =	stream.linear.scatter [tilespmem:s29], [sflag:$0x8], $0x2000, $0x38;
	[tilespmem:$0xC100] =	vst v63  }
0x22b: {  	v10 =	vperm.xlane v40, v3;
	_ =	swait.ge [sflag:s28], $0x2000  }
0x22c: {  	[sflag:s28] =	ssyncset.done $0x0  }
0x22d: {  	v10 =	vadd.s32 v2, v10;
	[sflag:s28] =	ssyncadd.s32 $0xFFFFE000  }
0x22e: {  	[tilespmem:s29], [sflag:$0x2] =	stream.indirect_vreg.gather [hbm4b:s4+s1], $0x80, v11, vm0, $0xb8;
	[tilespmem:$0xC100] =	vst v63  }
0x22f: {  	s18 =	simm.s32 $0x2900  }
0x230: {  	[tilespmem:s18], [sflag:$0x2] =	stream.indirect_vreg.gather [hbm4b:s10+s1], $0x80, v11, vm0, $0xb8;
	[tilespmem:$0xC100] =	vst v63  }
0x231: {  	s18 =	simm.s32 $0x3100  }
0x232: {  	[tilespmem:s18], [sflag:$0x2] =	stream.indirect_vreg.gather [hbm4b:s4+s1], $0x80, v10, vm0, $0xb8;
	[tilespmem:$0xC100] =	vst v63  }
0x233: {  	s18 =	simm.s32 $0x3900  }
0x234: {  	v42 =	vor.u32 $0x7, v8;
	[tilespmem:s18], [sflag:$0x2] =	stream.indirect_vreg.gather [hbm4b:s10+s1], $0x80, v10, vm0, $0xb8;
	[tilespmem:$0xC100] =	vst v63  }
0x235: {  	v43 =	vperm.xlane v42, v1;
	_ =	swait.ge [sflag:s30], $0x2000  }
0x236: {  	[sflag:s30] =	ssyncset.done $0x0  }
0x237: {  	v11 =	vadd.s32 v2, v43;
	s18 =	rddreg [dreg:$0xa];
	[sflag:s30] =	ssyncadd.s32 $0xFFFFE000  }
0x238: {  	[hbm4b:s18+s1] =	stream.linear.scatter [tilespmem:s3], [sflag:$0x9], $0x2000, $0x38;
	[tilespmem:$0xC100] =	vst v63  }
0x239: {  	v10 =	vperm.xlane v42, v3;
	_ =	swait.ge [sflag:s31], $0x2000  }
0x23a: {  	[sflag:s31] =	ssyncset.done $0x0  }
0x23b: {  	v10 =	vadd.s32 v2, v10;
	[sflag:s31] =	ssyncadd.s32 $0xFFFFE000  }
0x23c: {  	[tilespmem:s3], [sflag:$0x3] =	stream.indirect_vreg.gather [hbm4b:s4+s1], $0x80, v11, vm0, $0xb8;
	[tilespmem:$0xC100] =	vst v63  }
0x23d: {  	s18 =	simm.s32 $0x4900  }
0x23e: {  	[tilespmem:s18], [sflag:$0x3] =	stream.indirect_vreg.gather [hbm4b:s10+s1], $0x80, v11, vm0, $0xb8;
	[tilespmem:$0xC100] =	vst v63  }
0x23f: {  	s18 =	simm.s32 $0x5100  }
0x240: {  	[tilespmem:s18], [sflag:$0x3] =	stream.indirect_vreg.gather [hbm4b:s4+s1], $0x80, v10, vm0, $0xb8;
	[tilespmem:$0xC100] =	vst v63  }
0x241: {  	s18 =	simm.s32 $0x5900  }
0x242: {  	v44 =	vor.u32 $0x20, v8;
	[tilespmem:s18], [sflag:$0x3] =	stream.indirect_vreg.gather [hbm4b:s10+s1], $0x80, v10, vm0, $0xb8;
	[tilespmem:$0xC100] =	vst v63  }
0x243: {  	v45 =	vperm.xlane v44, v1;
	_ =	swait.ge [sflag:s2], $0x2000  }
0x244: {  	[sflag:s2] =	ssyncset.done $0x0  }
0x245: {  	v11 =	vadd.s32 v2, v45;
	s18 =	rddreg [dreg:$0xb];
	[sflag:s2] =	ssyncadd.s32 $0xFFFFE000  }
0x246: {  	[hbm4b:s18+s1] =	stream.linear.scatter [tilespmem:s9], [sflag:$0xA], $0x2000, $0x38;
	[tilespmem:$0xC100] =	vst v63  }
0x247: {  	v10 =	vperm.xlane v44, v3;
	_ =	swait.ge [sflag:s5], $0x2000  }
0x248: {  	[sflag:s5] =	ssyncset.done $0x0  }
0x249: {  	v10 =	vadd.s32 v2, v10;
	[sflag:s5] =	ssyncadd.s32 $0xFFFFE000  }
0x24a: {  	[tilespmem:s9], [sflag:$0x4] =	stream.indirect_vreg.gather [hbm4b:s4+s1], $0x80, v11, vm0, $0xb8;
	[tilespmem:$0xC100] =	vst v63  }
0x24b: {  	s18 =	simm.s32 $0x6900  }
0x24c: {  	[tilespmem:s18], [sflag:$0x4] =	stream.indirect_vreg.gather [hbm4b:s10+s1], $0x80, v11, vm0, $0xb8;
	[tilespmem:$0xC100] =	vst v63  }
0x24d: {  	s18 =	simm.s32 $0x7100  }
0x24e: {  	[tilespmem:s18], [sflag:$0x4] =	stream.indirect_vreg.gather [hbm4b:s4+s1], $0x80, v10, vm0, $0xb8;
	[tilespmem:$0xC100] =	vst v63  }
0x24f: {  	s18 =	simm.s32 $0x7900  }
0x250: {  	v46 =	vor.u32 $0x21, v8;
	[tilespmem:s18], [sflag:$0x4] =	stream.indirect_vreg.gather [hbm4b:s10+s1], $0x80, v10, vm0, $0xb8;
	[tilespmem:$0xC100] =	vst v63  }
0x251: {  	v47 =	vperm.xlane v46, v1;
	_ =	swait.ge [sflag:s6], $0x2000  }
0x252: {  	[sflag:s6] =	ssyncset.done $0x0  }
0x253: {  	v11 =	vadd.s32 v2, v47;
	s18 =	rddreg [dreg:$0xc];
	[sflag:s6] =	ssyncadd.s32 $0xFFFFE000  }
0x254: {  	[hbm4b:s18+s1] =	stream.linear.scatter [tilespmem:s12], [sflag:$0xB], $0x2000, $0x38;
	[tilespmem:$0xC100] =	vst v63  }
0x255: {  	v10 =	vperm.xlane v46, v3;
	_ =	swait.ge [sflag:s26], $0x2000  }
0x256: {  	[sflag:s26] =	ssyncset.done $0x0  }
0x257: {  	v10 =	vadd.s32 v2, v10;
	[sflag:s26] =	ssyncadd.s32 $0xFFFFE000  }
0x258: {  	[tilespmem:s12], [sflag:$0x5] =	stream.indirect_vreg.gather [hbm4b:s4+s1], $0x80, v11, vm0, $0xb8;
	[tilespmem:$0xC100] =	vst v63  }
0x259: {  	_ = 	snop  }
0x25a: {  	[tilespmem:s13], [sflag:$0x5] =	stream.indirect_vreg.gather [hbm4b:s10+s1], $0x80, v11, vm0, $0xb8;
	[tilespmem:$0xC100] =	vst v63  }
0x25b: {  	_ = 	snop  }
0x25c: {  	[tilespmem:s14], [sflag:$0x5] =	stream.indirect_vreg.gather [hbm4b:s4+s1], $0x80, v10, vm0, $0xb8;
	[tilespmem:$0xC100] =	vst v63  }
0x25d: {  	_ = 	snop  }
0x25e: {  	v48 =	vor.u32 $0x22, v8;
	[tilespmem:s15], [sflag:$0x5] =	stream.indirect_vreg.gather [hbm4b:s10+s1], $0x80, v10, vm0, $0xb8;
	[tilespmem:$0xC100] =	vst v63  }
0x25f: {  	v49 =	vperm.xlane v48, v1;
	_ =	swait.ge [sflag:s17], $0x2000  }
0x260: {  	[sflag:s17] =	ssyncset.done $0x0  }
0x261: {  	v11 =	vadd.s32 v2, v49;
	s18 =	rddreg [dreg:$0xd];
	[sflag:s17] =	ssyncadd.s32 $0xFFFFE000  }
0x262: {  	[hbm4b:s18+s1] =	stream.linear.scatter [tilespmem:s16], [sflag:$0xC], $0x2000, $0x38;
	[tilespmem:$0xC100] =	vst v63  }
0x263: {  	v10 =	vperm.xlane v48, v3;
	_ =	swait.ge [sflag:s11], $0x2000  }
0x264: {  	[sflag:s11] =	ssyncset.done $0x0  }
0x265: {  	v10 =	vadd.s32 v2, v10;
	[sflag:s11] =	ssyncadd.s32 $0xFFFFE000  }
0x266: {  	[tilespmem:s16], [sflag:$0x6] =	stream.indirect_vreg.gather [hbm4b:s4+s1], $0x80, v11, vm0, $0xb8;
	[tilespmem:$0xC100] =	vst v63  }
0x267: {  	s18 =	simm.s32 $0xA900  }
0x268: {  	[tilespmem:s18], [sflag:$0x6] =	stream.indirect_vreg.gather [hbm4b:s10+s1], $0x80, v11, vm0, $0xb8;
	[tilespmem:$0xC100] =	vst v63  }
0x269: {  	s0 =	simm.s32 $0xB100  }
0x26a: {  	[tilespmem:s0], [sflag:$0x6] =	stream.indirect_vreg.gather [hbm4b:s4+s1], $0x80, v10, vm0, $0xb8;
	[tilespmem:$0xC100] =	vst v63  }
0x26b: {  	s0 =	simm.s32 $0xB900  }
0x26c: {  	v50 =	vor.u32 $0x23, v8;
	[tilespmem:s0], [sflag:$0x6] =	stream.indirect_vreg.gather [hbm4b:s10+s1], $0x80, v10, vm0, $0xb8;
	[tilespmem:$0xC100] =	vst v63  }
0x26d: {  	v51 =	vperm.xlane v50, v1;
	_ =	swait.ge [sflag:s22], $0x2000  }
0x26e: {  	[sflag:s22] =	ssyncset.done $0x0  }
0x26f: {  	v11 =	vadd.s32 v2, v51;
	s0 =	rddreg [dreg:$0xe];
	[sflag:s22] =	ssyncadd.s32 $0xFFFFE000  }
0x270: {  	[hbm4b:s0+s1] =	stream.linear.scatter [tilespmem:s23], [sflag:$0x7], $0x2000, $0x38;
	[tilespmem:$0xC100] =	vst v63  }
0x271: {  	v10 =	vperm.xlane v50, v3;
	_ =	swait.ge [sflag:s24], $0x2000  }
0x272: {  	[sflag:s24] =	ssyncset.done $0x0  }
0x273: {  	v10 =	vadd.s32 v2, v10;
	[sflag:s24] =	ssyncadd.s32 $0xFFFFE000  }
0x274: {  	[tilespmem:s23], [sflag:$0x1] =	stream.indirect_vreg.gather [hbm4b:s4+s1], $0x80, v11, vm0, $0xb8;
	[tilespmem:$0xC100] =	vst v63  }
0x275: {  	s0 =	simm.s32 $0x900  }
0x276: {  	[tilespmem:s0], [sflag:$0x1] =	stream.indirect_vreg.gather [hbm4b:s10+s1], $0x80, v11, vm0, $0xb8;
	[tilespmem:$0xC100] =	vst v63  }
0x277: {  	s0 =	simm.s32 $0x1100  }
0x278: {  	[tilespmem:s0], [sflag:$0x1] =	stream.indirect_vreg.gather [hbm4b:s4+s1], $0x80, v10, vm0, $0xb8;
	[tilespmem:$0xC100] =	vst v63  }
0x279: {  	s0 =	simm.s32 $0x1900  }
0x27a: {  	v52 =	vor.u32 $0x24, v8;
	[tilespmem:s0], [sflag:$0x1] =	stream.indirect_vreg.gather [hbm4b:s10+s1], $0x80, v10, vm0, $0xb8;
	[tilespmem:$0xC100] =	vst v63  }
0x27b: {  	v53 =	vperm.xlane v52, v1;
	_ =	swait.ge [sflag:s25], $0x2000  }
0x27c: {  	[sflag:s25] =	ssyncset.done $0x0  }
0x27d: {  	v11 =	vadd.s32 v2, v53;
	s0 =	rddreg [dreg:$0xf];
	[sflag:s25] =	ssyncadd.s32 $0xFFFFE000  }
0x27e: {  	[hbm4b:s0+s1] =	stream.linear.scatter [tilespmem:s29], [sflag:$0x8], $0x2000, $0x38;
	[tilespmem:$0xC100] =	vst v63  }
0x27f: {  	v10 =	vperm.xlane v52, v3;
	_ =	swait.ge [sflag:s28], $0x2000  }
0x280: {  	[sflag:s28] =	ssyncset.done $0x0  }
0x281: {  	v10 =	vadd.s32 v2, v10;
	[sflag:s28] =	ssyncadd.s32 $0xFFFFE000  }
0x282: {  	[tilespmem:s29], [sflag:$0x2] =	stream.indirect_vreg.gather [hbm4b:s4+s1], $0x80, v11, vm0, $0xb8;
	[tilespmem:$0xC100] =	vst v63  }
0x283: {  	s0 =	simm.s32 $0x2900  }
0x284: {  	[tilespmem:s0], [sflag:$0x2] =	stream.indirect_vreg.gather [hbm4b:s10+s1], $0x80, v11, vm0, $0xb8;
	[tilespmem:$0xC100] =	vst v63  }
0x285: {  	s0 =	simm.s32 $0x3100  }
0x286: {  	[tilespmem:s0], [sflag:$0x2] =	stream.indirect_vreg.gather [hbm4b:s4+s1], $0x80, v10, vm0, $0xb8;
	[tilespmem:$0xC100] =	vst v63  }
0x287: {  	s0 =	simm.s32 $0x3900  }
0x288: {  	v54 =	vor.u32 $0x25, v8;
	[tilespmem:s0], [sflag:$0x2] =	stream.indirect_vreg.gather [hbm4b:s10+s1], $0x80, v10, vm0, $0xb8;
	[tilespmem:$0xC100] =	vst v63  }
0x289: {  	v55 =	vperm.xlane v54, v1;
	_ =	swait.ge [sflag:s30], $0x2000  }
0x28a: {  	[sflag:s30] =	ssyncset.done $0x0  }
0x28b: {  	v11 =	vadd.s32 v2, v55;
	s0 =	rddreg [dreg:$0x10];
	[sflag:s30] =	ssyncadd.s32 $0xFFFFE000  }
0x28c: {  	[hbm4b:s0+s1] =	stream.linear.scatter [tilespmem:s3], [sflag:$0x9], $0x2000, $0x38;
	[tilespmem:$0xC100] =	vst v63  }
0x28d: {  	v10 =	vperm.xlane v54, v3;
	_ =	swait.ge [sflag:s31], $0x2000  }
0x28e: {  	[sflag:s31] =	ssyncset.done $0x0  }
0x28f: {  	v10 =	vadd.s32 v2, v10;
	[sflag:s31] =	ssyncadd.s32 $0xFFFFE000  }
0x290: {  	[tilespmem:s3], [sflag:$0x3] =	stream.indirect_vreg.gather [hbm4b:s4+s1], $0x80, v11, vm0, $0xb8;
	[tilespmem:$0xC100] =	vst v63  }
0x291: {  	s0 =	simm.s32 $0x4900  }
0x292: {  	[tilespmem:s0], [sflag:$0x3] =	stream.indirect_vreg.gather [hbm4b:s10+s1], $0x80, v11, vm0, $0xb8;
	[tilespmem:$0xC100] =	vst v63  }
0x293: {  	s0 =	simm.s32 $0x5100  }
0x294: {  	[tilespmem:s0], [sflag:$0x3] =	stream.indirect_vreg.gather [hbm4b:s4+s1], $0x80, v10, vm0, $0xb8;
	[tilespmem:$0xC100] =	vst v63  }
0x295: {  	s0 =	simm.s32 $0x5900  }
0x296: {  	v56 =	vor.u32 $0x26, v8;
	[tilespmem:s0], [sflag:$0x3] =	stream.indirect_vreg.gather [hbm4b:s10+s1], $0x80, v10, vm0, $0xb8;
	[tilespmem:$0xC100] =	vst v63  }
0x297: {  	v57 =	vperm.xlane v56, v1;
	_ =	swait.ge [sflag:s2], $0x2000  }
0x298: {  	[sflag:s2] =	ssyncset.done $0x0  }
0x299: {  	v11 =	vadd.s32 v2, v57;
	s0 =	rddreg [dreg:$0x11];
	[sflag:s2] =	ssyncadd.s32 $0xFFFFE000  }
0x29a: {  	[hbm4b:s0+s1] =	stream.linear.scatter [tilespmem:s9], [sflag:$0xA], $0x2000, $0x38;
	[tilespmem:$0xC100] =	vst v63  }
0x29b: {  	v10 =	vperm.xlane v56, v3;
	_ =	swait.ge [sflag:s5], $0x2000  }
0x29c: {  	[sflag:s5] =	ssyncset.done $0x0  }
0x29d: {  	v10 =	vadd.s32 v2, v10;
	[sflag:s5] =	ssyncadd.s32 $0xFFFFE000  }
0x29e: {  	[tilespmem:s9], [sflag:$0x4] =	stream.indirect_vreg.gather [hbm4b:s4+s1], $0x80, v11, vm0, $0xb8;
	[tilespmem:$0xC100] =	vst v63  }
0x29f: {  	s0 =	simm.s32 $0x6900  }
0x2a0: {  	[tilespmem:s0], [sflag:$0x4] =	stream.indirect_vreg.gather [hbm4b:s10+s1], $0x80, v11, vm0, $0xb8;
	[tilespmem:$0xC100] =	vst v63  }
0x2a1: {  	s0 =	simm.s32 $0x7100  }
0x2a2: {  	[tilespmem:s0], [sflag:$0x4] =	stream.indirect_vreg.gather [hbm4b:s4+s1], $0x80, v10, vm0, $0xb8;
	[tilespmem:$0xC100] =	vst v63  }
0x2a3: {  	s0 =	simm.s32 $0x7900  }
0x2a4: {  	v58 =	vor.u32 $0x27, v8;
	[tilespmem:s0], [sflag:$0x4] =	stream.indirect_vreg.gather [hbm4b:s10+s1], $0x80, v10, vm0, $0xb8;
	[tilespmem:$0xC100] =	vst v63  }
0x2a5: {  	v59 =	vperm.xlane v58, v1;
	_ =	swait.ge [sflag:s6], $0x2000  }
0x2a6: {  	[sflag:s6] =	ssyncset.done $0x0  }
0x2a7: {  	v10 =	vadd.s32 v2, v59;
	s0 =	rddreg [dreg:$0x12];
	[sflag:s6] =	ssyncadd.s32 $0xFFFFE000  }
0x2a8: {  	[hbm4b:s0+s1] =	stream.linear.scatter [tilespmem:s12], [sflag:$0xB], $0x2000, $0x38;
	[tilespmem:$0xC100] =	vst v63  }
0x2a9: {  	v8 =	vperm.xlane v58, v3;
	_ =	swait.ge [sflag:s26], $0x2000  }
0x2aa: {  	[sflag:s26] =	ssyncset.done $0x0  }
0x2ab: {  	v8 =	vadd.s32 v2, v8;
	[sflag:s26] =	ssyncadd.s32 $0xFFFFE000  }
0x2ac: {  	[tilespmem:s12], [sflag:$0x5] =	stream.indirect_vreg.gather [hbm4b:s4+s1], $0x80, v10, vm0, $0xb8;
	[tilespmem:$0xC100] =	vst v63  }
0x2ad: {  	_ = 	snop  }
0x2ae: {  	[tilespmem:s13], [sflag:$0x5] =	stream.indirect_vreg.gather [hbm4b:s10+s1], $0x80, v10, vm0, $0xb8;
	[tilespmem:$0xC100] =	vst v63  }
0x2af: {  	_ = 	snop  }
0x2b0: {  	[tilespmem:s14], [sflag:$0x5] =	stream.indirect_vreg.gather [hbm4b:s4+s1], $0x80, v8, vm0, $0xb8;
	[tilespmem:$0xC100] =	vst v63  }
0x2b1: {  	_ = 	snop  }
0x2b2: {  	[tilespmem:s15], [sflag:$0x5] =	stream.indirect_vreg.gather [hbm4b:s10+s1], $0x80, v8, vm0, $0xb8;
	[tilespmem:$0xC100] =	vst v63  }
0x2b3: {  	_ =	swait.ge [sflag:s17], $0x2000  }
0x2b4: {  	[sflag:s17] =	ssyncset.done $0x0  }
0x2b5: {  	s10 =	rddreg [dreg:$0x13];
	[sflag:s17] =	ssyncadd.s32 $0xFFFFE000  }
0x2b6: {  	[hbm4b:s10+s1] =	stream.linear.scatter [tilespmem:s16], [sflag:$0xC], $0x2000, $0x38;
	[tilespmem:$0xC100] =	vst v63  }
0x2b7: {  	_ =	swait.ge [sflag:s11], $0x2000  }
0x2b8: {  	[sflag:s11] =	ssyncset.done $0x0  }
0x2b9: {  	[sflag:s11] =	ssyncadd.s32 $0xFFFFE000  }
0x2ba: {  	[tilespmem:s16], [sflag:$0x6] =	stream.indirect_vreg.gather [hbm4b:s7+s1], $0x80, v7, vm0, $0xb8;
	[tilespmem:$0xC100] =	vst v63  }
0x2bb: {  	s18 =	simm.s32 $0xA900  }
0x2bc: {  	[tilespmem:s18], [sflag:$0x6] =	stream.indirect_vreg.gather [hbm4b:s19+s1], $0x80, v7, vm0, $0xb8;
	[tilespmem:$0xC100] =	vst v63  }
0x2bd: {  	s18 =	simm.s32 $0xB100  }
0x2be: {  	[tilespmem:s18], [sflag:$0x6] =	stream.indirect_vreg.gather [hbm4b:s7+s1], $0x80, v9, vm0, $0xb8;
	[tilespmem:$0xC100] =	vst v63  }
0x2bf: {  	v6 =	vadd.s32 v5, v6;
	s4 =	simm.s32 $0xB900  }
0x2c0: {  	v7 =	vadd.s32 $0xFA0, v6;
	[tilespmem:s4], [sflag:$0x6] =	stream.indirect_vreg.gather [hbm4b:s19+s1], $0x80, v9, vm0, $0xb8;
	[tilespmem:$0xC100] =	vst v63  }
0x2c1: {  	v60 =	vperm.xlane v7, v1;
	_ =	swait.ge [sflag:s22], $0x2000  }
0x2c2: {  	[sflag:s22] =	ssyncset.done $0x0  }
0x2c3: {  	v8 =	vadd.s32 v2, v60;
	s10 =	rddreg [dreg:$0x14];
	[sflag:s22] =	ssyncadd.s32 $0xFFFFE000  }
0x2c4: {  	[hbm4b:s10+s1] =	stream.linear.scatter [tilespmem:s23], [sflag:$0x7], $0x2000, $0x38;
	[tilespmem:$0xC100] =	vst v63  }
0x2c5: {  	v7 =	vperm.xlane v7, v3;
	_ =	swait.ge [sflag:s24], $0x2000  }
0x2c6: {  	[sflag:s24] =	ssyncset.done $0x0  }
0x2c7: {  	v7 =	vadd.s32 v2, v7;
	[sflag:s24] =	ssyncadd.s32 $0xFFFFE000  }
0x2c8: {  	[tilespmem:s23], [sflag:$0x1] =	stream.indirect_vreg.gather [hbm4b:s7+s1], $0x80, v8, vm0, $0xb8;
	[tilespmem:$0xC100] =	vst v63  }
0x2c9: {  	s18 =	simm.s32 $0x900  }
0x2ca: {  	[tilespmem:s18], [sflag:$0x1] =	stream.indirect_vreg.gather [hbm4b:s19+s1], $0x80, v8, vm0, $0xb8;
	[tilespmem:$0xC100] =	vst v63  }
0x2cb: {  	s4 =	simm.s32 $0x1100  }
0x2cc: {  	[tilespmem:s4], [sflag:$0x1] =	stream.indirect_vreg.gather [hbm4b:s7+s1], $0x80, v7, vm0, $0xb8;
	[tilespmem:$0xC100] =	vst v63  }
0x2cd: {  	s10 =	simm.s32 $0x1900  }
0x2ce: {  	[tilespmem:s10], [sflag:$0x1] =	stream.indirect_vreg.gather [hbm4b:s19+s1], $0x80, v7, vm0, $0xb8;
	v7 =	vadd.s32 $0x1F40, v6;
	[tilespmem:$0xC100] =	vst v63  }
0x2cf: {  	_ =	swait.ge [sflag:s25], $0x2000;
	v61 =	vperm.xlane v7, v1  }
0x2d0: {  	[sflag:s25] =	ssyncset.done $0x0  }
0x2d1: {  	s18 =	rddreg [dreg:$0x15];
	[sflag:s25] =	ssyncadd.s32 $0xFFFFE000;
	v8 =	vadd.s32 v2, v61  }
0x2d2: {  	[hbm4b:s18+s1] =	stream.linear.scatter [tilespmem:s29], [sflag:$0x8], $0x2000, $0x38;
	[tilespmem:$0xC100] =	vst v63  }
0x2d3: {  	v7 =	vperm.xlane v7, v3;
	_ =	swait.ge [sflag:s28], $0x2000  }
0x2d4: {  	[sflag:s28] =	ssyncset.done $0x0  }
0x2d5: {  	v7 =	vadd.s32 v2, v7;
	[sflag:s28] =	ssyncadd.s32 $0xFFFFE000  }
0x2d6: {  	[tilespmem:s29], [sflag:$0x2] =	stream.indirect_vreg.gather [hbm4b:s7+s1], $0x80, v8, vm0, $0xb8;
	[tilespmem:$0xC100] =	vst v63  }
0x2d7: {  	s4 =	simm.s32 $0x2900  }
0x2d8: {  	[tilespmem:s4], [sflag:$0x2] =	stream.indirect_vreg.gather [hbm4b:s19+s1], $0x80, v8, vm0, $0xb8;
	[tilespmem:$0xC100] =	vst v63  }
0x2d9: {  	s10 =	simm.s32 $0x3100  }
0x2da: {  	[tilespmem:s10], [sflag:$0x2] =	stream.indirect_vreg.gather [hbm4b:s7+s1], $0x80, v7, vm0, $0xb8;
	[tilespmem:$0xC100] =	vst v63  }
0x2db: {  	s18 =	simm.s32 $0x3900  }
0x2dc: {  	[tilespmem:s18], [sflag:$0x2] =	stream.indirect_vreg.gather [hbm4b:s19+s1], $0x80, v7, vm0, $0xb8;
	v7 =	vadd.s32 $0x2EE0, v6;
	[tilespmem:$0xC100] =	vst v63  }
0x2dd: {  	_ =	swait.ge [sflag:s30], $0x2000;
	v62 =	vperm.xlane v7, v1  }
0x2de: {  	[sflag:s30] =	ssyncset.done $0x0  }
0x2df: {  	s4 =	rddreg [dreg:$0x16];
	[sflag:s30] =	ssyncadd.s32 $0xFFFFE000;
	v8 =	vadd.s32 v2, v62  }
0x2e0: {  	[hbm4b:s4+s1] =	stream.linear.scatter [tilespmem:s3], [sflag:$0x9], $0x2000, $0x38;
	[tilespmem:$0xC100] =	vst v63  }
0x2e1: {  	v7 =	vperm.xlane v7, v3;
	_ =	swait.ge [sflag:s31], $0x2000  }
0x2e2: {  	[sflag:s31] =	ssyncset.done $0x0  }
0x2e3: {  	v7 =	vadd.s32 v2, v7;
	[sflag:s31] =	ssyncadd.s32 $0xFFFFE000  }
0x2e4: {  	[tilespmem:s3], [sflag:$0x3] =	stream.indirect_vreg.gather [hbm4b:s7+s1], $0x80, v8, vm0, $0xb8;
	[tilespmem:$0xC100] =	vst v63  }
0x2e5: {  	s10 =	simm.s32 $0x4900  }
0x2e6: {  	[tilespmem:s10], [sflag:$0x3] =	stream.indirect_vreg.gather [hbm4b:s19+s1], $0x80, v8, vm0, $0xb8;
	[tilespmem:$0xC100] =	vst v63  }
0x2e7: {  	s18 =	simm.s32 $0x5100  }
0x2e8: {  	[tilespmem:s18], [sflag:$0x3] =	stream.indirect_vreg.gather [hbm4b:s7+s1], $0x80, v7, vm0, $0xb8;
	[tilespmem:$0xC100] =	vst v63  }
0x2e9: {  	s4 =	simm.s32 $0x5900  }
0x2ea: {  	[tilespmem:s4], [sflag:$0x3] =	stream.indirect_vreg.gather [hbm4b:s19+s1], $0x80, v7, vm0, $0xb8;
	v7 =	vadd.s32 $0x3E80, v6;
	[tilespmem:$0xC100] =	vst v63  }
0x2eb: {  	_ =	swait.ge [sflag:s2], $0x2000;
	v63 =	vperm.xlane v7, v1  }
0x2ec: {  	[sflag:s2] =	ssyncset.done $0x0  }
0x2ed: {  	s10 =	rddreg [dreg:$0x17];
	[sflag:s2] =	ssyncadd.s32 $0xFFFFE000;
	v8 =	vadd.s32 v2, v63  }
0x2ee: {  	[hbm4b:s10+s1] =	stream.linear.scatter [tilespmem:s9], [sflag:$0xA], $0x2000, $0x38;
	[tilespmem:$0xC100] =	vst v63  }
0x2ef: {  	v7 =	vperm.xlane v7, v3;
	_ =	swait.ge [sflag:s5], $0x2000  }
0x2f0: {  	[sflag:s5] =	ssyncset.done $0x0  }
0x2f1: {  	v7 =	vadd.s32 v2, v7;
	[sflag:s5] =	ssyncadd.s32 $0xFFFFE000  }
0x2f2: {  	[tilespmem:s9], [sflag:$0x4] =	stream.indirect_vreg.gather [hbm4b:s7+s1], $0x80, v8, vm0, $0xb8;
	[tilespmem:$0xC100] =	vst v63  }
0x2f3: {  	s18 =	simm.s32 $0x6900  }
0x2f4: {  	[tilespmem:s18], [sflag:$0x4] =	stream.indirect_vreg.gather [hbm4b:s19+s1], $0x80, v8, vm0, $0xb8;
	[tilespmem:$0xC100] =	vst v63  }
0x2f5: {  	s4 =	simm.s32 $0x7100  }
0x2f6: {  	[tilespmem:s4], [sflag:$0x4] =	stream.indirect_vreg.gather [hbm4b:s7+s1], $0x80, v7, vm0, $0xb8;
	[tilespmem:$0xC100] =	vst v63  }
0x2f7: {  	s10 =	simm.s32 $0x7900  }
0x2f8: {  	v6 =	vadd.s32 $0x4E20, v6;
	[tilespmem:s10], [sflag:$0x4] =	stream.indirect_vreg.gather [hbm4b:s19+s1], $0x80, v7, vm0, $0xb8;
	[tilespmem:$0xC100] =	vst v63  }
0x2f9: {  	v7 =	vperm.xlane v6, v1;
	_ =	swait.ge [sflag:s6], $0x2000  }
0x2fa: {  	[sflag:s6] =	ssyncset.done $0x0  }
0x2fb: {  	v7 =	vadd.s32 v2, v7;
	s18 =	rddreg [dreg:$0x18];
	[sflag:s6] =	ssyncadd.s32 $0xFFFFE000  }
0x2fc: {  	[hbm4b:s18+s1] =	stream.linear.scatter [tilespmem:s12], [sflag:$0xB], $0x2000, $0x38;
	[tilespmem:$0xC100] =	vst v63  }
0x2fd: {  	v6 =	vperm.xlane v6, v3;
	_ =	swait.ge [sflag:s26], $0x2000  }
0x2fe: {  	[sflag:s26] =	ssyncset.done $0x0  }
0x2ff: {  	v6 =	vadd.s32 v2, v6;
	[sflag:s26] =	ssyncadd.s32 $0xFFFFE000  }
0x300: {  	[tilespmem:s12], [sflag:$0x5] =	stream.indirect_vreg.gather [hbm4b:s7+s1], $0x80, v7, vm0, $0xb8;
	[tilespmem:$0xC100] =	vst v63  }
0x301: {  	_ = 	snop  }
0x302: {  	[tilespmem:s13], [sflag:$0x5] =	stream.indirect_vreg.gather [hbm4b:s19+s1], $0x80, v7, vm0, $0xb8;
	[tilespmem:$0xC100] =	vst v63  }
0x303: {  	_ = 	snop  }
0x304: {  	[tilespmem:s14], [sflag:$0x5] =	stream.indirect_vreg.gather [hbm4b:s7+s1], $0x80, v6, vm0, $0xb8;
	[tilespmem:$0xC100] =	vst v63  }
0x305: {  	s10 =	simm.s32 $0x2AF8;
	s0 =	sld [smem:$0x7FB]  }
0x306: {  	[tilespmem:s15], [sflag:$0x5] =	stream.indirect_vreg.gather [hbm4b:s19+s1], $0x80, v6, vm0, $0xb8;
	[tilespmem:$0xC100] =	vst v63  }
.LBB2_3:
0x307: {  	p1 =	seq.s32 s10, $0xFDE8  }
0x308: {  	s4 =	sadd.s32 @!p1 $0xFFFFEC78, s10  }
0x309: {  	v6 =	vadd.s32 @!p1 s4, v4  }
0x30a: {  	v6 =	vshll.u32 @!p1 v6, $0x2  }
0x30b: {  	v7 =	vlaneseq.u32 @!p1;
	v6 =	vand.u32 @!p1 $0xFFFFFFE0, v6  }
0x30c: {  	v8 =	vand.u32 @!p1 $0x7, v7;
	v9 =	vshrl.u32 @!p1 v7, $0x3;
	v6 =	vor.u32 @!p1 v5, v6  }
0x30d: {  	_ =	swait.ge [sflag:s17], $0x2000;
	v9 =	vmul.u32 @!p1 $0x8, v9;
	v10 =	vperm.xlane @!p1 v6, v8  }
0x30e: {  	[sflag:s17] =	ssyncset.done $0x0  }
0x30f: {  	s18 =	sadd.s32 $0xFFFD8000, s0;
	[sflag:s17] =	ssyncadd.s32 $0xFFFFE000;
	v10 =	vadd.s32 @!p1 v9, v10  }
0x310: {  	[hbm4b:s18+s1] =	stream.linear.scatter [tilespmem:s16], [sflag:$0xC], $0x2000, $0x38;
	[tilespmem:$0xC100] =	vst v63  }
0x311: {  	v7 =	vor.u32 @!p1 $0x8, v7;
	_ =	swait.ge [sflag:s11], $0x2000  }
0x312: {  	[sflag:s11] =	ssyncset.done $0x0;
	v6 =	vperm.xlane @!p1 v6, v7  }
0x313: {  	vm1 =	vmmov @!p1 $0xffff;
	s4 =	simm.s32 @!p1 $0x0;
	s18 =	simm.s32 @!p1 $0xA100;
	[sflag:s11] =	ssyncadd.s32 $0xFFFFE000  }
0x314: {  	v6 =	vadd.s32 @!p1 v9, v6;
	[tilespmem:s18], [sflag:$0x6] =	stream.indirect_vreg.gather @!p1 [hbm4b:s7+s4], $0x80, v10, vm1, $0xb8;
	[tilespmem:$0xC100] =	vst v63  }
0x315: {  	s18 =	simm.s32 @!p1 $0xA900  }
0x316: {  	[tilespmem:s18], [sflag:$0x6] =	stream.indirect_vreg.gather @!p1 [hbm4b:s19+s4], $0x80, v10, vm1, $0xb8;
	[tilespmem:$0xC100] =	vst v63  }
0x317: {  	s18 =	sadd.s32 @!p1 $0xFFFFF060, s10  }
0x318: {  	v10 =	vadd.s32 @!p1 s18, v4;
	s18 =	simm.s32 @!p1 $0xB100  }
0x319: {  	[tilespmem:s18], [sflag:$0x6] =	stream.indirect_vreg.gather @!p1 [hbm4b:s7+s4], $0x80, v6, vm1, $0xb8;
	v10 =	vshll.u32 @!p1 v10, $0x2;
	[tilespmem:$0xC100] =	vst v63  }
0x31a: {  	s18 =	simm.s32 @!p1 $0xB900;
	v10 =	vand.u32 @!p1 $0xFFFFFFE0, v10  }
0x31b: {  	[tilespmem:s18], [sflag:$0x6] =	stream.indirect_vreg.gather @!p1 [hbm4b:s19+s4], $0x80, v6, vm1, $0xb8;
	v6 =	vor.u32 @!p1 v5, v10;
	[tilespmem:$0xC100] =	vst v63  }
0x31c: {  	_ =	swait.ge [sflag:s22], $0x2000;
	v10 =	vperm.xlane @!p1 v6, v8  }
0x31d: {  	[sflag:s22] =	ssyncset.done $0x0  }
0x31e: {  	s18 =	sadd.s32 $0xFFFE0000, s0;
	[sflag:s22] =	ssyncadd.s32 $0xFFFFE000;
	v10 =	vadd.s32 @!p1 v9, v10  }
0x31f: {  	[hbm4b:s18+s1] =	stream.linear.scatter [tilespmem:s23], [sflag:$0x7], $0x2000, $0x38;
	[tilespmem:$0xC100] =	vst v63  }
0x320: {  	_ =	swait.ge [sflag:s24], $0x2000  }
0x321: {  	v6 =	vperm.xlane @!p1 v6, v7;
	[sflag:s24] =	ssyncset.done $0x0  }
0x322: {  	s18 =	simm.s32 @!p1 $0x100;
	[sflag:s24] =	ssyncadd.s32 $0xFFFFE000  }
0x323: {  	v6 =	vadd.s32 @!p1 v9, v6;
	[tilespmem:s18], [sflag:$0x1] =	stream.indirect_vreg.gather @!p1 [hbm4b:s7+s4], $0x80, v10, vm1, $0xb8;
	[tilespmem:$0xC100] =	vst v63  }
0x324: {  	s18 =	simm.s32 @!p1 $0x900  }
0x325: {  	[tilespmem:s18], [sflag:$0x1] =	stream.indirect_vreg.gather @!p1 [hbm4b:s19+s4], $0x80, v10, vm1, $0xb8;
	[tilespmem:$0xC100] =	vst v63  }
0x326: {  	s18 =	sadd.s32 @!p1 $0xFFFFF448, s10  }
0x327: {  	v10 =	vadd.s32 @!p1 s18, v4;
	s18 =	simm.s32 @!p1 $0x1100  }
0x328: {  	[tilespmem:s18], [sflag:$0x1] =	stream.indirect_vreg.gather @!p1 [hbm4b:s7+s4], $0x80, v6, vm1, $0xb8;
	v10 =	vshll.u32 @!p1 v10, $0x2;
	[tilespmem:$0xC100] =	vst v63  }
0x329: {  	s18 =	simm.s32 @!p1 $0x1900;
	v10 =	vand.u32 @!p1 $0xFFFFFFE0, v10  }
0x32a: {  	[tilespmem:s18], [sflag:$0x1] =	stream.indirect_vreg.gather @!p1 [hbm4b:s19+s4], $0x80, v6, vm1, $0xb8;
	v6 =	vor.u32 @!p1 v5, v10;
	[tilespmem:$0xC100] =	vst v63  }
0x32b: {  	_ =	swait.ge [sflag:s25], $0x2000;
	v10 =	vperm.xlane @!p1 v6, v8  }
0x32c: {  	[sflag:s25] =	ssyncset.done $0x0  }
0x32d: {  	s18 =	sadd.s32 $0xFFFE8000, s0;
	[sflag:s25] =	ssyncadd.s32 $0xFFFFE000;
	v10 =	vadd.s32 @!p1 v9, v10  }
0x32e: {  	[hbm4b:s18+s1] =	stream.linear.scatter [tilespmem:s29], [sflag:$0x8], $0x2000, $0x38;
	[tilespmem:$0xC100] =	vst v63  }
0x32f: {  	_ =	swait.ge [sflag:s28], $0x2000  }
0x330: {  	v6 =	vperm.xlane @!p1 v6, v7;
	[sflag:s28] =	ssyncset.done $0x0  }
0x331: {  	s18 =	simm.s32 @!p1 $0x2100;
	[sflag:s28] =	ssyncadd.s32 $0xFFFFE000  }
0x332: {  	v6 =	vadd.s32 @!p1 v9, v6;
	[tilespmem:s18], [sflag:$0x2] =	stream.indirect_vreg.gather @!p1 [hbm4b:s7+s4], $0x80, v10, vm1, $0xb8;
	[tilespmem:$0xC100] =	vst v63  }
0x333: {  	s18 =	simm.s32 @!p1 $0x2900  }
0x334: {  	[tilespmem:s18], [sflag:$0x2] =	stream.indirect_vreg.gather @!p1 [hbm4b:s19+s4], $0x80, v10, vm1, $0xb8;
	[tilespmem:$0xC100] =	vst v63  }
0x335: {  	s18 =	sadd.s32 @!p1 $0xFFFFF830, s10  }
0x336: {  	v10 =	vadd.s32 @!p1 s18, v4;
	s18 =	simm.s32 @!p1 $0x3100  }
0x337: {  	[tilespmem:s18], [sflag:$0x2] =	stream.indirect_vreg.gather @!p1 [hbm4b:s7+s4], $0x80, v6, vm1, $0xb8;
	v10 =	vshll.u32 @!p1 v10, $0x2;
	[tilespmem:$0xC100] =	vst v63  }
0x338: {  	s18 =	simm.s32 @!p1 $0x3900;
	v10 =	vand.u32 @!p1 $0xFFFFFFE0, v10  }
0x339: {  	[tilespmem:s18], [sflag:$0x2] =	stream.indirect_vreg.gather @!p1 [hbm4b:s19+s4], $0x80, v6, vm1, $0xb8;
	v6 =	vor.u32 @!p1 v5, v10;
	[tilespmem:$0xC100] =	vst v63  }
0x33a: {  	_ =	swait.ge [sflag:s30], $0x2000;
	v10 =	vperm.xlane @!p1 v6, v8  }
0x33b: {  	[sflag:s30] =	ssyncset.done $0x0  }
0x33c: {  	s18 =	sadd.s32 $0xFFFF0000, s0;
	[sflag:s30] =	ssyncadd.s32 $0xFFFFE000;
	v10 =	vadd.s32 @!p1 v9, v10  }
0x33d: {  	[hbm4b:s18+s1] =	stream.linear.scatter [tilespmem:s3], [sflag:$0x9], $0x2000, $0x38;
	[tilespmem:$0xC100] =	vst v63  }
0x33e: {  	_ =	swait.ge [sflag:s31], $0x2000  }
0x33f: {  	v6 =	vperm.xlane @!p1 v6, v7;
	[sflag:s31] =	ssyncset.done $0x0  }
0x340: {  	s18 =	simm.s32 @!p1 $0x4100;
	[sflag:s31] =	ssyncadd.s32 $0xFFFFE000  }
0x341: {  	v6 =	vadd.s32 @!p1 v9, v6;
	[tilespmem:s18], [sflag:$0x3] =	stream.indirect_vreg.gather @!p1 [hbm4b:s7+s4], $0x80, v10, vm1, $0xb8;
	[tilespmem:$0xC100] =	vst v63  }
0x342: {  	s18 =	simm.s32 @!p1 $0x4900  }
0x343: {  	[tilespmem:s18], [sflag:$0x3] =	stream.indirect_vreg.gather @!p1 [hbm4b:s19+s4], $0x80, v10, vm1, $0xb8;
	[tilespmem:$0xC100] =	vst v63  }
0x344: {  	s18 =	sadd.s32 @!p1 $0xFFFFFC18, s10  }
0x345: {  	v10 =	vadd.s32 @!p1 s18, v4;
	s18 =	simm.s32 @!p1 $0x5100  }
0x346: {  	[tilespmem:s18], [sflag:$0x3] =	stream.indirect_vreg.gather @!p1 [hbm4b:s7+s4], $0x80, v6, vm1, $0xb8;
	v10 =	vshll.u32 @!p1 v10, $0x2;
	[tilespmem:$0xC100] =	vst v63  }
0x347: {  	s18 =	simm.s32 @!p1 $0x5900;
	v10 =	vand.u32 @!p1 $0xFFFFFFE0, v10  }
0x348: {  	[tilespmem:s18], [sflag:$0x3] =	stream.indirect_vreg.gather @!p1 [hbm4b:s19+s4], $0x80, v6, vm1, $0xb8;
	v6 =	vor.u32 @!p1 v5, v10;
	[tilespmem:$0xC100] =	vst v63  }
0x349: {  	_ =	swait.ge [sflag:s2], $0x2000;
	v8 =	vperm.xlane @!p1 v6, v8  }
0x34a: {  	[sflag:s2] =	ssyncset.done $0x0  }
0x34b: {  	s18 =	sadd.s32 $0xFFFF8000, s0;
	[sflag:s2] =	ssyncadd.s32 $0xFFFFE000;
	v8 =	vadd.s32 @!p1 v9, v8  }
0x34c: {  	[hbm4b:s18+s1] =	stream.linear.scatter [tilespmem:s9], [sflag:$0xA], $0x2000, $0x38;
	[tilespmem:$0xC100] =	vst v63  }
0x34d: {  	v6 =	vperm.xlane @!p1 v6, v7;
	_ =	swait.ge [sflag:s5], $0x2000  }
0x34e: {  	[sflag:s5] =	ssyncset.done $0x0  }
0x34f: {  	v6 =	vadd.s32 @!p1 v9, v6;
	s18 =	simm.s32 @!p1 $0x6100;
	[sflag:s5] =	ssyncadd.s32 $0xFFFFE000  }
0x350: {  	[tilespmem:s18], [sflag:$0x4] =	stream.indirect_vreg.gather @!p1 [hbm4b:s7+s4], $0x80, v8, vm1, $0xb8;
	[tilespmem:$0xC100] =	vst v63  }
0x351: {  	s18 =	simm.s32 @!p1 $0x6900  }
0x352: {  	[tilespmem:s18], [sflag:$0x4] =	stream.indirect_vreg.gather @!p1 [hbm4b:s19+s4], $0x80, v8, vm1, $0xb8;
	[tilespmem:$0xC100] =	vst v63  }
0x353: {  	s18 =	simm.s32 @!p1 $0x7100  }
0x354: {  	[tilespmem:s18], [sflag:$0x4] =	stream.indirect_vreg.gather @!p1 [hbm4b:s7+s4], $0x80, v6, vm1, $0xb8;
	[tilespmem:$0xC100] =	vst v63  }
0x355: {  	s18 =	simm.s32 @!p1 $0x7900  }
0x356: {  	[tilespmem:s18], [sflag:$0x4] =	stream.indirect_vreg.gather @!p1 [hbm4b:s19+s4], $0x80, v6, vm1, $0xb8;
	[tilespmem:$0xC100] =	vst v63  }
0x357: {  	_ =	swait.ge [sflag:s6], $0x2000  }
0x358: {  	[sflag:s6] =	ssyncset.done $0x0  }
.Ltmp5:
0x359: {  	[sflag:s6] =	ssyncadd.s32 $0xFFFFE000;
	(pc) =	sbr.rel @p1 .LBB2_8-.Ltmp5, $4  }
0x35a: {  	[hbm4b:s0+s1] =	stream.linear.scatter [tilespmem:s12], [sflag:$0xB], $0x2000, $0x38;
	[tilespmem:$0xC100] =	vst v63  }
0x35b: {  	_ =	swait.ge [sflag:s26], $0x2000  }
0x35c: {  	[sflag:s26] =	ssyncset.done $0x0  }
0x35d: {  	[sflag:s26] =	ssyncadd.s32 $0xFFFFE000  }
0x35e: {  	v6 =	vadd.s32 s10, v4  }
0x35f: {  	v6 =	vshll.u32 v6, $0x2  }
0x360: {  	v6 =	vand.u32 $0xFFFFFFE0, v6  }
0x361: {  	v6 =	vor.u32 v5, v6  }
0x362: {  	v7 =	vperm.xlane v6, v1;
	_ =	sdelay $0x1  }
0x363: {  	v7 =	vadd.s32 v2, v7;
	_ =	sdelay $0x1  }
0x364: {  	v8 =	vor.u32 $0x8, v0  }
0x365: {  	v6 =	vperm.xlane v6, v8;
	_ =	sdelay $0x1  }
0x366: {  	v6 =	vadd.s32 v2, v6;
	[tilespmem:s12], [sflag:$0x5] =	stream.indirect_vreg.gather [hbm4b:s7+s1], $0x80, v7, vm0, $0xb8;
	[tilespmem:$0xC100] =	vst v63  }
0x367: {  	_ = 	snop  }
0x368: {  	[tilespmem:s13], [sflag:$0x5] =	stream.indirect_vreg.gather [hbm4b:s19+s1], $0x80, v7, vm0, $0xb8;
	[tilespmem:$0xC100] =	vst v63  }
.Ltmp6:
0x369: {  	_ = 	snop;
	(pc) =	sbr.rel .LBB2_3-.Ltmp6, $4  }
0x36a: {  	_ = 	snop  }
0x36b: {  	[tilespmem:s14], [sflag:$0x5] =	stream.indirect_vreg.gather [hbm4b:s7+s1], $0x80, v6, vm0, $0xb8;
	[tilespmem:$0xC100] =	vst v63  }
0x36c: {  	s10 =	sadd.s32 $0x1770, s10;
	s0 =	sadd.s32 $0x30000, s0  }
0x36d: {  	[tilespmem:s15], [sflag:$0x5] =	stream.indirect_vreg.gather [hbm4b:s19+s1], $0x80, v6, vm0, $0xb8;
	[tilespmem:$0xC100] =	vst v63  }
.LBB2_9:
0x36e: {  	_ =	sfence.sel $0x180000  }
0x36f: {  	[bflag:$0x0] =	sbarrier.arrive $0xFFFF  }
0x370: {  	_ =	strace $0x90000047  }
0x371: {  	s0 =	stileid.u32;
	[bflag:$0x2] =	sbarrier.arrive $0xFFFF  }
0x372: {  	p0 =	sne.s32 s0, $0x0;
	s0 =	rddreg [dreg:$0x7]  }
0x373: {  	s0 =	sadd.s32 @!p0 $0x100000, s0  }
0x374: {  	[sflag:s0] =	ssyncadd.tile.s32 @!p0 $0x1;
	_ =	shalt  }
.Lfunc_end2:
_tile_overlayer_lowered:
.L_overlay_start_2:
0x375: {  	(tag) =	ssettag $0x2  }
0x376: {  	s0 =	rddreg [dreg:$0x0];
	s2 =	stileid.u32  }
0x377: {  	s1 =	rddreg [dreg:$0x1];
	p0 =	sne.s32 s2, $0x0  }
0x378: {  	s3 =	rddreg [dreg:$0x2];
	[bflag:$0x3] =	sbarrier.arrive $0xFFFF;
	s2 =	simm.s32 @!p0 $0x1C0D  }
0x379: {  	[timem:s3], [sflag:s2] =	dma.local @!p0 [hbm:s0], s1  }
0x37a: {  	s0 =	simm.s32 @!p0 $0xD  }
0x37b: {  	_ =	swait.ge @!p0 [sflag:s0], s1  }
0x37c: {  	s1 =	ssub.s32 @!p0 $0x0, s1;
	[sflag:s0] =	ssyncset.done @!p0 $0x0  }
0x37d: {  	[sflag:s0] =	ssyncadd.s32 @!p0 s1  }
0x37e: {  	[bflag:$0x3] =	sbarrier.arrive $0xFFFF  }
0x37f: {  	_ =	shalt  }

// kernel: kernel.7.cloned.1.call-start
scs
__scs_entry_jumppad:
0x0: {  	(pc) =	sbr.rel $0x88, $3  }
0x1: {  	(tag) =	ssettag $0x0;
	lr =	simm.s32 $0x1  }
0x2: {  	[smem:$0x3F99] =	sst lr;
	_ =	strace $0xD0000000  }
0x3: {  	_ = 	snop  }
0x4: {  	_ = 	snop  }
0x5: {  	_ = 	snop  }
0x6: {  	_ = 	snop  }
0x7: {  	_ = 	snop  }
__scs_overlays_trampoline_lowered:
0x8: {  	[smem:$0x3FA8] =	sst s0  }
0x9: {  	[smem:$0x3FA9] =	sst s1  }
0xa: {  	[smem:$0x3FAA] =	sst s2  }
0xb: {  	[smem:$0x3FAB] =	sst s3  }
0xc: {  	[smem:$0x3FAC] =	sst s4  }
0xd: {  	[smem:$0x3FAD] =	sst s5  }
0xe: {  	[smem:$0x3FAE] =	sst s6  }
0xf: {  	[smem:$0x3FAF] =	sst s7  }
0x10: {  	[smem:$0x3FB0] =	sst s8  }
0x11: {  	[smem:$0x3FB1] =	sst s9;
	s0 =	simm.s32 @!p0 $0x0  }
0x12: {  	s1 =	sld [smem:$0x3F97];
	s0 =	simm.s32 @p0 $0x1  }
0x13: {  	[smem:$0x3FB2] =	sst s0;
	s0 =	simm.s32 @!p1 $0x0  }
0x14: {  	s2 =	sld [smem:$0x3F96];
	s0 =	simm.s32 @p1 $0x1  }
0x15: {  	[smem:$0x3FB3] =	sst s0;
	s0 =	simm.s32 @!p2 $0x0  }
0x16: {  	s3 =	sld [smem:$0x3FDB];
	s0 =	simm.s32 @p2 $0x1  }
0x17: {  	s4 =	simm.s32 $0x1BF5;
	[smem:$0x3FB5] =	sst s0  }
0x18: {  	s0 =	sld [smem:$0x3F98];
	_ =	swait.ge [sflag:s4], $0x0  }
0x19: {  	s7 =	sld [smem:$0x3F99]  }
0x1a: {  	s8 =	sadd.s32 $0xFFFFE003, lr  }
0x1b: {  	s9 =	sadd.s32 $0xFFFFFEF7, lr;
	s5 =	simm.s32 $0xFFFFFFFF;
	p2 =	slt.u32 s8, $0xFFFFF086  }
0x1c: {  	p1 =	slt.u32 s9, $0xF7A;
	s5 =	simm.s32 @!p2 $0x0  }
0x1d: {  	s5 =	simm.s32 @p1 $0x1;
	p0 =	seq.s32 s7, s2  }
0x1e: {  	s7 =	smul.u32 @!p0 $0xF7A, s2;
	p2 =	seq.s32 @!p0 s5, $0x0  }
0x1f: {  	s9 =	smul.u32 $0xF7A, s1;
	s8 =	simm.s32 @!p0 $0x1BF5;
	p2 =	por !p2, p0  }
0x20: {  	[sflag:s8] =	ssyncset.s32 @!p0 $0xFFFFF086;
	s6 =	sadd.s32 @!p0 s3, s7;
	s7 =	simm.s32 @!p0 $0x108  }
0x21: {  	s3 =	sadd.s32 s3, s9;
	s6 =	sadd.s32 @!p0 $0x88, s6;
	s7 =	simm.s32 @p2 $0x1082  }
0x22: {  	[simem:s7], [sflag:s8] =	dma.local @!p0 [hbm:s6], $0xF7A  }
0x23: {  	s9 =	sor.u32 $0xD0000000, s2;
	s6 =	simm.s32 $0x108;
	_ =	swait.ge @!p0 [sflag:s8], $0x0  }
0x24: {  	s3 =	sadd.s32 $0x88, s3;
	s6 =	simm.s32 @!p1 $0x1082;
	[sflag:s4] =	ssyncset.s32 $0xFFFFF086  }
0x25: {  	[simem:s6], [sflag:s4] =	dma.local [hbm:s3], $0xF7A  }
0x26: {  	[smem:$0x3F99] =	sst s1;
	(tag) =	ssettag s2;
	_ =	strace s9  }
0x27: {  	s1 =	sld [smem:$0x3FA9]  }
0x28: {  	s2 =	sld [smem:$0x3FAA]  }
0x29: {  	s4 =	sld [smem:$0x3FAC]  }
0x2a: {  	p0 =	seq.s32 s5, $0x0;
	s5 =	sld [smem:$0x3FAD]  }
0x2b: {  	s6 =	sld [smem:$0x3FAE]  }
0x2c: {  	s7 =	sld [smem:$0x3FAF]  }
0x2d: {  	s3 =	simm.s32 $0x108;
	s8 =	sld [smem:$0x3FB0]  }
0x2e: {  	s3 =	simm.s32 @!p0 $0x1082;
	s9 =	sld [smem:$0x3FB1]  }
0x2f: {  	lr =	sadd.s32 s0, s3;
	s0 =	sld [smem:$0x3FA8]  }
0x30: {  	s3 =	sld [smem:$0x3FAB]  }
0x31: {  	[smem:$0x3FB4] =	sst s10  }
0x32: {  	s10 =	sld [smem:$0x3FB2];
	_ =	sdelay $0x3  }
0x33: {  	p0 =	seq.s32 s10, $0x1;
	s10 =	sld [smem:$0x3FB4];
	_ =	sdelay $0x3  }
0x34: {  	[smem:$0x3FB4] =	sst s10  }
0x35: {  	s10 =	sld [smem:$0x3FB3];
	_ =	sdelay $0x3  }
0x36: {  	p1 =	seq.s32 s10, $0x1;
	s10 =	sld [smem:$0x3FB4];
	_ =	sdelay $0x3  }
0x37: {  	[smem:$0x3FB4] =	sst s10  }
0x38: {  	s10 =	sld [smem:$0x3FB5]  }
0x39: {  	_ = 	snop;
	(pc) =	sbr.ind lr, $3  }
0x3a: {  	_ = 	snop  }
0x3b: {  	_ = 	snop  }
0x3c: {  	p2 =	seq.s32 s10, $0x1;
	s10 =	sld [smem:$0x3FB4]  }
0x3d: {  	_ =	shalt  }
0x3e: {  	_ =	shalt  }
0x3f: {  	_ =	shalt  }
0x40: {  	_ =	shalt  }
0x41: {  	_ =	shalt  }
0x42: {  	_ =	shalt  }
0x43: {  	_ =	shalt  }
0x44: {  	_ =	shalt  }
0x45: {  	_ =	shalt  }
0x46: {  	_ =	shalt  }
0x47: {  	_ =	shalt  }
0x48: {  	_ =	shalt  }
0x49: {  	_ =	shalt  }
0x4a: {  	_ =	shalt  }
0x4b: {  	_ =	shalt  }
0x4c: {  	_ =	shalt  }
0x4d: {  	_ =	shalt  }
0x4e: {  	_ =	shalt  }
0x4f: {  	_ =	shalt  }
0x50: {  	_ =	shalt  }
0x51: {  	_ =	shalt  }
0x52: {  	_ =	shalt  }
0x53: {  	_ =	shalt  }
0x54: {  	_ =	shalt  }
0x55: {  	_ =	shalt  }
0x56: {  	_ =	shalt  }
0x57: {  	_ =	shalt  }
0x58: {  	_ =	shalt  }
0x59: {  	_ =	shalt  }
0x5a: {  	_ =	shalt  }
0x5b: {  	_ =	shalt  }
0x5c: {  	_ =	shalt  }
0x5d: {  	_ =	shalt  }
0x5e: {  	_ =	shalt  }
0x5f: {  	_ =	shalt  }
0x60: {  	_ =	shalt  }
0x61: {  	_ =	shalt  }
0x62: {  	_ =	shalt  }
0x63: {  	_ =	shalt  }
0x64: {  	_ =	shalt  }
0x65: {  	_ =	shalt  }
0x66: {  	_ =	shalt  }
0x67: {  	_ =	shalt  }
0x68: {  	_ =	shalt  }
0x69: {  	_ =	shalt  }
0x6a: {  	_ =	shalt  }
0x6b: {  	_ =	shalt  }
0x6c: {  	_ =	shalt  }
0x6d: {  	_ =	shalt  }
0x6e: {  	_ =	shalt  }
0x6f: {  	_ =	shalt  }
0x70: {  	_ =	shalt  }
0x71: {  	_ =	shalt  }
0x72: {  	_ =	shalt  }
0x73: {  	_ =	shalt  }
0x74: {  	_ =	shalt  }
0x75: {  	_ =	shalt  }
0x76: {  	_ =	shalt  }
0x77: {  	_ =	shalt  }
0x78: {  	_ =	shalt  }
0x79: {  	_ =	shalt  }
0x7a: {  	_ =	shalt  }
0x7b: {  	_ =	shalt  }
0x7c: {  	_ =	shalt  }
0x7d: {  	_ =	shalt  }
0x7e: {  	_ =	shalt  }
0x7f: {  	_ =	shalt  }
0x80: {  	_ =	shalt  }
0x81: {  	_ =	shalt  }
0x82: {  	_ =	shalt  }
0x83: {  	_ =	shalt  }
0x84: {  	_ =	shalt  }
0x85: {  	_ =	shalt  }
0x86: {  	_ =	shalt  }
0x87: {  	_ =	shalt  }
.Lfunc_end0:
.L_simem_size_0:
called_computation.1_lowered:
.L_overlay_start_0:
0x88: {  	s2 =	sld [smem:$0x3FD9]  }
0x89: {  	s3 =	sld [smem:$0x3FFE];
	_ =	sdelay $0x1  }
0x8a: {  	s1 =	srdreg.scid  }
0x8b: {  	s0 =	sand.u32 $0x1, s1  }
0x8c: {  	s16 =	sshll.u32 s0, $0xA;
	s2 =	sadd.s32 s3, s2  }
0x8d: {  	s2 =	sadd.s32 s2, s16  }
0x8e: {  	[smem:$0x3FC0] =	sst s2  }
0x8f: {  	_ = 	snop  }
0x90: {  	s4 =	sld [smem:$0x3FD0];
	_ =	sdelay $0x1  }
0x91: {  	s2 =	sld [smem:$0x3FC9]  }
0x92: {  	s5 =	simm.s32 $0xB;
	s6 =	simm.s32 $0x10;
	s17 =	sld [smem:$0x3FC2]  }
0x93: {  	[smem:s6], [sflag:s5] =	dma.local [hbm:s4], $0x1  }
0x94: {  	_ =	swait.eq [sflag:s5], $0x1  }
0x95: {  	[sflag:s5] =	ssyncset.done $0x0  }
0x96: {  	[sflag:s5] =	ssyncadd.s32 $0xFFFFFFFF  }
0x97: {  	s18 =	sld [smem:$0x11];
	(tm) =	ssettm $0x1  }
0x98: {  	s19 =	sld [smem:$0x3FFB];
	_ =	sdelay $0x3  }
0x99: {  	_ =	strace s19  }
0x9a: {  	s4 =	sld [smem:$0x3FFC];
	_ =	sdelay $0x3  }
0x9b: {  	_ =	strace s4  }
0x9c: {  	s4 =	sld [smem:$0x3FFD];
	_ =	sdelay $0x3  }
0x9d: {  	_ =	strace s4  }
0x9e: {  	_ =	strace $0x8FFFFFFF  }
0x9f: {  	s20 =	sld [smem:$0x3FDB];
	_ =	sdelay $0x1  }
0xa0: {  	s21 =	simm.s32 $_scs_section_size  }
0xa1: {  	s7 =	simm.s32 $_size__tile_overlayer_lowered;
	s8 =	simm.s32 $_tile_overlayer_lowered  }
0xa2: {  	s9 =	simm.s32 $0x1BFF;
	s22 =	sshll.u32 s8, $0x1;
	s6 =	sadd.s32 s21, s20  }
0xa3: {  	s23 =	simm.s32 $0x0;
	s7 =	sshll.u32 s7, $0x1;
	s8 =	sadd.s32 s22, s6  }
0xa4: {  	[timem:s23], [sflag:s9] =	dma.local [hbm:s8], s7  }
0xa5: {  	_ =	swait.ge [sflag:s9], s7  }
0xa6: {  	s7 =	ssub.s32 $0x0, s7;
	[sflag:s9] =	ssyncset.done $0x0  }
0xa7: {  	[sflag:s9] =	ssyncadd.s32 s7;
	_ =	sdelay $0x1  }
0xa8: {  	s24 =	simm.s32 $0x1B8B  }
0xa9: {  	_ =	swait.ge [sflag:s24], $0x1  }
0xaa: {  	[sflag:s24] =	ssyncset.done $0x0  }
0xab: {  	[sflag:s24] =	ssyncadd.s32 $0xFFFFFFFF  }
0xac: {  	s7 =	sld [smem:$0x0]  }
0xad: {  	s8 =	sand.u32 $0xFFFFFFFE, s1  }
0xae: {  	p0 =	sne.s32 s1, s8  }
0xaf: {  	s8 =	sshll.u32 @p0 s8, $0xE  }
0xb0: {  	s8 =	sadd.s32 @p0 $0x11B8D, s8;
	s9 =	sshll.u32 @p0 s7, $0x11  }
0xb1: {  	s8 =	sor.u32 @p0 s9, s8  }
0xb2: {  	[sflag:s8] =	ssyncadd.remote.s32 @p0 $0x1;
	_ =	sdelay $0x1  }
0xb3: {  	s8 =	simm.s32 @p0 $0x1B8D  }
0xb4: {  	_ =	swait.eq @p0 [sflag:s8], $0x1  }
0xb5: {  	[sflag:s8] =	ssyncadd.s32 @p0 $0xFFFFFFFF  }
0xb6: {  	s9 =	sshll.u32 @!p0 s1, $0xE  }
0xb7: {  	s9 =	sor.u32 @!p0 $0x4000, s9;
	s8 =	simm.s32 @!p0 $0x1B8D  }
0xb8: {  	s7 =	sshll.u32 @!p0 s7, $0x11;
	s9 =	sadd.s32 @!p0 $0x11B8D, s9;
	_ =	swait.eq @!p0 [sflag:s8], $0x1  }
0xb9: {  	s7 =	sor.u32 @!p0 s7, s9;
	[sflag:s8] =	ssyncadd.s32 @!p0 $0xFFFFFFFF  }
0xba: {  	s25 =	simm.s32 $0x1B8E;
	[sflag:s7] =	ssyncadd.remote.s32 @!p0 $0x1  }
0xbb: {  	s26 =	simm.s32 $execute0_lowered;
	[smem:$0x3FD2] =	sst s25  }
0xbc: {  	s7 =	sshll.u32 s26, $0x1;
	_ =	strace $0x80000049;
	[dreg:$0x1] =	wrdreg $0xFFFFFFFF  }
0xbd: {  	s28 =	simm.s32 $_size_execute0_lowered;
	s6 =	sadd.s32 s6, s7;
	[dreg:$0x0] =	wrdreg $0x0  }
0xbe: {  	s7 =	sshll.u32 s28, $0x1;
	[dreg:$0x2] =	wrdreg s6  }
0xbf: {  	[dreg:$0x3] =	wrdreg s7  }
0xc0: {  	[dreg:$0x4] =	wrdreg $0xC0  }
0xc1: {  	_ =	task [dreg:s23], $0x5FFFF  }
0xc2: {  	[dreg:$0x1] =	wrdreg $0xFFFFFFFF  }
0xc3: {  	[dreg:$0x0] =	wrdreg $0x60  }
0xc4: {  	[dreg:$0x2] =	wrdreg s2  }
0xc5: {  	[dreg:$0x3] =	wrdreg s17  }
0xc6: {  	[dreg:$0x4] =	wrdreg s18  }
0xc7: {  	[dreg:$0x5] =	wrdreg $0xA  }
0xc8: {  	_ =	task.clear_ibuf [dreg:s23], $0x6FFFF;
	_ =	strace $0x90000049  }
0xc9: {  	s29 =	simm.s32 $0xA;
	_ =	strace $0x8000004B  }
0xca: {  	_ =	swait.ge [sflag:s29], $0x1  }
0xcb: {  	[sflag:s29] =	ssyncadd.s32 $0xFFFFFFFF  }
0xcc: {  	_ =	strace $0x9000004B  }
0xcd: {  	_ =	sfence  }
0xce: {  	s30 =	sld [smem:$0x0];
	_ =	sdelay $0x2  }
0xcf: {  	s31 =	sshll.u32 s1, $0xD;
	s1 =	sshrl.u32 s1, $0x2  }
0xd0: {  	s3 =	sand.u32 $0x4000, s31;
	s1 =	sadd.s32 s1, s30  }
0xd1: {  	s0 =	sor.u32 s3, s0;
	s1 =	sshll.u32 s1, $0x11  }
0xd2: {  	s0 =	sor.u32 s1, s0  }
0xd3: {  	s0 =	sadd.s32 $0x8F2B, s0  }
0xd4: {  	[sflag:s0] =	ssyncadd.remote.s32 $0x1  }
0xd5: {  	_ =	sfence.sel $0xFFFF  }
0xd6: {  	[dreg:$0x0] =	wrdreg $0xFFFFFFFF;
	(pc) =	sbr.abs _section_cstart, $3  }
0xd7: {  	[dreg:$0x1] =	wrdreg $0xFFFFFFFF  }
0xd8: {  	_ =	task.clear_ibuf [dreg:s23], $0x2FFFF;
	_ =	strace $0x9FFFFFFF  }
0xd9: {  	(tm) =	ssettm $0x7FFFFFFF  }
tec
execute0_lowered:
.L_overlay_start_1:
0x0: {  	(tag) =	ssettag $0x1  }
0x1: {  	s1 =	rddreg [dreg:$0x0]  }
0x2: {  	s2 =	srdreg.scid;
	s8 =	rddreg [dreg:$0x1]  }
0x3: {  	s0 =	stileid.u32;
	s9 =	rddreg [dreg:$0x2];
	s3 =	simm.s32 $0x0  }
0x4: {  	s4 =	sand.u32 $0x1, s2;
	s24 =	sshll.u32 s0, $0x1;
	s2 =	rddreg [dreg:$0x3]  }
0x5: {  	s15 =	simm.s32 $0x900;
	[smem:$0x7FF] =	sst s3;
	s16 =	sor.u32 s4, s24  }
0x6: {  	p0 =	sgt.u32 s0, $0xC;
	s4 =	ssub.s32 $0x2, s4;
	s6 =	smul.u32 $0x3, s16  }
0x7: {  	_ =	strace $0x8000004A;
	s5 =	smul.u32 $0x180, s16;
	s11 =	sshrl.u32 s4, $0x1  }
0x8: {  	p1 =	sgt.u32 s16, $0x18;
	s11 =	ssub.s32 s4, s11;
	s7 =	sshrl.u32 s6, $0x3  }
0x9: {  	s5 =	sand.u32 $0x380, s5;
	s26 =	sadd.s32 $0x1, s6;
	s13 =	sadd.s32 $0x2, s6  }
0xa: {  	s10 =	sshll.u32 s7, $0xE;
	s7 =	sshll.u32 s7, $0xC;
	s12 =	sshrl.u32 s26, $0x3  }
0xb: {  	s29 =	sshrl.u32 s13, $0x3;
	s13 =	sshll.u32 s13, $0x7;
	s10 =	sor.u32 s5, s10  }
0xc: {  	s5 =	sor.u32 s5, s7;
	s28 =	sshll.u32 s12, $0xE;
	s12 =	sshll.u32 s12, $0xC  }
0xd: {  	s14 =	sshll.u32 s29, $0xE;
	s13 =	sand.u32 $0x380, s13;
	s25 =	sshrl.u32 s10, $0x3  }
0xe: {  	s10 =	sshll.u32 s26, $0x7;
	s5 =	sshrl.u32 s5, $0x3;
	s30 =	sor.u32 s13, s14  }
0xf: {  	s14 =	simm.s32 $0x100;
	s10 =	sand.u32 $0x380, s10;
	s4 =	sadd.s32 s8, s25  }
0x10: {  	s5 =	sadd.s32 s9, s5;
	s7 =	sor.u32 s10, s28;
	s10 =	sor.u32 s10, s12  }
.Ltmp0:
0x11: {  	s12 =	sshrl.u32 s30, $0x3;
	s7 =	sshrl.u32 s7, $0x3;
	(pc) =	sbr.rel .LBB2_1-.Ltmp0, $4  }
0x12: {  	s10 =	sshrl.u32 s10, $0x3;
	s6 =	sadd.s32 s8, s7;
	s7 =	sshll.u32 s29, $0xC  }
0x13: {  	s8 =	sadd.s32 s8, s12;
	s12 =	simm.s32 $0x80;
	s13 =	sor.u32 s13, s7  }
0x14: {  	s7 =	sadd.s32 s9, s10;
	s10 =	smax.u32 s11, $0x1;
	s31 =	sshrl.u32 s13, $0x3  }
0x15: {  	s11 =	simm.s32 $0x1;
	s13 =	simm.s32 $0x400;
	s9 =	sadd.s32 s9, s31  }
.LBB2_5:
0x16: {  	s10 =	sadd.s32 $0xFFFFFFFF, s10  }
0x17: {  	p2 =	sne.s32 s10, $0x0  }
.Ltmp1:
0x18: {  	_ = 	snop;
	(pc) =	sbr.rel @!p2 .LBB2_6-.Ltmp1, $1  }
0x19: {  	_ =	sdelay $0x3  }
.LBB2_1:
.Ltmp2:
0x1a: {  	(pc) =	sbr.rel @p0 .LBB2_3-.Ltmp2, $4  }
0x1b: {  	[tilespmem:s3], [sflag:$0x1] =	stream.linear.gather [hbm4b:s1+s3], $0x100, $0x38;
	[tilespmem:$0xB00] =	vst v63  }
0x1c: {  	_ =	swait.ge [sflag:s11], $0x100  }
0x1d: {  	[sflag:s11] =	ssyncset.done $0x0  }
0x1e: {  	[sflag:s11] =	ssyncadd.s32 $0xFFFFFF00  }
0x1f: {  	[tilespmem:s14], [sflag:$0x1] =	stream.strided.gather [hbm4b:s4+s12], $0x800, s13, s12, $0x38;
	[tilespmem:$0xB00] =	vst v63  }
0x20: {  	_ =	swait.ge [sflag:s11], $0x800  }
0x21: {  	[sflag:s11] =	ssyncset.done $0x0  }
0x22: {  	[sflag:s11] =	ssyncadd.s32 $0xFFFFF800  }
0x23: {  	v0 =	vld [tilespmem:$0x0];
	_ =	sdelay $0x5  }
0x24: {  	v1 =	vld [tilespmem:$0x10];
	_ =	sdelay $0x1  }
0x25: {  	v0 =	vld.idx.msk [tilespmem:v0+s14+$0x0], $0xffff;
	_ =	sdelay $0x3  }
0x26: {  	v2 =	vld [tilespmem:$0x20]  }
0x27: {  	[tilespmem:$0x900] =	vst v0  }
0x28: {  	v0 =	vld.idx.msk [tilespmem:v1+s14+$0x0], $0xffff;
	_ =	sdelay $0x3  }
0x29: {  	v31 =	vld [tilespmem:$0x30]  }
0x2a: {  	[tilespmem:$0x910] =	vst v0  }
0x2b: {  	v0 =	vld.idx.msk [tilespmem:v2+s14+$0x0], $0xffff;
	_ =	sdelay $0x3  }
0x2c: {  	v32 =	vld [tilespmem:$0x40]  }
0x2d: {  	[tilespmem:$0x920] =	vst v0  }
0x2e: {  	v0 =	vld.idx.msk [tilespmem:v31+s14+$0x0], $0xffff;
	_ =	sdelay $0x3  }
0x2f: {  	v33 =	vld [tilespmem:$0x50]  }
0x30: {  	[tilespmem:$0x930] =	vst v0  }
0x31: {  	v0 =	vld.idx.msk [tilespmem:v32+s14+$0x0], $0xffff;
	_ =	sdelay $0x3  }
0x32: {  	v34 =	vld [tilespmem:$0x60]  }
0x33: {  	[tilespmem:$0x940] =	vst v0  }
0x34: {  	v0 =	vld.idx.msk [tilespmem:v33+s14+$0x0], $0xffff;
	_ =	sdelay $0x3  }
0x35: {  	v35 =	vld [tilespmem:$0x70]  }
0x36: {  	[tilespmem:$0x950] =	vst v0  }
0x37: {  	v0 =	vld.idx.msk [tilespmem:v34+s14+$0x0], $0xffff;
	_ =	sdelay $0x3  }
0x38: {  	v36 =	vld [tilespmem:$0x80]  }
0x39: {  	[tilespmem:$0x960] =	vst v0  }
0x3a: {  	v0 =	vld.idx.msk [tilespmem:v35+s14+$0x0], $0xffff;
	_ =	sdelay $0x3  }
0x3b: {  	v37 =	vld [tilespmem:$0x90]  }
0x3c: {  	[tilespmem:$0x970] =	vst v0  }
0x3d: {  	v0 =	vld.idx.msk [tilespmem:v36+s14+$0x0], $0xffff;
	_ =	sdelay $0x3  }
0x3e: {  	v38 =	vld [tilespmem:$0xA0]  }
0x3f: {  	[tilespmem:$0x980] =	vst v0  }
0x40: {  	v0 =	vld.idx.msk [tilespmem:v37+s14+$0x0], $0xffff;
	_ =	sdelay $0x3  }
0x41: {  	v39 =	vld [tilespmem:$0xB0]  }
0x42: {  	[tilespmem:$0x990] =	vst v0  }
0x43: {  	v0 =	vld.idx.msk [tilespmem:v38+s14+$0x0], $0xffff;
	_ =	sdelay $0x3  }
0x44: {  	v40 =	vld [tilespmem:$0xC0]  }
0x45: {  	[tilespmem:$0x9A0] =	vst v0  }
0x46: {  	v0 =	vld.idx.msk [tilespmem:v39+s14+$0x0], $0xffff;
	_ =	sdelay $0x3  }
0x47: {  	v41 =	vld [tilespmem:$0xD0]  }
0x48: {  	[tilespmem:$0x9B0] =	vst v0  }
0x49: {  	v0 =	vld.idx.msk [tilespmem:v40+s14+$0x0], $0xffff;
	_ =	sdelay $0x3  }
0x4a: {  	v42 =	vld [tilespmem:$0xE0]  }
0x4b: {  	[tilespmem:$0x9C0] =	vst v0  }
0x4c: {  	v0 =	vld.idx.msk [tilespmem:v41+s14+$0x0], $0xffff;
	_ =	sdelay $0x3  }
0x4d: {  	v43 =	vld [tilespmem:$0xF0]  }
0x4e: {  	[tilespmem:$0x9D0] =	vst v0  }
0x4f: {  	v0 =	vld.idx.msk [tilespmem:v42+s14+$0x0], $0xffff;
	_ =	sdelay $0x1  }
0x50: {  	v44 =	vld [tilespmem:$0x0];
	_ =	sdelay $0x2  }
0x51: {  	[tilespmem:$0x9E0] =	vst v0  }
0x52: {  	v0 =	vld.idx.msk [tilespmem:v43+s14+$0x0], $0xffff  }
0x53: {  	v45 =	vadd.s32 $0x3E8, v44  }
0x54: {  	v46 =	vld [tilespmem:$0x10];
	_ =	sdelay $0x2  }
0x55: {  	[tilespmem:$0x9F0] =	vst v0  }
0x56: {  	v0 =	vld.idx.msk [tilespmem:v45+s14+$0x0], $0xffff  }
0x57: {  	v47 =	vadd.s32 $0x3E8, v46  }
0x58: {  	v48 =	vld [tilespmem:$0x20];
	_ =	sdelay $0x2  }
0x59: {  	[tilespmem:$0xA00] =	vst v0  }
0x5a: {  	v0 =	vld.idx.msk [tilespmem:v47+s14+$0x0], $0xffff  }
0x5b: {  	v49 =	vadd.s32 $0x3E8, v48  }
0x5c: {  	v50 =	vld [tilespmem:$0x30];
	_ =	sdelay $0x2  }
0x5d: {  	[tilespmem:$0xA10] =	vst v0  }
0x5e: {  	v0 =	vld.idx.msk [tilespmem:v49+s14+$0x0], $0xffff  }
0x5f: {  	v51 =	vadd.s32 $0x3E8, v50  }
0x60: {  	v52 =	vld [tilespmem:$0x40];
	_ =	sdelay $0x2  }
0x61: {  	[tilespmem:$0xA20] =	vst v0  }
0x62: {  	v0 =	vld.idx.msk [tilespmem:v51+s14+$0x0], $0xffff  }
0x63: {  	v53 =	vadd.s32 $0x3E8, v52  }
0x64: {  	v54 =	vld [tilespmem:$0x50];
	_ =	sdelay $0x2  }
0x65: {  	[tilespmem:$0xA30] =	vst v0  }
0x66: {  	v0 =	vld.idx.msk [tilespmem:v53+s14+$0x0], $0xffff  }
0x67: {  	v55 =	vadd.s32 $0x3E8, v54  }
0x68: {  	v56 =	vld [tilespmem:$0x60];
	_ =	sdelay $0x2  }
0x69: {  	[tilespmem:$0xA40] =	vst v0  }
0x6a: {  	v0 =	vld.idx.msk [tilespmem:v55+s14+$0x0], $0xffff  }
0x6b: {  	v57 =	vadd.s32 $0x3E8, v56  }
0x6c: {  	v58 =	vld [tilespmem:$0x70];
	_ =	sdelay $0x2  }
0x6d: {  	[tilespmem:$0xA50] =	vst v0  }
0x6e: {  	v0 =	vld.idx.msk [tilespmem:v57+s14+$0x0], $0xffff  }
0x6f: {  	v59 =	vadd.s32 $0x3E8, v58  }
0x70: {  	v60 =	vld [tilespmem:$0x80];
	_ =	sdelay $0x2  }
0x71: {  	[tilespmem:$0xA60] =	vst v0  }
0x72: {  	v0 =	vld.idx.msk [tilespmem:v59+s14+$0x0], $0xffff  }
0x73: {  	v61 =	vadd.s32 $0x3E8, v60  }
0x74: {  	v62 =	vld [tilespmem:$0x90];
	_ =	sdelay $0x2  }
0x75: {  	[tilespmem:$0xA70] =	vst v0  }
0x76: {  	v0 =	vld.idx.msk [tilespmem:v61+s14+$0x0], $0xffff  }
0x77: {  	v63 =	vadd.s32 $0x3E8, v62  }
0x78: {  	v4 =	vld [tilespmem:$0xA0];
	_ =	sdelay $0x2  }
0x79: {  	[tilespmem:$0xA80] =	vst v0  }
0x7a: {  	v0 =	vld.idx.msk [tilespmem:v63+s14+$0x0], $0xffff  }
0x7b: {  	v5 =	vadd.s32 $0x3E8, v4  }
0x7c: {  	v6 =	vld [tilespmem:$0xB0];
	_ =	sdelay $0x2  }
0x7d: {  	[tilespmem:$0xA90] =	vst v0  }
0x7e: {  	v0 =	vld.idx.msk [tilespmem:v5+s14+$0x0], $0xffff  }
0x7f: {  	v7 =	vadd.s32 $0x3E8, v6  }
0x80: {  	v8 =	vld [tilespmem:$0xC0];
	_ =	sdelay $0x2  }
0x81: {  	[tilespmem:$0xAA0] =	vst v0  }
0x82: {  	v0 =	vld.idx.msk [tilespmem:v7+s14+$0x0], $0xffff  }
0x83: {  	v9 =	vadd.s32 $0x3E8, v8  }
0x84: {  	v10 =	vld [tilespmem:$0xD0];
	_ =	sdelay $0x2  }
0x85: {  	[tilespmem:$0xAB0] =	vst v0  }
0x86: {  	v0 =	vld.idx.msk [tilespmem:v9+s14+$0x0], $0xffff  }
0x87: {  	v11 =	vadd.s32 $0x3E8, v10  }
0x88: {  	v12 =	vld [tilespmem:$0xE0];
	_ =	sdelay $0x2  }
0x89: {  	[tilespmem:$0xAC0] =	vst v0  }
0x8a: {  	v0 =	vld.idx.msk [tilespmem:v11+s14+$0x0], $0xffff  }
0x8b: {  	v13 =	vadd.s32 $0x3E8, v12  }
0x8c: {  	v14 =	vld [tilespmem:$0xF0];
	_ =	sdelay $0x2  }
0x8d: {  	[tilespmem:$0xAD0] =	vst v0  }
0x8e: {  	v0 =	vld.idx.msk [tilespmem:v13+s14+$0x0], $0xffff  }
0x8f: {  	v15 =	vadd.s32 $0x3E8, v14;
	_ =	sdelay $0x3  }
0x90: {  	[tilespmem:$0xAE0] =	vst v0  }
0x91: {  	v0 =	vld.idx.msk [tilespmem:v15+s14+$0x0], $0xffff;
	_ =	sdelay $0x4  }
0x92: {  	[tilespmem:$0xAF0] =	vst v0  }
0x93: {  	[hbm4b:s5+s12] =	stream.strided.scatter [tilespmem:s15], [sflag:$0x1], $0x200, s13, s12, $0x38;
	[tilespmem:$0xB00] =	vst v63  }
0x94: {  	_ =	swait.ge [sflag:s11], $0x200  }
0x95: {  	[sflag:s11] =	ssyncset.done $0x0  }
0x96: {  	[sflag:s11] =	ssyncadd.s32 $0xFFFFFE00  }
0x97: {  	[tilespmem:s14], [sflag:$0x1] =	stream.strided.gather [hbm4b:s6+s12], $0x800, s13, s12, $0x38;
	[tilespmem:$0xB00] =	vst v63  }
0x98: {  	_ =	swait.ge [sflag:s11], $0x800  }
0x99: {  	[sflag:s11] =	ssyncset.done $0x0  }
0x9a: {  	[sflag:s11] =	ssyncadd.s32 $0xFFFFF800  }
0x9b: {  	v16 =	vld [tilespmem:$0x0];
	_ =	sdelay $0x5  }
0x9c: {  	v17 =	vld [tilespmem:$0x10];
	_ =	sdelay $0x1  }
0x9d: {  	v0 =	vld.idx.msk [tilespmem:v16+s14+$0x0], $0xffff;
	_ =	sdelay $0x3  }
0x9e: {  	v18 =	vld [tilespmem:$0x20]  }
0x9f: {  	[tilespmem:$0x900] =	vst v0  }
0xa0: {  	v0 =	vld.idx.msk [tilespmem:v17+s14+$0x0], $0xffff;
	_ =	sdelay $0x3  }
0xa1: {  	v19 =	vld [tilespmem:$0x30]  }
0xa2: {  	[tilespmem:$0x910] =	vst v0  }
0xa3: {  	v0 =	vld.idx.msk [tilespmem:v18+s14+$0x0], $0xffff;
	_ =	sdelay $0x3  }
0xa4: {  	v20 =	vld [tilespmem:$0x40]  }
0xa5: {  	[tilespmem:$0x920] =	vst v0  }
0xa6: {  	v0 =	vld.idx.msk [tilespmem:v19+s14+$0x0], $0xffff;
	_ =	sdelay $0x3  }
0xa7: {  	v21 =	vld [tilespmem:$0x50]  }
0xa8: {  	[tilespmem:$0x930] =	vst v0  }
0xa9: {  	v0 =	vld.idx.msk [tilespmem:v20+s14+$0x0], $0xffff;
	_ =	sdelay $0x3  }
0xaa: {  	v22 =	vld [tilespmem:$0x60]  }
0xab: {  	[tilespmem:$0x940] =	vst v0  }
0xac: {  	v0 =	vld.idx.msk [tilespmem:v21+s14+$0x0], $0xffff;
	_ =	sdelay $0x3  }
0xad: {  	v23 =	vld [tilespmem:$0x70]  }
0xae: {  	[tilespmem:$0x950] =	vst v0  }
0xaf: {  	v0 =	vld.idx.msk [tilespmem:v22+s14+$0x0], $0xffff;
	_ =	sdelay $0x3  }
0xb0: {  	v24 =	vld [tilespmem:$0x80]  }
0xb1: {  	[tilespmem:$0x960] =	vst v0  }
0xb2: {  	v0 =	vld.idx.msk [tilespmem:v23+s14+$0x0], $0xffff;
	_ =	sdelay $0x3  }
0xb3: {  	v25 =	vld [tilespmem:$0x90]  }
0xb4: {  	[tilespmem:$0x970] =	vst v0  }
0xb5: {  	v0 =	vld.idx.msk [tilespmem:v24+s14+$0x0], $0xffff;
	_ =	sdelay $0x3  }
0xb6: {  	v26 =	vld [tilespmem:$0xA0]  }
0xb7: {  	[tilespmem:$0x980] =	vst v0  }
0xb8: {  	v0 =	vld.idx.msk [tilespmem:v25+s14+$0x0], $0xffff;
	_ =	sdelay $0x3  }
0xb9: {  	v27 =	vld [tilespmem:$0xB0]  }
0xba: {  	[tilespmem:$0x990] =	vst v0  }
0xbb: {  	v0 =	vld.idx.msk [tilespmem:v26+s14+$0x0], $0xffff;
	_ =	sdelay $0x3  }
0xbc: {  	v28 =	vld [tilespmem:$0xC0]  }
0xbd: {  	[tilespmem:$0x9A0] =	vst v0  }
0xbe: {  	v0 =	vld.idx.msk [tilespmem:v27+s14+$0x0], $0xffff;
	_ =	sdelay $0x3  }
0xbf: {  	v29 =	vld [tilespmem:$0xD0]  }
0xc0: {  	[tilespmem:$0x9B0] =	vst v0  }
0xc1: {  	v0 =	vld.idx.msk [tilespmem:v28+s14+$0x0], $0xffff;
	_ =	sdelay $0x3  }
0xc2: {  	v30 =	vld [tilespmem:$0xE0]  }
0xc3: {  	[tilespmem:$0x9C0] =	vst v0  }
0xc4: {  	v0 =	vld.idx.msk [tilespmem:v29+s14+$0x0], $0xffff;
	_ =	sdelay $0x3  }
0xc5: {  	v31 =	vld [tilespmem:$0xF0]  }
0xc6: {  	[tilespmem:$0x9D0] =	vst v0  }
0xc7: {  	v0 =	vld.idx.msk [tilespmem:v30+s14+$0x0], $0xffff;
	_ =	sdelay $0x1  }
0xc8: {  	v32 =	vld [tilespmem:$0x0];
	_ =	sdelay $0x2  }
0xc9: {  	[tilespmem:$0x9E0] =	vst v0  }
0xca: {  	v0 =	vld.idx.msk [tilespmem:v31+s14+$0x0], $0xffff  }
0xcb: {  	v33 =	vadd.s32 $0x3E8, v32  }
0xcc: {  	v34 =	vld [tilespmem:$0x10];
	_ =	sdelay $0x2  }
0xcd: {  	[tilespmem:$0x9F0] =	vst v0  }
0xce: {  	v0 =	vld.idx.msk [tilespmem:v33+s14+$0x0], $0xffff  }
0xcf: {  	v35 =	vadd.s32 $0x3E8, v34  }
0xd0: {  	v36 =	vld [tilespmem:$0x20];
	_ =	sdelay $0x2  }
0xd1: {  	[tilespmem:$0xA00] =	vst v0  }
0xd2: {  	v0 =	vld.idx.msk [tilespmem:v35+s14+$0x0], $0xffff  }
0xd3: {  	v37 =	vadd.s32 $0x3E8, v36  }
0xd4: {  	v38 =	vld [tilespmem:$0x30];
	_ =	sdelay $0x2  }
0xd5: {  	[tilespmem:$0xA10] =	vst v0  }
0xd6: {  	v0 =	vld.idx.msk [tilespmem:v37+s14+$0x0], $0xffff  }
0xd7: {  	v39 =	vadd.s32 $0x3E8, v38  }
0xd8: {  	v40 =	vld [tilespmem:$0x40];
	_ =	sdelay $0x2  }
0xd9: {  	[tilespmem:$0xA20] =	vst v0  }
0xda: {  	v0 =	vld.idx.msk [tilespmem:v39+s14+$0x0], $0xffff  }
0xdb: {  	v41 =	vadd.s32 $0x3E8, v40  }
0xdc: {  	v42 =	vld [tilespmem:$0x50];
	_ =	sdelay $0x2  }
0xdd: {  	[tilespmem:$0xA30] =	vst v0  }
0xde: {  	v0 =	vld.idx.msk [tilespmem:v41+s14+$0x0], $0xffff  }
0xdf: {  	v43 =	vadd.s32 $0x3E8, v42  }
0xe0: {  	v44 =	vld [tilespmem:$0x60];
	_ =	sdelay $0x2  }
0xe1: {  	[tilespmem:$0xA40] =	vst v0  }
0xe2: {  	v0 =	vld.idx.msk [tilespmem:v43+s14+$0x0], $0xffff  }
0xe3: {  	v45 =	vadd.s32 $0x3E8, v44  }
0xe4: {  	v46 =	vld [tilespmem:$0x70];
	_ =	sdelay $0x2  }
0xe5: {  	[tilespmem:$0xA50] =	vst v0  }
0xe6: {  	v0 =	vld.idx.msk [tilespmem:v45+s14+$0x0], $0xffff  }
0xe7: {  	v47 =	vadd.s32 $0x3E8, v46  }
0xe8: {  	v48 =	vld [tilespmem:$0x80];
	_ =	sdelay $0x2  }
0xe9: {  	[tilespmem:$0xA60] =	vst v0  }
0xea: {  	v0 =	vld.idx.msk [tilespmem:v47+s14+$0x0], $0xffff  }
0xeb: {  	v49 =	vadd.s32 $0x3E8, v48  }
0xec: {  	v50 =	vld [tilespmem:$0x90];
	_ =	sdelay $0x2  }
0xed: {  	[tilespmem:$0xA70] =	vst v0  }
0xee: {  	v0 =	vld.idx.msk [tilespmem:v49+s14+$0x0], $0xffff  }
0xef: {  	v51 =	vadd.s32 $0x3E8, v50  }
0xf0: {  	v52 =	vld [tilespmem:$0xA0];
	_ =	sdelay $0x2  }
0xf1: {  	[tilespmem:$0xA80] =	vst v0  }
0xf2: {  	v0 =	vld.idx.msk [tilespmem:v51+s14+$0x0], $0xffff  }
0xf3: {  	v53 =	vadd.s32 $0x3E8, v52  }
0xf4: {  	v54 =	vld [tilespmem:$0xB0];
	_ =	sdelay $0x2  }
0xf5: {  	[tilespmem:$0xA90] =	vst v0  }
0xf6: {  	v0 =	vld.idx.msk [tilespmem:v53+s14+$0x0], $0xffff  }
0xf7: {  	v55 =	vadd.s32 $0x3E8, v54  }
0xf8: {  	v56 =	vld [tilespmem:$0xC0];
	_ =	sdelay $0x2  }
0xf9: {  	[tilespmem:$0xAA0] =	vst v0  }
0xfa: {  	v0 =	vld.idx.msk [tilespmem:v55+s14+$0x0], $0xffff  }
0xfb: {  	v57 =	vadd.s32 $0x3E8, v56  }
0xfc: {  	v58 =	vld [tilespmem:$0xD0];
	_ =	sdelay $0x2  }
0xfd: {  	[tilespmem:$0xAB0] =	vst v0  }
0xfe: {  	v0 =	vld.idx.msk [tilespmem:v57+s14+$0x0], $0xffff  }
0xff: {  	v59 =	vadd.s32 $0x3E8, v58  }
0x100: {  	v60 =	vld [tilespmem:$0xE0];
	_ =	sdelay $0x2  }
0x101: {  	[tilespmem:$0xAC0] =	vst v0  }
0x102: {  	v0 =	vld.idx.msk [tilespmem:v59+s14+$0x0], $0xffff  }
0x103: {  	v61 =	vadd.s32 $0x3E8, v60  }
0x104: {  	v62 =	vld [tilespmem:$0xF0];
	_ =	sdelay $0x2  }
0x105: {  	[tilespmem:$0xAD0] =	vst v0  }
0x106: {  	v0 =	vld.idx.msk [tilespmem:v61+s14+$0x0], $0xffff  }
0x107: {  	v63 =	vadd.s32 $0x3E8, v62;
	_ =	sdelay $0x3  }
0x108: {  	[tilespmem:$0xAE0] =	vst v0  }
0x109: {  	v0 =	vld.idx.msk [tilespmem:v63+s14+$0x0], $0xffff;
	_ =	sdelay $0x4  }
0x10a: {  	[tilespmem:$0xAF0] =	vst v0  }
0x10b: {  	[hbm4b:s7+s12] =	stream.strided.scatter [tilespmem:s15], [sflag:$0x1], $0x200, s13, s12, $0x38;
	[tilespmem:$0xB00] =	vst v63  }
0x10c: {  	_ =	swait.ge [sflag:s11], $0x200  }
0x10d: {  	[sflag:s11] =	ssyncset.done $0x0  }
0x10e: {  	[sflag:s11] =	ssyncadd.s32 $0xFFFFFE00  }
.LBB2_3:
.Ltmp3:
0x10f: {  	(pc) =	sbr.rel @p1 .LBB2_5-.Ltmp3, $1  }
0x110: {  	_ =	sdelay $0x3  }
0x111: {  	[tilespmem:s14], [sflag:$0x1] =	stream.strided.gather [hbm4b:s8+s12], $0x800, s13, s12, $0x38;
	[tilespmem:$0xB00] =	vst v63  }
0x112: {  	_ =	swait.ge [sflag:s11], $0x800  }
0x113: {  	[sflag:s11] =	ssyncset.done $0x0  }
0x114: {  	[sflag:s11] =	ssyncadd.s32 $0xFFFFF800  }
0x115: {  	v0 =	vld [tilespmem:$0x0];
	_ =	sdelay $0x5  }
0x116: {  	v1 =	vld [tilespmem:$0x10];
	_ =	sdelay $0x1  }
0x117: {  	v0 =	vld.idx.msk [tilespmem:v0+s14+$0x0], $0xffff;
	_ =	sdelay $0x3  }
0x118: {  	v2 =	vld [tilespmem:$0x20]  }
0x119: {  	[tilespmem:$0x900] =	vst v0  }
0x11a: {  	v0 =	vld.idx.msk [tilespmem:v1+s14+$0x0], $0xffff;
	_ =	sdelay $0x3  }
0x11b: {  	v19 =	vld [tilespmem:$0x30]  }
0x11c: {  	[tilespmem:$0x910] =	vst v0  }
0x11d: {  	v0 =	vld.idx.msk [tilespmem:v2+s14+$0x0], $0xffff;
	_ =	sdelay $0x3  }
0x11e: {  	v20 =	vld [tilespmem:$0x40]  }
0x11f: {  	[tilespmem:$0x920] =	vst v0  }
0x120: {  	v0 =	vld.idx.msk [tilespmem:v19+s14+$0x0], $0xffff;
	_ =	sdelay $0x3  }
0x121: {  	v21 =	vld [tilespmem:$0x50]  }
0x122: {  	[tilespmem:$0x930] =	vst v0  }
0x123: {  	v0 =	vld.idx.msk [tilespmem:v20+s14+$0x0], $0xffff;
	_ =	sdelay $0x3  }
0x124: {  	v22 =	vld [tilespmem:$0x60]  }
0x125: {  	[tilespmem:$0x940] =	vst v0  }
0x126: {  	v0 =	vld.idx.msk [tilespmem:v21+s14+$0x0], $0xffff;
	_ =	sdelay $0x3  }
0x127: {  	v23 =	vld [tilespmem:$0x70]  }
0x128: {  	[tilespmem:$0x950] =	vst v0  }
0x129: {  	v0 =	vld.idx.msk [tilespmem:v22+s14+$0x0], $0xffff;
	_ =	sdelay $0x3  }
0x12a: {  	v24 =	vld [tilespmem:$0x80]  }
0x12b: {  	[tilespmem:$0x960] =	vst v0  }
0x12c: {  	v0 =	vld.idx.msk [tilespmem:v23+s14+$0x0], $0xffff;
	_ =	sdelay $0x3  }
0x12d: {  	v25 =	vld [tilespmem:$0x90]  }
0x12e: {  	[tilespmem:$0x970] =	vst v0  }
0x12f: {  	v0 =	vld.idx.msk [tilespmem:v24+s14+$0x0], $0xffff;
	_ =	sdelay $0x3  }
0x130: {  	v26 =	vld [tilespmem:$0xA0]  }
0x131: {  	[tilespmem:$0x980] =	vst v0  }
0x132: {  	v0 =	vld.idx.msk [tilespmem:v25+s14+$0x0], $0xffff;
	_ =	sdelay $0x3  }
0x133: {  	v27 =	vld [tilespmem:$0xB0]  }
0x134: {  	[tilespmem:$0x990] =	vst v0  }
0x135: {  	v0 =	vld.idx.msk [tilespmem:v26+s14+$0x0], $0xffff;
	_ =	sdelay $0x3  }
0x136: {  	v28 =	vld [tilespmem:$0xC0]  }
0x137: {  	[tilespmem:$0x9A0] =	vst v0  }
0x138: {  	v0 =	vld.idx.msk [tilespmem:v27+s14+$0x0], $0xffff;
	_ =	sdelay $0x3  }
0x139: {  	v29 =	vld [tilespmem:$0xD0]  }
0x13a: {  	[tilespmem:$0x9B0] =	vst v0  }
0x13b: {  	v0 =	vld.idx.msk [tilespmem:v28+s14+$0x0], $0xffff;
	_ =	sdelay $0x3  }
0x13c: {  	v30 =	vld [tilespmem:$0xE0]  }
0x13d: {  	[tilespmem:$0x9C0] =	vst v0  }
0x13e: {  	v0 =	vld.idx.msk [tilespmem:v29+s14+$0x0], $0xffff;
	_ =	sdelay $0x3  }
0x13f: {  	v31 =	vld [tilespmem:$0xF0]  }
0x140: {  	[tilespmem:$0x9D0] =	vst v0  }
0x141: {  	v0 =	vld.idx.msk [tilespmem:v30+s14+$0x0], $0xffff;
	_ =	sdelay $0x1  }
0x142: {  	v32 =	vld [tilespmem:$0x0];
	_ =	sdelay $0x2  }
0x143: {  	[tilespmem:$0x9E0] =	vst v0  }
0x144: {  	v0 =	vld.idx.msk [tilespmem:v31+s14+$0x0], $0xffff  }
0x145: {  	v33 =	vadd.s32 $0x3E8, v32  }
0x146: {  	v34 =	vld [tilespmem:$0x10];
	_ =	sdelay $0x2  }
0x147: {  	[tilespmem:$0x9F0] =	vst v0  }
0x148: {  	v0 =	vld.idx.msk [tilespmem:v33+s14+$0x0], $0xffff  }
0x149: {  	v35 =	vadd.s32 $0x3E8, v34  }
0x14a: {  	v36 =	vld [tilespmem:$0x20];
	_ =	sdelay $0x2  }
0x14b: {  	[tilespmem:$0xA00] =	vst v0  }
0x14c: {  	v0 =	vld.idx.msk [tilespmem:v35+s14+$0x0], $0xffff  }
0x14d: {  	v37 =	vadd.s32 $0x3E8, v36  }
0x14e: {  	v38 =	vld [tilespmem:$0x30];
	_ =	sdelay $0x2  }
0x14f: {  	[tilespmem:$0xA10] =	vst v0  }
0x150: {  	v0 =	vld.idx.msk [tilespmem:v37+s14+$0x0], $0xffff  }
0x151: {  	v39 =	vadd.s32 $0x3E8, v38  }
0x152: {  	v40 =	vld [tilespmem:$0x40];
	_ =	sdelay $0x2  }
0x153: {  	[tilespmem:$0xA20] =	vst v0  }
0x154: {  	v0 =	vld.idx.msk [tilespmem:v39+s14+$0x0], $0xffff  }
0x155: {  	v41 =	vadd.s32 $0x3E8, v40  }
0x156: {  	v42 =	vld [tilespmem:$0x50];
	_ =	sdelay $0x2  }
0x157: {  	[tilespmem:$0xA30] =	vst v0  }
0x158: {  	v0 =	vld.idx.msk [tilespmem:v41+s14+$0x0], $0xffff  }
0x159: {  	v43 =	vadd.s32 $0x3E8, v42  }
0x15a: {  	v44 =	vld [tilespmem:$0x60];
	_ =	sdelay $0x2  }
0x15b: {  	[tilespmem:$0xA40] =	vst v0  }
0x15c: {  	v0 =	vld.idx.msk [tilespmem:v43+s14+$0x0], $0xffff  }
0x15d: {  	v45 =	vadd.s32 $0x3E8, v44  }
0x15e: {  	v46 =	vld [tilespmem:$0x70];
	_ =	sdelay $0x2  }
0x15f: {  	[tilespmem:$0xA50] =	vst v0  }
0x160: {  	v0 =	vld.idx.msk [tilespmem:v45+s14+$0x0], $0xffff  }
0x161: {  	v47 =	vadd.s32 $0x3E8, v46  }
0x162: {  	v48 =	vld [tilespmem:$0x80];
	_ =	sdelay $0x2  }
0x163: {  	[tilespmem:$0xA60] =	vst v0  }
0x164: {  	v0 =	vld.idx.msk [tilespmem:v47+s14+$0x0], $0xffff  }
0x165: {  	v49 =	vadd.s32 $0x3E8, v48  }
0x166: {  	v50 =	vld [tilespmem:$0x90];
	_ =	sdelay $0x2  }
0x167: {  	[tilespmem:$0xA70] =	vst v0  }
0x168: {  	v0 =	vld.idx.msk [tilespmem:v49+s14+$0x0], $0xffff  }
0x169: {  	v51 =	vadd.s32 $0x3E8, v50  }
0x16a: {  	v52 =	vld [tilespmem:$0xA0];
	_ =	sdelay $0x2  }
0x16b: {  	[tilespmem:$0xA80] =	vst v0  }
0x16c: {  	v0 =	vld.idx.msk [tilespmem:v51+s14+$0x0], $0xffff  }
0x16d: {  	v53 =	vadd.s32 $0x3E8, v52  }
0x16e: {  	v54 =	vld [tilespmem:$0xB0];
	_ =	sdelay $0x2  }
0x16f: {  	[tilespmem:$0xA90] =	vst v0  }
0x170: {  	v0 =	vld.idx.msk [tilespmem:v53+s14+$0x0], $0xffff  }
0x171: {  	v55 =	vadd.s32 $0x3E8, v54  }
0x172: {  	v56 =	vld [tilespmem:$0xC0];
	_ =	sdelay $0x2  }
0x173: {  	[tilespmem:$0xAA0] =	vst v0  }
0x174: {  	v0 =	vld.idx.msk [tilespmem:v55+s14+$0x0], $0xffff  }
0x175: {  	v57 =	vadd.s32 $0x3E8, v56  }
0x176: {  	v58 =	vld [tilespmem:$0xD0];
	_ =	sdelay $0x2  }
0x177: {  	[tilespmem:$0xAB0] =	vst v0  }
0x178: {  	v0 =	vld.idx.msk [tilespmem:v57+s14+$0x0], $0xffff  }
0x179: {  	v59 =	vadd.s32 $0x3E8, v58  }
0x17a: {  	v60 =	vld [tilespmem:$0xE0];
	_ =	sdelay $0x2  }
0x17b: {  	[tilespmem:$0xAC0] =	vst v0  }
0x17c: {  	v0 =	vld.idx.msk [tilespmem:v59+s14+$0x0], $0xffff  }
0x17d: {  	v61 =	vadd.s32 $0x3E8, v60  }
0x17e: {  	v62 =	vld [tilespmem:$0xF0];
	_ =	sdelay $0x2  }
0x17f: {  	[tilespmem:$0xAD0] =	vst v0  }
0x180: {  	v0 =	vld.idx.msk [tilespmem:v61+s14+$0x0], $0xffff  }
0x181: {  	v63 =	vadd.s32 $0x3E8, v62;
	_ =	sdelay $0x3  }
0x182: {  	[tilespmem:$0xAE0] =	vst v0  }
0x183: {  	v0 =	vld.idx.msk [tilespmem:v63+s14+$0x0], $0xffff;
	_ =	sdelay $0x4  }
.Ltmp4:
0x184: {  	[tilespmem:$0xAF0] =	vst v0;
	(pc) =	sbr.rel .LBB2_5-.Ltmp4, $4  }
0x185: {  	[hbm4b:s9+s12] =	stream.strided.scatter [tilespmem:s15], [sflag:$0x1], $0x200, s13, s12, $0x38;
	[tilespmem:$0xB00] =	vst v63  }
0x186: {  	_ =	swait.ge [sflag:s11], $0x200  }
0x187: {  	[sflag:s11] =	ssyncset.done $0x0  }
0x188: {  	[sflag:s11] =	ssyncadd.s32 $0xFFFFFE00  }
.LBB2_6:
0x189: {  	_ =	sfence.sel $0x180000  }
0x18a: {  	[bflag:$0x0] =	sbarrier.arrive $0xFFFF  }
0x18b: {  	p0 =	sne.s32 s0, $0x0;
	_ =	strace $0x9000004A  }
0x18c: {  	s0 =	sadd.s32 @!p0 $0x100000, s2;
	[bflag:$0x2] =	sbarrier.arrive $0xFFFF  }
0x18d: {  	[sflag:s0] =	ssyncadd.tile.s32 @!p0 $0x1;
	_ =	shalt  }
.Lfunc_end2:
_tile_overlayer_lowered:
.L_overlay_start_2:
0x18e: {  	(tag) =	ssettag $0x2  }
0x18f: {  	s0 =	rddreg [dreg:$0x0];
	s2 =	stileid.u32  }
0x190: {  	s1 =	rddreg [dreg:$0x1];
	p0 =	sne.s32 s2, $0x0  }
0x191: {  	s3 =	rddreg [dreg:$0x2];
	[bflag:$0x3] =	sbarrier.arrive $0xFFFF;
	s2 =	simm.s32 @!p0 $0x1C01  }
0x192: {  	[timem:s3], [sflag:s2] =	dma.local @!p0 [hbm:s0], s1  }
0x193: {  	s0 =	simm.s32 @!p0 $0x1  }
0x194: {  	_ =	swait.ge @!p0 [sflag:s0], s1  }
0x195: {  	s1 =	ssub.s32 @!p0 $0x0, s1;
	[sflag:s0] =	ssyncset.done @!p0 $0x0  }
0x196: {  	[sflag:s0] =	ssyncadd.s32 @!p0 s1  }
0x197: {  	[bflag:$0x3] =	sbarrier.arrive $0xFFFF  }
0x198: {  	_ =	shalt  }

</sc_bundles>
